<compile_context>
chip_gen: v7x
topology: tpu7x:2x2x1
jax: 0.10.2.dev20260603
libtpu: 0.0.44.dev20260713+nightly
codegen_flags: <defaults>
</compile_context>

<pallas_src>
import functools

import jax
import jax.numpy as jnp
from jax import lax
from jax.experimental import pallas as pl
from jax.experimental.pallas import tpu as pltpu
from jax.experimental.pallas import tpu_sc as plsc

N = 10000
E = 320000
D = 128
H = 128
S = 512
C = 4

N_PAD = 10240
BLK = 1024
N_BLKS = N_PAD // BLK
NTILE = 16
CHUNK = 128
E_PAD = 327680
ROWS_PER_TILE = N_PAD // NTILE
DEG_CHUNKS = E_PAD // (32 * CHUNK)
EDGE_CHUNKS = E_PAD // (NTILE * CHUNK)

def _sc_mesh():
    return plsc.VectorSubcoreMesh(core_axis_name="c", subcore_axis_name="s")


def _smax(x, axis):
    m = jnp.max(x, axis=axis, keepdims=True)
    e = jnp.exp(x - m)
    return e / jnp.sum(e, axis=axis, keepdims=True)


def _dotT(a, b):
    return lax.dot_general(a, b, (((1,), (1,)), ((), ())),
                           preferred_element_type=jnp.float32)


def _dot(a, b):
    return jnp.dot(a, b, preferred_element_type=jnp.float32)



def _sc_deg_body(dst_hbm, zeros_hbm, ones_hbm, out0, out1,
                 ones_v, idx_d, acc, sem):
    cid = lax.axis_index("c")
    sid = lax.axis_index("s")
    wid = sid * 2 + cid
    r0 = sid * ROWS_PER_TILE
    pltpu.sync_copy(zeros_hbm.at[pl.ds(r0, ROWS_PER_TILE)],
                    acc.at[pl.ds(r0, ROWS_PER_TILE)])
    pltpu.sync_copy(ones_hbm, ones_v)
    plsc.subcore_barrier()

    def chunk(i, carry):
        base = wid * (DEG_CHUNKS * CHUNK) + i * CHUNK
        pltpu.sync_copy(dst_hbm.at[pl.ds(base, CHUNK)], idx_d)
        pltpu.sync_copy(ones_v, acc.at[idx_d], add=True)
        return carry

    lax.fori_loop(0, DEG_CHUNKS, chunk, 0)
    plsc.subcore_barrier()

    @pl.when(cid == 0)
    def _():
        pltpu.sync_copy(acc.at[pl.ds(r0, ROWS_PER_TILE)],
                        out0.at[pl.ds(r0, ROWS_PER_TILE)])

    @pl.when(cid == 1)
    def _():
        pltpu.sync_copy(acc.at[pl.ds(r0, ROWS_PER_TILE)],
                        out1.at[pl.ds(r0, ROWS_PER_TILE)])


def _sc_deg(dst_pad, zeros16, ones16):
    k = functools.partial(
        pl.kernel,
        mesh=_sc_mesh(),
        out_type=[jax.ShapeDtypeStruct((N_PAD, 16), jnp.float32),
                  jax.ShapeDtypeStruct((N_PAD, 16), jnp.float32)],
        scratch_types=[
            pltpu.VMEM((CHUNK, 16), jnp.float32),
            pltpu.VMEM((CHUNK,), jnp.int32),
            pltpu.VMEM_SHARED((N_PAD, 16), jnp.float32),
            pltpu.SemaphoreType.DMA,
        ],
    )(_sc_deg_body)
    return k(dst_pad, zeros16, ones16)



def _sc_edge_body(pa_hbm, pb_hbm, src_hbm, dst_hbm, outa, outb,
                  idx_s, idx_d, rows_v, acc, sem):
    cid = lax.axis_index("c")
    sid = lax.axis_index("s")
    r0 = sid * ROWS_PER_TILE

    @pl.when(cid == 0)
    def _():
        pltpu.sync_copy(pa_hbm.at[pl.ds(r0, ROWS_PER_TILE)],
                        acc.at[pl.ds(r0, ROWS_PER_TILE)])

    @pl.when(cid == 1)
    def _():
        pltpu.sync_copy(pb_hbm.at[pl.ds(r0, ROWS_PER_TILE)],
                        acc.at[pl.ds(r0, ROWS_PER_TILE)])

    plsc.subcore_barrier()

    def run(p_hbm):
        def chunk(i, carry):
            base = sid * (EDGE_CHUNKS * CHUNK) + i * CHUNK
            pltpu.sync_copy(src_hbm.at[pl.ds(base, CHUNK)], idx_s)
            pltpu.sync_copy(dst_hbm.at[pl.ds(base, CHUNK)], idx_d)
            pltpu.async_copy(p_hbm.at[idx_s], rows_v, sem).wait()
            pltpu.sync_copy(rows_v, acc.at[idx_d], add=True)
            return carry
        lax.fori_loop(0, EDGE_CHUNKS, chunk, 0)

    @pl.when(cid == 0)
    def _():
        run(pa_hbm)

    @pl.when(cid == 1)
    def _():
        run(pb_hbm)

    plsc.subcore_barrier()

    @pl.when(cid == 0)
    def _():
        pltpu.sync_copy(acc.at[pl.ds(r0, ROWS_PER_TILE)],
                        outa.at[pl.ds(r0, ROWS_PER_TILE)])

    @pl.when(cid == 1)
    def _():
        pltpu.sync_copy(acc.at[pl.ds(r0, ROWS_PER_TILE)],
                        outb.at[pl.ds(r0, ROWS_PER_TILE)])


def _sc_edge(Pa, Pb, src_pad, dst_pad):
    k = functools.partial(
        pl.kernel,
        mesh=_sc_mesh(),
        out_type=[jax.ShapeDtypeStruct((N_PAD, H), jnp.float32),
                  jax.ShapeDtypeStruct((N_PAD, H), jnp.float32)],
        scratch_types=[
            pltpu.VMEM((CHUNK,), jnp.int32),
            pltpu.VMEM((CHUNK,), jnp.int32),
            pltpu.VMEM((CHUNK, H), jnp.float32),
            pltpu.VMEM_SHARED((N_PAD, H), jnp.float32),
            pltpu.SemaphoreType.DMA,
        ],
    )(_sc_edge_body)
    return k(Pa, Pb, src_pad, dst_pad)



def _tc1_body(q1_ref, q2_ref, k_ref, d0_ref, d1_ref, w0_ref, b0_ref, pa_ref,
              P0a_ref, P0b_ref, dinv_ref):
    b = pl.program_id(0)
    rows = b * BLK + lax.broadcasted_iota(jnp.int32, (BLK, 1), 0)
    q1 = q1_ref[...]
    q2 = q2_ref[...]
    kk = k_ref[...]
    p = pa_ref[...]

    att = _smax(_dotT(q1, kk) * (1.0 / jnp.sqrt(jnp.float32(D))), axis=1)
    adapt = _dot(att, kk)
    base = jnp.where(rows < S, q2, adapt)

    def aug(x):
        w = _smax(_dotT(x, p), axis=1)
        return x + _dot(w, p)

    inp = aug(base)
    aq1 = aug(q1)
    w0 = w0_ref[...]
    b0 = b0_ref[...]
    h_a = _dot(inp, w0) + b0
    h_b = _dot(aq1, w0) + b0

    deg = d0_ref[:, 0:1] + d1_ref[:, 0:1] + 1.0
    dinv = lax.rsqrt(jnp.maximum(deg, 1.0))
    valid = jnp.where(rows < N, 1.0, 0.0)
    P0a_ref[...] = h_a * dinv * valid
    P0b_ref[...] = h_b * dinv * valid
    dinv_ref[...] = jnp.broadcast_to(dinv, (BLK, H))


_TC1_ARGS = dict(
    grid=(N_BLKS,),
    in_specs=[
        pl.BlockSpec((BLK, D), lambda b: (b, 0)),
        pl.BlockSpec((BLK, D), lambda b: (b, 0)),
        pl.BlockSpec((S, D), lambda b: (0, 0)),
        pl.BlockSpec((BLK, 16), lambda b: (b, 0)),
        pl.BlockSpec((BLK, 16), lambda b: (b, 0)),
        pl.BlockSpec((D, H), lambda b: (0, 0)),
        pl.BlockSpec((1, H), lambda b: (0, 0)),
        pl.BlockSpec((C, D), lambda b: (0, 0)),
    ],
    out_specs=[
        pl.BlockSpec((BLK, H), lambda b: (b, 0)),
        pl.BlockSpec((BLK, H), lambda b: (b, 0)),
        pl.BlockSpec((BLK, H), lambda b: (b, 0)),
    ],
    out_shape=[
        jax.ShapeDtypeStruct((N_PAD, H), jnp.float32),
        jax.ShapeDtypeStruct((N_PAD, H), jnp.float32),
        jax.ShapeDtypeStruct((N_PAD, H), jnp.float32),
    ],
    compiler_params=pltpu.CompilerParams(
        dimension_semantics=("arbitrary",)),
)



def _tc2_body(acca_ref, accb_ref, dinv_ref, w1_ref, b1_ref,
              P1a_ref, P1b_ref):
    b = pl.program_id(0)
    rows = b * BLK + lax.broadcasted_iota(jnp.int32, (BLK, 1), 0)
    dinv = dinv_ref[:, 0:1]
    x_a = jnp.maximum(acca_ref[...] * dinv, 0.0)
    x_b = jnp.maximum(accb_ref[...] * dinv, 0.0)
    w1 = w1_ref[...]
    b1 = b1_ref[...]
    valid = jnp.where(rows < N, 1.0, 0.0)
    P1a_ref[...] = (_dot(x_a, w1) + b1) * dinv * valid
    P1b_ref[...] = (_dot(x_b, w1) + b1) * dinv * valid


_TC2_ARGS = dict(
    grid=(N_BLKS,),
    in_specs=[
        pl.BlockSpec((BLK, H), lambda b: (b, 0)),
        pl.BlockSpec((BLK, H), lambda b: (b, 0)),
        pl.BlockSpec((BLK, H), lambda b: (b, 0)),
        pl.BlockSpec((H, H), lambda b: (0, 0)),
        pl.BlockSpec((1, H), lambda b: (0, 0)),
    ],
    out_specs=[
        pl.BlockSpec((BLK, H), lambda b: (b, 0)),
        pl.BlockSpec((BLK, H), lambda b: (b, 0)),
    ],
    out_shape=[
        jax.ShapeDtypeStruct((N_PAD, H), jnp.float32),
        jax.ShapeDtypeStruct((N_PAD, H), jnp.float32),
    ],
    compiler_params=pltpu.CompilerParams(
        dimension_semantics=("arbitrary",)),
)



def _tc3_body(acca_ref, accb_ref, dinv_ref, q1y_ref, q2y_ref,
              pdist_ref, pdire_ref, dtw1_ref, dtb1_ref, dtw2_ref, dtb2_ref,
              drw1_ref, drb1_ref, drw2_ref, drb2_ref,
              loss_ref,
              sel_ref, fewb_ref, sq1_ref, cq1_ref, sq2_ref, cq2_ref,
              lbl_ref):
    b = pl.program_id(0)
    rows = b * BLK + lax.broadcasted_iota(jnp.int32, (BLK, 1), 0)
    dinv = dinv_ref[:, 0:1]
    emb = acca_ref[...] * dinv
    q1e = accb_ref[...] * dinv
    q1y = q1y_ref[...]
    q2y = q2y_ref[...]
    validf = jnp.where(rows < N, 1.0, 0.0)
    self_f = jnp.where(rows < S, 1.0, 0.0)

    @pl.when(b == 0)
    def _():
        sel = emb[:S]
        sel_ref[...] = sel
        ysel = q2y[:S]
        fc = []
        oh = []
        for c in range(C):
            m = jnp.where(ysel == c, 1.0, 0.0)
            cnt = jnp.maximum(jnp.sum(m), 1.0)
            fc.append(jnp.sum(sel * m, axis=0, keepdims=True) / cnt)
            oh.append(m)
        few = jnp.concatenate(fc, axis=0)
        nrm = jnp.sqrt(jnp.sum(few * few, axis=1, keepdims=True))
        fewb_ref[...] = few / (nrm + 1e-8)
        lbl_ref[...] = jnp.concatenate(oh, axis=1)
        sq1_ref[...] = jnp.zeros((C, H), jnp.float32)
        cq1_ref[...] = jnp.zeros((C, H), jnp.float32)
        sq2_ref[...] = jnp.zeros((C, H), jnp.float32)
        cq2_ref[...] = jnp.zeros((C, H), jnp.float32)

    for c in range(C):
        m1 = jnp.where(q1y == c, validf, 0.0)
        sq1_ref[c:c + 1, :] = sq1_ref[c:c + 1, :] + jnp.sum(
            q1e * m1, axis=0, keepdims=True)
        cq1_ref[c:c + 1, :] = cq1_ref[c:c + 1, :] + jnp.sum(m1)

    nrm = jnp.sqrt(jnp.sum(emb * emb, axis=1, keepdims=True))
    a = emb / (nrm + 1e-8)
    sim = _dotT(a, fewb_ref[...])
    mx = jnp.max(sim, axis=1, keepdims=True)
    taken = jnp.zeros((BLK, 1), jnp.float32)
    for c in range(C):
        is_mx = jnp.where(sim[:, c:c + 1] >= mx, 1.0 - taken, 0.0)
        taken = taken + is_mx
        m2q = jnp.where(q2y == c, 1.0, 0.0)
        m2 = (self_f * m2q + (1.0 - self_f) * is_mx) * validf
        sq2_ref[c:c + 1, :] = sq2_ref[c:c + 1, :] + jnp.sum(
            emb * m2, axis=0, keepdims=True)
        cq2_ref[c:c + 1, :] = cq2_ref[c:c + 1, :] + jnp.sum(m2)

    @pl.when(b == N_BLKS - 1)
    def _():
        q1c = sq1_ref[...] / jnp.maximum(cq1_ref[...], 1.0)
        q2c = sq2_ref[...] / jnp.maximum(cq2_ref[...], 1.0)
        cc = jnp.concatenate([q1c, q2c], axis=0)
        sel = sel_ref[...]
        pdi = pdire_ref[...]
        pdt = pdist_ref[...]
        drw1 = drw1_ref[...]
        drb1 = drb1_ref[...]
        drw2 = drw2_ref[...]
        drb2 = drb2_ref[...]
        dtw1 = dtw1_ref[...]
        dtb1 = dtb1_ref[...]
        dtw2 = dtw2_ref[...]
        dtb2 = dtb2_ref[...]

        dire_probs = []
        dist_h = []
        for i in range(8):
            cci = cc[i:i + 1, :]
            delta = sel - cci + sel * cci
            w = _smax(_dotT(delta, pdi), axis=1)
            de = delta + _dot(w, pdi)
            hh = jnp.maximum(_dot(de, drw1) + drb1, 0.0)
            lg = _dot(hh, drw2) + drb2
            dire_probs.append(_smax(lg, axis=1))
            w2 = _smax(_dotT(delta, pdt), axis=1)
            dte = delta + _dot(w2, pdt)
            g = jnp.maximum(_dot(jnp.abs(dte), dtw1) + dtb1, 0.0)
            dist_h.append(_dot(g, dtw2) + dtb2)

        mx8 = dist_h[0]
        for i in range(1, 8):
            mx8 = jnp.maximum(mx8, dist_h[i])
        ex = [jnp.exp(dh - mx8) for dh in dist_h]
        ssum = ex[0]
        for i in range(1, 8):
            ssum = ssum + ex[i]
        dist_probs = [_smax(e / ssum, axis=1) for e in ex]

        out = jnp.zeros((S, C), jnp.float32)
        for ci in range(C):
            terms = [jnp.zeros((S, 1), jnp.float32) for _ in range(7)]
            for idx in (ci, ci + 4):
                for di in range(3):
                    for ki in range(4):
                        j = (di - 1) * ki + 3
                        terms[j] = terms[j] + (
                            dire_probs[idx][:, di:di + 1]
                            * dist_probs[idx][:, ki:ki + 1])
            pre = jnp.concatenate(terms[3 - ci:7 - ci], axis=1)
            out = out + _smax(pre, axis=1)
        out = _smax(out, axis=1)
        m = jnp.max(out, axis=1, keepdims=True)
        logp = out - m - jnp.log(jnp.sum(jnp.exp(out - m), axis=1,
                                         keepdims=True))
        pick = jnp.sum(logp * lbl_ref[...], axis=1, keepdims=True)
        loss_ref[...] = jnp.broadcast_to(-jnp.sum(pick) / jnp.float32(S),
                                         (1, 1))


_TC3_ARGS = dict(
    grid=(N_BLKS,),
    in_specs=[
        pl.BlockSpec((BLK, H), lambda b: (b, 0)),
        pl.BlockSpec((BLK, H), lambda b: (b, 0)),
        pl.BlockSpec((BLK, H), lambda b: (b, 0)),
        pl.BlockSpec((BLK, 1), lambda b: (b, 0)),
        pl.BlockSpec((BLK, 1), lambda b: (b, 0)),
        pl.BlockSpec((C, H), lambda b: (0, 0)),
        pl.BlockSpec((C, H), lambda b: (0, 0)),
        pl.BlockSpec((H, H), lambda b: (0, 0)),
        pl.BlockSpec((1, H), lambda b: (0, 0)),
        pl.BlockSpec((H, 4), lambda b: (0, 0)),
        pl.BlockSpec((1, 4), lambda b: (0, 0)),
        pl.BlockSpec((H, H), lambda b: (0, 0)),
        pl.BlockSpec((1, H), lambda b: (0, 0)),
        pl.BlockSpec((H, 3), lambda b: (0, 0)),
        pl.BlockSpec((1, 3), lambda b: (0, 0)),
    ],
    out_specs=[pl.BlockSpec((1, 1), lambda b: (0, 0))],
    out_shape=[jax.ShapeDtypeStruct((1, 1), jnp.float32)],
    scratch_shapes=[
        pltpu.VMEM((S, H), jnp.float32),
        pltpu.VMEM((C, H), jnp.float32),
        pltpu.VMEM((C, H), jnp.float32),
        pltpu.VMEM((C, H), jnp.float32),
        pltpu.VMEM((C, H), jnp.float32),
        pltpu.VMEM((C, H), jnp.float32),
        pltpu.VMEM((S, C), jnp.float32),
    ],
    compiler_params=pltpu.CompilerParams(
        dimension_semantics=("arbitrary",)),
)


def kernel(Q1_x, Q2_x, Q1_y, Q2_y, edge_index, selected_idxes,
           remaining_idxes, W_gcn0, b_gcn0, W_gcn1, b_gcn1, p_aug, p_dist,
           p_dire, dist_w1, dist_b1, dist_w2, dist_b2, dire_w1, dire_b1,
           dire_w2, dire_b2):
    f32 = jnp.float32
    Q1p = jnp.pad(Q1_x.astype(f32), ((0, N_PAD - N), (0, 0)))
    Q2p = jnp.pad(Q2_x.astype(f32), ((0, N_PAD - N), (0, 0)))
    k_sel = Q2p[:S]
    q1y = jnp.pad(Q1_y.astype(jnp.int32), (0, N_PAD - N)).reshape(N_PAD, 1)
    q2y = jnp.pad(Q2_y.astype(jnp.int32), (0, N_PAD - N)).reshape(N_PAD, 1)
    ei = edge_index.astype(jnp.int32)
    fill = jnp.full((E_PAD - E,), N, jnp.int32)
    src_pad = jnp.concatenate([ei[0], fill])
    dst_pad = jnp.concatenate([ei[1], fill])
    zeros16 = jnp.zeros((N_PAD, 16), f32)
    ones16 = jnp.ones((CHUNK, 16), f32)

    deg0, deg1 = _sc_deg(dst_pad, zeros16, ones16)

    P0a, P0b, dinvb = pl.pallas_call(_tc1_body, **_TC1_ARGS)(
        Q1p, Q2p, k_sel, deg0, deg1,
        W_gcn0.astype(f32), b_gcn0.astype(f32).reshape(1, H),
        p_aug.astype(f32))

    acc0a, acc0b = _sc_edge(P0a, P0b, src_pad, dst_pad)

    P1a, P1b = pl.pallas_call(_tc2_body, **_TC2_ARGS)(
        acc0a, acc0b, dinvb,
        W_gcn1.astype(f32), b_gcn1.astype(f32).reshape(1, H))

    acc1a, acc1b = _sc_edge(P1a, P1b, src_pad, dst_pad)

    (loss,) = pl.pallas_call(_tc3_body, **_TC3_ARGS)(
        acc1a, acc1b, dinvb, q1y, q2y,
        p_dist.astype(f32), p_dire.astype(f32),
        dist_w1.astype(f32), dist_b1.astype(f32).reshape(1, H),
        dist_w2.astype(f32), dist_b2.astype(f32).reshape(1, 4),
        dire_w1.astype(f32), dire_b1.astype(f32).reshape(1, H),
        dire_w2.astype(f32), dire_b2.astype(f32).reshape(1, 3),
    )
    return loss[0, 0]

# --- scband reference (transcript-rebuilt; emitter-appended) ---
"""Pipeline reference for scband-downstream-model-47828755808569 (READ-ONLY COPY).

The authoritative reference and input builder live on the scoring server;
editing this copy changes nothing except your own understanding.
"""

import jax, jax.numpy as jnp
import numpy as np

N = 10000; E = 320000; D = 128; H = 128; S = 512; C = 4


def setup_inputs(seed: int = 0) -> dict:
    key = jax.random.key(seed)
    ks = jax.random.split(key, 16)
    sc = 0.05
    inp = {}
    inp['Q1_x'] = jax.random.normal(ks[0], (N, D), dtype=jnp.float32)
    inp['Q2_x'] = jax.random.normal(ks[1], (N, D), dtype=jnp.float32)
    inp['Q1_y'] = jax.random.randint(ks[2], (N,), 0, C)
    inp['Q2_y'] = jax.random.randint(ks[3], (N,), 0, C)
    inp['edge_index'] = jax.random.randint(ks[4], (2, E), 0, N)
    inp['selected_idxes'] = jnp.arange(S)
    inp['remaining_idxes'] = jnp.arange(S, N)
    inp['W_gcn0'] = jax.random.normal(ks[5], (D, H), dtype=jnp.float32) * sc
    inp['b_gcn0'] = jnp.zeros((H,), jnp.float32)
    inp['W_gcn1'] = jax.random.normal(ks[6], (H, H), dtype=jnp.float32) * sc
    inp['b_gcn1'] = jnp.zeros((H,), jnp.float32)
    inp['p_aug'] = jax.random.normal(ks[7], (4, D), dtype=jnp.float32) * sc
    inp['p_dist'] = jax.random.normal(ks[8], (4, H), dtype=jnp.float32) * sc
    inp['p_dire'] = jax.random.normal(ks[9], (4, H), dtype=jnp.float32) * sc
    inp['dist_w1'] = jax.random.normal(ks[10], (H, H), dtype=jnp.float32) * sc
    inp['dist_b1'] = jnp.zeros((H,), jnp.float32)
    inp['dist_w2'] = jax.random.normal(ks[11], (H, 4), dtype=jnp.float32) * sc
    inp['dist_b2'] = jnp.zeros((4,), jnp.float32)
    inp['dire_w1'] = jax.random.normal(ks[12], (H, H), dtype=jnp.float32) * sc
    inp['dire_b1'] = jnp.zeros((H,), jnp.float32)
    inp['dire_w2'] = jax.random.normal(ks[13], (H, 3), dtype=jnp.float32) * sc
    inp['dire_b2'] = jnp.zeros((3,), jnp.float32)
    return inp


def _augment(x, p):
    # AugmentPrompt.compute: attention-weighted prompt addition
    w = jax.nn.softmax(x @ p.T, axis=-1)
    return x + w @ p


def _adapt(Q1_x, Q2_x, sel, rmn):
    # AdaptPrompt.compute: cross-attend remaining Q1 feats to selected Q2 feats
    q = Q1_x[rmn]
    k = Q2_x[sel]
    att = jax.nn.softmax(q @ k.T / jnp.sqrt(jnp.float32(q.shape[-1])), axis=-1)
    return att @ k


def _masked_mean(emb, mask):
    m = mask.astype(emb.dtype)
    cnt = jnp.maximum(m.sum(), 1.0)
    return (emb * m[:, None]).sum(axis=0) / cnt


def _forward(Q1_x, Q2_x, W_gcn0, b_gcn0, W_gcn1, b_gcn1, p_aug, p_dist, p_dire,
             dist_w1, dist_b1, dist_w2, dist_b2, dire_w1, dire_b1, dire_w2, dire_b2,
             Q1_y, Q2_y, edge_index, selected_idxes, remaining_idxes):
    loops = jnp.arange(N)
    src = jnp.concatenate([edge_index[0], loops])
    dst = jnp.concatenate([edge_index[1], loops])
    ones = jnp.ones(src.shape[0], jnp.float32)
    deg = jax.ops.segment_sum(ones, dst, num_segments=N)
    dinv = jax.lax.rsqrt(jnp.maximum(deg, 1.0))
    norm = dinv[src] * dinv[dst]

    def conv(x, W, b):
        h = x @ W + b
        msg = h[src] * norm[:, None]
        return jax.ops.segment_sum(msg, dst, num_segments=N)

    def gnn(x):
        h = jax.nn.relu(conv(x, W_gcn0, b_gcn0))
        return conv(h, W_gcn1, b_gcn1)

    # build augmented input graph
    input_x = Q1_x
    input_x = input_x.at[selected_idxes].set(_augment(Q2_x[selected_idxes], p_aug))
    adapt_rmn = _adapt(Q1_x, Q2_x, selected_idxes, remaining_idxes)
    input_x = input_x.at[remaining_idxes].set(_augment(adapt_rmn, p_aug))
    input_y = Q1_y.at[selected_idxes].set(Q2_y[selected_idxes])

    emb = gnn(input_x)
    Q1_emb = gnn(_augment(Q1_x, p_aug))

    Q1_centers = jnp.stack([_masked_mean(Q1_emb, Q1_y == i) for i in range(C)])
    sel_emb = emb[selected_idxes]
    y_sel = input_y[selected_idxes]
    few_centers = jnp.stack([_masked_mean(sel_emb, y_sel == i) for i in range(C)])

    rmn_emb = emb[remaining_idxes]
    a = rmn_emb / (jnp.linalg.norm(rmn_emb, axis=-1, keepdims=True) + 1e-8)
    b = few_centers / (jnp.linalg.norm(few_centers, axis=-1, keepdims=True) + 1e-8)
    sim = a @ b.T
    pseudo = jnp.argmax(sim, axis=1).astype(input_y.dtype)
    y_full = input_y.at[remaining_idxes].set(pseudo)

    Q2_centers = jnp.stack([_masked_mean(emb, y_full == i) for i in range(C)])
    class_centers = jnp.concatenate([Q1_centers, Q2_centers], axis=0)  # [8, H]

    delta = sel_emb[:, None, :] - class_centers[None, :, :] + sel_emb[:, None, :] * class_centers[None, :, :]

    dire_emb = _augment(delta, p_dire)
    dire_logits = jax.nn.relu(dire_emb @ dire_w1 + dire_b1) @ dire_w2 + dire_b2
    dire_probs = jax.nn.softmax(dire_logits, axis=2)

    dist_emb = _augment(delta, p_dist)
    dist_h = jax.nn.relu(jnp.abs(dist_emb) @ dist_w1 + dist_b1) @ dist_w2 + dist_b2
    dist_logits = jax.nn.softmax(dist_h, axis=1)  # nn.Softmax(dim=1) inside head
    dist_probs = jax.nn.softmax(dist_logits, axis=2)

    combined = jnp.zeros((S, 4, 7), jnp.float32)
    for idx in range(8):
        ci = idx % 4
        for di in range(3):
            for ki in range(4):
                prod = (di - 1) * ki
                combined = combined.at[:, ci, prod + 3].add(dire_probs[:, idx, di] * dist_probs[:, idx, ki])
    out = jnp.zeros((S, 4), jnp.float32)
    for ci in range(4):
        pre = combined[:, ci, 3 - ci:7 - ci]
        out = out + jax.nn.softmax(pre, axis=1)
    out = jax.nn.softmax(out, axis=1)

    labels = input_y[selected_idxes]
    logp = jax.nn.log_softmax(out, axis=1)
    loss = -jnp.mean(logp[jnp.arange(S), labels])
    return loss


def reference(Q1_x, Q2_x, Q1_y, Q2_y, edge_index, selected_idxes, remaining_idxes,
              W_gcn0, b_gcn0, W_gcn1, b_gcn1, p_aug, p_dist, p_dire,
              dist_w1, dist_b1, dist_w2, dist_b2, dire_w1, dire_b1, dire_w2, dire_b2):
    return _forward(Q1_x=Q1_x, Q2_x=Q2_x, Q1_y=Q1_y, Q2_y=Q2_y,
                    edge_index=edge_index, selected_idxes=selected_idxes,
                    remaining_idxes=remaining_idxes,
                    W_gcn0=W_gcn0, b_gcn0=b_gcn0, W_gcn1=W_gcn1, b_gcn1=b_gcn1,
                    p_aug=p_aug, p_dist=p_dist, p_dire=p_dire,
                    dist_w1=dist_w1, dist_b1=dist_b1, dist_w2=dist_w2, dist_b2=dist_b2,
                    dire_w1=dire_w1, dire_b1=dire_b1, dire_w2=dire_w2, dire_b2=dire_b2)

if __name__ == "__main__":
    import jax
    _d = setup_inputs()
    print(jax.jit(kernel)(*tuple(_d.values())))

</pallas_src>

<mosaic_0001>
#map = affine_map<(d0, d1) -> (0)>
#map1 = affine_map<(d0, d1) -> (0, 0)>
module attributes {stable_mosaic.version = 14 : i64} {
  func.func @_sc_deg_body(%arg0: i32, %arg1: i32, %arg2: memref<327680xi32, #tpu.memory_space<hbm>>, %arg3: memref<10240x16xf32, #tpu.memory_space<hbm>>, %arg4: memref<128x16xf32, #tpu.memory_space<hbm>>, %arg5: memref<10240x16xf32, #tpu.memory_space<hbm>>, %arg6: memref<10240x16xf32, #tpu.memory_space<hbm>>, %arg7: memref<128x16xf32, #tpu.memory_space<vmem>>, %arg8: memref<128xi32, #tpu.memory_space<vmem>>, %arg9: memref<10240x16xf32, #tpu.memory_space<vmem_shared>>, %arg10: memref<!tpu.dma_semaphore, #tpu.memory_space<semaphore_mem>>) attributes {dimension_semantics = [#tpu.dimension_semantics<core_parallel>, #tpu.dimension_semantics<subcore_parallel>], iteration_bounds = array<i64: 2, 16>, scalar_prefetch = 0 : i64, scratch_operands = 4 : i64, tpu.core_type = #tpu.core_type<sc_vector_subcore>, window_params = [{transform_indices = #map}, {transform_indices = #map1}, {transform_indices = #map1}, {transform_indices = #map1}, {transform_indices = #map1}]} {
    %mul3A = arith.constant 2 : i32
    %mul3A_0 = arith.muli %arg1, %mul3A : i32
    %add3A = arith.addi %mul3A_0, %arg0 : i32
    %mul3A_1 = arith.constant 640 : i32
    %mul3A_2 = arith.muli %arg1, %mul3A_1 : i32
    "tpu.region"() ({
      %run_scoped3A = tpu.sem_alloc : memref<!tpu.dma_semaphore, #tpu.memory_space<semaphore_mem>>
      %dma_start3A = arith.constant 0 : i32
      %dma_start3A_16 = tpu.memref_slice %arg9[%mul3A_2, %dma_start3A] : memref<10240x16xf32, #tpu.memory_space<vmem_shared>> -> memref<640x16xf32, #tpu.memory_space<vmem_shared>>
      %dma_start3A_17 = arith.constant 0 : i32
      %dma_start3A_18 = tpu.memref_slice %arg3[%mul3A_2, %dma_start3A_17] : memref<10240x16xf32, #tpu.memory_space<hbm>> -> memref<640x16xf32, #tpu.memory_space<hbm>>
      tpu.enqueue_dma source(%dma_start3A_18 : memref<640x16xf32, #tpu.memory_space<hbm>>) target(%dma_start3A_16 : memref<640x16xf32, #tpu.memory_space<vmem_shared>>) target_semaphore(%run_scoped3A : memref<!tpu.dma_semaphore, #tpu.memory_space<semaphore_mem>>)
      %dma_wait3A = arith.constant 0 : i32
      %dma_wait3A_19 = tpu.memref_slice %arg9[%mul3A_2, %dma_wait3A] : memref<10240x16xf32, #tpu.memory_space<vmem_shared>> -> memref<640x16xf32, #tpu.memory_space<vmem_shared>>
      %dma_wait3A_20 = arith.constant 0 : i32
      %dma_wait3A_21 = tpu.memref_slice %arg3[%mul3A_2, %dma_wait3A_20] : memref<10240x16xf32, #tpu.memory_space<hbm>> -> memref<640x16xf32, #tpu.memory_space<hbm>>
      tpu.wait_dma2 semaphore(%run_scoped3A : memref<!tpu.dma_semaphore, #tpu.memory_space<semaphore_mem>>) src(%dma_wait3A_21 : memref<640x16xf32, #tpu.memory_space<hbm>>) dst(%dma_wait3A_19 : memref<640x16xf32, #tpu.memory_space<vmem_shared>>)
      tpu.yield
    }) : () -> ()
    "tpu.region"() ({
      %run_scoped3A = tpu.sem_alloc : memref<!tpu.dma_semaphore, #tpu.memory_space<semaphore_mem>>
      tpu.enqueue_dma source(%arg4 : memref<128x16xf32, #tpu.memory_space<hbm>>) target(%arg7 : memref<128x16xf32, #tpu.memory_space<vmem>>) target_semaphore(%run_scoped3A : memref<!tpu.dma_semaphore, #tpu.memory_space<semaphore_mem>>)
      tpu.wait_dma2 semaphore(%run_scoped3A : memref<!tpu.dma_semaphore, #tpu.memory_space<semaphore_mem>>) src(%arg4 : memref<128x16xf32, #tpu.memory_space<hbm>>) dst(%arg7 : memref<128x16xf32, #tpu.memory_space<vmem>>)
      tpu.yield
    }) : () -> ()
    %barrier3A = arith.constant 0 : index
    tpu.barrier barrier_id(%barrier3A)
    %scan3A = arith.constant 0 : i32
    %scan3A_3 = arith.constant 0 : i32
    %scan3A_4 = arith.constant 80 : i32
    %scan3A_5 = arith.addi %scan3A_3, %scan3A_4 : i32
    %scan3A_6 = arith.constant 1 : i32
    scf.for %scan3A_16 = %scan3A_3 to %scan3A_5 step %scan3A_6  : i32 {
      %mul3A_17 = arith.constant 10240 : i32
      %mul3A_18 = arith.muli %add3A, %mul3A_17 : i32
      %mul3A_19 = arith.constant 128 : i32
      %mul3A_20 = arith.muli %scan3A_16, %mul3A_19 : i32
      %add3A_21 = arith.addi %mul3A_18, %mul3A_20 : i32
      "tpu.region"() ({
        %run_scoped3A = tpu.sem_alloc : memref<!tpu.dma_semaphore, #tpu.memory_space<semaphore_mem>>
        %dma_start3A = tpu.memref_slice %arg2[%add3A_21] : memref<327680xi32, #tpu.memory_space<hbm>> -> memref<128xi32, #tpu.memory_space<hbm>>
        %dma_start3A_22 = tpu.memref_slice %arg2[%add3A_21] : memref<327680xi32, #tpu.memory_space<hbm>> -> memref<128xi32, #tpu.memory_space<hbm>>
        tpu.enqueue_dma source(%dma_start3A_22 : memref<128xi32, #tpu.memory_space<hbm>>) target(%arg8 : memref<128xi32, #tpu.memory_space<vmem>>) target_semaphore(%run_scoped3A : memref<!tpu.dma_semaphore, #tpu.memory_space<semaphore_mem>>)
        %dma_wait3A = tpu.memref_slice %arg2[%add3A_21] : memref<327680xi32, #tpu.memory_space<hbm>> -> memref<128xi32, #tpu.memory_space<hbm>>
        %dma_wait3A_23 = tpu.memref_slice %arg2[%add3A_21] : memref<327680xi32, #tpu.memory_space<hbm>> -> memref<128xi32, #tpu.memory_space<hbm>>
        tpu.wait_dma2 semaphore(%run_scoped3A : memref<!tpu.dma_semaphore, #tpu.memory_space<semaphore_mem>>) src(%dma_wait3A_23 : memref<128xi32, #tpu.memory_space<hbm>>) dst(%arg8 : memref<128xi32, #tpu.memory_space<vmem>>)
        tpu.yield
      }) : () -> ()
      "tpu.region"() ({
        %run_scoped3A = tpu.sem_alloc : memref<!tpu.dma_semaphore, #tpu.memory_space<semaphore_mem>>
        %dma_start3A = arith.constant 0 : i32
        %dma_start3A_22 = arith.constant 0 : i32
        %dma_start3A_23 = tpu.memref_slice %arg9[%dma_start3A, %dma_start3A_22] : memref<10240x16xf32, #tpu.memory_space<vmem_shared>> -> memref<10240x16xf32, #tpu.memory_space<vmem_shared>>
        tpu.enqueue_indirect_dma source(%arg7 : memref<128x16xf32, #tpu.memory_space<vmem>>) target(%dma_start3A_23 : memref<10240x16xf32, #tpu.memory_space<vmem_shared>>) offsets(%arg8 : memref<128xi32, #tpu.memory_space<vmem>>) semaphore(%run_scoped3A : memref<!tpu.dma_semaphore, #tpu.memory_space<semaphore_mem>>) {add = true}
        %dma_wait3A = arith.constant 0 : i32
        %dma_wait3A_24 = arith.constant 0 : i32
        %dma_wait3A_25 = tpu.memref_slice %arg9[%dma_wait3A, %dma_wait3A_24] : memref<10240x16xf32, #tpu.memory_space<vmem_shared>> -> memref<10240x16xf32, #tpu.memory_space<vmem_shared>>
        tpu.wait_indirect_dma semaphore(%run_scoped3A : memref<!tpu.dma_semaphore, #tpu.memory_space<semaphore_mem>>) src(%arg7 : memref<128x16xf32, #tpu.memory_space<vmem>>) dst(%dma_wait3A_25 : memref<10240x16xf32, #tpu.memory_space<vmem_shared>>)
        tpu.yield
      }) : () -> ()
    }
    %scan3A_7 = arith.constant 80 : i32
    %barrier3A_8 = arith.constant 0 : index
    tpu.barrier barrier_id(%barrier3A_8)
    %eq3A = arith.constant 0 : i32
    %eq3A_9 = arith.cmpi eq, %arg0, %eq3A : i32
    %convert_element_type3A = arith.extui %eq3A_9 : i1 to i32
    %cond3A = arith.constant 0 : i32
    %cond3A_10 = arith.cmpi ne, %convert_element_type3A, %cond3A : i32
    scf.if %cond3A_10 {
      "tpu.region"() ({
        %run_scoped3A = tpu.sem_alloc : memref<!tpu.dma_semaphore, #tpu.memory_space<semaphore_mem>>
        %dma_start3A = arith.constant 0 : i32
        %dma_start3A_16 = tpu.memref_slice %arg5[%mul3A_2, %dma_start3A] : memref<10240x16xf32, #tpu.memory_space<hbm>> -> memref<640x16xf32, #tpu.memory_space<hbm>>
        %dma_start3A_17 = arith.constant 0 : i32
        %dma_start3A_18 = tpu.memref_slice %arg9[%mul3A_2, %dma_start3A_17] : memref<10240x16xf32, #tpu.memory_space<vmem_shared>> -> memref<640x16xf32, #tpu.memory_space<vmem_shared>>
        tpu.enqueue_dma source(%dma_start3A_18 : memref<640x16xf32, #tpu.memory_space<vmem_shared>>) target(%dma_start3A_16 : memref<640x16xf32, #tpu.memory_space<hbm>>) target_semaphore(%run_scoped3A : memref<!tpu.dma_semaphore, #tpu.memory_space<semaphore_mem>>)
        %dma_wait3A = arith.constant 0 : i32
        %dma_wait3A_19 = tpu.memref_slice %arg5[%mul3A_2, %dma_wait3A] : memref<10240x16xf32, #tpu.memory_space<hbm>> -> memref<640x16xf32, #tpu.memory_space<hbm>>
        %dma_wait3A_20 = arith.constant 0 : i32
        %dma_wait3A_21 = tpu.memref_slice %arg9[%mul3A_2, %dma_wait3A_20] : memref<10240x16xf32, #tpu.memory_space<vmem_shared>> -> memref<640x16xf32, #tpu.memory_space<vmem_shared>>
        tpu.wait_dma2 semaphore(%run_scoped3A : memref<!tpu.dma_semaphore, #tpu.memory_space<semaphore_mem>>) src(%dma_wait3A_21 : memref<640x16xf32, #tpu.memory_space<vmem_shared>>) dst(%dma_wait3A_19 : memref<640x16xf32, #tpu.memory_space<hbm>>)
        tpu.yield
      }) : () -> ()
    } else {
    }
    %eq3A_11 = arith.constant 1 : i32
    %eq3A_12 = arith.cmpi eq, %arg0, %eq3A_11 : i32
    %convert_element_type3A_13 = arith.extui %eq3A_12 : i1 to i32
    %cond3A_14 = arith.constant 0 : i32
    %cond3A_15 = arith.cmpi ne, %convert_element_type3A_13, %cond3A_14 : i32
    scf.if %cond3A_15 {
      "tpu.region"() ({
        %run_scoped3A = tpu.sem_alloc : memref<!tpu.dma_semaphore, #tpu.memory_space<semaphore_mem>>
        %dma_start3A = arith.constant 0 : i32
        %dma_start3A_16 = tpu.memref_slice %arg6[%mul3A_2, %dma_start3A] : memref<10240x16xf32, #tpu.memory_space<hbm>> -> memref<640x16xf32, #tpu.memory_space<hbm>>
        %dma_start3A_17 = arith.constant 0 : i32
        %dma_start3A_18 = tpu.memref_slice %arg9[%mul3A_2, %dma_start3A_17] : memref<10240x16xf32, #tpu.memory_space<vmem_shared>> -> memref<640x16xf32, #tpu.memory_space<vmem_shared>>
        tpu.enqueue_dma source(%dma_start3A_18 : memref<640x16xf32, #tpu.memory_space<vmem_shared>>) target(%dma_start3A_16 : memref<640x16xf32, #tpu.memory_space<hbm>>) target_semaphore(%run_scoped3A : memref<!tpu.dma_semaphore, #tpu.memory_space<semaphore_mem>>)
        %dma_wait3A = arith.constant 0 : i32
        %dma_wait3A_19 = tpu.memref_slice %arg6[%mul3A_2, %dma_wait3A] : memref<10240x16xf32, #tpu.memory_space<hbm>> -> memref<640x16xf32, #tpu.memory_space<hbm>>
        %dma_wait3A_20 = arith.constant 0 : i32
        %dma_wait3A_21 = tpu.memref_slice %arg9[%mul3A_2, %dma_wait3A_20] : memref<10240x16xf32, #tpu.memory_space<vmem_shared>> -> memref<640x16xf32, #tpu.memory_space<vmem_shared>>
        tpu.wait_dma2 semaphore(%run_scoped3A : memref<!tpu.dma_semaphore, #tpu.memory_space<semaphore_mem>>) src(%dma_wait3A_21 : memref<640x16xf32, #tpu.memory_space<vmem_shared>>) dst(%dma_wait3A_19 : memref<640x16xf32, #tpu.memory_space<hbm>>)
        tpu.yield
      }) : () -> ()
    } else {
    }
    return
  }
}

#map = affine_map<(d0, d1) -> (0, 0)>
#map1 = affine_map<(d0, d1) -> (0)>
module attributes {stable_mosaic.version = 14 : i64} {
  func.func @_sc_edge_body(%arg0: i32, %arg1: i32, %arg2: memref<10240x128xf32, #tpu.memory_space<hbm>>, %arg3: memref<10240x128xf32, #tpu.memory_space<hbm>>, %arg4: memref<327680xi32, #tpu.memory_space<hbm>>, %arg5: memref<327680xi32, #tpu.memory_space<hbm>>, %arg6: memref<10240x128xf32, #tpu.memory_space<hbm>>, %arg7: memref<10240x128xf32, #tpu.memory_space<hbm>>, %arg8: memref<128xi32, #tpu.memory_space<vmem>>, %arg9: memref<128xi32, #tpu.memory_space<vmem>>, %arg10: memref<128x128xf32, #tpu.memory_space<vmem>>, %arg11: memref<10240x128xf32, #tpu.memory_space<vmem_shared>>, %arg12: memref<!tpu.dma_semaphore, #tpu.memory_space<semaphore_mem>>) attributes {dimension_semantics = [#tpu.dimension_semantics<core_parallel>, #tpu.dimension_semantics<subcore_parallel>], iteration_bounds = array<i64: 2, 16>, scalar_prefetch = 0 : i64, scratch_operands = 5 : i64, tpu.core_type = #tpu.core_type<sc_vector_subcore>, window_params = [{transform_indices = #map}, {transform_indices = #map}, {transform_indices = #map1}, {transform_indices = #map1}, {transform_indices = #map}, {transform_indices = #map}]} {
    %mul3A = arith.constant 640 : i32
    %mul3A_0 = arith.muli %arg1, %mul3A : i32
    %eq3A = arith.constant 0 : i32
    %eq3A_1 = arith.cmpi eq, %arg0, %eq3A : i32
    %convert_element_type3A = arith.extui %eq3A_1 : i1 to i32
    %cond3A = arith.constant 0 : i32
    %cond3A_2 = arith.cmpi ne, %convert_element_type3A, %cond3A : i32
    scf.if %cond3A_2 {
      "tpu.region"() ({
        %run_scoped3A = tpu.sem_alloc : memref<!tpu.dma_semaphore, #tpu.memory_space<semaphore_mem>>
        %dma_start3A = arith.constant 0 : i32
        %dma_start3A_29 = tpu.memref_slice %arg11[%mul3A_0, %dma_start3A] : memref<10240x128xf32, #tpu.memory_space<vmem_shared>> -> memref<640x128xf32, #tpu.memory_space<vmem_shared>>
        %dma_start3A_30 = arith.constant 0 : i32
        %dma_start3A_31 = tpu.memref_slice %arg2[%mul3A_0, %dma_start3A_30] : memref<10240x128xf32, #tpu.memory_space<hbm>> -> memref<640x128xf32, #tpu.memory_space<hbm>>
        tpu.enqueue_dma source(%dma_start3A_31 : memref<640x128xf32, #tpu.memory_space<hbm>>) target(%dma_start3A_29 : memref<640x128xf32, #tpu.memory_space<vmem_shared>>) target_semaphore(%run_scoped3A : memref<!tpu.dma_semaphore, #tpu.memory_space<semaphore_mem>>)
        %dma_wait3A = arith.constant 0 : i32
        %dma_wait3A_32 = tpu.memref_slice %arg11[%mul3A_0, %dma_wait3A] : memref<10240x128xf32, #tpu.memory_space<vmem_shared>> -> memref<640x128xf32, #tpu.memory_space<vmem_shared>>
        %dma_wait3A_33 = arith.constant 0 : i32
        %dma_wait3A_34 = tpu.memref_slice %arg2[%mul3A_0, %dma_wait3A_33] : memref<10240x128xf32, #tpu.memory_space<hbm>> -> memref<640x128xf32, #tpu.memory_space<hbm>>
        tpu.wait_dma2 semaphore(%run_scoped3A : memref<!tpu.dma_semaphore, #tpu.memory_space<semaphore_mem>>) src(%dma_wait3A_34 : memref<640x128xf32, #tpu.memory_space<hbm>>) dst(%dma_wait3A_32 : memref<640x128xf32, #tpu.memory_space<vmem_shared>>)
        tpu.yield
      }) : () -> ()
    } else {
    }
    %eq3A_3 = arith.constant 1 : i32
    %eq3A_4 = arith.cmpi eq, %arg0, %eq3A_3 : i32
    %convert_element_type3A_5 = arith.extui %eq3A_4 : i1 to i32
    %cond3A_6 = arith.constant 0 : i32
    %cond3A_7 = arith.cmpi ne, %convert_element_type3A_5, %cond3A_6 : i32
    scf.if %cond3A_7 {
      "tpu.region"() ({
        %run_scoped3A = tpu.sem_alloc : memref<!tpu.dma_semaphore, #tpu.memory_space<semaphore_mem>>
        %dma_start3A = arith.constant 0 : i32
        %dma_start3A_29 = tpu.memref_slice %arg11[%mul3A_0, %dma_start3A] : memref<10240x128xf32, #tpu.memory_space<vmem_shared>> -> memref<640x128xf32, #tpu.memory_space<vmem_shared>>
        %dma_start3A_30 = arith.constant 0 : i32
        %dma_start3A_31 = tpu.memref_slice %arg3[%mul3A_0, %dma_start3A_30] : memref<10240x128xf32, #tpu.memory_space<hbm>> -> memref<640x128xf32, #tpu.memory_space<hbm>>
        tpu.enqueue_dma source(%dma_start3A_31 : memref<640x128xf32, #tpu.memory_space<hbm>>) target(%dma_start3A_29 : memref<640x128xf32, #tpu.memory_space<vmem_shared>>) target_semaphore(%run_scoped3A : memref<!tpu.dma_semaphore, #tpu.memory_space<semaphore_mem>>)
        %dma_wait3A = arith.constant 0 : i32
        %dma_wait3A_32 = tpu.memref_slice %arg11[%mul3A_0, %dma_wait3A] : memref<10240x128xf32, #tpu.memory_space<vmem_shared>> -> memref<640x128xf32, #tpu.memory_space<vmem_shared>>
        %dma_wait3A_33 = arith.constant 0 : i32
        %dma_wait3A_34 = tpu.memref_slice %arg3[%mul3A_0, %dma_wait3A_33] : memref<10240x128xf32, #tpu.memory_space<hbm>> -> memref<640x128xf32, #tpu.memory_space<hbm>>
        tpu.wait_dma2 semaphore(%run_scoped3A : memref<!tpu.dma_semaphore, #tpu.memory_space<semaphore_mem>>) src(%dma_wait3A_34 : memref<640x128xf32, #tpu.memory_space<hbm>>) dst(%dma_wait3A_32 : memref<640x128xf32, #tpu.memory_space<vmem_shared>>)
        tpu.yield
      }) : () -> ()
    } else {
    }
    %barrier3A = arith.constant 0 : index
    tpu.barrier barrier_id(%barrier3A)
    %eq3A_8 = arith.constant 0 : i32
    %eq3A_9 = arith.cmpi eq, %arg0, %eq3A_8 : i32
    %convert_element_type3A_10 = arith.extui %eq3A_9 : i1 to i32
    %cond3A_11 = arith.constant 0 : i32
    %cond3A_12 = arith.cmpi ne, %convert_element_type3A_10, %cond3A_11 : i32
    scf.if %cond3A_12 {
      %scan3A = arith.constant 0 : i32
      %scan3A_29 = arith.constant 0 : i32
      %scan3A_30 = arith.constant 160 : i32
      %scan3A_31 = arith.addi %scan3A_29, %scan3A_30 : i32
      %scan3A_32 = arith.constant 1 : i32
      scf.for %scan3A_34 = %scan3A_29 to %scan3A_31 step %scan3A_32  : i32 {
        %mul3A_35 = arith.constant 20480 : i32
        %mul3A_36 = arith.muli %arg1, %mul3A_35 : i32
        %mul3A_37 = arith.constant 128 : i32
        %mul3A_38 = arith.muli %scan3A_34, %mul3A_37 : i32
        %add3A = arith.addi %mul3A_36, %mul3A_38 : i32
        "tpu.region"() ({
          %run_scoped3A = tpu.sem_alloc : memref<!tpu.dma_semaphore, #tpu.memory_space<semaphore_mem>>
          %dma_start3A_43 = tpu.memref_slice %arg4[%add3A] : memref<327680xi32, #tpu.memory_space<hbm>> -> memref<128xi32, #tpu.memory_space<hbm>>
          %dma_start3A_44 = tpu.memref_slice %arg4[%add3A] : memref<327680xi32, #tpu.memory_space<hbm>> -> memref<128xi32, #tpu.memory_space<hbm>>
          tpu.enqueue_dma source(%dma_start3A_44 : memref<128xi32, #tpu.memory_space<hbm>>) target(%arg8 : memref<128xi32, #tpu.memory_space<vmem>>) target_semaphore(%run_scoped3A : memref<!tpu.dma_semaphore, #tpu.memory_space<semaphore_mem>>)
          %dma_wait3A_45 = tpu.memref_slice %arg4[%add3A] : memref<327680xi32, #tpu.memory_space<hbm>> -> memref<128xi32, #tpu.memory_space<hbm>>
          %dma_wait3A_46 = tpu.memref_slice %arg4[%add3A] : memref<327680xi32, #tpu.memory_space<hbm>> -> memref<128xi32, #tpu.memory_space<hbm>>
          tpu.wait_dma2 semaphore(%run_scoped3A : memref<!tpu.dma_semaphore, #tpu.memory_space<semaphore_mem>>) src(%dma_wait3A_46 : memref<128xi32, #tpu.memory_space<hbm>>) dst(%arg8 : memref<128xi32, #tpu.memory_space<vmem>>)
          tpu.yield
        }) : () -> ()
        "tpu.region"() ({
          %run_scoped3A = tpu.sem_alloc : memref<!tpu.dma_semaphore, #tpu.memory_space<semaphore_mem>>
          %dma_start3A_43 = tpu.memref_slice %arg5[%add3A] : memref<327680xi32, #tpu.memory_space<hbm>> -> memref<128xi32, #tpu.memory_space<hbm>>
          %dma_start3A_44 = tpu.memref_slice %arg5[%add3A] : memref<327680xi32, #tpu.memory_space<hbm>> -> memref<128xi32, #tpu.memory_space<hbm>>
          tpu.enqueue_dma source(%dma_start3A_44 : memref<128xi32, #tpu.memory_space<hbm>>) target(%arg9 : memref<128xi32, #tpu.memory_space<vmem>>) target_semaphore(%run_scoped3A : memref<!tpu.dma_semaphore, #tpu.memory_space<semaphore_mem>>)
          %dma_wait3A_45 = tpu.memref_slice %arg5[%add3A] : memref<327680xi32, #tpu.memory_space<hbm>> -> memref<128xi32, #tpu.memory_space<hbm>>
          %dma_wait3A_46 = tpu.memref_slice %arg5[%add3A] : memref<327680xi32, #tpu.memory_space<hbm>> -> memref<128xi32, #tpu.memory_space<hbm>>
          tpu.wait_dma2 semaphore(%run_scoped3A : memref<!tpu.dma_semaphore, #tpu.memory_space<semaphore_mem>>) src(%dma_wait3A_46 : memref<128xi32, #tpu.memory_space<hbm>>) dst(%arg9 : memref<128xi32, #tpu.memory_space<vmem>>)
          tpu.yield
        }) : () -> ()
        %dma_start3A = arith.constant 0 : i32
        %dma_start3A_39 = arith.constant 0 : i32
        %dma_start3A_40 = tpu.memref_slice %arg2[%dma_start3A, %dma_start3A_39] : memref<10240x128xf32, #tpu.memory_space<hbm>> -> memref<10240x128xf32, #tpu.memory_space<hbm>>
        tpu.enqueue_indirect_dma source(%dma_start3A_40 : memref<10240x128xf32, #tpu.memory_space<hbm>>) target(%arg10 : memref<128x128xf32, #tpu.memory_space<vmem>>) offsets(%arg8 : memref<128xi32, #tpu.memory_space<vmem>>) semaphore(%arg12 : memref<!tpu.dma_semaphore, #tpu.memory_space<semaphore_mem>>)
        %dma_wait3A = arith.constant 0 : i32
        %dma_wait3A_41 = arith.constant 0 : i32
        %dma_wait3A_42 = tpu.memref_slice %arg2[%dma_wait3A, %dma_wait3A_41] : memref<10240x128xf32, #tpu.memory_space<hbm>> -> memref<10240x128xf32, #tpu.memory_space<hbm>>
        tpu.wait_indirect_dma semaphore(%arg12 : memref<!tpu.dma_semaphore, #tpu.memory_space<semaphore_mem>>) src(%dma_wait3A_42 : memref<10240x128xf32, #tpu.memory_space<hbm>>) dst(%arg10 : memref<128x128xf32, #tpu.memory_space<vmem>>)
        "tpu.region"() ({
          %run_scoped3A = tpu.sem_alloc : memref<!tpu.dma_semaphore, #tpu.memory_space<semaphore_mem>>
          %dma_start3A_43 = arith.constant 0 : i32
          %dma_start3A_44 = arith.constant 0 : i32
          %dma_start3A_45 = tpu.memref_slice %arg11[%dma_start3A_43, %dma_start3A_44] : memref<10240x128xf32, #tpu.memory_space<vmem_shared>> -> memref<10240x128xf32, #tpu.memory_space<vmem_shared>>
          tpu.enqueue_indirect_dma source(%arg10 : memref<128x128xf32, #tpu.memory_space<vmem>>) target(%dma_start3A_45 : memref<10240x128xf32, #tpu.memory_space<vmem_shared>>) offsets(%arg9 : memref<128xi32, #tpu.memory_space<vmem>>) semaphore(%run_scoped3A : memref<!tpu.dma_semaphore, #tpu.memory_space<semaphore_mem>>) {add = true}
          %dma_wait3A_46 = arith.constant 0 : i32
          %dma_wait3A_47 = arith.constant 0 : i32
          %dma_wait3A_48 = tpu.memref_slice %arg11[%dma_wait3A_46, %dma_wait3A_47] : memref<10240x128xf32, #tpu.memory_space<vmem_shared>> -> memref<10240x128xf32, #tpu.memory_space<vmem_shared>>
          tpu.wait_indirect_dma semaphore(%run_scoped3A : memref<!tpu.dma_semaphore, #tpu.memory_space<semaphore_mem>>) src(%arg10 : memref<128x128xf32, #tpu.memory_space<vmem>>) dst(%dma_wait3A_48 : memref<10240x128xf32, #tpu.memory_space<vmem_shared>>)
          tpu.yield
        }) : () -> ()
      }
      %scan3A_33 = arith.constant 160 : i32
    } else {
    }
    %eq3A_13 = arith.constant 1 : i32
    %eq3A_14 = arith.cmpi eq, %arg0, %eq3A_13 : i32
    %convert_element_type3A_15 = arith.extui %eq3A_14 : i1 to i32
    %cond3A_16 = arith.constant 0 : i32
    %cond3A_17 = arith.cmpi ne, %convert_element_type3A_15, %cond3A_16 : i32
    scf.if %cond3A_17 {
      %scan3A = arith.constant 0 : i32
      %scan3A_29 = arith.constant 0 : i32
      %scan3A_30 = arith.constant 160 : i32
      %scan3A_31 = arith.addi %scan3A_29, %scan3A_30 : i32
      %scan3A_32 = arith.constant 1 : i32
      scf.for %scan3A_34 = %scan3A_29 to %scan3A_31 step %scan3A_32  : i32 {
        %mul3A_35 = arith.constant 20480 : i32
        %mul3A_36 = arith.muli %arg1, %mul3A_35 : i32
        %mul3A_37 = arith.constant 128 : i32
        %mul3A_38 = arith.muli %scan3A_34, %mul3A_37 : i32
        %add3A = arith.addi %mul3A_36, %mul3A_38 : i32
        "tpu.region"() ({
          %run_scoped3A = tpu.sem_alloc : memref<!tpu.dma_semaphore, #tpu.memory_space<semaphore_mem>>
          %dma_start3A_43 = tpu.memref_slice %arg4[%add3A] : memref<327680xi32, #tpu.memory_space<hbm>> -> memref<128xi32, #tpu.memory_space<hbm>>
          %dma_start3A_44 = tpu.memref_slice %arg4[%add3A] : memref<327680xi32, #tpu.memory_space<hbm>> -> memref<128xi32, #tpu.memory_space<hbm>>
          tpu.enqueue_dma source(%dma_start3A_44 : memref<128xi32, #tpu.memory_space<hbm>>) target(%arg8 : memref<128xi32, #tpu.memory_space<vmem>>) target_semaphore(%run_scoped3A : memref<!tpu.dma_semaphore, #tpu.memory_space<semaphore_mem>>)
          %dma_wait3A_45 = tpu.memref_slice %arg4[%add3A] : memref<327680xi32, #tpu.memory_space<hbm>> -> memref<128xi32, #tpu.memory_space<hbm>>
          %dma_wait3A_46 = tpu.memref_slice %arg4[%add3A] : memref<327680xi32, #tpu.memory_space<hbm>> -> memref<128xi32, #tpu.memory_space<hbm>>
          tpu.wait_dma2 semaphore(%run_scoped3A : memref<!tpu.dma_semaphore, #tpu.memory_space<semaphore_mem>>) src(%dma_wait3A_46 : memref<128xi32, #tpu.memory_space<hbm>>) dst(%arg8 : memref<128xi32, #tpu.memory_space<vmem>>)
          tpu.yield
        }) : () -> ()
        "tpu.region"() ({
          %run_scoped3A = tpu.sem_alloc : memref<!tpu.dma_semaphore, #tpu.memory_space<semaphore_mem>>
          %dma_start3A_43 = tpu.memref_slice %arg5[%add3A] : memref<327680xi32, #tpu.memory_space<hbm>> -> memref<128xi32, #tpu.memory_space<hbm>>
          %dma_start3A_44 = tpu.memref_slice %arg5[%add3A] : memref<327680xi32, #tpu.memory_space<hbm>> -> memref<128xi32, #tpu.memory_space<hbm>>
          tpu.enqueue_dma source(%dma_start3A_44 : memref<128xi32, #tpu.memory_space<hbm>>) target(%arg9 : memref<128xi32, #tpu.memory_space<vmem>>) target_semaphore(%run_scoped3A : memref<!tpu.dma_semaphore, #tpu.memory_space<semaphore_mem>>)
          %dma_wait3A_45 = tpu.memref_slice %arg5[%add3A] : memref<327680xi32, #tpu.memory_space<hbm>> -> memref<128xi32, #tpu.memory_space<hbm>>
          %dma_wait3A_46 = tpu.memref_slice %arg5[%add3A] : memref<327680xi32, #tpu.memory_space<hbm>> -> memref<128xi32, #tpu.memory_space<hbm>>
          tpu.wait_dma2 semaphore(%run_scoped3A : memref<!tpu.dma_semaphore, #tpu.memory_space<semaphore_mem>>) src(%dma_wait3A_46 : memref<128xi32, #tpu.memory_space<hbm>>) dst(%arg9 : memref<128xi32, #tpu.memory_space<vmem>>)
          tpu.yield
        }) : () -> ()
        %dma_start3A = arith.constant 0 : i32
        %dma_start3A_39 = arith.constant 0 : i32
        %dma_start3A_40 = tpu.memref_slice %arg3[%dma_start3A, %dma_start3A_39] : memref<10240x128xf32, #tpu.memory_space<hbm>> -> memref<10240x128xf32, #tpu.memory_space<hbm>>
        tpu.enqueue_indirect_dma source(%dma_start3A_40 : memref<10240x128xf32, #tpu.memory_space<hbm>>) target(%arg10 : memref<128x128xf32, #tpu.memory_space<vmem>>) offsets(%arg8 : memref<128xi32, #tpu.memory_space<vmem>>) semaphore(%arg12 : memref<!tpu.dma_semaphore, #tpu.memory_space<semaphore_mem>>)
        %dma_wait3A = arith.constant 0 : i32
        %dma_wait3A_41 = arith.constant 0 : i32
        %dma_wait3A_42 = tpu.memref_slice %arg3[%dma_wait3A, %dma_wait3A_41] : memref<10240x128xf32, #tpu.memory_space<hbm>> -> memref<10240x128xf32, #tpu.memory_space<hbm>>
        tpu.wait_indirect_dma semaphore(%arg12 : memref<!tpu.dma_semaphore, #tpu.memory_space<semaphore_mem>>) src(%dma_wait3A_42 : memref<10240x128xf32, #tpu.memory_space<hbm>>) dst(%arg10 : memref<128x128xf32, #tpu.memory_space<vmem>>)
        "tpu.region"() ({
          %run_scoped3A = tpu.sem_alloc : memref<!tpu.dma_semaphore, #tpu.memory_space<semaphore_mem>>
          %dma_start3A_43 = arith.constant 0 : i32
          %dma_start3A_44 = arith.constant 0 : i32
          %dma_start3A_45 = tpu.memref_slice %arg11[%dma_start3A_43, %dma_start3A_44] : memref<10240x128xf32, #tpu.memory_space<vmem_shared>> -> memref<10240x128xf32, #tpu.memory_space<vmem_shared>>
          tpu.enqueue_indirect_dma source(%arg10 : memref<128x128xf32, #tpu.memory_space<vmem>>) target(%dma_start3A_45 : memref<10240x128xf32, #tpu.memory_space<vmem_shared>>) offsets(%arg9 : memref<128xi32, #tpu.memory_space<vmem>>) semaphore(%run_scoped3A : memref<!tpu.dma_semaphore, #tpu.memory_space<semaphore_mem>>) {add = true}
          %dma_wait3A_46 = arith.constant 0 : i32
          %dma_wait3A_47 = arith.constant 0 : i32
          %dma_wait3A_48 = tpu.memref_slice %arg11[%dma_wait3A_46, %dma_wait3A_47] : memref<10240x128xf32, #tpu.memory_space<vmem_shared>> -> memref<10240x128xf32, #tpu.memory_space<vmem_shared>>
          tpu.wait_indirect_dma semaphore(%run_scoped3A : memref<!tpu.dma_semaphore, #tpu.memory_space<semaphore_mem>>) src(%arg10 : memref<128x128xf32, #tpu.memory_space<vmem>>) dst(%dma_wait3A_48 : memref<10240x128xf32, #tpu.memory_space<vmem_shared>>)
          tpu.yield
        }) : () -> ()
      }
      %scan3A_33 = arith.constant 160 : i32
    } else {
    }
    %barrier3A_18 = arith.constant 0 : index
    tpu.barrier barrier_id(%barrier3A_18)
    %eq3A_19 = arith.constant 0 : i32
    %eq3A_20 = arith.cmpi eq, %arg0, %eq3A_19 : i32
    %convert_element_type3A_21 = arith.extui %eq3A_20 : i1 to i32
    %cond3A_22 = arith.constant 0 : i32
    %cond3A_23 = arith.cmpi ne, %convert_element_type3A_21, %cond3A_22 : i32
    scf.if %cond3A_23 {
      "tpu.region"() ({
        %run_scoped3A = tpu.sem_alloc : memref<!tpu.dma_semaphore, #tpu.memory_space<semaphore_mem>>
        %dma_start3A = arith.constant 0 : i32
        %dma_start3A_29 = tpu.memref_slice %arg6[%mul3A_0, %dma_start3A] : memref<10240x128xf32, #tpu.memory_space<hbm>> -> memref<640x128xf32, #tpu.memory_space<hbm>>
        %dma_start3A_30 = arith.constant 0 : i32
        %dma_start3A_31 = tpu.memref_slice %arg11[%mul3A_0, %dma_start3A_30] : memref<10240x128xf32, #tpu.memory_space<vmem_shared>> -> memref<640x128xf32, #tpu.memory_space<vmem_shared>>
        tpu.enqueue_dma source(%dma_start3A_31 : memref<640x128xf32, #tpu.memory_space<vmem_shared>>) target(%dma_start3A_29 : memref<640x128xf32, #tpu.memory_space<hbm>>) target_semaphore(%run_scoped3A : memref<!tpu.dma_semaphore, #tpu.memory_space<semaphore_mem>>)
        %dma_wait3A = arith.constant 0 : i32
        %dma_wait3A_32 = tpu.memref_slice %arg6[%mul3A_0, %dma_wait3A] : memref<10240x128xf32, #tpu.memory_space<hbm>> -> memref<640x128xf32, #tpu.memory_space<hbm>>
        %dma_wait3A_33 = arith.constant 0 : i32
        %dma_wait3A_34 = tpu.memref_slice %arg11[%mul3A_0, %dma_wait3A_33] : memref<10240x128xf32, #tpu.memory_space<vmem_shared>> -> memref<640x128xf32, #tpu.memory_space<vmem_shared>>
        tpu.wait_dma2 semaphore(%run_scoped3A : memref<!tpu.dma_semaphore, #tpu.memory_space<semaphore_mem>>) src(%dma_wait3A_34 : memref<640x128xf32, #tpu.memory_space<vmem_shared>>) dst(%dma_wait3A_32 : memref<640x128xf32, #tpu.memory_space<hbm>>)
        tpu.yield
      }) : () -> ()
    } else {
    }
    %eq3A_24 = arith.constant 1 : i32
    %eq3A_25 = arith.cmpi eq, %arg0, %eq3A_24 : i32
    %convert_element_type3A_26 = arith.extui %eq3A_25 : i1 to i32
    %cond3A_27 = arith.constant 0 : i32
    %cond3A_28 = arith.cmpi ne, %convert_element_type3A_26, %cond3A_27 : i32
    scf.if %cond3A_28 {
      "tpu.region"() ({
        %run_scoped3A = tpu.sem_alloc : memref<!tpu.dma_semaphore, #tpu.memory_space<semaphore_mem>>
        %dma_start3A = arith.constant 0 : i32
        %dma_start3A_29 = tpu.memref_slice %arg7[%mul3A_0, %dma_start3A] : memref<10240x128xf32, #tpu.memory_space<hbm>> -> memref<640x128xf32, #tpu.memory_space<hbm>>
        %dma_start3A_30 = arith.constant 0 : i32
        %dma_start3A_31 = tpu.memref_slice %arg11[%mul3A_0, %dma_start3A_30] : memref<10240x128xf32, #tpu.memory_space<vmem_shared>> -> memref<640x128xf32, #tpu.memory_space<vmem_shared>>
        tpu.enqueue_dma source(%dma_start3A_31 : memref<640x128xf32, #tpu.memory_space<vmem_shared>>) target(%dma_start3A_29 : memref<640x128xf32, #tpu.memory_space<hbm>>) target_semaphore(%run_scoped3A : memref<!tpu.dma_semaphore, #tpu.memory_space<semaphore_mem>>)
        %dma_wait3A = arith.constant 0 : i32
        %dma_wait3A_32 = tpu.memref_slice %arg7[%mul3A_0, %dma_wait3A] : memref<10240x128xf32, #tpu.memory_space<hbm>> -> memref<640x128xf32, #tpu.memory_space<hbm>>
        %dma_wait3A_33 = arith.constant 0 : i32
        %dma_wait3A_34 = tpu.memref_slice %arg11[%mul3A_0, %dma_wait3A_33] : memref<10240x128xf32, #tpu.memory_space<vmem_shared>> -> memref<640x128xf32, #tpu.memory_space<vmem_shared>>
        tpu.wait_dma2 semaphore(%run_scoped3A : memref<!tpu.dma_semaphore, #tpu.memory_space<semaphore_mem>>) src(%dma_wait3A_34 : memref<640x128xf32, #tpu.memory_space<vmem_shared>>) dst(%dma_wait3A_32 : memref<640x128xf32, #tpu.memory_space<hbm>>)
        tpu.yield
      }) : () -> ()
    } else {
    }
    return
  }
}

#map = affine_map<(d0, d1) -> (0, 0)>
#map1 = affine_map<(d0, d1) -> (0)>
module attributes {stable_mosaic.version = 14 : i64} {
  func.func @_sc_edge_body(%arg0: i32, %arg1: i32, %arg2: memref<10240x128xf32, #tpu.memory_space<hbm>>, %arg3: memref<10240x128xf32, #tpu.memory_space<hbm>>, %arg4: memref<327680xi32, #tpu.memory_space<hbm>>, %arg5: memref<327680xi32, #tpu.memory_space<hbm>>, %arg6: memref<10240x128xf32, #tpu.memory_space<hbm>>, %arg7: memref<10240x128xf32, #tpu.memory_space<hbm>>, %arg8: memref<128xi32, #tpu.memory_space<vmem>>, %arg9: memref<128xi32, #tpu.memory_space<vmem>>, %arg10: memref<128x128xf32, #tpu.memory_space<vmem>>, %arg11: memref<10240x128xf32, #tpu.memory_space<vmem_shared>>, %arg12: memref<!tpu.dma_semaphore, #tpu.memory_space<semaphore_mem>>) attributes {dimension_semantics = [#tpu.dimension_semantics<core_parallel>, #tpu.dimension_semantics<subcore_parallel>], iteration_bounds = array<i64: 2, 16>, scalar_prefetch = 0 : i64, scratch_operands = 5 : i64, tpu.core_type = #tpu.core_type<sc_vector_subcore>, window_params = [{transform_indices = #map}, {transform_indices = #map}, {transform_indices = #map1}, {transform_indices = #map1}, {transform_indices = #map}, {transform_indices = #map}]} {
    %mul3A = arith.constant 640 : i32
    %mul3A_0 = arith.muli %arg1, %mul3A : i32
    %eq3A = arith.constant 0 : i32
    %eq3A_1 = arith.cmpi eq, %arg0, %eq3A : i32
    %convert_element_type3A = arith.extui %eq3A_1 : i1 to i32
    %cond3A = arith.constant 0 : i32
    %cond3A_2 = arith.cmpi ne, %convert_element_type3A, %cond3A : i32
    scf.if %cond3A_2 {
      "tpu.region"() ({
        %run_scoped3A = tpu.sem_alloc : memref<!tpu.dma_semaphore, #tpu.memory_space<semaphore_mem>>
        %dma_start3A = arith.constant 0 : i32
        %dma_start3A_29 = tpu.memref_slice %arg11[%mul3A_0, %dma_start3A] : memref<10240x128xf32, #tpu.memory_space<vmem_shared>> -> memref<640x128xf32, #tpu.memory_space<vmem_shared>>
        %dma_start3A_30 = arith.constant 0 : i32
        %dma_start3A_31 = tpu.memref_slice %arg2[%mul3A_0, %dma_start3A_30] : memref<10240x128xf32, #tpu.memory_space<hbm>> -> memref<640x128xf32, #tpu.memory_space<hbm>>
        tpu.enqueue_dma source(%dma_start3A_31 : memref<640x128xf32, #tpu.memory_space<hbm>>) target(%dma_start3A_29 : memref<640x128xf32, #tpu.memory_space<vmem_shared>>) target_semaphore(%run_scoped3A : memref<!tpu.dma_semaphore, #tpu.memory_space<semaphore_mem>>)
        %dma_wait3A = arith.constant 0 : i32
        %dma_wait3A_32 = tpu.memref_slice %arg11[%mul3A_0, %dma_wait3A] : memref<10240x128xf32, #tpu.memory_space<vmem_shared>> -> memref<640x128xf32, #tpu.memory_space<vmem_shared>>
        %dma_wait3A_33 = arith.constant 0 : i32
        %dma_wait3A_34 = tpu.memref_slice %arg2[%mul3A_0, %dma_wait3A_33] : memref<10240x128xf32, #tpu.memory_space<hbm>> -> memref<640x128xf32, #tpu.memory_space<hbm>>
        tpu.wait_dma2 semaphore(%run_scoped3A : memref<!tpu.dma_semaphore, #tpu.memory_space<semaphore_mem>>) src(%dma_wait3A_34 : memref<640x128xf32, #tpu.memory_space<hbm>>) dst(%dma_wait3A_32 : memref<640x128xf32, #tpu.memory_space<vmem_shared>>)
        tpu.yield
      }) : () -> ()
    } else {
    }
    %eq3A_3 = arith.constant 1 : i32
    %eq3A_4 = arith.cmpi eq, %arg0, %eq3A_3 : i32
    %convert_element_type3A_5 = arith.extui %eq3A_4 : i1 to i32
    %cond3A_6 = arith.constant 0 : i32
    %cond3A_7 = arith.cmpi ne, %convert_element_type3A_5, %cond3A_6 : i32
    scf.if %cond3A_7 {
      "tpu.region"() ({
        %run_scoped3A = tpu.sem_alloc : memref<!tpu.dma_semaphore, #tpu.memory_space<semaphore_mem>>
        %dma_start3A = arith.constant 0 : i32
        %dma_start3A_29 = tpu.memref_slice %arg11[%mul3A_0, %dma_start3A] : memref<10240x128xf32, #tpu.memory_space<vmem_shared>> -> memref<640x128xf32, #tpu.memory_space<vmem_shared>>
        %dma_start3A_30 = arith.constant 0 : i32
        %dma_start3A_31 = tpu.memref_slice %arg3[%mul3A_0, %dma_start3A_30] : memref<10240x128xf32, #tpu.memory_space<hbm>> -> memref<640x128xf32, #tpu.memory_space<hbm>>
        tpu.enqueue_dma source(%dma_start3A_31 : memref<640x128xf32, #tpu.memory_space<hbm>>) target(%dma_start3A_29 : memref<640x128xf32, #tpu.memory_space<vmem_shared>>) target_semaphore(%run_scoped3A : memref<!tpu.dma_semaphore, #tpu.memory_space<semaphore_mem>>)
        %dma_wait3A = arith.constant 0 : i32
        %dma_wait3A_32 = tpu.memref_slice %arg11[%mul3A_0, %dma_wait3A] : memref<10240x128xf32, #tpu.memory_space<vmem_shared>> -> memref<640x128xf32, #tpu.memory_space<vmem_shared>>
        %dma_wait3A_33 = arith.constant 0 : i32
        %dma_wait3A_34 = tpu.memref_slice %arg3[%mul3A_0, %dma_wait3A_33] : memref<10240x128xf32, #tpu.memory_space<hbm>> -> memref<640x128xf32, #tpu.memory_space<hbm>>
        tpu.wait_dma2 semaphore(%run_scoped3A : memref<!tpu.dma_semaphore, #tpu.memory_space<semaphore_mem>>) src(%dma_wait3A_34 : memref<640x128xf32, #tpu.memory_space<hbm>>) dst(%dma_wait3A_32 : memref<640x128xf32, #tpu.memory_space<vmem_shared>>)
        tpu.yield
      }) : () -> ()
    } else {
    }
    %barrier3A = arith.constant 0 : index
    tpu.barrier barrier_id(%barrier3A)
    %eq3A_8 = arith.constant 0 : i32
    %eq3A_9 = arith.cmpi eq, %arg0, %eq3A_8 : i32
    %convert_element_type3A_10 = arith.extui %eq3A_9 : i1 to i32
    %cond3A_11 = arith.constant 0 : i32
    %cond3A_12 = arith.cmpi ne, %convert_element_type3A_10, %cond3A_11 : i32
    scf.if %cond3A_12 {
      %scan3A = arith.constant 0 : i32
      %scan3A_29 = arith.constant 0 : i32
      %scan3A_30 = arith.constant 160 : i32
      %scan3A_31 = arith.addi %scan3A_29, %scan3A_30 : i32
      %scan3A_32 = arith.constant 1 : i32
      scf.for %scan3A_34 = %scan3A_29 to %scan3A_31 step %scan3A_32  : i32 {
        %mul3A_35 = arith.constant 20480 : i32
        %mul3A_36 = arith.muli %arg1, %mul3A_35 : i32
        %mul3A_37 = arith.constant 128 : i32
        %mul3A_38 = arith.muli %scan3A_34, %mul3A_37 : i32
        %add3A = arith.addi %mul3A_36, %mul3A_38 : i32
        "tpu.region"() ({
          %run_scoped3A = tpu.sem_alloc : memref<!tpu.dma_semaphore, #tpu.memory_space<semaphore_mem>>
          %dma_start3A_43 = tpu.memref_slice %arg4[%add3A] : memref<327680xi32, #tpu.memory_space<hbm>> -> memref<128xi32, #tpu.memory_space<hbm>>
          %dma_start3A_44 = tpu.memref_slice %arg4[%add3A] : memref<327680xi32, #tpu.memory_space<hbm>> -> memref<128xi32, #tpu.memory_space<hbm>>
          tpu.enqueue_dma source(%dma_start3A_44 : memref<128xi32, #tpu.memory_space<hbm>>) target(%arg8 : memref<128xi32, #tpu.memory_space<vmem>>) target_semaphore(%run_scoped3A : memref<!tpu.dma_semaphore, #tpu.memory_space<semaphore_mem>>)
          %dma_wait3A_45 = tpu.memref_slice %arg4[%add3A] : memref<327680xi32, #tpu.memory_space<hbm>> -> memref<128xi32, #tpu.memory_space<hbm>>
          %dma_wait3A_46 = tpu.memref_slice %arg4[%add3A] : memref<327680xi32, #tpu.memory_space<hbm>> -> memref<128xi32, #tpu.memory_space<hbm>>
          tpu.wait_dma2 semaphore(%run_scoped3A : memref<!tpu.dma_semaphore, #tpu.memory_space<semaphore_mem>>) src(%dma_wait3A_46 : memref<128xi32, #tpu.memory_space<hbm>>) dst(%arg8 : memref<128xi32, #tpu.memory_space<vmem>>)
          tpu.yield
        }) : () -> ()
        "tpu.region"() ({
          %run_scoped3A = tpu.sem_alloc : memref<!tpu.dma_semaphore, #tpu.memory_space<semaphore_mem>>
          %dma_start3A_43 = tpu.memref_slice %arg5[%add3A] : memref<327680xi32, #tpu.memory_space<hbm>> -> memref<128xi32, #tpu.memory_space<hbm>>
          %dma_start3A_44 = tpu.memref_slice %arg5[%add3A] : memref<327680xi32, #tpu.memory_space<hbm>> -> memref<128xi32, #tpu.memory_space<hbm>>
          tpu.enqueue_dma source(%dma_start3A_44 : memref<128xi32, #tpu.memory_space<hbm>>) target(%arg9 : memref<128xi32, #tpu.memory_space<vmem>>) target_semaphore(%run_scoped3A : memref<!tpu.dma_semaphore, #tpu.memory_space<semaphore_mem>>)
          %dma_wait3A_45 = tpu.memref_slice %arg5[%add3A] : memref<327680xi32, #tpu.memory_space<hbm>> -> memref<128xi32, #tpu.memory_space<hbm>>
          %dma_wait3A_46 = tpu.memref_slice %arg5[%add3A] : memref<327680xi32, #tpu.memory_space<hbm>> -> memref<128xi32, #tpu.memory_space<hbm>>
          tpu.wait_dma2 semaphore(%run_scoped3A : memref<!tpu.dma_semaphore, #tpu.memory_space<semaphore_mem>>) src(%dma_wait3A_46 : memref<128xi32, #tpu.memory_space<hbm>>) dst(%arg9 : memref<128xi32, #tpu.memory_space<vmem>>)
          tpu.yield
        }) : () -> ()
        %dma_start3A = arith.constant 0 : i32
        %dma_start3A_39 = arith.constant 0 : i32
        %dma_start3A_40 = tpu.memref_slice %arg2[%dma_start3A, %dma_start3A_39] : memref<10240x128xf32, #tpu.memory_space<hbm>> -> memref<10240x128xf32, #tpu.memory_space<hbm>>
        tpu.enqueue_indirect_dma source(%dma_start3A_40 : memref<10240x128xf32, #tpu.memory_space<hbm>>) target(%arg10 : memref<128x128xf32, #tpu.memory_space<vmem>>) offsets(%arg8 : memref<128xi32, #tpu.memory_space<vmem>>) semaphore(%arg12 : memref<!tpu.dma_semaphore, #tpu.memory_space<semaphore_mem>>)
        %dma_wait3A = arith.constant 0 : i32
        %dma_wait3A_41 = arith.constant 0 : i32
        %dma_wait3A_42 = tpu.memref_slice %arg2[%dma_wait3A, %dma_wait3A_41] : memref<10240x128xf32, #tpu.memory_space<hbm>> -> memref<10240x128xf32, #tpu.memory_space<hbm>>
        tpu.wait_indirect_dma semaphore(%arg12 : memref<!tpu.dma_semaphore, #tpu.memory_space<semaphore_mem>>) src(%dma_wait3A_42 : memref<10240x128xf32, #tpu.memory_space<hbm>>) dst(%arg10 : memref<128x128xf32, #tpu.memory_space<vmem>>)
        "tpu.region"() ({
          %run_scoped3A = tpu.sem_alloc : memref<!tpu.dma_semaphore, #tpu.memory_space<semaphore_mem>>
          %dma_start3A_43 = arith.constant 0 : i32
          %dma_start3A_44 = arith.constant 0 : i32
          %dma_start3A_45 = tpu.memref_slice %arg11[%dma_start3A_43, %dma_start3A_44] : memref<10240x128xf32, #tpu.memory_space<vmem_shared>> -> memref<10240x128xf32, #tpu.memory_space<vmem_shared>>
          tpu.enqueue_indirect_dma source(%arg10 : memref<128x128xf32, #tpu.memory_space<vmem>>) target(%dma_start3A_45 : memref<10240x128xf32, #tpu.memory_space<vmem_shared>>) offsets(%arg9 : memref<128xi32, #tpu.memory_space<vmem>>) semaphore(%run_scoped3A : memref<!tpu.dma_semaphore, #tpu.memory_space<semaphore_mem>>) {add = true}
          %dma_wait3A_46 = arith.constant 0 : i32
          %dma_wait3A_47 = arith.constant 0 : i32
          %dma_wait3A_48 = tpu.memref_slice %arg11[%dma_wait3A_46, %dma_wait3A_47] : memref<10240x128xf32, #tpu.memory_space<vmem_shared>> -> memref<10240x128xf32, #tpu.memory_space<vmem_shared>>
          tpu.wait_indirect_dma semaphore(%run_scoped3A : memref<!tpu.dma_semaphore, #tpu.memory_space<semaphore_mem>>) src(%arg10 : memref<128x128xf32, #tpu.memory_space<vmem>>) dst(%dma_wait3A_48 : memref<10240x128xf32, #tpu.memory_space<vmem_shared>>)
          tpu.yield
        }) : () -> ()
      }
      %scan3A_33 = arith.constant 160 : i32
    } else {
    }
    %eq3A_13 = arith.constant 1 : i32
    %eq3A_14 = arith.cmpi eq, %arg0, %eq3A_13 : i32
    %convert_element_type3A_15 = arith.extui %eq3A_14 : i1 to i32
    %cond3A_16 = arith.constant 0 : i32
    %cond3A_17 = arith.cmpi ne, %convert_element_type3A_15, %cond3A_16 : i32
    scf.if %cond3A_17 {
      %scan3A = arith.constant 0 : i32
      %scan3A_29 = arith.constant 0 : i32
      %scan3A_30 = arith.constant 160 : i32
      %scan3A_31 = arith.addi %scan3A_29, %scan3A_30 : i32
      %scan3A_32 = arith.constant 1 : i32
      scf.for %scan3A_34 = %scan3A_29 to %scan3A_31 step %scan3A_32  : i32 {
        %mul3A_35 = arith.constant 20480 : i32
        %mul3A_36 = arith.muli %arg1, %mul3A_35 : i32
        %mul3A_37 = arith.constant 128 : i32
        %mul3A_38 = arith.muli %scan3A_34, %mul3A_37 : i32
        %add3A = arith.addi %mul3A_36, %mul3A_38 : i32
        "tpu.region"() ({
          %run_scoped3A = tpu.sem_alloc : memref<!tpu.dma_semaphore, #tpu.memory_space<semaphore_mem>>
          %dma_start3A_43 = tpu.memref_slice %arg4[%add3A] : memref<327680xi32, #tpu.memory_space<hbm>> -> memref<128xi32, #tpu.memory_space<hbm>>
          %dma_start3A_44 = tpu.memref_slice %arg4[%add3A] : memref<327680xi32, #tpu.memory_space<hbm>> -> memref<128xi32, #tpu.memory_space<hbm>>
          tpu.enqueue_dma source(%dma_start3A_44 : memref<128xi32, #tpu.memory_space<hbm>>) target(%arg8 : memref<128xi32, #tpu.memory_space<vmem>>) target_semaphore(%run_scoped3A : memref<!tpu.dma_semaphore, #tpu.memory_space<semaphore_mem>>)
          %dma_wait3A_45 = tpu.memref_slice %arg4[%add3A] : memref<327680xi32, #tpu.memory_space<hbm>> -> memref<128xi32, #tpu.memory_space<hbm>>
          %dma_wait3A_46 = tpu.memref_slice %arg4[%add3A] : memref<327680xi32, #tpu.memory_space<hbm>> -> memref<128xi32, #tpu.memory_space<hbm>>
          tpu.wait_dma2 semaphore(%run_scoped3A : memref<!tpu.dma_semaphore, #tpu.memory_space<semaphore_mem>>) src(%dma_wait3A_46 : memref<128xi32, #tpu.memory_space<hbm>>) dst(%arg8 : memref<128xi32, #tpu.memory_space<vmem>>)
          tpu.yield
        }) : () -> ()
        "tpu.region"() ({
          %run_scoped3A = tpu.sem_alloc : memref<!tpu.dma_semaphore, #tpu.memory_space<semaphore_mem>>
          %dma_start3A_43 = tpu.memref_slice %arg5[%add3A] : memref<327680xi32, #tpu.memory_space<hbm>> -> memref<128xi32, #tpu.memory_space<hbm>>
          %dma_start3A_44 = tpu.memref_slice %arg5[%add3A] : memref<327680xi32, #tpu.memory_space<hbm>> -> memref<128xi32, #tpu.memory_space<hbm>>
          tpu.enqueue_dma source(%dma_start3A_44 : memref<128xi32, #tpu.memory_space<hbm>>) target(%arg9 : memref<128xi32, #tpu.memory_space<vmem>>) target_semaphore(%run_scoped3A : memref<!tpu.dma_semaphore, #tpu.memory_space<semaphore_mem>>)
          %dma_wait3A_45 = tpu.memref_slice %arg5[%add3A] : memref<327680xi32, #tpu.memory_space<hbm>> -> memref<128xi32, #tpu.memory_space<hbm>>
          %dma_wait3A_46 = tpu.memref_slice %arg5[%add3A] : memref<327680xi32, #tpu.memory_space<hbm>> -> memref<128xi32, #tpu.memory_space<hbm>>
          tpu.wait_dma2 semaphore(%run_scoped3A : memref<!tpu.dma_semaphore, #tpu.memory_space<semaphore_mem>>) src(%dma_wait3A_46 : memref<128xi32, #tpu.memory_space<hbm>>) dst(%arg9 : memref<128xi32, #tpu.memory_space<vmem>>)
          tpu.yield
        }) : () -> ()
        %dma_start3A = arith.constant 0 : i32
        %dma_start3A_39 = arith.constant 0 : i32
        %dma_start3A_40 = tpu.memref_slice %arg3[%dma_start3A, %dma_start3A_39] : memref<10240x128xf32, #tpu.memory_space<hbm>> -> memref<10240x128xf32, #tpu.memory_space<hbm>>
        tpu.enqueue_indirect_dma source(%dma_start3A_40 : memref<10240x128xf32, #tpu.memory_space<hbm>>) target(%arg10 : memref<128x128xf32, #tpu.memory_space<vmem>>) offsets(%arg8 : memref<128xi32, #tpu.memory_space<vmem>>) semaphore(%arg12 : memref<!tpu.dma_semaphore, #tpu.memory_space<semaphore_mem>>)
        %dma_wait3A = arith.constant 0 : i32
        %dma_wait3A_41 = arith.constant 0 : i32
        %dma_wait3A_42 = tpu.memref_slice %arg3[%dma_wait3A, %dma_wait3A_41] : memref<10240x128xf32, #tpu.memory_space<hbm>> -> memref<10240x128xf32, #tpu.memory_space<hbm>>
        tpu.wait_indirect_dma semaphore(%arg12 : memref<!tpu.dma_semaphore, #tpu.memory_space<semaphore_mem>>) src(%dma_wait3A_42 : memref<10240x128xf32, #tpu.memory_space<hbm>>) dst(%arg10 : memref<128x128xf32, #tpu.memory_space<vmem>>)
        "tpu.region"() ({
          %run_scoped3A = tpu.sem_alloc : memref<!tpu.dma_semaphore, #tpu.memory_space<semaphore_mem>>
          %dma_start3A_43 = arith.constant 0 : i32
          %dma_start3A_44 = arith.constant 0 : i32
          %dma_start3A_45 = tpu.memref_slice %arg11[%dma_start3A_43, %dma_start3A_44] : memref<10240x128xf32, #tpu.memory_space<vmem_shared>> -> memref<10240x128xf32, #tpu.memory_space<vmem_shared>>
          tpu.enqueue_indirect_dma source(%arg10 : memref<128x128xf32, #tpu.memory_space<vmem>>) target(%dma_start3A_45 : memref<10240x128xf32, #tpu.memory_space<vmem_shared>>) offsets(%arg9 : memref<128xi32, #tpu.memory_space<vmem>>) semaphore(%run_scoped3A : memref<!tpu.dma_semaphore, #tpu.memory_space<semaphore_mem>>) {add = true}
          %dma_wait3A_46 = arith.constant 0 : i32
          %dma_wait3A_47 = arith.constant 0 : i32
          %dma_wait3A_48 = tpu.memref_slice %arg11[%dma_wait3A_46, %dma_wait3A_47] : memref<10240x128xf32, #tpu.memory_space<vmem_shared>> -> memref<10240x128xf32, #tpu.memory_space<vmem_shared>>
          tpu.wait_indirect_dma semaphore(%run_scoped3A : memref<!tpu.dma_semaphore, #tpu.memory_space<semaphore_mem>>) src(%arg10 : memref<128x128xf32, #tpu.memory_space<vmem>>) dst(%dma_wait3A_48 : memref<10240x128xf32, #tpu.memory_space<vmem_shared>>)
          tpu.yield
        }) : () -> ()
      }
      %scan3A_33 = arith.constant 160 : i32
    } else {
    }
    %barrier3A_18 = arith.constant 0 : index
    tpu.barrier barrier_id(%barrier3A_18)
    %eq3A_19 = arith.constant 0 : i32
    %eq3A_20 = arith.cmpi eq, %arg0, %eq3A_19 : i32
    %convert_element_type3A_21 = arith.extui %eq3A_20 : i1 to i32
    %cond3A_22 = arith.constant 0 : i32
    %cond3A_23 = arith.cmpi ne, %convert_element_type3A_21, %cond3A_22 : i32
    scf.if %cond3A_23 {
      "tpu.region"() ({
        %run_scoped3A = tpu.sem_alloc : memref<!tpu.dma_semaphore, #tpu.memory_space<semaphore_mem>>
        %dma_start3A = arith.constant 0 : i32
        %dma_start3A_29 = tpu.memref_slice %arg6[%mul3A_0, %dma_start3A] : memref<10240x128xf32, #tpu.memory_space<hbm>> -> memref<640x128xf32, #tpu.memory_space<hbm>>
        %dma_start3A_30 = arith.constant 0 : i32
        %dma_start3A_31 = tpu.memref_slice %arg11[%mul3A_0, %dma_start3A_30] : memref<10240x128xf32, #tpu.memory_space<vmem_shared>> -> memref<640x128xf32, #tpu.memory_space<vmem_shared>>
        tpu.enqueue_dma source(%dma_start3A_31 : memref<640x128xf32, #tpu.memory_space<vmem_shared>>) target(%dma_start3A_29 : memref<640x128xf32, #tpu.memory_space<hbm>>) target_semaphore(%run_scoped3A : memref<!tpu.dma_semaphore, #tpu.memory_space<semaphore_mem>>)
        %dma_wait3A = arith.constant 0 : i32
        %dma_wait3A_32 = tpu.memref_slice %arg6[%mul3A_0, %dma_wait3A] : memref<10240x128xf32, #tpu.memory_space<hbm>> -> memref<640x128xf32, #tpu.memory_space<hbm>>
        %dma_wait3A_33 = arith.constant 0 : i32
        %dma_wait3A_34 = tpu.memref_slice %arg11[%mul3A_0, %dma_wait3A_33] : memref<10240x128xf32, #tpu.memory_space<vmem_shared>> -> memref<640x128xf32, #tpu.memory_space<vmem_shared>>
        tpu.wait_dma2 semaphore(%run_scoped3A : memref<!tpu.dma_semaphore, #tpu.memory_space<semaphore_mem>>) src(%dma_wait3A_34 : memref<640x128xf32, #tpu.memory_space<vmem_shared>>) dst(%dma_wait3A_32 : memref<640x128xf32, #tpu.memory_space<hbm>>)
        tpu.yield
      }) : () -> ()
    } else {
    }
    %eq3A_24 = arith.constant 1 : i32
    %eq3A_25 = arith.cmpi eq, %arg0, %eq3A_24 : i32
    %convert_element_type3A_26 = arith.extui %eq3A_25 : i1 to i32
    %cond3A_27 = arith.constant 0 : i32
    %cond3A_28 = arith.cmpi ne, %convert_element_type3A_26, %cond3A_27 : i32
    scf.if %cond3A_28 {
      "tpu.region"() ({
        %run_scoped3A = tpu.sem_alloc : memref<!tpu.dma_semaphore, #tpu.memory_space<semaphore_mem>>
        %dma_start3A = arith.constant 0 : i32
        %dma_start3A_29 = tpu.memref_slice %arg7[%mul3A_0, %dma_start3A] : memref<10240x128xf32, #tpu.memory_space<hbm>> -> memref<640x128xf32, #tpu.memory_space<hbm>>
        %dma_start3A_30 = arith.constant 0 : i32
        %dma_start3A_31 = tpu.memref_slice %arg11[%mul3A_0, %dma_start3A_30] : memref<10240x128xf32, #tpu.memory_space<vmem_shared>> -> memref<640x128xf32, #tpu.memory_space<vmem_shared>>
        tpu.enqueue_dma source(%dma_start3A_31 : memref<640x128xf32, #tpu.memory_space<vmem_shared>>) target(%dma_start3A_29 : memref<640x128xf32, #tpu.memory_space<hbm>>) target_semaphore(%run_scoped3A : memref<!tpu.dma_semaphore, #tpu.memory_space<semaphore_mem>>)
        %dma_wait3A = arith.constant 0 : i32
        %dma_wait3A_32 = tpu.memref_slice %arg7[%mul3A_0, %dma_wait3A] : memref<10240x128xf32, #tpu.memory_space<hbm>> -> memref<640x128xf32, #tpu.memory_space<hbm>>
        %dma_wait3A_33 = arith.constant 0 : i32
        %dma_wait3A_34 = tpu.memref_slice %arg11[%mul3A_0, %dma_wait3A_33] : memref<10240x128xf32, #tpu.memory_space<vmem_shared>> -> memref<640x128xf32, #tpu.memory_space<vmem_shared>>
        tpu.wait_dma2 semaphore(%run_scoped3A : memref<!tpu.dma_semaphore, #tpu.memory_space<semaphore_mem>>) src(%dma_wait3A_34 : memref<640x128xf32, #tpu.memory_space<vmem_shared>>) dst(%dma_wait3A_32 : memref<640x128xf32, #tpu.memory_space<hbm>>)
        tpu.yield
      }) : () -> ()
    } else {
    }
    return
  }
}

module attributes {stable_mosaic.version = 14 : i64} {
  func.func @_tc1_body(%arg0: i32, %arg1: memref<1024x128xf32, #tpu.memory_space<vmem>>, %arg2: memref<1024x128xf32, #tpu.memory_space<vmem>>, %arg3: memref<512x128xf32, #tpu.memory_space<vmem>>, %arg4: memref<1024x16xf32, #tpu.memory_space<vmem>>, %arg5: memref<1024x16xf32, #tpu.memory_space<vmem>>, %arg6: memref<128x128xf32, #tpu.memory_space<vmem>>, %arg7: memref<1x128xf32, #tpu.memory_space<vmem>>, %arg8: memref<4x128xf32, #tpu.memory_space<vmem>>, %arg9: memref<1024x128xf32, #tpu.memory_space<vmem>>, %arg10: memref<1024x128xf32, #tpu.memory_space<vmem>>, %arg11: memref<1024x128xf32, #tpu.memory_space<vmem>>) attributes {dimension_semantics = [#tpu.dimension_semantics<arbitrary>], iteration_bounds = array<i64: 10>, scalar_prefetch = 0 : i64, scratch_operands = 0 : i64, tpu.core_type = #tpu.core_type<tc>, window_params = [{transform_indices = @transform_0, window_bounds = array<i64: 1024, 128>}, {transform_indices = @transform_1, window_bounds = array<i64: 1024, 128>}, {pipeline_mode = #tpu.pipeline_mode<synchronous>, transform_indices = @transform_2, window_bounds = array<i64: 512, 128>}, {transform_indices = @transform_3, window_bounds = array<i64: 1024, 16>}, {transform_indices = @transform_4, window_bounds = array<i64: 1024, 16>}, {pipeline_mode = #tpu.pipeline_mode<synchronous>, transform_indices = @transform_5, window_bounds = array<i64: 128, 128>}, {pipeline_mode = #tpu.pipeline_mode<synchronous>, transform_indices = @transform_6, window_bounds = array<i64: 1, 128>}, {pipeline_mode = #tpu.pipeline_mode<synchronous>, transform_indices = @transform_7, window_bounds = array<i64: 4, 128>}, {transform_indices = @transform_8, window_bounds = array<i64: 1024, 128>}, {transform_indices = @transform_9, window_bounds = array<i64: 1024, 128>}, {transform_indices = @transform_10, window_bounds = array<i64: 1024, 128>}]} {
    %mul3A = arith.constant 1024 : i32
    %mul3A_0 = arith.muli %arg0, %mul3A : i32
    %iota3A = tpu.iota {dimensions = array<i32: 0>} : vector<1024x1xi32>
    %add3A = vector.broadcast %mul3A_0 : i32 to vector<1024x1xi32>
    %add3A_1 = arith.addi %add3A, %iota3A : vector<1024x1xi32>
    %get3A = arith.constant 0 : index
    %get3A_2 = arith.constant 0 : index
    %get3A_3 = vector.load %arg1[%get3A, %get3A_2] : memref<1024x128xf32, #tpu.memory_space<vmem>>, vector<1024x128xf32>
    %get3A_4 = arith.constant 0 : index
    %get3A_5 = arith.constant 0 : index
    %get3A_6 = vector.load %arg2[%get3A_4, %get3A_5] : memref<1024x128xf32, #tpu.memory_space<vmem>>, vector<1024x128xf32>
    %get3A_7 = arith.constant 0 : index
    %get3A_8 = arith.constant 0 : index
    %get3A_9 = vector.load %arg3[%get3A_7, %get3A_8] : memref<512x128xf32, #tpu.memory_space<vmem>>, vector<512x128xf32>
    %get3A_10 = arith.constant 0 : index
    %get3A_11 = arith.constant 0 : index
    %get3A_12 = vector.load %arg8[%get3A_10, %get3A_11] : memref<4x128xf32, #tpu.memory_space<vmem>>, vector<4x128xf32>
    %dot_general3A = arith.constant dense<0.000000e+00> : vector<1024x512xf32>
    %dot_general3A_13 = tpu.matmul %get3A_3, %get3A_9, %dot_general3A {dimension_numbers = #tpu.dot_dimension_numbers<[1], [1], [0], [0], [0, 0, 1, 0], [], []>, transpose_lhs_hint = false} : vector<1024x128xf32>, vector<512x128xf32>, vector<1024x512xf32> -> vector<1024x512xf32>
    %sqrt3A = arith.constant 1.280000e+02 : f32
    %sqrt3A_14 = math.sqrt %sqrt3A : f32
    %div3A = arith.constant 1.000000e+00 : f32
    %div3A_15 = arith.divf %div3A, %sqrt3A_14 : f32
    %mul3A_16 = vector.broadcast %div3A_15 : f32 to vector<1024x512xf32>
    %mul3A_17 = arith.mulf %dot_general3A_13, %mul3A_16 : vector<1024x512xf32>
    %reduce_max3A = arith.constant dense<0xFF800000> : vector<1024xf32>
    %reduce_max3A_18 = vector.multi_reduction <maximumf>, %mul3A_17, %reduce_max3A [1] : vector<1024x512xf32> to vector<1024xf32>
    %broadcast_in_dim3A = vector.shape_cast %reduce_max3A_18 : vector<1024xf32> to vector<1024x1xf32>
    %sub3A = vector.broadcast %broadcast_in_dim3A : vector<1024x1xf32> to vector<1024x512xf32>
    %sub3A_19 = arith.subf %mul3A_17, %sub3A : vector<1024x512xf32>
    %exp3A = math.exp %sub3A_19 : vector<1024x512xf32>
    %reduce_sum3A = arith.constant dense<0.000000e+00> : vector<1024xf32>
    %reduce_sum3A_20 = vector.multi_reduction <add>, %exp3A, %reduce_sum3A [1] : vector<1024x512xf32> to vector<1024xf32>
    %broadcast_in_dim3A_21 = vector.shape_cast %reduce_sum3A_20 : vector<1024xf32> to vector<1024x1xf32>
    %div3A_22 = vector.broadcast %broadcast_in_dim3A_21 : vector<1024x1xf32> to vector<1024x512xf32>
    %div3A_23 = arith.divf %exp3A, %div3A_22 : vector<1024x512xf32>
    %dot_general3A_24 = arith.constant dense<0.000000e+00> : vector<1024x128xf32>
    %dot_general3A_25 = tpu.matmul %div3A_23, %get3A_9, %dot_general3A_24 {dimension_numbers = #tpu.dot_dimension_numbers<[1], [0], [0], [1], [0, 0, 1, 1], [], []>, transpose_lhs_hint = false} : vector<1024x512xf32>, vector<512x128xf32>, vector<1024x128xf32> -> vector<1024x128xf32>
    %lt3A = arith.constant 512 : i32
    %lt3A_26 = vector.broadcast %lt3A : i32 to vector<1024x1xi32>
    %lt3A_27 = arith.cmpi slt, %add3A_1, %lt3A_26 : vector<1024x1xi32>
    %broadcast_in_dim3A_28 = vector.shape_cast %lt3A_27 : vector<1024x1xi1> to vector<1024x1xi1>
    %broadcast_in_dim3A_29 = vector.broadcast %broadcast_in_dim3A_28 : vector<1024x1xi1> to vector<1024x128xi1>
    %select_n3A = arith.select %broadcast_in_dim3A_29, %get3A_6, %dot_general3A_25 : vector<1024x128xi1>, vector<1024x128xf32>
    %dot_general3A_30 = arith.constant dense<0.000000e+00> : vector<1024x4xf32>
    %dot_general3A_31 = tpu.matmul %select_n3A, %get3A_12, %dot_general3A_30 {dimension_numbers = #tpu.dot_dimension_numbers<[1], [1], [0], [0], [0, 0, 1, 0], [], []>, transpose_lhs_hint = false} : vector<1024x128xf32>, vector<4x128xf32>, vector<1024x4xf32> -> vector<1024x4xf32>
    %reduce_max3A_32 = arith.constant dense<0xFF800000> : vector<1024xf32>
    %reduce_max3A_33 = vector.multi_reduction <maximumf>, %dot_general3A_31, %reduce_max3A_32 [1] : vector<1024x4xf32> to vector<1024xf32>
    %broadcast_in_dim3A_34 = vector.shape_cast %reduce_max3A_33 : vector<1024xf32> to vector<1024x1xf32>
    %sub3A_35 = vector.broadcast %broadcast_in_dim3A_34 : vector<1024x1xf32> to vector<1024x4xf32>
    %sub3A_36 = arith.subf %dot_general3A_31, %sub3A_35 : vector<1024x4xf32>
    %exp3A_37 = math.exp %sub3A_36 : vector<1024x4xf32>
    %reduce_sum3A_38 = arith.constant dense<0.000000e+00> : vector<1024xf32>
    %reduce_sum3A_39 = vector.multi_reduction <add>, %exp3A_37, %reduce_sum3A_38 [1] : vector<1024x4xf32> to vector<1024xf32>
    %broadcast_in_dim3A_40 = vector.shape_cast %reduce_sum3A_39 : vector<1024xf32> to vector<1024x1xf32>
    %div3A_41 = vector.broadcast %broadcast_in_dim3A_40 : vector<1024x1xf32> to vector<1024x4xf32>
    %div3A_42 = arith.divf %exp3A_37, %div3A_41 : vector<1024x4xf32>
    %dot_general3A_43 = arith.constant dense<0.000000e+00> : vector<1024x128xf32>
    %dot_general3A_44 = tpu.matmul %div3A_42, %get3A_12, %dot_general3A_43 {dimension_numbers = #tpu.dot_dimension_numbers<[1], [0], [0], [1], [0, 0, 1, 1], [], []>, transpose_lhs_hint = false} : vector<1024x4xf32>, vector<4x128xf32>, vector<1024x128xf32> -> vector<1024x128xf32>
    %add3A_45 = arith.addf %select_n3A, %dot_general3A_44 : vector<1024x128xf32>
    %dot_general3A_46 = arith.constant dense<0.000000e+00> : vector<1024x4xf32>
    %dot_general3A_47 = tpu.matmul %get3A_3, %get3A_12, %dot_general3A_46 {dimension_numbers = #tpu.dot_dimension_numbers<[1], [1], [0], [0], [0, 0, 1, 0], [], []>, transpose_lhs_hint = false} : vector<1024x128xf32>, vector<4x128xf32>, vector<1024x4xf32> -> vector<1024x4xf32>
    %reduce_max3A_48 = arith.constant dense<0xFF800000> : vector<1024xf32>
    %reduce_max3A_49 = vector.multi_reduction <maximumf>, %dot_general3A_47, %reduce_max3A_48 [1] : vector<1024x4xf32> to vector<1024xf32>
    %broadcast_in_dim3A_50 = vector.shape_cast %reduce_max3A_49 : vector<1024xf32> to vector<1024x1xf32>
    %sub3A_51 = vector.broadcast %broadcast_in_dim3A_50 : vector<1024x1xf32> to vector<1024x4xf32>
    %sub3A_52 = arith.subf %dot_general3A_47, %sub3A_51 : vector<1024x4xf32>
    %exp3A_53 = math.exp %sub3A_52 : vector<1024x4xf32>
    %reduce_sum3A_54 = arith.constant dense<0.000000e+00> : vector<1024xf32>
    %reduce_sum3A_55 = vector.multi_reduction <add>, %exp3A_53, %reduce_sum3A_54 [1] : vector<1024x4xf32> to vector<1024xf32>
    %broadcast_in_dim3A_56 = vector.shape_cast %reduce_sum3A_55 : vector<1024xf32> to vector<1024x1xf32>
    %div3A_57 = vector.broadcast %broadcast_in_dim3A_56 : vector<1024x1xf32> to vector<1024x4xf32>
    %div3A_58 = arith.divf %exp3A_53, %div3A_57 : vector<1024x4xf32>
    %dot_general3A_59 = arith.constant dense<0.000000e+00> : vector<1024x128xf32>
    %dot_general3A_60 = tpu.matmul %div3A_58, %get3A_12, %dot_general3A_59 {dimension_numbers = #tpu.dot_dimension_numbers<[1], [0], [0], [1], [0, 0, 1, 1], [], []>, transpose_lhs_hint = false} : vector<1024x4xf32>, vector<4x128xf32>, vector<1024x128xf32> -> vector<1024x128xf32>
    %add3A_61 = arith.addf %get3A_3, %dot_general3A_60 : vector<1024x128xf32>
    %get3A_62 = arith.constant 0 : index
    %get3A_63 = arith.constant 0 : index
    %get3A_64 = vector.load %arg6[%get3A_62, %get3A_63] : memref<128x128xf32, #tpu.memory_space<vmem>>, vector<128x128xf32>
    %get3A_65 = arith.constant 0 : index
    %get3A_66 = arith.constant 0 : index
    %get3A_67 = vector.load %arg7[%get3A_65, %get3A_66] : memref<1x128xf32, #tpu.memory_space<vmem>>, vector<1x128xf32>
    %dot_general3A_68 = arith.constant dense<0.000000e+00> : vector<1024x128xf32>
    %dot_general3A_69 = tpu.matmul %add3A_45, %get3A_64, %dot_general3A_68 {dimension_numbers = #tpu.dot_dimension_numbers<[1], [0], [0], [1], [0, 0, 1, 1], [], []>, transpose_lhs_hint = false} : vector<1024x128xf32>, vector<128x128xf32>, vector<1024x128xf32> -> vector<1024x128xf32>
    %add3A_70 = vector.broadcast %get3A_67 : vector<1x128xf32> to vector<1024x128xf32>
    %add3A_71 = arith.addf %dot_general3A_69, %add3A_70 : vector<1024x128xf32>
    %dot_general3A_72 = arith.constant dense<0.000000e+00> : vector<1024x128xf32>
    %dot_general3A_73 = tpu.matmul %add3A_61, %get3A_64, %dot_general3A_72 {dimension_numbers = #tpu.dot_dimension_numbers<[1], [0], [0], [1], [0, 0, 1, 1], [], []>, transpose_lhs_hint = false} : vector<1024x128xf32>, vector<128x128xf32>, vector<1024x128xf32> -> vector<1024x128xf32>
    %add3A_74 = vector.broadcast %get3A_67 : vector<1x128xf32> to vector<1024x128xf32>
    %add3A_75 = arith.addf %dot_general3A_73, %add3A_74 : vector<1024x128xf32>
    %get3A_76 = arith.constant 0 : index
    %get3A_77 = arith.constant 0 : index
    %get3A_78 = vector.load %arg4[%get3A_76, %get3A_77] : memref<1024x16xf32, #tpu.memory_space<vmem>>, vector<1024x1xf32>
    %get3A_79 = arith.constant 0 : index
    %get3A_80 = arith.constant 0 : index
    %get3A_81 = vector.load %arg5[%get3A_79, %get3A_80] : memref<1024x16xf32, #tpu.memory_space<vmem>>, vector<1024x1xf32>
    %add3A_82 = arith.addf %get3A_78, %get3A_81 : vector<1024x1xf32>
    %add3A_83 = arith.constant 1.000000e+00 : f32
    %add3A_84 = vector.broadcast %add3A_83 : f32 to vector<1024x1xf32>
    %add3A_85 = arith.addf %add3A_82, %add3A_84 : vector<1024x1xf32>
    %max3A = arith.constant 1.000000e+00 : f32
    %max3A_86 = vector.broadcast %max3A : f32 to vector<1024x1xf32>
    %max3A_87 = arith.maximumf %add3A_85, %max3A_86 : vector<1024x1xf32>
    %rsqrt3A = math.rsqrt %max3A_87 : vector<1024x1xf32>
    %lt3A_88 = arith.constant 10000 : i32
    %lt3A_89 = vector.broadcast %lt3A_88 : i32 to vector<1024x1xi32>
    %lt3A_90 = arith.cmpi slt, %add3A_1, %lt3A_89 : vector<1024x1xi32>
    %jit3A = arith.constant 1.000000e+00 : f32
    %jit3A_91 = arith.constant 0.000000e+00 : f32
    %broadcast_in_dim3A_92 = vector.broadcast %jit3A : f32 to vector<1024x1xf32>
    %broadcast_in_dim3A_93 = vector.broadcast %jit3A_91 : f32 to vector<1024x1xf32>
    %select_n3A_94 = arith.select %lt3A_90, %broadcast_in_dim3A_92, %broadcast_in_dim3A_93 : vector<1024x1xi1>, vector<1024x1xf32>
    %mul3A_95 = vector.broadcast %rsqrt3A : vector<1024x1xf32> to vector<1024x128xf32>
    %mul3A_96 = arith.mulf %add3A_71, %mul3A_95 : vector<1024x128xf32>
    %mul3A_97 = vector.broadcast %select_n3A_94 : vector<1024x1xf32> to vector<1024x128xf32>
    %mul3A_98 = arith.mulf %mul3A_96, %mul3A_97 : vector<1024x128xf32>
    %swap3A = arith.constant 0 : index
    %swap3A_99 = arith.constant 0 : index
    %swap3A_100 = vector.load %arg9[%swap3A, %swap3A_99] : memref<1024x128xf32, #tpu.memory_space<vmem>>, vector<1024x128xf32>
    tpu.vector_store %arg9[%swap3A, %swap3A_99], %mul3A_98 {strides = array<i32>} : memref<1024x128xf32, #tpu.memory_space<vmem>>, vector<1024x128xf32>,
    %mul3A_101 = vector.broadcast %rsqrt3A : vector<1024x1xf32> to vector<1024x128xf32>
    %mul3A_102 = arith.mulf %add3A_75, %mul3A_101 : vector<1024x128xf32>
    %mul3A_103 = vector.broadcast %select_n3A_94 : vector<1024x1xf32> to vector<1024x128xf32>
    %mul3A_104 = arith.mulf %mul3A_102, %mul3A_103 : vector<1024x128xf32>
    %swap3A_105 = arith.constant 0 : index
    %swap3A_106 = arith.constant 0 : index
    %swap3A_107 = vector.load %arg10[%swap3A_105, %swap3A_106] : memref<1024x128xf32, #tpu.memory_space<vmem>>, vector<1024x128xf32>
    tpu.vector_store %arg10[%swap3A_105, %swap3A_106], %mul3A_104 {strides = array<i32>} : memref<1024x128xf32, #tpu.memory_space<vmem>>, vector<1024x128xf32>,
    %broadcast_in_dim3A_108 = vector.shape_cast %rsqrt3A : vector<1024x1xf32> to vector<1024x1xf32>
    %broadcast_in_dim3A_109 = vector.broadcast %broadcast_in_dim3A_108 : vector<1024x1xf32> to vector<1024x128xf32>
    %swap3A_110 = arith.constant 0 : index
    %swap3A_111 = arith.constant 0 : index
    %swap3A_112 = vector.load %arg11[%swap3A_110, %swap3A_111] : memref<1024x128xf32, #tpu.memory_space<vmem>>, vector<1024x128xf32>
    tpu.vector_store %arg11[%swap3A_110, %swap3A_111], %broadcast_in_dim3A_109 {strides = array<i32>} : memref<1024x128xf32, #tpu.memory_space<vmem>>, vector<1024x128xf32>,
    return
  }
  func.func @transform_0(%arg0: i32) -> (i32, i32) {
    %c0_i32 = arith.constant 0 : i32
    %c0_i32_0 = arith.constant 0 : i32
    return %arg0, %c0_i32 : i32, i32
  }
  func.func @transform_1(%arg0: i32) -> (i32, i32) {
    %c0_i32 = arith.constant 0 : i32
    %c0_i32_0 = arith.constant 0 : i32
    return %arg0, %c0_i32 : i32, i32
  }
  func.func @transform_2(%arg0: i32) -> (i32, i32) {
    %c0_i32 = arith.constant 0 : i32
    %c0_i32_0 = arith.constant 0 : i32
    %c0_i32_1 = arith.constant 0 : i32
    return %c0_i32, %c0_i32_0 : i32, i32
  }
  func.func @transform_3(%arg0: i32) -> (i32, i32) {
    %c0_i32 = arith.constant 0 : i32
    %c0_i32_0 = arith.constant 0 : i32
    return %arg0, %c0_i32 : i32, i32
  }
  func.func @transform_4(%arg0: i32) -> (i32, i32) {
    %c0_i32 = arith.constant 0 : i32
    %c0_i32_0 = arith.constant 0 : i32
    return %arg0, %c0_i32 : i32, i32
  }
  func.func @transform_5(%arg0: i32) -> (i32, i32) {
    %c0_i32 = arith.constant 0 : i32
    %c0_i32_0 = arith.constant 0 : i32
    %c0_i32_1 = arith.constant 0 : i32
    return %c0_i32, %c0_i32_0 : i32, i32
  }
  func.func @transform_6(%arg0: i32) -> (i32, i32) {
    %c0_i32 = arith.constant 0 : i32
    %c0_i32_0 = arith.constant 0 : i32
    %c0_i32_1 = arith.constant 0 : i32
    return %c0_i32, %c0_i32_0 : i32, i32
  }
  func.func @transform_7(%arg0: i32) -> (i32, i32) {
    %c0_i32 = arith.constant 0 : i32
    %c0_i32_0 = arith.constant 0 : i32
    %c0_i32_1 = arith.constant 0 : i32
    return %c0_i32, %c0_i32_0 : i32, i32
  }
  func.func @transform_8(%arg0: i32) -> (i32, i32) {
    %c0_i32 = arith.constant 0 : i32
    %c0_i32_0 = arith.constant 0 : i32
    return %arg0, %c0_i32 : i32, i32
  }
  func.func @transform_9(%arg0: i32) -> (i32, i32) {
    %c0_i32 = arith.constant 0 : i32
    %c0_i32_0 = arith.constant 0 : i32
    return %arg0, %c0_i32 : i32, i32
  }
  func.func @transform_10(%arg0: i32) -> (i32, i32) {
    %c0_i32 = arith.constant 0 : i32
    %c0_i32_0 = arith.constant 0 : i32
    return %arg0, %c0_i32 : i32, i32
  }
}

module attributes {stable_mosaic.version = 14 : i64} {
  func.func @_tc2_body(%arg0: i32, %arg1: memref<1024x128xf32, #tpu.memory_space<vmem>>, %arg2: memref<1024x128xf32, #tpu.memory_space<vmem>>, %arg3: memref<1024x128xf32, #tpu.memory_space<vmem>>, %arg4: memref<128x128xf32, #tpu.memory_space<vmem>>, %arg5: memref<1x128xf32, #tpu.memory_space<vmem>>, %arg6: memref<1024x128xf32, #tpu.memory_space<vmem>>, %arg7: memref<1024x128xf32, #tpu.memory_space<vmem>>) attributes {dimension_semantics = [#tpu.dimension_semantics<arbitrary>], iteration_bounds = array<i64: 10>, scalar_prefetch = 0 : i64, scratch_operands = 0 : i64, tpu.core_type = #tpu.core_type<tc>, window_params = [{transform_indices = @transform_0, window_bounds = array<i64: 1024, 128>}, {transform_indices = @transform_1, window_bounds = array<i64: 1024, 128>}, {transform_indices = @transform_2, window_bounds = array<i64: 1024, 128>}, {pipeline_mode = #tpu.pipeline_mode<synchronous>, transform_indices = @transform_3, window_bounds = array<i64: 128, 128>}, {pipeline_mode = #tpu.pipeline_mode<synchronous>, transform_indices = @transform_4, window_bounds = array<i64: 1, 128>}, {transform_indices = @transform_5, window_bounds = array<i64: 1024, 128>}, {transform_indices = @transform_6, window_bounds = array<i64: 1024, 128>}]} {
    %mul3A = arith.constant 1024 : i32
    %mul3A_0 = arith.muli %arg0, %mul3A : i32
    %iota3A = tpu.iota {dimensions = array<i32: 0>} : vector<1024x1xi32>
    %add3A = vector.broadcast %mul3A_0 : i32 to vector<1024x1xi32>
    %add3A_1 = arith.addi %add3A, %iota3A : vector<1024x1xi32>
    %get3A = arith.constant 0 : index
    %get3A_2 = arith.constant 0 : index
    %get3A_3 = vector.load %arg3[%get3A, %get3A_2] : memref<1024x128xf32, #tpu.memory_space<vmem>>, vector<1024x1xf32>
    %get3A_4 = arith.constant 0 : index
    %get3A_5 = arith.constant 0 : index
    %get3A_6 = vector.load %arg1[%get3A_4, %get3A_5] : memref<1024x128xf32, #tpu.memory_space<vmem>>, vector<1024x128xf32>
    %mul3A_7 = vector.broadcast %get3A_3 : vector<1024x1xf32> to vector<1024x128xf32>
    %mul3A_8 = arith.mulf %get3A_6, %mul3A_7 : vector<1024x128xf32>
    %max3A = arith.constant 0.000000e+00 : f32
    %max3A_9 = vector.broadcast %max3A : f32 to vector<1024x128xf32>
    %max3A_10 = arith.maximumf %mul3A_8, %max3A_9 : vector<1024x128xf32>
    %get3A_11 = arith.constant 0 : index
    %get3A_12 = arith.constant 0 : index
    %get3A_13 = vector.load %arg2[%get3A_11, %get3A_12] : memref<1024x128xf32, #tpu.memory_space<vmem>>, vector<1024x128xf32>
    %mul3A_14 = vector.broadcast %get3A_3 : vector<1024x1xf32> to vector<1024x128xf32>
    %mul3A_15 = arith.mulf %get3A_13, %mul3A_14 : vector<1024x128xf32>
    %max3A_16 = arith.constant 0.000000e+00 : f32
    %max3A_17 = vector.broadcast %max3A_16 : f32 to vector<1024x128xf32>
    %max3A_18 = arith.maximumf %mul3A_15, %max3A_17 : vector<1024x128xf32>
    %get3A_19 = arith.constant 0 : index
    %get3A_20 = arith.constant 0 : index
    %get3A_21 = vector.load %arg4[%get3A_19, %get3A_20] : memref<128x128xf32, #tpu.memory_space<vmem>>, vector<128x128xf32>
    %get3A_22 = arith.constant 0 : index
    %get3A_23 = arith.constant 0 : index
    %get3A_24 = vector.load %arg5[%get3A_22, %get3A_23] : memref<1x128xf32, #tpu.memory_space<vmem>>, vector<1x128xf32>
    %lt3A = arith.constant 10000 : i32
    %lt3A_25 = vector.broadcast %lt3A : i32 to vector<1024x1xi32>
    %lt3A_26 = arith.cmpi slt, %add3A_1, %lt3A_25 : vector<1024x1xi32>
    %jit3A = arith.constant 1.000000e+00 : f32
    %jit3A_27 = arith.constant 0.000000e+00 : f32
    %broadcast_in_dim3A = vector.broadcast %jit3A : f32 to vector<1024x1xf32>
    %broadcast_in_dim3A_28 = vector.broadcast %jit3A_27 : f32 to vector<1024x1xf32>
    %select_n3A = arith.select %lt3A_26, %broadcast_in_dim3A, %broadcast_in_dim3A_28 : vector<1024x1xi1>, vector<1024x1xf32>
    %dot_general3A = arith.constant dense<0.000000e+00> : vector<1024x128xf32>
    %dot_general3A_29 = tpu.matmul %max3A_10, %get3A_21, %dot_general3A {dimension_numbers = #tpu.dot_dimension_numbers<[1], [0], [0], [1], [0, 0, 1, 1], [], []>, transpose_lhs_hint = false} : vector<1024x128xf32>, vector<128x128xf32>, vector<1024x128xf32> -> vector<1024x128xf32>
    %add3A_30 = vector.broadcast %get3A_24 : vector<1x128xf32> to vector<1024x128xf32>
    %add3A_31 = arith.addf %dot_general3A_29, %add3A_30 : vector<1024x128xf32>
    %mul3A_32 = vector.broadcast %get3A_3 : vector<1024x1xf32> to vector<1024x128xf32>
    %mul3A_33 = arith.mulf %add3A_31, %mul3A_32 : vector<1024x128xf32>
    %mul3A_34 = vector.broadcast %select_n3A : vector<1024x1xf32> to vector<1024x128xf32>
    %mul3A_35 = arith.mulf %mul3A_33, %mul3A_34 : vector<1024x128xf32>
    %swap3A = arith.constant 0 : index
    %swap3A_36 = arith.constant 0 : index
    %swap3A_37 = vector.load %arg6[%swap3A, %swap3A_36] : memref<1024x128xf32, #tpu.memory_space<vmem>>, vector<1024x128xf32>
    tpu.vector_store %arg6[%swap3A, %swap3A_36], %mul3A_35 {strides = array<i32>} : memref<1024x128xf32, #tpu.memory_space<vmem>>, vector<1024x128xf32>,
    %dot_general3A_38 = arith.constant dense<0.000000e+00> : vector<1024x128xf32>
    %dot_general3A_39 = tpu.matmul %max3A_18, %get3A_21, %dot_general3A_38 {dimension_numbers = #tpu.dot_dimension_numbers<[1], [0], [0], [1], [0, 0, 1, 1], [], []>, transpose_lhs_hint = false} : vector<1024x128xf32>, vector<128x128xf32>, vector<1024x128xf32> -> vector<1024x128xf32>
    %add3A_40 = vector.broadcast %get3A_24 : vector<1x128xf32> to vector<1024x128xf32>
    %add3A_41 = arith.addf %dot_general3A_39, %add3A_40 : vector<1024x128xf32>
    %mul3A_42 = vector.broadcast %get3A_3 : vector<1024x1xf32> to vector<1024x128xf32>
    %mul3A_43 = arith.mulf %add3A_41, %mul3A_42 : vector<1024x128xf32>
    %mul3A_44 = vector.broadcast %select_n3A : vector<1024x1xf32> to vector<1024x128xf32>
    %mul3A_45 = arith.mulf %mul3A_43, %mul3A_44 : vector<1024x128xf32>
    %swap3A_46 = arith.constant 0 : index
    %swap3A_47 = arith.constant 0 : index
    %swap3A_48 = vector.load %arg7[%swap3A_46, %swap3A_47] : memref<1024x128xf32, #tpu.memory_space<vmem>>, vector<1024x128xf32>
    tpu.vector_store %arg7[%swap3A_46, %swap3A_47], %mul3A_45 {strides = array<i32>} : memref<1024x128xf32, #tpu.memory_space<vmem>>, vector<1024x128xf32>,
    return
  }
  func.func @transform_0(%arg0: i32) -> (i32, i32) {
    %c0_i32 = arith.constant 0 : i32
    %c0_i32_0 = arith.constant 0 : i32
    return %arg0, %c0_i32 : i32, i32
  }
  func.func @transform_1(%arg0: i32) -> (i32, i32) {
    %c0_i32 = arith.constant 0 : i32
    %c0_i32_0 = arith.constant 0 : i32
    return %arg0, %c0_i32 : i32, i32
  }
  func.func @transform_2(%arg0: i32) -> (i32, i32) {
    %c0_i32 = arith.constant 0 : i32
    %c0_i32_0 = arith.constant 0 : i32
    return %arg0, %c0_i32 : i32, i32
  }
  func.func @transform_3(%arg0: i32) -> (i32, i32) {
    %c0_i32 = arith.constant 0 : i32
    %c0_i32_0 = arith.constant 0 : i32
    %c0_i32_1 = arith.constant 0 : i32
    return %c0_i32, %c0_i32_0 : i32, i32
  }
  func.func @transform_4(%arg0: i32) -> (i32, i32) {
    %c0_i32 = arith.constant 0 : i32
    %c0_i32_0 = arith.constant 0 : i32
    %c0_i32_1 = arith.constant 0 : i32
    return %c0_i32, %c0_i32_0 : i32, i32
  }
  func.func @transform_5(%arg0: i32) -> (i32, i32) {
    %c0_i32 = arith.constant 0 : i32
    %c0_i32_0 = arith.constant 0 : i32
    return %arg0, %c0_i32 : i32, i32
  }
  func.func @transform_6(%arg0: i32) -> (i32, i32) {
    %c0_i32 = arith.constant 0 : i32
    %c0_i32_0 = arith.constant 0 : i32
    return %arg0, %c0_i32 : i32, i32
  }
}

module attributes {stable_mosaic.version = 14 : i64} {
  func.func @_tc3_body(%arg0: i32, %arg1: memref<1024x128xf32, #tpu.memory_space<vmem>>, %arg2: memref<1024x128xf32, #tpu.memory_space<vmem>>, %arg3: memref<1024x128xf32, #tpu.memory_space<vmem>>, %arg4: memref<1024x1xi32, #tpu.memory_space<vmem>>, %arg5: memref<1024x1xi32, #tpu.memory_space<vmem>>, %arg6: memref<4x128xf32, #tpu.memory_space<vmem>>, %arg7: memref<4x128xf32, #tpu.memory_space<vmem>>, %arg8: memref<128x128xf32, #tpu.memory_space<vmem>>, %arg9: memref<1x128xf32, #tpu.memory_space<vmem>>, %arg10: memref<128x4xf32, #tpu.memory_space<vmem>>, %arg11: memref<1x4xf32, #tpu.memory_space<vmem>>, %arg12: memref<128x128xf32, #tpu.memory_space<vmem>>, %arg13: memref<1x128xf32, #tpu.memory_space<vmem>>, %arg14: memref<128x3xf32, #tpu.memory_space<vmem>>, %arg15: memref<1x3xf32, #tpu.memory_space<vmem>>, %arg16: memref<1x1xf32, #tpu.memory_space<vmem>>, %arg17: memref<512x128xf32, #tpu.memory_space<vmem>>, %arg18: memref<4x128xf32, #tpu.memory_space<vmem>>, %arg19: memref<4x128xf32, #tpu.memory_space<vmem>>, %arg20: memref<4x128xf32, #tpu.memory_space<vmem>>, %arg21: memref<4x128xf32, #tpu.memory_space<vmem>>, %arg22: memref<4x128xf32, #tpu.memory_space<vmem>>, %arg23: memref<512x4xf32, #tpu.memory_space<vmem>>) attributes {dimension_semantics = [#tpu.dimension_semantics<arbitrary>], iteration_bounds = array<i64: 10>, scalar_prefetch = 0 : i64, scratch_operands = 7 : i64, tpu.core_type = #tpu.core_type<tc>, window_params = [{transform_indices = @transform_0, window_bounds = array<i64: 1024, 128>}, {transform_indices = @transform_1, window_bounds = array<i64: 1024, 128>}, {transform_indices = @transform_2, window_bounds = array<i64: 1024, 128>}, {transform_indices = @transform_3, window_bounds = array<i64: 1024, 1>}, {transform_indices = @transform_4, window_bounds = array<i64: 1024, 1>}, {pipeline_mode = #tpu.pipeline_mode<synchronous>, transform_indices = @transform_5, window_bounds = array<i64: 4, 128>}, {pipeline_mode = #tpu.pipeline_mode<synchronous>, transform_indices = @transform_6, window_bounds = array<i64: 4, 128>}, {pipeline_mode = #tpu.pipeline_mode<synchronous>, transform_indices = @transform_7, window_bounds = array<i64: 128, 128>}, {pipeline_mode = #tpu.pipeline_mode<synchronous>, transform_indices = @transform_8, window_bounds = array<i64: 1, 128>}, {pipeline_mode = #tpu.pipeline_mode<synchronous>, transform_indices = @transform_9, window_bounds = array<i64: 128, 4>}, {pipeline_mode = #tpu.pipeline_mode<synchronous>, transform_indices = @transform_10, window_bounds = array<i64: 1, 4>}, {pipeline_mode = #tpu.pipeline_mode<synchronous>, transform_indices = @transform_11, window_bounds = array<i64: 128, 128>}, {pipeline_mode = #tpu.pipeline_mode<synchronous>, transform_indices = @transform_12, window_bounds = array<i64: 1, 128>}, {pipeline_mode = #tpu.pipeline_mode<synchronous>, transform_indices = @transform_13, window_bounds = array<i64: 128, 3>}, {pipeline_mode = #tpu.pipeline_mode<synchronous>, transform_indices = @transform_14, window_bounds = array<i64: 1, 3>}, {pipeline_mode = #tpu.pipeline_mode<synchronous>, transform_indices = @transform_15, window_bounds = array<i64: 1, 1>}]} {
    %mul3A = arith.constant 1024 : i32
    %mul3A_0 = arith.muli %arg0, %mul3A : i32
    %iota3A = tpu.iota {dimensions = array<i32: 0>} : vector<1024x1xi32>
    %add3A = vector.broadcast %mul3A_0 : i32 to vector<1024x1xi32>
    %add3A_1 = arith.addi %add3A, %iota3A : vector<1024x1xi32>
    %get3A = arith.constant 0 : index
    %get3A_2 = arith.constant 0 : index
    %get3A_3 = vector.load %arg3[%get3A, %get3A_2] : memref<1024x128xf32, #tpu.memory_space<vmem>>, vector<1024x1xf32>
    %get3A_4 = arith.constant 0 : index
    %get3A_5 = arith.constant 0 : index
    %get3A_6 = vector.load %arg1[%get3A_4, %get3A_5] : memref<1024x128xf32, #tpu.memory_space<vmem>>, vector<1024x128xf32>
    %mul3A_7 = vector.broadcast %get3A_3 : vector<1024x1xf32> to vector<1024x128xf32>
    %mul3A_8 = arith.mulf %get3A_6, %mul3A_7 : vector<1024x128xf32>
    %get3A_9 = arith.constant 0 : index
    %get3A_10 = arith.constant 0 : index
    %get3A_11 = vector.load %arg2[%get3A_9, %get3A_10] : memref<1024x128xf32, #tpu.memory_space<vmem>>, vector<1024x128xf32>
    %mul3A_12 = vector.broadcast %get3A_3 : vector<1024x1xf32> to vector<1024x128xf32>
    %mul3A_13 = arith.mulf %get3A_11, %mul3A_12 : vector<1024x128xf32>
    %get3A_14 = arith.constant 0 : index
    %get3A_15 = arith.constant 0 : index
    %get3A_16 = vector.load %arg4[%get3A_14, %get3A_15] : memref<1024x1xi32, #tpu.memory_space<vmem>>, vector<1024x1xi32>
    %get3A_17 = arith.constant 0 : index
    %get3A_18 = arith.constant 0 : index
    %get3A_19 = vector.load %arg5[%get3A_17, %get3A_18] : memref<1024x1xi32, #tpu.memory_space<vmem>>, vector<1024x1xi32>
    %lt3A = arith.constant 10000 : i32
    %lt3A_20 = vector.broadcast %lt3A : i32 to vector<1024x1xi32>
    %lt3A_21 = arith.cmpi slt, %add3A_1, %lt3A_20 : vector<1024x1xi32>
    %jit3A = arith.constant 1.000000e+00 : f32
    %jit3A_22 = arith.constant 0.000000e+00 : f32
    %broadcast_in_dim3A = vector.broadcast %jit3A : f32 to vector<1024x1xf32>
    %broadcast_in_dim3A_23 = vector.broadcast %jit3A_22 : f32 to vector<1024x1xf32>
    %select_n3A = arith.select %lt3A_21, %broadcast_in_dim3A, %broadcast_in_dim3A_23 : vector<1024x1xi1>, vector<1024x1xf32>
    %lt3A_24 = arith.constant 512 : i32
    %lt3A_25 = vector.broadcast %lt3A_24 : i32 to vector<1024x1xi32>
    %lt3A_26 = arith.cmpi slt, %add3A_1, %lt3A_25 : vector<1024x1xi32>
    %jit3A_27 = arith.constant 1.000000e+00 : f32
    %jit3A_28 = arith.constant 0.000000e+00 : f32
    %broadcast_in_dim3A_29 = vector.broadcast %jit3A_27 : f32 to vector<1024x1xf32>
    %broadcast_in_dim3A_30 = vector.broadcast %jit3A_28 : f32 to vector<1024x1xf32>
    %select_n3A_31 = arith.select %lt3A_26, %broadcast_in_dim3A_29, %broadcast_in_dim3A_30 : vector<1024x1xi1>, vector<1024x1xf32>
    %eq3A = arith.constant 0 : i32
    %eq3A_32 = arith.cmpi eq, %arg0, %eq3A : i32
    %convert_element_type3A = arith.extui %eq3A_32 : i1 to i32
    %cond3A = arith.constant 0 : i32
    %cond3A_33 = arith.cmpi ne, %convert_element_type3A, %cond3A : i32
    scf.if %cond3A_33 {
      %slice3A_369 = vector.extract_strided_slice %mul3A_8 {offsets = [0, 0], sizes = [512, 128], strides = [1, 1]} : vector<1024x128xf32> to vector<512x128xf32>
      %swap3A_370 = arith.constant 0 : index
      %swap3A_371 = arith.constant 0 : index
      %swap3A_372 = vector.load %arg17[%swap3A_370, %swap3A_371] : memref<512x128xf32, #tpu.memory_space<vmem>>, vector<512x128xf32>
      tpu.vector_store %arg17[%swap3A_370, %swap3A_371], %slice3A_369 {strides = array<i32>} : memref<512x128xf32, #tpu.memory_space<vmem>>, vector<512x128xf32>,
      %slice3A_373 = vector.extract_strided_slice %get3A_19 {offsets = [0, 0], sizes = [512, 1], strides = [1, 1]} : vector<1024x1xi32> to vector<512x1xi32>
      %eq3A_374 = arith.constant 0 : i32
      %eq3A_375 = vector.broadcast %eq3A_374 : i32 to vector<512x1xi32>
      %eq3A_376 = arith.cmpi eq, %slice3A_373, %eq3A_375 : vector<512x1xi32>
      %jit3A_377 = arith.constant 1.000000e+00 : f32
      %jit3A_378 = arith.constant 0.000000e+00 : f32
      %broadcast_in_dim3A_379 = vector.broadcast %jit3A_377 : f32 to vector<512x1xf32>
      %broadcast_in_dim3A_380 = vector.broadcast %jit3A_378 : f32 to vector<512x1xf32>
      %select_n3A_381 = arith.select %eq3A_376, %broadcast_in_dim3A_379, %broadcast_in_dim3A_380 : vector<512x1xi1>, vector<512x1xf32>
      %reduce_sum3A_382 = vector.shape_cast %select_n3A_381 : vector<512x1xf32> to vector<1x512x1xf32>
      %reduce_sum3A_383 = arith.constant dense<0.000000e+00> : vector<1xf32>
      %reduce_sum3A_384 = vector.multi_reduction <add>, %reduce_sum3A_382, %reduce_sum3A_383 [1, 2] : vector<1x512x1xf32> to vector<1xf32>
      %reduce_sum3A_385 = vector.shape_cast %reduce_sum3A_384 : vector<1xf32> to vector<1x1x1xf32>
      %reduce_sum3A_386 = vector.extract %reduce_sum3A_385[0, 0, 0] : f32 from vector<1x1x1xf32>
      %max3A = arith.constant 1.000000e+00 : f32
      %max3A_387 = arith.maximumf %reduce_sum3A_386, %max3A : f32
      %mul3A_388 = vector.broadcast %select_n3A_381 : vector<512x1xf32> to vector<512x128xf32>
      %mul3A_389 = arith.mulf %slice3A_369, %mul3A_388 : vector<512x128xf32>
      %reduce_sum3A_390 = arith.constant dense<0.000000e+00> : vector<128xf32>
      %reduce_sum3A_391 = vector.multi_reduction <add>, %mul3A_389, %reduce_sum3A_390 [0] : vector<512x128xf32> to vector<128xf32>
      %broadcast_in_dim3A_392 = vector.shape_cast %reduce_sum3A_391 : vector<128xf32> to vector<1x128xf32>
      %div3A_393 = vector.broadcast %max3A_387 : f32 to vector<1x128xf32>
      %div3A_394 = arith.divf %broadcast_in_dim3A_392, %div3A_393 : vector<1x128xf32>
      %eq3A_395 = arith.constant 1 : i32
      %eq3A_396 = vector.broadcast %eq3A_395 : i32 to vector<512x1xi32>
      %eq3A_397 = arith.cmpi eq, %slice3A_373, %eq3A_396 : vector<512x1xi32>
      %jit3A_398 = arith.constant 1.000000e+00 : f32
      %jit3A_399 = arith.constant 0.000000e+00 : f32
      %broadcast_in_dim3A_400 = vector.broadcast %jit3A_398 : f32 to vector<512x1xf32>
      %broadcast_in_dim3A_401 = vector.broadcast %jit3A_399 : f32 to vector<512x1xf32>
      %select_n3A_402 = arith.select %eq3A_397, %broadcast_in_dim3A_400, %broadcast_in_dim3A_401 : vector<512x1xi1>, vector<512x1xf32>
      %reduce_sum3A_403 = vector.shape_cast %select_n3A_402 : vector<512x1xf32> to vector<1x512x1xf32>
      %reduce_sum3A_404 = arith.constant dense<0.000000e+00> : vector<1xf32>
      %reduce_sum3A_405 = vector.multi_reduction <add>, %reduce_sum3A_403, %reduce_sum3A_404 [1, 2] : vector<1x512x1xf32> to vector<1xf32>
      %reduce_sum3A_406 = vector.shape_cast %reduce_sum3A_405 : vector<1xf32> to vector<1x1x1xf32>
      %reduce_sum3A_407 = vector.extract %reduce_sum3A_406[0, 0, 0] : f32 from vector<1x1x1xf32>
      %max3A_408 = arith.constant 1.000000e+00 : f32
      %max3A_409 = arith.maximumf %reduce_sum3A_407, %max3A_408 : f32
      %mul3A_410 = vector.broadcast %select_n3A_402 : vector<512x1xf32> to vector<512x128xf32>
      %mul3A_411 = arith.mulf %slice3A_369, %mul3A_410 : vector<512x128xf32>
      %reduce_sum3A_412 = arith.constant dense<0.000000e+00> : vector<128xf32>
      %reduce_sum3A_413 = vector.multi_reduction <add>, %mul3A_411, %reduce_sum3A_412 [0] : vector<512x128xf32> to vector<128xf32>
      %broadcast_in_dim3A_414 = vector.shape_cast %reduce_sum3A_413 : vector<128xf32> to vector<1x128xf32>
      %div3A_415 = vector.broadcast %max3A_409 : f32 to vector<1x128xf32>
      %div3A_416 = arith.divf %broadcast_in_dim3A_414, %div3A_415 : vector<1x128xf32>
      %eq3A_417 = arith.constant 2 : i32
      %eq3A_418 = vector.broadcast %eq3A_417 : i32 to vector<512x1xi32>
      %eq3A_419 = arith.cmpi eq, %slice3A_373, %eq3A_418 : vector<512x1xi32>
      %jit3A_420 = arith.constant 1.000000e+00 : f32
      %jit3A_421 = arith.constant 0.000000e+00 : f32
      %broadcast_in_dim3A_422 = vector.broadcast %jit3A_420 : f32 to vector<512x1xf32>
      %broadcast_in_dim3A_423 = vector.broadcast %jit3A_421 : f32 to vector<512x1xf32>
      %select_n3A_424 = arith.select %eq3A_419, %broadcast_in_dim3A_422, %broadcast_in_dim3A_423 : vector<512x1xi1>, vector<512x1xf32>
      %reduce_sum3A_425 = vector.shape_cast %select_n3A_424 : vector<512x1xf32> to vector<1x512x1xf32>
      %reduce_sum3A_426 = arith.constant dense<0.000000e+00> : vector<1xf32>
      %reduce_sum3A_427 = vector.multi_reduction <add>, %reduce_sum3A_425, %reduce_sum3A_426 [1, 2] : vector<1x512x1xf32> to vector<1xf32>
      %reduce_sum3A_428 = vector.shape_cast %reduce_sum3A_427 : vector<1xf32> to vector<1x1x1xf32>
      %reduce_sum3A_429 = vector.extract %reduce_sum3A_428[0, 0, 0] : f32 from vector<1x1x1xf32>
      %max3A_430 = arith.constant 1.000000e+00 : f32
      %max3A_431 = arith.maximumf %reduce_sum3A_429, %max3A_430 : f32
      %mul3A_432 = vector.broadcast %select_n3A_424 : vector<512x1xf32> to vector<512x128xf32>
      %mul3A_433 = arith.mulf %slice3A_369, %mul3A_432 : vector<512x128xf32>
      %reduce_sum3A_434 = arith.constant dense<0.000000e+00> : vector<128xf32>
      %reduce_sum3A_435 = vector.multi_reduction <add>, %mul3A_433, %reduce_sum3A_434 [0] : vector<512x128xf32> to vector<128xf32>
      %broadcast_in_dim3A_436 = vector.shape_cast %reduce_sum3A_435 : vector<128xf32> to vector<1x128xf32>
      %div3A_437 = vector.broadcast %max3A_431 : f32 to vector<1x128xf32>
      %div3A_438 = arith.divf %broadcast_in_dim3A_436, %div3A_437 : vector<1x128xf32>
      %eq3A_439 = arith.constant 3 : i32
      %eq3A_440 = vector.broadcast %eq3A_439 : i32 to vector<512x1xi32>
      %eq3A_441 = arith.cmpi eq, %slice3A_373, %eq3A_440 : vector<512x1xi32>
      %jit3A_442 = arith.constant 1.000000e+00 : f32
      %jit3A_443 = arith.constant 0.000000e+00 : f32
      %broadcast_in_dim3A_444 = vector.broadcast %jit3A_442 : f32 to vector<512x1xf32>
      %broadcast_in_dim3A_445 = vector.broadcast %jit3A_443 : f32 to vector<512x1xf32>
      %select_n3A_446 = arith.select %eq3A_441, %broadcast_in_dim3A_444, %broadcast_in_dim3A_445 : vector<512x1xi1>, vector<512x1xf32>
      %reduce_sum3A_447 = vector.shape_cast %select_n3A_446 : vector<512x1xf32> to vector<1x512x1xf32>
      %reduce_sum3A_448 = arith.constant dense<0.000000e+00> : vector<1xf32>
      %reduce_sum3A_449 = vector.multi_reduction <add>, %reduce_sum3A_447, %reduce_sum3A_448 [1, 2] : vector<1x512x1xf32> to vector<1xf32>
      %reduce_sum3A_450 = vector.shape_cast %reduce_sum3A_449 : vector<1xf32> to vector<1x1x1xf32>
      %reduce_sum3A_451 = vector.extract %reduce_sum3A_450[0, 0, 0] : f32 from vector<1x1x1xf32>
      %max3A_452 = arith.constant 1.000000e+00 : f32
      %max3A_453 = arith.maximumf %reduce_sum3A_451, %max3A_452 : f32
      %mul3A_454 = vector.broadcast %select_n3A_446 : vector<512x1xf32> to vector<512x128xf32>
      %mul3A_455 = arith.mulf %slice3A_369, %mul3A_454 : vector<512x128xf32>
      %reduce_sum3A_456 = arith.constant dense<0.000000e+00> : vector<128xf32>
      %reduce_sum3A_457 = vector.multi_reduction <add>, %mul3A_455, %reduce_sum3A_456 [0] : vector<512x128xf32> to vector<128xf32>
      %broadcast_in_dim3A_458 = vector.shape_cast %reduce_sum3A_457 : vector<128xf32> to vector<1x128xf32>
      %div3A_459 = vector.broadcast %max3A_453 : f32 to vector<1x128xf32>
      %div3A_460 = arith.divf %broadcast_in_dim3A_458, %div3A_459 : vector<1x128xf32>
      %concatenate3A = tpu.concatenate %div3A_394, %div3A_416, %div3A_438, %div3A_460 in 0 : vector<1x128xf32>, vector<1x128xf32>, vector<1x128xf32>, vector<1x128xf32> -> vector<4x128xf32>
      %mul3A_461 = arith.mulf %concatenate3A, %concatenate3A : vector<4x128xf32>
      %reduce_sum3A_462 = arith.constant dense<0.000000e+00> : vector<4xf32>
      %reduce_sum3A_463 = vector.multi_reduction <add>, %mul3A_461, %reduce_sum3A_462 [1] : vector<4x128xf32> to vector<4xf32>
      %broadcast_in_dim3A_464 = vector.shape_cast %reduce_sum3A_463 : vector<4xf32> to vector<4x1xf32>
      %sqrt3A_465 = math.sqrt %broadcast_in_dim3A_464 : vector<4x1xf32>
      %add3A_466 = arith.constant 9.99999993E-9 : f32
      %add3A_467 = vector.broadcast %add3A_466 : f32 to vector<4x1xf32>
      %add3A_468 = arith.addf %sqrt3A_465, %add3A_467 : vector<4x1xf32>
      %div3A_469 = vector.broadcast %add3A_468 : vector<4x1xf32> to vector<4x128xf32>
      %div3A_470 = arith.divf %concatenate3A, %div3A_469 : vector<4x128xf32>
      %swap3A_471 = arith.constant 0 : index
      %swap3A_472 = arith.constant 0 : index
      %swap3A_473 = vector.load %arg18[%swap3A_471, %swap3A_472] : memref<4x128xf32, #tpu.memory_space<vmem>>, vector<4x128xf32>
      tpu.vector_store %arg18[%swap3A_471, %swap3A_472], %div3A_470 {strides = array<i32>} : memref<4x128xf32, #tpu.memory_space<vmem>>, vector<4x128xf32>,
      %concatenate3A_474 = tpu.concatenate %select_n3A_381, %select_n3A_402, %select_n3A_424, %select_n3A_446 in 1 : vector<512x1xf32>, vector<512x1xf32>, vector<512x1xf32>, vector<512x1xf32> -> vector<512x4xf32>
      %swap3A_475 = arith.constant 0 : index
      %swap3A_476 = arith.constant 0 : index
      %swap3A_477 = vector.load %arg23[%swap3A_475, %swap3A_476] : memref<512x4xf32, #tpu.memory_space<vmem>>, vector<512x4xf32>
      tpu.vector_store %arg23[%swap3A_475, %swap3A_476], %concatenate3A_474 {strides = array<i32>} : memref<512x4xf32, #tpu.memory_space<vmem>>, vector<512x4xf32>,
      %broadcast_in_dim3A_478 = arith.constant 0.000000e+00 : f32
      %broadcast_in_dim3A_479 = vector.broadcast %broadcast_in_dim3A_478 : f32 to vector<4x128xf32>
      %swap3A_480 = arith.constant 0 : index
      %swap3A_481 = arith.constant 0 : index
      %swap3A_482 = vector.load %arg19[%swap3A_480, %swap3A_481] : memref<4x128xf32, #tpu.memory_space<vmem>>, vector<4x128xf32>
      tpu.vector_store %arg19[%swap3A_480, %swap3A_481], %broadcast_in_dim3A_479 {strides = array<i32>} : memref<4x128xf32, #tpu.memory_space<vmem>>, vector<4x128xf32>,
      %broadcast_in_dim3A_483 = arith.constant 0.000000e+00 : f32
      %broadcast_in_dim3A_484 = vector.broadcast %broadcast_in_dim3A_483 : f32 to vector<4x128xf32>
      %swap3A_485 = arith.constant 0 : index
      %swap3A_486 = arith.constant 0 : index
      %swap3A_487 = vector.load %arg20[%swap3A_485, %swap3A_486] : memref<4x128xf32, #tpu.memory_space<vmem>>, vector<4x128xf32>
      tpu.vector_store %arg20[%swap3A_485, %swap3A_486], %broadcast_in_dim3A_484 {strides = array<i32>} : memref<4x128xf32, #tpu.memory_space<vmem>>, vector<4x128xf32>,
      %broadcast_in_dim3A_488 = arith.constant 0.000000e+00 : f32
      %broadcast_in_dim3A_489 = vector.broadcast %broadcast_in_dim3A_488 : f32 to vector<4x128xf32>
      %swap3A_490 = arith.constant 0 : index
      %swap3A_491 = arith.constant 0 : index
      %swap3A_492 = vector.load %arg21[%swap3A_490, %swap3A_491] : memref<4x128xf32, #tpu.memory_space<vmem>>, vector<4x128xf32>
      tpu.vector_store %arg21[%swap3A_490, %swap3A_491], %broadcast_in_dim3A_489 {strides = array<i32>} : memref<4x128xf32, #tpu.memory_space<vmem>>, vector<4x128xf32>,
      %broadcast_in_dim3A_493 = arith.constant 0.000000e+00 : f32
      %broadcast_in_dim3A_494 = vector.broadcast %broadcast_in_dim3A_493 : f32 to vector<4x128xf32>
      %swap3A_495 = arith.constant 0 : index
      %swap3A_496 = arith.constant 0 : index
      %swap3A_497 = vector.load %arg22[%swap3A_495, %swap3A_496] : memref<4x128xf32, #tpu.memory_space<vmem>>, vector<4x128xf32>
      tpu.vector_store %arg22[%swap3A_495, %swap3A_496], %broadcast_in_dim3A_494 {strides = array<i32>} : memref<4x128xf32, #tpu.memory_space<vmem>>, vector<4x128xf32>,
    } else {
    }
    %eq3A_34 = arith.constant 0 : i32
    %eq3A_35 = vector.broadcast %eq3A_34 : i32 to vector<1024x1xi32>
    %eq3A_36 = arith.cmpi eq, %get3A_16, %eq3A_35 : vector<1024x1xi32>
    %jit3A_37 = arith.constant 0.000000e+00 : f32
    %broadcast_in_dim3A_38 = vector.broadcast %jit3A_37 : f32 to vector<1024x1xf32>
    %select_n3A_39 = arith.select %eq3A_36, %select_n3A, %broadcast_in_dim3A_38 : vector<1024x1xi1>, vector<1024x1xf32>
    %get3A_40 = arith.constant 0 : index
    %get3A_41 = arith.constant 0 : index
    %get3A_42 = vector.load %arg19[%get3A_40, %get3A_41] : memref<4x128xf32, #tpu.memory_space<vmem>>, vector<1x128xf32>
    %mul3A_43 = vector.broadcast %select_n3A_39 : vector<1024x1xf32> to vector<1024x128xf32>
    %mul3A_44 = arith.mulf %mul3A_13, %mul3A_43 : vector<1024x128xf32>
    %reduce_sum3A = arith.constant dense<0.000000e+00> : vector<128xf32>
    %reduce_sum3A_45 = vector.multi_reduction <add>, %mul3A_44, %reduce_sum3A [0] : vector<1024x128xf32> to vector<128xf32>
    %broadcast_in_dim3A_46 = vector.shape_cast %reduce_sum3A_45 : vector<128xf32> to vector<1x128xf32>
    %add3A_47 = arith.addf %get3A_42, %broadcast_in_dim3A_46 : vector<1x128xf32>
    %swap3A = arith.constant 0 : index
    %swap3A_48 = arith.constant 0 : index
    %swap3A_49 = vector.load %arg19[%swap3A, %swap3A_48] : memref<4x128xf32, #tpu.memory_space<vmem>>, vector<1x128xf32>
    tpu.vector_store %arg19[%swap3A, %swap3A_48], %add3A_47 {strides = array<i32>} : memref<4x128xf32, #tpu.memory_space<vmem>>, vector<1x128xf32>,
    %get3A_50 = arith.constant 0 : index
    %get3A_51 = arith.constant 0 : index
    %get3A_52 = vector.load %arg20[%get3A_50, %get3A_51] : memref<4x128xf32, #tpu.memory_space<vmem>>, vector<1x128xf32>
    %reduce_sum3A_53 = vector.shape_cast %select_n3A_39 : vector<1024x1xf32> to vector<1x1024x1xf32>
    %reduce_sum3A_54 = arith.constant dense<0.000000e+00> : vector<1xf32>
    %reduce_sum3A_55 = vector.multi_reduction <add>, %reduce_sum3A_53, %reduce_sum3A_54 [1, 2] : vector<1x1024x1xf32> to vector<1xf32>
    %reduce_sum3A_56 = vector.shape_cast %reduce_sum3A_55 : vector<1xf32> to vector<1x1x1xf32>
    %reduce_sum3A_57 = vector.extract %reduce_sum3A_56[0, 0, 0] : f32 from vector<1x1x1xf32>
    %add3A_58 = vector.broadcast %reduce_sum3A_57 : f32 to vector<1x128xf32>
    %add3A_59 = arith.addf %get3A_52, %add3A_58 : vector<1x128xf32>
    %swap3A_60 = arith.constant 0 : index
    %swap3A_61 = arith.constant 0 : index
    %swap3A_62 = vector.load %arg20[%swap3A_60, %swap3A_61] : memref<4x128xf32, #tpu.memory_space<vmem>>, vector<1x128xf32>
    tpu.vector_store %arg20[%swap3A_60, %swap3A_61], %add3A_59 {strides = array<i32>} : memref<4x128xf32, #tpu.memory_space<vmem>>, vector<1x128xf32>,
    %eq3A_63 = arith.constant 1 : i32
    %eq3A_64 = vector.broadcast %eq3A_63 : i32 to vector<1024x1xi32>
    %eq3A_65 = arith.cmpi eq, %get3A_16, %eq3A_64 : vector<1024x1xi32>
    %jit3A_66 = arith.constant 0.000000e+00 : f32
    %broadcast_in_dim3A_67 = vector.broadcast %jit3A_66 : f32 to vector<1024x1xf32>
    %select_n3A_68 = arith.select %eq3A_65, %select_n3A, %broadcast_in_dim3A_67 : vector<1024x1xi1>, vector<1024x1xf32>
    %get3A_69 = arith.constant 1 : index
    %get3A_70 = arith.constant 0 : index
    %get3A_71 = vector.load %arg19[%get3A_69, %get3A_70] : memref<4x128xf32, #tpu.memory_space<vmem>>, vector<1x128xf32>
    %mul3A_72 = vector.broadcast %select_n3A_68 : vector<1024x1xf32> to vector<1024x128xf32>
    %mul3A_73 = arith.mulf %mul3A_13, %mul3A_72 : vector<1024x128xf32>
    %reduce_sum3A_74 = arith.constant dense<0.000000e+00> : vector<128xf32>
    %reduce_sum3A_75 = vector.multi_reduction <add>, %mul3A_73, %reduce_sum3A_74 [0] : vector<1024x128xf32> to vector<128xf32>
    %broadcast_in_dim3A_76 = vector.shape_cast %reduce_sum3A_75 : vector<128xf32> to vector<1x128xf32>
    %add3A_77 = arith.addf %get3A_71, %broadcast_in_dim3A_76 : vector<1x128xf32>
    %swap3A_78 = arith.constant 1 : index
    %swap3A_79 = arith.constant 0 : index
    %swap3A_80 = vector.load %arg19[%swap3A_78, %swap3A_79] : memref<4x128xf32, #tpu.memory_space<vmem>>, vector<1x128xf32>
    tpu.vector_store %arg19[%swap3A_78, %swap3A_79], %add3A_77 {strides = array<i32>} : memref<4x128xf32, #tpu.memory_space<vmem>>, vector<1x128xf32>,
    %get3A_81 = arith.constant 1 : index
    %get3A_82 = arith.constant 0 : index
    %get3A_83 = vector.load %arg20[%get3A_81, %get3A_82] : memref<4x128xf32, #tpu.memory_space<vmem>>, vector<1x128xf32>
    %reduce_sum3A_84 = vector.shape_cast %select_n3A_68 : vector<1024x1xf32> to vector<1x1024x1xf32>
    %reduce_sum3A_85 = arith.constant dense<0.000000e+00> : vector<1xf32>
    %reduce_sum3A_86 = vector.multi_reduction <add>, %reduce_sum3A_84, %reduce_sum3A_85 [1, 2] : vector<1x1024x1xf32> to vector<1xf32>
    %reduce_sum3A_87 = vector.shape_cast %reduce_sum3A_86 : vector<1xf32> to vector<1x1x1xf32>
    %reduce_sum3A_88 = vector.extract %reduce_sum3A_87[0, 0, 0] : f32 from vector<1x1x1xf32>
    %add3A_89 = vector.broadcast %reduce_sum3A_88 : f32 to vector<1x128xf32>
    %add3A_90 = arith.addf %get3A_83, %add3A_89 : vector<1x128xf32>
    %swap3A_91 = arith.constant 1 : index
    %swap3A_92 = arith.constant 0 : index
    %swap3A_93 = vector.load %arg20[%swap3A_91, %swap3A_92] : memref<4x128xf32, #tpu.memory_space<vmem>>, vector<1x128xf32>
    tpu.vector_store %arg20[%swap3A_91, %swap3A_92], %add3A_90 {strides = array<i32>} : memref<4x128xf32, #tpu.memory_space<vmem>>, vector<1x128xf32>,
    %eq3A_94 = arith.constant 2 : i32
    %eq3A_95 = vector.broadcast %eq3A_94 : i32 to vector<1024x1xi32>
    %eq3A_96 = arith.cmpi eq, %get3A_16, %eq3A_95 : vector<1024x1xi32>
    %jit3A_97 = arith.constant 0.000000e+00 : f32
    %broadcast_in_dim3A_98 = vector.broadcast %jit3A_97 : f32 to vector<1024x1xf32>
    %select_n3A_99 = arith.select %eq3A_96, %select_n3A, %broadcast_in_dim3A_98 : vector<1024x1xi1>, vector<1024x1xf32>
    %get3A_100 = arith.constant 2 : index
    %get3A_101 = arith.constant 0 : index
    %get3A_102 = vector.load %arg19[%get3A_100, %get3A_101] : memref<4x128xf32, #tpu.memory_space<vmem>>, vector<1x128xf32>
    %mul3A_103 = vector.broadcast %select_n3A_99 : vector<1024x1xf32> to vector<1024x128xf32>
    %mul3A_104 = arith.mulf %mul3A_13, %mul3A_103 : vector<1024x128xf32>
    %reduce_sum3A_105 = arith.constant dense<0.000000e+00> : vector<128xf32>
    %reduce_sum3A_106 = vector.multi_reduction <add>, %mul3A_104, %reduce_sum3A_105 [0] : vector<1024x128xf32> to vector<128xf32>
    %broadcast_in_dim3A_107 = vector.shape_cast %reduce_sum3A_106 : vector<128xf32> to vector<1x128xf32>
    %add3A_108 = arith.addf %get3A_102, %broadcast_in_dim3A_107 : vector<1x128xf32>
    %swap3A_109 = arith.constant 2 : index
    %swap3A_110 = arith.constant 0 : index
    %swap3A_111 = vector.load %arg19[%swap3A_109, %swap3A_110] : memref<4x128xf32, #tpu.memory_space<vmem>>, vector<1x128xf32>
    tpu.vector_store %arg19[%swap3A_109, %swap3A_110], %add3A_108 {strides = array<i32>} : memref<4x128xf32, #tpu.memory_space<vmem>>, vector<1x128xf32>,
    %get3A_112 = arith.constant 2 : index
    %get3A_113 = arith.constant 0 : index
    %get3A_114 = vector.load %arg20[%get3A_112, %get3A_113] : memref<4x128xf32, #tpu.memory_space<vmem>>, vector<1x128xf32>
    %reduce_sum3A_115 = vector.shape_cast %select_n3A_99 : vector<1024x1xf32> to vector<1x1024x1xf32>
    %reduce_sum3A_116 = arith.constant dense<0.000000e+00> : vector<1xf32>
    %reduce_sum3A_117 = vector.multi_reduction <add>, %reduce_sum3A_115, %reduce_sum3A_116 [1, 2] : vector<1x1024x1xf32> to vector<1xf32>
    %reduce_sum3A_118 = vector.shape_cast %reduce_sum3A_117 : vector<1xf32> to vector<1x1x1xf32>
    %reduce_sum3A_119 = vector.extract %reduce_sum3A_118[0, 0, 0] : f32 from vector<1x1x1xf32>
    %add3A_120 = vector.broadcast %reduce_sum3A_119 : f32 to vector<1x128xf32>
    %add3A_121 = arith.addf %get3A_114, %add3A_120 : vector<1x128xf32>
    %swap3A_122 = arith.constant 2 : index
    %swap3A_123 = arith.constant 0 : index
    %swap3A_124 = vector.load %arg20[%swap3A_122, %swap3A_123] : memref<4x128xf32, #tpu.memory_space<vmem>>, vector<1x128xf32>
    tpu.vector_store %arg20[%swap3A_122, %swap3A_123], %add3A_121 {strides = array<i32>} : memref<4x128xf32, #tpu.memory_space<vmem>>, vector<1x128xf32>,
    %eq3A_125 = arith.constant 3 : i32
    %eq3A_126 = vector.broadcast %eq3A_125 : i32 to vector<1024x1xi32>
    %eq3A_127 = arith.cmpi eq, %get3A_16, %eq3A_126 : vector<1024x1xi32>
    %jit3A_128 = arith.constant 0.000000e+00 : f32
    %broadcast_in_dim3A_129 = vector.broadcast %jit3A_128 : f32 to vector<1024x1xf32>
    %select_n3A_130 = arith.select %eq3A_127, %select_n3A, %broadcast_in_dim3A_129 : vector<1024x1xi1>, vector<1024x1xf32>
    %get3A_131 = arith.constant 3 : index
    %get3A_132 = arith.constant 0 : index
    %get3A_133 = vector.load %arg19[%get3A_131, %get3A_132] : memref<4x128xf32, #tpu.memory_space<vmem>>, vector<1x128xf32>
    %mul3A_134 = vector.broadcast %select_n3A_130 : vector<1024x1xf32> to vector<1024x128xf32>
    %mul3A_135 = arith.mulf %mul3A_13, %mul3A_134 : vector<1024x128xf32>
    %reduce_sum3A_136 = arith.constant dense<0.000000e+00> : vector<128xf32>
    %reduce_sum3A_137 = vector.multi_reduction <add>, %mul3A_135, %reduce_sum3A_136 [0] : vector<1024x128xf32> to vector<128xf32>
    %broadcast_in_dim3A_138 = vector.shape_cast %reduce_sum3A_137 : vector<128xf32> to vector<1x128xf32>
    %add3A_139 = arith.addf %get3A_133, %broadcast_in_dim3A_138 : vector<1x128xf32>
    %swap3A_140 = arith.constant 3 : index
    %swap3A_141 = arith.constant 0 : index
    %swap3A_142 = vector.load %arg19[%swap3A_140, %swap3A_141] : memref<4x128xf32, #tpu.memory_space<vmem>>, vector<1x128xf32>
    tpu.vector_store %arg19[%swap3A_140, %swap3A_141], %add3A_139 {strides = array<i32>} : memref<4x128xf32, #tpu.memory_space<vmem>>, vector<1x128xf32>,
    %get3A_143 = arith.constant 3 : index
    %get3A_144 = arith.constant 0 : index
    %get3A_145 = vector.load %arg20[%get3A_143, %get3A_144] : memref<4x128xf32, #tpu.memory_space<vmem>>, vector<1x128xf32>
    %reduce_sum3A_146 = vector.shape_cast %select_n3A_130 : vector<1024x1xf32> to vector<1x1024x1xf32>
    %reduce_sum3A_147 = arith.constant dense<0.000000e+00> : vector<1xf32>
    %reduce_sum3A_148 = vector.multi_reduction <add>, %reduce_sum3A_146, %reduce_sum3A_147 [1, 2] : vector<1x1024x1xf32> to vector<1xf32>
    %reduce_sum3A_149 = vector.shape_cast %reduce_sum3A_148 : vector<1xf32> to vector<1x1x1xf32>
    %reduce_sum3A_150 = vector.extract %reduce_sum3A_149[0, 0, 0] : f32 from vector<1x1x1xf32>
    %add3A_151 = vector.broadcast %reduce_sum3A_150 : f32 to vector<1x128xf32>
    %add3A_152 = arith.addf %get3A_145, %add3A_151 : vector<1x128xf32>
    %swap3A_153 = arith.constant 3 : index
    %swap3A_154 = arith.constant 0 : index
    %swap3A_155 = vector.load %arg20[%swap3A_153, %swap3A_154] : memref<4x128xf32, #tpu.memory_space<vmem>>, vector<1x128xf32>
    tpu.vector_store %arg20[%swap3A_153, %swap3A_154], %add3A_152 {strides = array<i32>} : memref<4x128xf32, #tpu.memory_space<vmem>>, vector<1x128xf32>,
    %mul3A_156 = arith.mulf %mul3A_8, %mul3A_8 : vector<1024x128xf32>
    %reduce_sum3A_157 = arith.constant dense<0.000000e+00> : vector<1024xf32>
    %reduce_sum3A_158 = vector.multi_reduction <add>, %mul3A_156, %reduce_sum3A_157 [1] : vector<1024x128xf32> to vector<1024xf32>
    %broadcast_in_dim3A_159 = vector.shape_cast %reduce_sum3A_158 : vector<1024xf32> to vector<1024x1xf32>
    %sqrt3A = math.sqrt %broadcast_in_dim3A_159 : vector<1024x1xf32>
    %add3A_160 = arith.constant 9.99999993E-9 : f32
    %add3A_161 = vector.broadcast %add3A_160 : f32 to vector<1024x1xf32>
    %add3A_162 = arith.addf %sqrt3A, %add3A_161 : vector<1024x1xf32>
    %div3A = vector.broadcast %add3A_162 : vector<1024x1xf32> to vector<1024x128xf32>
    %div3A_163 = arith.divf %mul3A_8, %div3A : vector<1024x128xf32>
    %get3A_164 = arith.constant 0 : index
    %get3A_165 = arith.constant 0 : index
    %get3A_166 = vector.load %arg18[%get3A_164, %get3A_165] : memref<4x128xf32, #tpu.memory_space<vmem>>, vector<4x128xf32>
    %dot_general3A = arith.constant dense<0.000000e+00> : vector<1024x4xf32>
    %dot_general3A_167 = tpu.matmul %div3A_163, %get3A_166, %dot_general3A {dimension_numbers = #tpu.dot_dimension_numbers<[1], [1], [0], [0], [0, 0, 1, 0], [], []>, transpose_lhs_hint = false} : vector<1024x128xf32>, vector<4x128xf32>, vector<1024x4xf32> -> vector<1024x4xf32>
    %reduce_max3A = arith.constant dense<0xFF800000> : vector<1024xf32>
    %reduce_max3A_168 = vector.multi_reduction <maximumf>, %dot_general3A_167, %reduce_max3A [1] : vector<1024x4xf32> to vector<1024xf32>
    %broadcast_in_dim3A_169 = vector.shape_cast %reduce_max3A_168 : vector<1024xf32> to vector<1024x1xf32>
    %broadcast_in_dim3A_170 = arith.constant 0.000000e+00 : f32
    %broadcast_in_dim3A_171 = vector.broadcast %broadcast_in_dim3A_170 : f32 to vector<1024x1xf32>
    %slice3A = vector.extract_strided_slice %dot_general3A_167 {offsets = [0, 0], sizes = [1024, 1], strides = [1, 1]} : vector<1024x4xf32> to vector<1024x1xf32>
    %ge3A = arith.cmpf oge, %slice3A, %broadcast_in_dim3A_169 : vector<1024x1xf32>
    %sub3A = arith.constant 1.000000e+00 : f32
    %sub3A_172 = vector.broadcast %sub3A : f32 to vector<1024x1xf32>
    %sub3A_173 = arith.subf %sub3A_172, %broadcast_in_dim3A_171 : vector<1024x1xf32>
    %jit3A_174 = arith.constant 0.000000e+00 : f32
    %broadcast_in_dim3A_175 = vector.broadcast %jit3A_174 : f32 to vector<1024x1xf32>
    %select_n3A_176 = arith.select %ge3A, %sub3A_173, %broadcast_in_dim3A_175 : vector<1024x1xi1>, vector<1024x1xf32>
    %add3A_177 = arith.addf %broadcast_in_dim3A_171, %select_n3A_176 : vector<1024x1xf32>
    %eq3A_178 = arith.constant 0 : i32
    %eq3A_179 = vector.broadcast %eq3A_178 : i32 to vector<1024x1xi32>
    %eq3A_180 = arith.cmpi eq, %get3A_19, %eq3A_179 : vector<1024x1xi32>
    %jit3A_181 = arith.constant 1.000000e+00 : f32
    %jit3A_182 = arith.constant 0.000000e+00 : f32
    %broadcast_in_dim3A_183 = vector.broadcast %jit3A_181 : f32 to vector<1024x1xf32>
    %broadcast_in_dim3A_184 = vector.broadcast %jit3A_182 : f32 to vector<1024x1xf32>
    %select_n3A_185 = arith.select %eq3A_180, %broadcast_in_dim3A_183, %broadcast_in_dim3A_184 : vector<1024x1xi1>, vector<1024x1xf32>
    %mul3A_186 = arith.mulf %select_n3A_31, %select_n3A_185 : vector<1024x1xf32>
    %sub3A_187 = arith.constant 1.000000e+00 : f32
    %sub3A_188 = vector.broadcast %sub3A_187 : f32 to vector<1024x1xf32>
    %sub3A_189 = arith.subf %sub3A_188, %select_n3A_31 : vector<1024x1xf32>
    %mul3A_190 = arith.mulf %sub3A_189, %select_n3A_176 : vector<1024x1xf32>
    %add3A_191 = arith.addf %mul3A_186, %mul3A_190 : vector<1024x1xf32>
    %mul3A_192 = arith.mulf %add3A_191, %select_n3A : vector<1024x1xf32>
    %get3A_193 = arith.constant 0 : index
    %get3A_194 = arith.constant 0 : index
    %get3A_195 = vector.load %arg21[%get3A_193, %get3A_194] : memref<4x128xf32, #tpu.memory_space<vmem>>, vector<1x128xf32>
    %mul3A_196 = vector.broadcast %mul3A_192 : vector<1024x1xf32> to vector<1024x128xf32>
    %mul3A_197 = arith.mulf %mul3A_8, %mul3A_196 : vector<1024x128xf32>
    %reduce_sum3A_198 = arith.constant dense<0.000000e+00> : vector<128xf32>
    %reduce_sum3A_199 = vector.multi_reduction <add>, %mul3A_197, %reduce_sum3A_198 [0] : vector<1024x128xf32> to vector<128xf32>
    %broadcast_in_dim3A_200 = vector.shape_cast %reduce_sum3A_199 : vector<128xf32> to vector<1x128xf32>
    %add3A_201 = arith.addf %get3A_195, %broadcast_in_dim3A_200 : vector<1x128xf32>
    %swap3A_202 = arith.constant 0 : index
    %swap3A_203 = arith.constant 0 : index
    %swap3A_204 = vector.load %arg21[%swap3A_202, %swap3A_203] : memref<4x128xf32, #tpu.memory_space<vmem>>, vector<1x128xf32>
    tpu.vector_store %arg21[%swap3A_202, %swap3A_203], %add3A_201 {strides = array<i32>} : memref<4x128xf32, #tpu.memory_space<vmem>>, vector<1x128xf32>,
    %get3A_205 = arith.constant 0 : index
    %get3A_206 = arith.constant 0 : index
    %get3A_207 = vector.load %arg22[%get3A_205, %get3A_206] : memref<4x128xf32, #tpu.memory_space<vmem>>, vector<1x128xf32>
    %reduce_sum3A_208 = vector.shape_cast %mul3A_192 : vector<1024x1xf32> to vector<1x1024x1xf32>
    %reduce_sum3A_209 = arith.constant dense<0.000000e+00> : vector<1xf32>
    %reduce_sum3A_210 = vector.multi_reduction <add>, %reduce_sum3A_208, %reduce_sum3A_209 [1, 2] : vector<1x1024x1xf32> to vector<1xf32>
    %reduce_sum3A_211 = vector.shape_cast %reduce_sum3A_210 : vector<1xf32> to vector<1x1x1xf32>
    %reduce_sum3A_212 = vector.extract %reduce_sum3A_211[0, 0, 0] : f32 from vector<1x1x1xf32>
    %add3A_213 = vector.broadcast %reduce_sum3A_212 : f32 to vector<1x128xf32>
    %add3A_214 = arith.addf %get3A_207, %add3A_213 : vector<1x128xf32>
    %swap3A_215 = arith.constant 0 : index
    %swap3A_216 = arith.constant 0 : index
    %swap3A_217 = vector.load %arg22[%swap3A_215, %swap3A_216] : memref<4x128xf32, #tpu.memory_space<vmem>>, vector<1x128xf32>
    tpu.vector_store %arg22[%swap3A_215, %swap3A_216], %add3A_214 {strides = array<i32>} : memref<4x128xf32, #tpu.memory_space<vmem>>, vector<1x128xf32>,
    %slice3A_218 = vector.extract_strided_slice %dot_general3A_167 {offsets = [0, 1], sizes = [1024, 1], strides = [1, 1]} : vector<1024x4xf32> to vector<1024x1xf32>
    %ge3A_219 = arith.cmpf oge, %slice3A_218, %broadcast_in_dim3A_169 : vector<1024x1xf32>
    %sub3A_220 = arith.constant 1.000000e+00 : f32
    %sub3A_221 = vector.broadcast %sub3A_220 : f32 to vector<1024x1xf32>
    %sub3A_222 = arith.subf %sub3A_221, %add3A_177 : vector<1024x1xf32>
    %jit3A_223 = arith.constant 0.000000e+00 : f32
    %broadcast_in_dim3A_224 = vector.broadcast %jit3A_223 : f32 to vector<1024x1xf32>
    %select_n3A_225 = arith.select %ge3A_219, %sub3A_222, %broadcast_in_dim3A_224 : vector<1024x1xi1>, vector<1024x1xf32>
    %add3A_226 = arith.addf %add3A_177, %select_n3A_225 : vector<1024x1xf32>
    %eq3A_227 = arith.constant 1 : i32
    %eq3A_228 = vector.broadcast %eq3A_227 : i32 to vector<1024x1xi32>
    %eq3A_229 = arith.cmpi eq, %get3A_19, %eq3A_228 : vector<1024x1xi32>
    %jit3A_230 = arith.constant 1.000000e+00 : f32
    %jit3A_231 = arith.constant 0.000000e+00 : f32
    %broadcast_in_dim3A_232 = vector.broadcast %jit3A_230 : f32 to vector<1024x1xf32>
    %broadcast_in_dim3A_233 = vector.broadcast %jit3A_231 : f32 to vector<1024x1xf32>
    %select_n3A_234 = arith.select %eq3A_229, %broadcast_in_dim3A_232, %broadcast_in_dim3A_233 : vector<1024x1xi1>, vector<1024x1xf32>
    %mul3A_235 = arith.mulf %select_n3A_31, %select_n3A_234 : vector<1024x1xf32>
    %sub3A_236 = arith.constant 1.000000e+00 : f32
    %sub3A_237 = vector.broadcast %sub3A_236 : f32 to vector<1024x1xf32>
    %sub3A_238 = arith.subf %sub3A_237, %select_n3A_31 : vector<1024x1xf32>
    %mul3A_239 = arith.mulf %sub3A_238, %select_n3A_225 : vector<1024x1xf32>
    %add3A_240 = arith.addf %mul3A_235, %mul3A_239 : vector<1024x1xf32>
    %mul3A_241 = arith.mulf %add3A_240, %select_n3A : vector<1024x1xf32>
    %get3A_242 = arith.constant 1 : index
    %get3A_243 = arith.constant 0 : index
    %get3A_244 = vector.load %arg21[%get3A_242, %get3A_243] : memref<4x128xf32, #tpu.memory_space<vmem>>, vector<1x128xf32>
    %mul3A_245 = vector.broadcast %mul3A_241 : vector<1024x1xf32> to vector<1024x128xf32>
    %mul3A_246 = arith.mulf %mul3A_8, %mul3A_245 : vector<1024x128xf32>
    %reduce_sum3A_247 = arith.constant dense<0.000000e+00> : vector<128xf32>
    %reduce_sum3A_248 = vector.multi_reduction <add>, %mul3A_246, %reduce_sum3A_247 [0] : vector<1024x128xf32> to vector<128xf32>
    %broadcast_in_dim3A_249 = vector.shape_cast %reduce_sum3A_248 : vector<128xf32> to vector<1x128xf32>
    %add3A_250 = arith.addf %get3A_244, %broadcast_in_dim3A_249 : vector<1x128xf32>
    %swap3A_251 = arith.constant 1 : index
    %swap3A_252 = arith.constant 0 : index
    %swap3A_253 = vector.load %arg21[%swap3A_251, %swap3A_252] : memref<4x128xf32, #tpu.memory_space<vmem>>, vector<1x128xf32>
    tpu.vector_store %arg21[%swap3A_251, %swap3A_252], %add3A_250 {strides = array<i32>} : memref<4x128xf32, #tpu.memory_space<vmem>>, vector<1x128xf32>,
    %get3A_254 = arith.constant 1 : index
    %get3A_255 = arith.constant 0 : index
    %get3A_256 = vector.load %arg22[%get3A_254, %get3A_255] : memref<4x128xf32, #tpu.memory_space<vmem>>, vector<1x128xf32>
    %reduce_sum3A_257 = vector.shape_cast %mul3A_241 : vector<1024x1xf32> to vector<1x1024x1xf32>
    %reduce_sum3A_258 = arith.constant dense<0.000000e+00> : vector<1xf32>
    %reduce_sum3A_259 = vector.multi_reduction <add>, %reduce_sum3A_257, %reduce_sum3A_258 [1, 2] : vector<1x1024x1xf32> to vector<1xf32>
    %reduce_sum3A_260 = vector.shape_cast %reduce_sum3A_259 : vector<1xf32> to vector<1x1x1xf32>
    %reduce_sum3A_261 = vector.extract %reduce_sum3A_260[0, 0, 0] : f32 from vector<1x1x1xf32>
    %add3A_262 = vector.broadcast %reduce_sum3A_261 : f32 to vector<1x128xf32>
    %add3A_263 = arith.addf %get3A_256, %add3A_262 : vector<1x128xf32>
    %swap3A_264 = arith.constant 1 : index
    %swap3A_265 = arith.constant 0 : index
    %swap3A_266 = vector.load %arg22[%swap3A_264, %swap3A_265] : memref<4x128xf32, #tpu.memory_space<vmem>>, vector<1x128xf32>
    tpu.vector_store %arg22[%swap3A_264, %swap3A_265], %add3A_263 {strides = array<i32>} : memref<4x128xf32, #tpu.memory_space<vmem>>, vector<1x128xf32>,
    %slice3A_267 = vector.extract_strided_slice %dot_general3A_167 {offsets = [0, 2], sizes = [1024, 1], strides = [1, 1]} : vector<1024x4xf32> to vector<1024x1xf32>
    %ge3A_268 = arith.cmpf oge, %slice3A_267, %broadcast_in_dim3A_169 : vector<1024x1xf32>
    %sub3A_269 = arith.constant 1.000000e+00 : f32
    %sub3A_270 = vector.broadcast %sub3A_269 : f32 to vector<1024x1xf32>
    %sub3A_271 = arith.subf %sub3A_270, %add3A_226 : vector<1024x1xf32>
    %jit3A_272 = arith.constant 0.000000e+00 : f32
    %broadcast_in_dim3A_273 = vector.broadcast %jit3A_272 : f32 to vector<1024x1xf32>
    %select_n3A_274 = arith.select %ge3A_268, %sub3A_271, %broadcast_in_dim3A_273 : vector<1024x1xi1>, vector<1024x1xf32>
    %add3A_275 = arith.addf %add3A_226, %select_n3A_274 : vector<1024x1xf32>
    %eq3A_276 = arith.constant 2 : i32
    %eq3A_277 = vector.broadcast %eq3A_276 : i32 to vector<1024x1xi32>
    %eq3A_278 = arith.cmpi eq, %get3A_19, %eq3A_277 : vector<1024x1xi32>
    %jit3A_279 = arith.constant 1.000000e+00 : f32
    %jit3A_280 = arith.constant 0.000000e+00 : f32
    %broadcast_in_dim3A_281 = vector.broadcast %jit3A_279 : f32 to vector<1024x1xf32>
    %broadcast_in_dim3A_282 = vector.broadcast %jit3A_280 : f32 to vector<1024x1xf32>
    %select_n3A_283 = arith.select %eq3A_278, %broadcast_in_dim3A_281, %broadcast_in_dim3A_282 : vector<1024x1xi1>, vector<1024x1xf32>
    %mul3A_284 = arith.mulf %select_n3A_31, %select_n3A_283 : vector<1024x1xf32>
    %sub3A_285 = arith.constant 1.000000e+00 : f32
    %sub3A_286 = vector.broadcast %sub3A_285 : f32 to vector<1024x1xf32>
    %sub3A_287 = arith.subf %sub3A_286, %select_n3A_31 : vector<1024x1xf32>
    %mul3A_288 = arith.mulf %sub3A_287, %select_n3A_274 : vector<1024x1xf32>
    %add3A_289 = arith.addf %mul3A_284, %mul3A_288 : vector<1024x1xf32>
    %mul3A_290 = arith.mulf %add3A_289, %select_n3A : vector<1024x1xf32>
    %get3A_291 = arith.constant 2 : index
    %get3A_292 = arith.constant 0 : index
    %get3A_293 = vector.load %arg21[%get3A_291, %get3A_292] : memref<4x128xf32, #tpu.memory_space<vmem>>, vector<1x128xf32>
    %mul3A_294 = vector.broadcast %mul3A_290 : vector<1024x1xf32> to vector<1024x128xf32>
    %mul3A_295 = arith.mulf %mul3A_8, %mul3A_294 : vector<1024x128xf32>
    %reduce_sum3A_296 = arith.constant dense<0.000000e+00> : vector<128xf32>
    %reduce_sum3A_297 = vector.multi_reduction <add>, %mul3A_295, %reduce_sum3A_296 [0] : vector<1024x128xf32> to vector<128xf32>
    %broadcast_in_dim3A_298 = vector.shape_cast %reduce_sum3A_297 : vector<128xf32> to vector<1x128xf32>
    %add3A_299 = arith.addf %get3A_293, %broadcast_in_dim3A_298 : vector<1x128xf32>
    %swap3A_300 = arith.constant 2 : index
    %swap3A_301 = arith.constant 0 : index
    %swap3A_302 = vector.load %arg21[%swap3A_300, %swap3A_301] : memref<4x128xf32, #tpu.memory_space<vmem>>, vector<1x128xf32>
    tpu.vector_store %arg21[%swap3A_300, %swap3A_301], %add3A_299 {strides = array<i32>} : memref<4x128xf32, #tpu.memory_space<vmem>>, vector<1x128xf32>,
    %get3A_303 = arith.constant 2 : index
    %get3A_304 = arith.constant 0 : index
    %get3A_305 = vector.load %arg22[%get3A_303, %get3A_304] : memref<4x128xf32, #tpu.memory_space<vmem>>, vector<1x128xf32>
    %reduce_sum3A_306 = vector.shape_cast %mul3A_290 : vector<1024x1xf32> to vector<1x1024x1xf32>
    %reduce_sum3A_307 = arith.constant dense<0.000000e+00> : vector<1xf32>
    %reduce_sum3A_308 = vector.multi_reduction <add>, %reduce_sum3A_306, %reduce_sum3A_307 [1, 2] : vector<1x1024x1xf32> to vector<1xf32>
    %reduce_sum3A_309 = vector.shape_cast %reduce_sum3A_308 : vector<1xf32> to vector<1x1x1xf32>
    %reduce_sum3A_310 = vector.extract %reduce_sum3A_309[0, 0, 0] : f32 from vector<1x1x1xf32>
    %add3A_311 = vector.broadcast %reduce_sum3A_310 : f32 to vector<1x128xf32>
    %add3A_312 = arith.addf %get3A_305, %add3A_311 : vector<1x128xf32>
    %swap3A_313 = arith.constant 2 : index
    %swap3A_314 = arith.constant 0 : index
    %swap3A_315 = vector.load %arg22[%swap3A_313, %swap3A_314] : memref<4x128xf32, #tpu.memory_space<vmem>>, vector<1x128xf32>
    tpu.vector_store %arg22[%swap3A_313, %swap3A_314], %add3A_312 {strides = array<i32>} : memref<4x128xf32, #tpu.memory_space<vmem>>, vector<1x128xf32>,
    %slice3A_316 = vector.extract_strided_slice %dot_general3A_167 {offsets = [0, 3], sizes = [1024, 1], strides = [1, 1]} : vector<1024x4xf32> to vector<1024x1xf32>
    %ge3A_317 = arith.cmpf oge, %slice3A_316, %broadcast_in_dim3A_169 : vector<1024x1xf32>
    %sub3A_318 = arith.constant 1.000000e+00 : f32
    %sub3A_319 = vector.broadcast %sub3A_318 : f32 to vector<1024x1xf32>
    %sub3A_320 = arith.subf %sub3A_319, %add3A_275 : vector<1024x1xf32>
    %jit3A_321 = arith.constant 0.000000e+00 : f32
    %broadcast_in_dim3A_322 = vector.broadcast %jit3A_321 : f32 to vector<1024x1xf32>
    %select_n3A_323 = arith.select %ge3A_317, %sub3A_320, %broadcast_in_dim3A_322 : vector<1024x1xi1>, vector<1024x1xf32>
    %eq3A_324 = arith.constant 3 : i32
    %eq3A_325 = vector.broadcast %eq3A_324 : i32 to vector<1024x1xi32>
    %eq3A_326 = arith.cmpi eq, %get3A_19, %eq3A_325 : vector<1024x1xi32>
    %jit3A_327 = arith.constant 1.000000e+00 : f32
    %jit3A_328 = arith.constant 0.000000e+00 : f32
    %broadcast_in_dim3A_329 = vector.broadcast %jit3A_327 : f32 to vector<1024x1xf32>
    %broadcast_in_dim3A_330 = vector.broadcast %jit3A_328 : f32 to vector<1024x1xf32>
    %select_n3A_331 = arith.select %eq3A_326, %broadcast_in_dim3A_329, %broadcast_in_dim3A_330 : vector<1024x1xi1>, vector<1024x1xf32>
    %mul3A_332 = arith.mulf %select_n3A_31, %select_n3A_331 : vector<1024x1xf32>
    %sub3A_333 = arith.constant 1.000000e+00 : f32
    %sub3A_334 = vector.broadcast %sub3A_333 : f32 to vector<1024x1xf32>
    %sub3A_335 = arith.subf %sub3A_334, %select_n3A_31 : vector<1024x1xf32>
    %mul3A_336 = arith.mulf %sub3A_335, %select_n3A_323 : vector<1024x1xf32>
    %add3A_337 = arith.addf %mul3A_332, %mul3A_336 : vector<1024x1xf32>
    %mul3A_338 = arith.mulf %add3A_337, %select_n3A : vector<1024x1xf32>
    %get3A_339 = arith.constant 3 : index
    %get3A_340 = arith.constant 0 : index
    %get3A_341 = vector.load %arg21[%get3A_339, %get3A_340] : memref<4x128xf32, #tpu.memory_space<vmem>>, vector<1x128xf32>
    %mul3A_342 = vector.broadcast %mul3A_338 : vector<1024x1xf32> to vector<1024x128xf32>
    %mul3A_343 = arith.mulf %mul3A_8, %mul3A_342 : vector<1024x128xf32>
    %reduce_sum3A_344 = arith.constant dense<0.000000e+00> : vector<128xf32>
    %reduce_sum3A_345 = vector.multi_reduction <add>, %mul3A_343, %reduce_sum3A_344 [0] : vector<1024x128xf32> to vector<128xf32>
    %broadcast_in_dim3A_346 = vector.shape_cast %reduce_sum3A_345 : vector<128xf32> to vector<1x128xf32>
    %add3A_347 = arith.addf %get3A_341, %broadcast_in_dim3A_346 : vector<1x128xf32>
    %swap3A_348 = arith.constant 3 : index
    %swap3A_349 = arith.constant 0 : index
    %swap3A_350 = vector.load %arg21[%swap3A_348, %swap3A_349] : memref<4x128xf32, #tpu.memory_space<vmem>>, vector<1x128xf32>
    tpu.vector_store %arg21[%swap3A_348, %swap3A_349], %add3A_347 {strides = array<i32>} : memref<4x128xf32, #tpu.memory_space<vmem>>, vector<1x128xf32>,
    %get3A_351 = arith.constant 3 : index
    %get3A_352 = arith.constant 0 : index
    %get3A_353 = vector.load %arg22[%get3A_351, %get3A_352] : memref<4x128xf32, #tpu.memory_space<vmem>>, vector<1x128xf32>
    %reduce_sum3A_354 = vector.shape_cast %mul3A_338 : vector<1024x1xf32> to vector<1x1024x1xf32>
    %reduce_sum3A_355 = arith.constant dense<0.000000e+00> : vector<1xf32>
    %reduce_sum3A_356 = vector.multi_reduction <add>, %reduce_sum3A_354, %reduce_sum3A_355 [1, 2] : vector<1x1024x1xf32> to vector<1xf32>
    %reduce_sum3A_357 = vector.shape_cast %reduce_sum3A_356 : vector<1xf32> to vector<1x1x1xf32>
    %reduce_sum3A_358 = vector.extract %reduce_sum3A_357[0, 0, 0] : f32 from vector<1x1x1xf32>
    %add3A_359 = vector.broadcast %reduce_sum3A_358 : f32 to vector<1x128xf32>
    %add3A_360 = arith.addf %get3A_353, %add3A_359 : vector<1x128xf32>
    %swap3A_361 = arith.constant 3 : index
    %swap3A_362 = arith.constant 0 : index
    %swap3A_363 = vector.load %arg22[%swap3A_361, %swap3A_362] : memref<4x128xf32, #tpu.memory_space<vmem>>, vector<1x128xf32>
    tpu.vector_store %arg22[%swap3A_361, %swap3A_362], %add3A_360 {strides = array<i32>} : memref<4x128xf32, #tpu.memory_space<vmem>>, vector<1x128xf32>,
    %eq3A_364 = arith.constant 9 : i32
    %eq3A_365 = arith.cmpi eq, %arg0, %eq3A_364 : i32
    %convert_element_type3A_366 = arith.extui %eq3A_365 : i1 to i32
    %cond3A_367 = arith.constant 0 : i32
    %cond3A_368 = arith.cmpi ne, %convert_element_type3A_366, %cond3A_367 : i32
    scf.if %cond3A_368 {
      %get3A_369 = arith.constant 0 : index
      %get3A_370 = arith.constant 0 : index
      %get3A_371 = vector.load %arg19[%get3A_369, %get3A_370] : memref<4x128xf32, #tpu.memory_space<vmem>>, vector<4x128xf32>
      %get3A_372 = arith.constant 0 : index
      %get3A_373 = arith.constant 0 : index
      %get3A_374 = vector.load %arg20[%get3A_372, %get3A_373] : memref<4x128xf32, #tpu.memory_space<vmem>>, vector<4x128xf32>
      %max3A = arith.constant 1.000000e+00 : f32
      %max3A_375 = vector.broadcast %max3A : f32 to vector<4x128xf32>
      %max3A_376 = arith.maximumf %get3A_374, %max3A_375 : vector<4x128xf32>
      %div3A_377 = arith.divf %get3A_371, %max3A_376 : vector<4x128xf32>
      %get3A_378 = arith.constant 0 : index
      %get3A_379 = arith.constant 0 : index
      %get3A_380 = vector.load %arg21[%get3A_378, %get3A_379] : memref<4x128xf32, #tpu.memory_space<vmem>>, vector<4x128xf32>
      %get3A_381 = arith.constant 0 : index
      %get3A_382 = arith.constant 0 : index
      %get3A_383 = vector.load %arg22[%get3A_381, %get3A_382] : memref<4x128xf32, #tpu.memory_space<vmem>>, vector<4x128xf32>
      %max3A_384 = arith.constant 1.000000e+00 : f32
      %max3A_385 = vector.broadcast %max3A_384 : f32 to vector<4x128xf32>
      %max3A_386 = arith.maximumf %get3A_383, %max3A_385 : vector<4x128xf32>
      %div3A_387 = arith.divf %get3A_380, %max3A_386 : vector<4x128xf32>
      %concatenate3A = tpu.concatenate %div3A_377, %div3A_387 in 0 : vector<4x128xf32>, vector<4x128xf32> -> vector<8x128xf32>
      %get3A_388 = arith.constant 0 : index
      %get3A_389 = arith.constant 0 : index
      %get3A_390 = vector.load %arg17[%get3A_388, %get3A_389] : memref<512x128xf32, #tpu.memory_space<vmem>>, vector<512x128xf32>
      %get3A_391 = arith.constant 0 : index
      %get3A_392 = arith.constant 0 : index
      %get3A_393 = vector.load %arg7[%get3A_391, %get3A_392] : memref<4x128xf32, #tpu.memory_space<vmem>>, vector<4x128xf32>
      %get3A_394 = arith.constant 0 : index
      %get3A_395 = arith.constant 0 : index
      %get3A_396 = vector.load %arg6[%get3A_394, %get3A_395] : memref<4x128xf32, #tpu.memory_space<vmem>>, vector<4x128xf32>
      %get3A_397 = arith.constant 0 : index
      %get3A_398 = arith.constant 0 : index
      %get3A_399 = vector.load %arg12[%get3A_397, %get3A_398] : memref<128x128xf32, #tpu.memory_space<vmem>>, vector<128x128xf32>
      %get3A_400 = arith.constant 0 : index
      %get3A_401 = arith.constant 0 : index
      %get3A_402 = vector.load %arg13[%get3A_400, %get3A_401] : memref<1x128xf32, #tpu.memory_space<vmem>>, vector<1x128xf32>
      %get3A_403 = arith.constant 0 : index
      %get3A_404 = arith.constant 0 : index
      %get3A_405 = vector.load %arg14[%get3A_403, %get3A_404] : memref<128x3xf32, #tpu.memory_space<vmem>>, vector<128x3xf32>
      %get3A_406 = arith.constant 0 : index
      %get3A_407 = arith.constant 0 : index
      %get3A_408 = vector.load %arg15[%get3A_406, %get3A_407] : memref<1x3xf32, #tpu.memory_space<vmem>>, vector<1x3xf32>
      %get3A_409 = arith.constant 0 : index
      %get3A_410 = arith.constant 0 : index
      %get3A_411 = vector.load %arg8[%get3A_409, %get3A_410] : memref<128x128xf32, #tpu.memory_space<vmem>>, vector<128x128xf32>
      %get3A_412 = arith.constant 0 : index
      %get3A_413 = arith.constant 0 : index
      %get3A_414 = vector.load %arg9[%get3A_412, %get3A_413] : memref<1x128xf32, #tpu.memory_space<vmem>>, vector<1x128xf32>
      %get3A_415 = arith.constant 0 : index
      %get3A_416 = arith.constant 0 : index
      %get3A_417 = vector.load %arg10[%get3A_415, %get3A_416] : memref<128x4xf32, #tpu.memory_space<vmem>>, vector<128x4xf32>
      %get3A_418 = arith.constant 0 : index
      %get3A_419 = arith.constant 0 : index
      %get3A_420 = vector.load %arg11[%get3A_418, %get3A_419] : memref<1x4xf32, #tpu.memory_space<vmem>>, vector<1x4xf32>
      %slice3A_421 = vector.extract_strided_slice %concatenate3A {offsets = [0, 0], sizes = [1, 128], strides = [1, 1]} : vector<8x128xf32> to vector<1x128xf32>
      %sub3A_422 = vector.broadcast %slice3A_421 : vector<1x128xf32> to vector<512x128xf32>
      %sub3A_423 = arith.subf %get3A_390, %sub3A_422 : vector<512x128xf32>
      %mul3A_424 = vector.broadcast %slice3A_421 : vector<1x128xf32> to vector<512x128xf32>
      %mul3A_425 = arith.mulf %get3A_390, %mul3A_424 : vector<512x128xf32>
      %add3A_426 = arith.addf %sub3A_423, %mul3A_425 : vector<512x128xf32>
      %dot_general3A_427 = arith.constant dense<0.000000e+00> : vector<512x4xf32>
      %dot_general3A_428 = tpu.matmul %add3A_426, %get3A_393, %dot_general3A_427 {dimension_numbers = #tpu.dot_dimension_numbers<[1], [1], [0], [0], [0, 0, 1, 0], [], []>, transpose_lhs_hint = false} : vector<512x128xf32>, vector<4x128xf32>, vector<512x4xf32> -> vector<512x4xf32>
      %reduce_max3A_429 = arith.constant dense<0xFF800000> : vector<512xf32>
      %reduce_max3A_430 = vector.multi_reduction <maximumf>, %dot_general3A_428, %reduce_max3A_429 [1] : vector<512x4xf32> to vector<512xf32>
      %broadcast_in_dim3A_431 = vector.shape_cast %reduce_max3A_430 : vector<512xf32> to vector<512x1xf32>
      %sub3A_432 = vector.broadcast %broadcast_in_dim3A_431 : vector<512x1xf32> to vector<512x4xf32>
      %sub3A_433 = arith.subf %dot_general3A_428, %sub3A_432 : vector<512x4xf32>
      %exp3A = math.exp %sub3A_433 : vector<512x4xf32>
      %reduce_sum3A_434 = arith.constant dense<0.000000e+00> : vector<512xf32>
      %reduce_sum3A_435 = vector.multi_reduction <add>, %exp3A, %reduce_sum3A_434 [1] : vector<512x4xf32> to vector<512xf32>
      %broadcast_in_dim3A_436 = vector.shape_cast %reduce_sum3A_435 : vector<512xf32> to vector<512x1xf32>
      %div3A_437 = vector.broadcast %broadcast_in_dim3A_436 : vector<512x1xf32> to vector<512x4xf32>
      %div3A_438 = arith.divf %exp3A, %div3A_437 : vector<512x4xf32>
      %dot_general3A_439 = arith.constant dense<0.000000e+00> : vector<512x128xf32>
      %dot_general3A_440 = tpu.matmul %div3A_438, %get3A_393, %dot_general3A_439 {dimension_numbers = #tpu.dot_dimension_numbers<[1], [0], [0], [1], [0, 0, 1, 1], [], []>, transpose_lhs_hint = false} : vector<512x4xf32>, vector<4x128xf32>, vector<512x128xf32> -> vector<512x128xf32>
      %add3A_441 = arith.addf %add3A_426, %dot_general3A_440 : vector<512x128xf32>
      %dot_general3A_442 = arith.constant dense<0.000000e+00> : vector<512x128xf32>
      %dot_general3A_443 = tpu.matmul %add3A_441, %get3A_399, %dot_general3A_442 {dimension_numbers = #tpu.dot_dimension_numbers<[1], [0], [0], [1], [0, 0, 1, 1], [], []>, transpose_lhs_hint = false} : vector<512x128xf32>, vector<128x128xf32>, vector<512x128xf32> -> vector<512x128xf32>
      %add3A_444 = vector.broadcast %get3A_402 : vector<1x128xf32> to vector<512x128xf32>
      %add3A_445 = arith.addf %dot_general3A_443, %add3A_444 : vector<512x128xf32>
      %max3A_446 = arith.constant 0.000000e+00 : f32
      %max3A_447 = vector.broadcast %max3A_446 : f32 to vector<512x128xf32>
      %max3A_448 = arith.maximumf %add3A_445, %max3A_447 : vector<512x128xf32>
      %dot_general3A_449 = arith.constant dense<0.000000e+00> : vector<512x3xf32>
      %dot_general3A_450 = tpu.matmul %max3A_448, %get3A_405, %dot_general3A_449 {dimension_numbers = #tpu.dot_dimension_numbers<[1], [0], [0], [1], [0, 0, 1, 1], [], []>, transpose_lhs_hint = false} : vector<512x128xf32>, vector<128x3xf32>, vector<512x3xf32> -> vector<512x3xf32>
      %add3A_451 = vector.broadcast %get3A_408 : vector<1x3xf32> to vector<512x3xf32>
      %add3A_452 = arith.addf %dot_general3A_450, %add3A_451 : vector<512x3xf32>
      %reduce_max3A_453 = arith.constant dense<0xFF800000> : vector<512xf32>
      %reduce_max3A_454 = vector.multi_reduction <maximumf>, %add3A_452, %reduce_max3A_453 [1] : vector<512x3xf32> to vector<512xf32>
      %broadcast_in_dim3A_455 = vector.shape_cast %reduce_max3A_454 : vector<512xf32> to vector<512x1xf32>
      %sub3A_456 = vector.broadcast %broadcast_in_dim3A_455 : vector<512x1xf32> to vector<512x3xf32>
      %sub3A_457 = arith.subf %add3A_452, %sub3A_456 : vector<512x3xf32>
      %exp3A_458 = math.exp %sub3A_457 : vector<512x3xf32>
      %reduce_sum3A_459 = arith.constant dense<0.000000e+00> : vector<512xf32>
      %reduce_sum3A_460 = vector.multi_reduction <add>, %exp3A_458, %reduce_sum3A_459 [1] : vector<512x3xf32> to vector<512xf32>
      %broadcast_in_dim3A_461 = vector.shape_cast %reduce_sum3A_460 : vector<512xf32> to vector<512x1xf32>
      %div3A_462 = vector.broadcast %broadcast_in_dim3A_461 : vector<512x1xf32> to vector<512x3xf32>
      %div3A_463 = arith.divf %exp3A_458, %div3A_462 : vector<512x3xf32>
      %dot_general3A_464 = arith.constant dense<0.000000e+00> : vector<512x4xf32>
      %dot_general3A_465 = tpu.matmul %add3A_426, %get3A_396, %dot_general3A_464 {dimension_numbers = #tpu.dot_dimension_numbers<[1], [1], [0], [0], [0, 0, 1, 0], [], []>, transpose_lhs_hint = false} : vector<512x128xf32>, vector<4x128xf32>, vector<512x4xf32> -> vector<512x4xf32>
      %reduce_max3A_466 = arith.constant dense<0xFF800000> : vector<512xf32>
      %reduce_max3A_467 = vector.multi_reduction <maximumf>, %dot_general3A_465, %reduce_max3A_466 [1] : vector<512x4xf32> to vector<512xf32>
      %broadcast_in_dim3A_468 = vector.shape_cast %reduce_max3A_467 : vector<512xf32> to vector<512x1xf32>
      %sub3A_469 = vector.broadcast %broadcast_in_dim3A_468 : vector<512x1xf32> to vector<512x4xf32>
      %sub3A_470 = arith.subf %dot_general3A_465, %sub3A_469 : vector<512x4xf32>
      %exp3A_471 = math.exp %sub3A_470 : vector<512x4xf32>
      %reduce_sum3A_472 = arith.constant dense<0.000000e+00> : vector<512xf32>
      %reduce_sum3A_473 = vector.multi_reduction <add>, %exp3A_471, %reduce_sum3A_472 [1] : vector<512x4xf32> to vector<512xf32>
      %broadcast_in_dim3A_474 = vector.shape_cast %reduce_sum3A_473 : vector<512xf32> to vector<512x1xf32>
      %div3A_475 = vector.broadcast %broadcast_in_dim3A_474 : vector<512x1xf32> to vector<512x4xf32>
      %div3A_476 = arith.divf %exp3A_471, %div3A_475 : vector<512x4xf32>
      %dot_general3A_477 = arith.constant dense<0.000000e+00> : vector<512x128xf32>
      %dot_general3A_478 = tpu.matmul %div3A_476, %get3A_396, %dot_general3A_477 {dimension_numbers = #tpu.dot_dimension_numbers<[1], [0], [0], [1], [0, 0, 1, 1], [], []>, transpose_lhs_hint = false} : vector<512x4xf32>, vector<4x128xf32>, vector<512x128xf32> -> vector<512x128xf32>
      %add3A_479 = arith.addf %add3A_426, %dot_general3A_478 : vector<512x128xf32>
      %abs3A = math.absf %add3A_479 : vector<512x128xf32>
      %dot_general3A_480 = arith.constant dense<0.000000e+00> : vector<512x128xf32>
      %dot_general3A_481 = tpu.matmul %abs3A, %get3A_411, %dot_general3A_480 {dimension_numbers = #tpu.dot_dimension_numbers<[1], [0], [0], [1], [0, 0, 1, 1], [], []>, transpose_lhs_hint = false} : vector<512x128xf32>, vector<128x128xf32>, vector<512x128xf32> -> vector<512x128xf32>
      %add3A_482 = vector.broadcast %get3A_414 : vector<1x128xf32> to vector<512x128xf32>
      %add3A_483 = arith.addf %dot_general3A_481, %add3A_482 : vector<512x128xf32>
      %max3A_484 = arith.constant 0.000000e+00 : f32
      %max3A_485 = vector.broadcast %max3A_484 : f32 to vector<512x128xf32>
      %max3A_486 = arith.maximumf %add3A_483, %max3A_485 : vector<512x128xf32>
      %dot_general3A_487 = arith.constant dense<0.000000e+00> : vector<512x4xf32>
      %dot_general3A_488 = tpu.matmul %max3A_486, %get3A_417, %dot_general3A_487 {dimension_numbers = #tpu.dot_dimension_numbers<[1], [0], [0], [1], [0, 0, 1, 1], [], []>, transpose_lhs_hint = false} : vector<512x128xf32>, vector<128x4xf32>, vector<512x4xf32> -> vector<512x4xf32>
      %add3A_489 = vector.broadcast %get3A_420 : vector<1x4xf32> to vector<512x4xf32>
      %add3A_490 = arith.addf %dot_general3A_488, %add3A_489 : vector<512x4xf32>
      %slice3A_491 = vector.extract_strided_slice %concatenate3A {offsets = [1, 0], sizes = [1, 128], strides = [1, 1]} : vector<8x128xf32> to vector<1x128xf32>
      %sub3A_492 = vector.broadcast %slice3A_491 : vector<1x128xf32> to vector<512x128xf32>
      %sub3A_493 = arith.subf %get3A_390, %sub3A_492 : vector<512x128xf32>
      %mul3A_494 = vector.broadcast %slice3A_491 : vector<1x128xf32> to vector<512x128xf32>
      %mul3A_495 = arith.mulf %get3A_390, %mul3A_494 : vector<512x128xf32>
      %add3A_496 = arith.addf %sub3A_493, %mul3A_495 : vector<512x128xf32>
      %dot_general3A_497 = arith.constant dense<0.000000e+00> : vector<512x4xf32>
      %dot_general3A_498 = tpu.matmul %add3A_496, %get3A_393, %dot_general3A_497 {dimension_numbers = #tpu.dot_dimension_numbers<[1], [1], [0], [0], [0, 0, 1, 0], [], []>, transpose_lhs_hint = false} : vector<512x128xf32>, vector<4x128xf32>, vector<512x4xf32> -> vector<512x4xf32>
      %reduce_max3A_499 = arith.constant dense<0xFF800000> : vector<512xf32>
      %reduce_max3A_500 = vector.multi_reduction <maximumf>, %dot_general3A_498, %reduce_max3A_499 [1] : vector<512x4xf32> to vector<512xf32>
      %broadcast_in_dim3A_501 = vector.shape_cast %reduce_max3A_500 : vector<512xf32> to vector<512x1xf32>
      %sub3A_502 = vector.broadcast %broadcast_in_dim3A_501 : vector<512x1xf32> to vector<512x4xf32>
      %sub3A_503 = arith.subf %dot_general3A_498, %sub3A_502 : vector<512x4xf32>
      %exp3A_504 = math.exp %sub3A_503 : vector<512x4xf32>
      %reduce_sum3A_505 = arith.constant dense<0.000000e+00> : vector<512xf32>
      %reduce_sum3A_506 = vector.multi_reduction <add>, %exp3A_504, %reduce_sum3A_505 [1] : vector<512x4xf32> to vector<512xf32>
      %broadcast_in_dim3A_507 = vector.shape_cast %reduce_sum3A_506 : vector<512xf32> to vector<512x1xf32>
      %div3A_508 = vector.broadcast %broadcast_in_dim3A_507 : vector<512x1xf32> to vector<512x4xf32>
      %div3A_509 = arith.divf %exp3A_504, %div3A_508 : vector<512x4xf32>
      %dot_general3A_510 = arith.constant dense<0.000000e+00> : vector<512x128xf32>
      %dot_general3A_511 = tpu.matmul %div3A_509, %get3A_393, %dot_general3A_510 {dimension_numbers = #tpu.dot_dimension_numbers<[1], [0], [0], [1], [0, 0, 1, 1], [], []>, transpose_lhs_hint = false} : vector<512x4xf32>, vector<4x128xf32>, vector<512x128xf32> -> vector<512x128xf32>
      %add3A_512 = arith.addf %add3A_496, %dot_general3A_511 : vector<512x128xf32>
      %dot_general3A_513 = arith.constant dense<0.000000e+00> : vector<512x128xf32>
      %dot_general3A_514 = tpu.matmul %add3A_512, %get3A_399, %dot_general3A_513 {dimension_numbers = #tpu.dot_dimension_numbers<[1], [0], [0], [1], [0, 0, 1, 1], [], []>, transpose_lhs_hint = false} : vector<512x128xf32>, vector<128x128xf32>, vector<512x128xf32> -> vector<512x128xf32>
      %add3A_515 = vector.broadcast %get3A_402 : vector<1x128xf32> to vector<512x128xf32>
      %add3A_516 = arith.addf %dot_general3A_514, %add3A_515 : vector<512x128xf32>
      %max3A_517 = arith.constant 0.000000e+00 : f32
      %max3A_518 = vector.broadcast %max3A_517 : f32 to vector<512x128xf32>
      %max3A_519 = arith.maximumf %add3A_516, %max3A_518 : vector<512x128xf32>
      %dot_general3A_520 = arith.constant dense<0.000000e+00> : vector<512x3xf32>
      %dot_general3A_521 = tpu.matmul %max3A_519, %get3A_405, %dot_general3A_520 {dimension_numbers = #tpu.dot_dimension_numbers<[1], [0], [0], [1], [0, 0, 1, 1], [], []>, transpose_lhs_hint = false} : vector<512x128xf32>, vector<128x3xf32>, vector<512x3xf32> -> vector<512x3xf32>
      %add3A_522 = vector.broadcast %get3A_408 : vector<1x3xf32> to vector<512x3xf32>
      %add3A_523 = arith.addf %dot_general3A_521, %add3A_522 : vector<512x3xf32>
      %reduce_max3A_524 = arith.constant dense<0xFF800000> : vector<512xf32>
      %reduce_max3A_525 = vector.multi_reduction <maximumf>, %add3A_523, %reduce_max3A_524 [1] : vector<512x3xf32> to vector<512xf32>
      %broadcast_in_dim3A_526 = vector.shape_cast %reduce_max3A_525 : vector<512xf32> to vector<512x1xf32>
      %sub3A_527 = vector.broadcast %broadcast_in_dim3A_526 : vector<512x1xf32> to vector<512x3xf32>
      %sub3A_528 = arith.subf %add3A_523, %sub3A_527 : vector<512x3xf32>
      %exp3A_529 = math.exp %sub3A_528 : vector<512x3xf32>
      %reduce_sum3A_530 = arith.constant dense<0.000000e+00> : vector<512xf32>
      %reduce_sum3A_531 = vector.multi_reduction <add>, %exp3A_529, %reduce_sum3A_530 [1] : vector<512x3xf32> to vector<512xf32>
      %broadcast_in_dim3A_532 = vector.shape_cast %reduce_sum3A_531 : vector<512xf32> to vector<512x1xf32>
      %div3A_533 = vector.broadcast %broadcast_in_dim3A_532 : vector<512x1xf32> to vector<512x3xf32>
      %div3A_534 = arith.divf %exp3A_529, %div3A_533 : vector<512x3xf32>
      %dot_general3A_535 = arith.constant dense<0.000000e+00> : vector<512x4xf32>
      %dot_general3A_536 = tpu.matmul %add3A_496, %get3A_396, %dot_general3A_535 {dimension_numbers = #tpu.dot_dimension_numbers<[1], [1], [0], [0], [0, 0, 1, 0], [], []>, transpose_lhs_hint = false} : vector<512x128xf32>, vector<4x128xf32>, vector<512x4xf32> -> vector<512x4xf32>
      %reduce_max3A_537 = arith.constant dense<0xFF800000> : vector<512xf32>
      %reduce_max3A_538 = vector.multi_reduction <maximumf>, %dot_general3A_536, %reduce_max3A_537 [1] : vector<512x4xf32> to vector<512xf32>
      %broadcast_in_dim3A_539 = vector.shape_cast %reduce_max3A_538 : vector<512xf32> to vector<512x1xf32>
      %sub3A_540 = vector.broadcast %broadcast_in_dim3A_539 : vector<512x1xf32> to vector<512x4xf32>
      %sub3A_541 = arith.subf %dot_general3A_536, %sub3A_540 : vector<512x4xf32>
      %exp3A_542 = math.exp %sub3A_541 : vector<512x4xf32>
      %reduce_sum3A_543 = arith.constant dense<0.000000e+00> : vector<512xf32>
      %reduce_sum3A_544 = vector.multi_reduction <add>, %exp3A_542, %reduce_sum3A_543 [1] : vector<512x4xf32> to vector<512xf32>
      %broadcast_in_dim3A_545 = vector.shape_cast %reduce_sum3A_544 : vector<512xf32> to vector<512x1xf32>
      %div3A_546 = vector.broadcast %broadcast_in_dim3A_545 : vector<512x1xf32> to vector<512x4xf32>
      %div3A_547 = arith.divf %exp3A_542, %div3A_546 : vector<512x4xf32>
      %dot_general3A_548 = arith.constant dense<0.000000e+00> : vector<512x128xf32>
      %dot_general3A_549 = tpu.matmul %div3A_547, %get3A_396, %dot_general3A_548 {dimension_numbers = #tpu.dot_dimension_numbers<[1], [0], [0], [1], [0, 0, 1, 1], [], []>, transpose_lhs_hint = false} : vector<512x4xf32>, vector<4x128xf32>, vector<512x128xf32> -> vector<512x128xf32>
      %add3A_550 = arith.addf %add3A_496, %dot_general3A_549 : vector<512x128xf32>
      %abs3A_551 = math.absf %add3A_550 : vector<512x128xf32>
      %dot_general3A_552 = arith.constant dense<0.000000e+00> : vector<512x128xf32>
      %dot_general3A_553 = tpu.matmul %abs3A_551, %get3A_411, %dot_general3A_552 {dimension_numbers = #tpu.dot_dimension_numbers<[1], [0], [0], [1], [0, 0, 1, 1], [], []>, transpose_lhs_hint = false} : vector<512x128xf32>, vector<128x128xf32>, vector<512x128xf32> -> vector<512x128xf32>
      %add3A_554 = vector.broadcast %get3A_414 : vector<1x128xf32> to vector<512x128xf32>
      %add3A_555 = arith.addf %dot_general3A_553, %add3A_554 : vector<512x128xf32>
      %max3A_556 = arith.constant 0.000000e+00 : f32
      %max3A_557 = vector.broadcast %max3A_556 : f32 to vector<512x128xf32>
      %max3A_558 = arith.maximumf %add3A_555, %max3A_557 : vector<512x128xf32>
      %dot_general3A_559 = arith.constant dense<0.000000e+00> : vector<512x4xf32>
      %dot_general3A_560 = tpu.matmul %max3A_558, %get3A_417, %dot_general3A_559 {dimension_numbers = #tpu.dot_dimension_numbers<[1], [0], [0], [1], [0, 0, 1, 1], [], []>, transpose_lhs_hint = false} : vector<512x128xf32>, vector<128x4xf32>, vector<512x4xf32> -> vector<512x4xf32>
      %add3A_561 = vector.broadcast %get3A_420 : vector<1x4xf32> to vector<512x4xf32>
      %add3A_562 = arith.addf %dot_general3A_560, %add3A_561 : vector<512x4xf32>
      %slice3A_563 = vector.extract_strided_slice %concatenate3A {offsets = [2, 0], sizes = [1, 128], strides = [1, 1]} : vector<8x128xf32> to vector<1x128xf32>
      %sub3A_564 = vector.broadcast %slice3A_563 : vector<1x128xf32> to vector<512x128xf32>
      %sub3A_565 = arith.subf %get3A_390, %sub3A_564 : vector<512x128xf32>
      %mul3A_566 = vector.broadcast %slice3A_563 : vector<1x128xf32> to vector<512x128xf32>
      %mul3A_567 = arith.mulf %get3A_390, %mul3A_566 : vector<512x128xf32>
      %add3A_568 = arith.addf %sub3A_565, %mul3A_567 : vector<512x128xf32>
      %dot_general3A_569 = arith.constant dense<0.000000e+00> : vector<512x4xf32>
      %dot_general3A_570 = tpu.matmul %add3A_568, %get3A_393, %dot_general3A_569 {dimension_numbers = #tpu.dot_dimension_numbers<[1], [1], [0], [0], [0, 0, 1, 0], [], []>, transpose_lhs_hint = false} : vector<512x128xf32>, vector<4x128xf32>, vector<512x4xf32> -> vector<512x4xf32>
      %reduce_max3A_571 = arith.constant dense<0xFF800000> : vector<512xf32>
      %reduce_max3A_572 = vector.multi_reduction <maximumf>, %dot_general3A_570, %reduce_max3A_571 [1] : vector<512x4xf32> to vector<512xf32>
      %broadcast_in_dim3A_573 = vector.shape_cast %reduce_max3A_572 : vector<512xf32> to vector<512x1xf32>
      %sub3A_574 = vector.broadcast %broadcast_in_dim3A_573 : vector<512x1xf32> to vector<512x4xf32>
      %sub3A_575 = arith.subf %dot_general3A_570, %sub3A_574 : vector<512x4xf32>
      %exp3A_576 = math.exp %sub3A_575 : vector<512x4xf32>
      %reduce_sum3A_577 = arith.constant dense<0.000000e+00> : vector<512xf32>
      %reduce_sum3A_578 = vector.multi_reduction <add>, %exp3A_576, %reduce_sum3A_577 [1] : vector<512x4xf32> to vector<512xf32>
      %broadcast_in_dim3A_579 = vector.shape_cast %reduce_sum3A_578 : vector<512xf32> to vector<512x1xf32>
      %div3A_580 = vector.broadcast %broadcast_in_dim3A_579 : vector<512x1xf32> to vector<512x4xf32>
      %div3A_581 = arith.divf %exp3A_576, %div3A_580 : vector<512x4xf32>
      %dot_general3A_582 = arith.constant dense<0.000000e+00> : vector<512x128xf32>
      %dot_general3A_583 = tpu.matmul %div3A_581, %get3A_393, %dot_general3A_582 {dimension_numbers = #tpu.dot_dimension_numbers<[1], [0], [0], [1], [0, 0, 1, 1], [], []>, transpose_lhs_hint = false} : vector<512x4xf32>, vector<4x128xf32>, vector<512x128xf32> -> vector<512x128xf32>
      %add3A_584 = arith.addf %add3A_568, %dot_general3A_583 : vector<512x128xf32>
      %dot_general3A_585 = arith.constant dense<0.000000e+00> : vector<512x128xf32>
      %dot_general3A_586 = tpu.matmul %add3A_584, %get3A_399, %dot_general3A_585 {dimension_numbers = #tpu.dot_dimension_numbers<[1], [0], [0], [1], [0, 0, 1, 1], [], []>, transpose_lhs_hint = false} : vector<512x128xf32>, vector<128x128xf32>, vector<512x128xf32> -> vector<512x128xf32>
      %add3A_587 = vector.broadcast %get3A_402 : vector<1x128xf32> to vector<512x128xf32>
      %add3A_588 = arith.addf %dot_general3A_586, %add3A_587 : vector<512x128xf32>
      %max3A_589 = arith.constant 0.000000e+00 : f32
      %max3A_590 = vector.broadcast %max3A_589 : f32 to vector<512x128xf32>
      %max3A_591 = arith.maximumf %add3A_588, %max3A_590 : vector<512x128xf32>
      %dot_general3A_592 = arith.constant dense<0.000000e+00> : vector<512x3xf32>
      %dot_general3A_593 = tpu.matmul %max3A_591, %get3A_405, %dot_general3A_592 {dimension_numbers = #tpu.dot_dimension_numbers<[1], [0], [0], [1], [0, 0, 1, 1], [], []>, transpose_lhs_hint = false} : vector<512x128xf32>, vector<128x3xf32>, vector<512x3xf32> -> vector<512x3xf32>
      %add3A_594 = vector.broadcast %get3A_408 : vector<1x3xf32> to vector<512x3xf32>
      %add3A_595 = arith.addf %dot_general3A_593, %add3A_594 : vector<512x3xf32>
      %reduce_max3A_596 = arith.constant dense<0xFF800000> : vector<512xf32>
      %reduce_max3A_597 = vector.multi_reduction <maximumf>, %add3A_595, %reduce_max3A_596 [1] : vector<512x3xf32> to vector<512xf32>
      %broadcast_in_dim3A_598 = vector.shape_cast %reduce_max3A_597 : vector<512xf32> to vector<512x1xf32>
      %sub3A_599 = vector.broadcast %broadcast_in_dim3A_598 : vector<512x1xf32> to vector<512x3xf32>
      %sub3A_600 = arith.subf %add3A_595, %sub3A_599 : vector<512x3xf32>
      %exp3A_601 = math.exp %sub3A_600 : vector<512x3xf32>
      %reduce_sum3A_602 = arith.constant dense<0.000000e+00> : vector<512xf32>
      %reduce_sum3A_603 = vector.multi_reduction <add>, %exp3A_601, %reduce_sum3A_602 [1] : vector<512x3xf32> to vector<512xf32>
      %broadcast_in_dim3A_604 = vector.shape_cast %reduce_sum3A_603 : vector<512xf32> to vector<512x1xf32>
      %div3A_605 = vector.broadcast %broadcast_in_dim3A_604 : vector<512x1xf32> to vector<512x3xf32>
      %div3A_606 = arith.divf %exp3A_601, %div3A_605 : vector<512x3xf32>
      %dot_general3A_607 = arith.constant dense<0.000000e+00> : vector<512x4xf32>
      %dot_general3A_608 = tpu.matmul %add3A_568, %get3A_396, %dot_general3A_607 {dimension_numbers = #tpu.dot_dimension_numbers<[1], [1], [0], [0], [0, 0, 1, 0], [], []>, transpose_lhs_hint = false} : vector<512x128xf32>, vector<4x128xf32>, vector<512x4xf32> -> vector<512x4xf32>
      %reduce_max3A_609 = arith.constant dense<0xFF800000> : vector<512xf32>
      %reduce_max3A_610 = vector.multi_reduction <maximumf>, %dot_general3A_608, %reduce_max3A_609 [1] : vector<512x4xf32> to vector<512xf32>
      %broadcast_in_dim3A_611 = vector.shape_cast %reduce_max3A_610 : vector<512xf32> to vector<512x1xf32>
      %sub3A_612 = vector.broadcast %broadcast_in_dim3A_611 : vector<512x1xf32> to vector<512x4xf32>
      %sub3A_613 = arith.subf %dot_general3A_608, %sub3A_612 : vector<512x4xf32>
      %exp3A_614 = math.exp %sub3A_613 : vector<512x4xf32>
      %reduce_sum3A_615 = arith.constant dense<0.000000e+00> : vector<512xf32>
      %reduce_sum3A_616 = vector.multi_reduction <add>, %exp3A_614, %reduce_sum3A_615 [1] : vector<512x4xf32> to vector<512xf32>
      %broadcast_in_dim3A_617 = vector.shape_cast %reduce_sum3A_616 : vector<512xf32> to vector<512x1xf32>
      %div3A_618 = vector.broadcast %broadcast_in_dim3A_617 : vector<512x1xf32> to vector<512x4xf32>
      %div3A_619 = arith.divf %exp3A_614, %div3A_618 : vector<512x4xf32>
      %dot_general3A_620 = arith.constant dense<0.000000e+00> : vector<512x128xf32>
      %dot_general3A_621 = tpu.matmul %div3A_619, %get3A_396, %dot_general3A_620 {dimension_numbers = #tpu.dot_dimension_numbers<[1], [0], [0], [1], [0, 0, 1, 1], [], []>, transpose_lhs_hint = false} : vector<512x4xf32>, vector<4x128xf32>, vector<512x128xf32> -> vector<512x128xf32>
      %add3A_622 = arith.addf %add3A_568, %dot_general3A_621 : vector<512x128xf32>
      %abs3A_623 = math.absf %add3A_622 : vector<512x128xf32>
      %dot_general3A_624 = arith.constant dense<0.000000e+00> : vector<512x128xf32>
      %dot_general3A_625 = tpu.matmul %abs3A_623, %get3A_411, %dot_general3A_624 {dimension_numbers = #tpu.dot_dimension_numbers<[1], [0], [0], [1], [0, 0, 1, 1], [], []>, transpose_lhs_hint = false} : vector<512x128xf32>, vector<128x128xf32>, vector<512x128xf32> -> vector<512x128xf32>
      %add3A_626 = vector.broadcast %get3A_414 : vector<1x128xf32> to vector<512x128xf32>
      %add3A_627 = arith.addf %dot_general3A_625, %add3A_626 : vector<512x128xf32>
      %max3A_628 = arith.constant 0.000000e+00 : f32
      %max3A_629 = vector.broadcast %max3A_628 : f32 to vector<512x128xf32>
      %max3A_630 = arith.maximumf %add3A_627, %max3A_629 : vector<512x128xf32>
      %dot_general3A_631 = arith.constant dense<0.000000e+00> : vector<512x4xf32>
      %dot_general3A_632 = tpu.matmul %max3A_630, %get3A_417, %dot_general3A_631 {dimension_numbers = #tpu.dot_dimension_numbers<[1], [0], [0], [1], [0, 0, 1, 1], [], []>, transpose_lhs_hint = false} : vector<512x128xf32>, vector<128x4xf32>, vector<512x4xf32> -> vector<512x4xf32>
      %add3A_633 = vector.broadcast %get3A_420 : vector<1x4xf32> to vector<512x4xf32>
      %add3A_634 = arith.addf %dot_general3A_632, %add3A_633 : vector<512x4xf32>
      %slice3A_635 = vector.extract_strided_slice %concatenate3A {offsets = [3, 0], sizes = [1, 128], strides = [1, 1]} : vector<8x128xf32> to vector<1x128xf32>
      %sub3A_636 = vector.broadcast %slice3A_635 : vector<1x128xf32> to vector<512x128xf32>
      %sub3A_637 = arith.subf %get3A_390, %sub3A_636 : vector<512x128xf32>
      %mul3A_638 = vector.broadcast %slice3A_635 : vector<1x128xf32> to vector<512x128xf32>
      %mul3A_639 = arith.mulf %get3A_390, %mul3A_638 : vector<512x128xf32>
      %add3A_640 = arith.addf %sub3A_637, %mul3A_639 : vector<512x128xf32>
      %dot_general3A_641 = arith.constant dense<0.000000e+00> : vector<512x4xf32>
      %dot_general3A_642 = tpu.matmul %add3A_640, %get3A_393, %dot_general3A_641 {dimension_numbers = #tpu.dot_dimension_numbers<[1], [1], [0], [0], [0, 0, 1, 0], [], []>, transpose_lhs_hint = false} : vector<512x128xf32>, vector<4x128xf32>, vector<512x4xf32> -> vector<512x4xf32>
      %reduce_max3A_643 = arith.constant dense<0xFF800000> : vector<512xf32>
      %reduce_max3A_644 = vector.multi_reduction <maximumf>, %dot_general3A_642, %reduce_max3A_643 [1] : vector<512x4xf32> to vector<512xf32>
      %broadcast_in_dim3A_645 = vector.shape_cast %reduce_max3A_644 : vector<512xf32> to vector<512x1xf32>
      %sub3A_646 = vector.broadcast %broadcast_in_dim3A_645 : vector<512x1xf32> to vector<512x4xf32>
      %sub3A_647 = arith.subf %dot_general3A_642, %sub3A_646 : vector<512x4xf32>
      %exp3A_648 = math.exp %sub3A_647 : vector<512x4xf32>
      %reduce_sum3A_649 = arith.constant dense<0.000000e+00> : vector<512xf32>
      %reduce_sum3A_650 = vector.multi_reduction <add>, %exp3A_648, %reduce_sum3A_649 [1] : vector<512x4xf32> to vector<512xf32>
      %broadcast_in_dim3A_651 = vector.shape_cast %reduce_sum3A_650 : vector<512xf32> to vector<512x1xf32>
      %div3A_652 = vector.broadcast %broadcast_in_dim3A_651 : vector<512x1xf32> to vector<512x4xf32>
      %div3A_653 = arith.divf %exp3A_648, %div3A_652 : vector<512x4xf32>
      %dot_general3A_654 = arith.constant dense<0.000000e+00> : vector<512x128xf32>
      %dot_general3A_655 = tpu.matmul %div3A_653, %get3A_393, %dot_general3A_654 {dimension_numbers = #tpu.dot_dimension_numbers<[1], [0], [0], [1], [0, 0, 1, 1], [], []>, transpose_lhs_hint = false} : vector<512x4xf32>, vector<4x128xf32>, vector<512x128xf32> -> vector<512x128xf32>
      %add3A_656 = arith.addf %add3A_640, %dot_general3A_655 : vector<512x128xf32>
      %dot_general3A_657 = arith.constant dense<0.000000e+00> : vector<512x128xf32>
      %dot_general3A_658 = tpu.matmul %add3A_656, %get3A_399, %dot_general3A_657 {dimension_numbers = #tpu.dot_dimension_numbers<[1], [0], [0], [1], [0, 0, 1, 1], [], []>, transpose_lhs_hint = false} : vector<512x128xf32>, vector<128x128xf32>, vector<512x128xf32> -> vector<512x128xf32>
      %add3A_659 = vector.broadcast %get3A_402 : vector<1x128xf32> to vector<512x128xf32>
      %add3A_660 = arith.addf %dot_general3A_658, %add3A_659 : vector<512x128xf32>
      %max3A_661 = arith.constant 0.000000e+00 : f32
      %max3A_662 = vector.broadcast %max3A_661 : f32 to vector<512x128xf32>
      %max3A_663 = arith.maximumf %add3A_660, %max3A_662 : vector<512x128xf32>
      %dot_general3A_664 = arith.constant dense<0.000000e+00> : vector<512x3xf32>
      %dot_general3A_665 = tpu.matmul %max3A_663, %get3A_405, %dot_general3A_664 {dimension_numbers = #tpu.dot_dimension_numbers<[1], [0], [0], [1], [0, 0, 1, 1], [], []>, transpose_lhs_hint = false} : vector<512x128xf32>, vector<128x3xf32>, vector<512x3xf32> -> vector<512x3xf32>
      %add3A_666 = vector.broadcast %get3A_408 : vector<1x3xf32> to vector<512x3xf32>
      %add3A_667 = arith.addf %dot_general3A_665, %add3A_666 : vector<512x3xf32>
      %reduce_max3A_668 = arith.constant dense<0xFF800000> : vector<512xf32>
      %reduce_max3A_669 = vector.multi_reduction <maximumf>, %add3A_667, %reduce_max3A_668 [1] : vector<512x3xf32> to vector<512xf32>
      %broadcast_in_dim3A_670 = vector.shape_cast %reduce_max3A_669 : vector<512xf32> to vector<512x1xf32>
      %sub3A_671 = vector.broadcast %broadcast_in_dim3A_670 : vector<512x1xf32> to vector<512x3xf32>
      %sub3A_672 = arith.subf %add3A_667, %sub3A_671 : vector<512x3xf32>
      %exp3A_673 = math.exp %sub3A_672 : vector<512x3xf32>
      %reduce_sum3A_674 = arith.constant dense<0.000000e+00> : vector<512xf32>
      %reduce_sum3A_675 = vector.multi_reduction <add>, %exp3A_673, %reduce_sum3A_674 [1] : vector<512x3xf32> to vector<512xf32>
      %broadcast_in_dim3A_676 = vector.shape_cast %reduce_sum3A_675 : vector<512xf32> to vector<512x1xf32>
      %div3A_677 = vector.broadcast %broadcast_in_dim3A_676 : vector<512x1xf32> to vector<512x3xf32>
      %div3A_678 = arith.divf %exp3A_673, %div3A_677 : vector<512x3xf32>
      %dot_general3A_679 = arith.constant dense<0.000000e+00> : vector<512x4xf32>
      %dot_general3A_680 = tpu.matmul %add3A_640, %get3A_396, %dot_general3A_679 {dimension_numbers = #tpu.dot_dimension_numbers<[1], [1], [0], [0], [0, 0, 1, 0], [], []>, transpose_lhs_hint = false} : vector<512x128xf32>, vector<4x128xf32>, vector<512x4xf32> -> vector<512x4xf32>
      %reduce_max3A_681 = arith.constant dense<0xFF800000> : vector<512xf32>
      %reduce_max3A_682 = vector.multi_reduction <maximumf>, %dot_general3A_680, %reduce_max3A_681 [1] : vector<512x4xf32> to vector<512xf32>
      %broadcast_in_dim3A_683 = vector.shape_cast %reduce_max3A_682 : vector<512xf32> to vector<512x1xf32>
      %sub3A_684 = vector.broadcast %broadcast_in_dim3A_683 : vector<512x1xf32> to vector<512x4xf32>
      %sub3A_685 = arith.subf %dot_general3A_680, %sub3A_684 : vector<512x4xf32>
      %exp3A_686 = math.exp %sub3A_685 : vector<512x4xf32>
      %reduce_sum3A_687 = arith.constant dense<0.000000e+00> : vector<512xf32>
      %reduce_sum3A_688 = vector.multi_reduction <add>, %exp3A_686, %reduce_sum3A_687 [1] : vector<512x4xf32> to vector<512xf32>
      %broadcast_in_dim3A_689 = vector.shape_cast %reduce_sum3A_688 : vector<512xf32> to vector<512x1xf32>
      %div3A_690 = vector.broadcast %broadcast_in_dim3A_689 : vector<512x1xf32> to vector<512x4xf32>
      %div3A_691 = arith.divf %exp3A_686, %div3A_690 : vector<512x4xf32>
      %dot_general3A_692 = arith.constant dense<0.000000e+00> : vector<512x128xf32>
      %dot_general3A_693 = tpu.matmul %div3A_691, %get3A_396, %dot_general3A_692 {dimension_numbers = #tpu.dot_dimension_numbers<[1], [0], [0], [1], [0, 0, 1, 1], [], []>, transpose_lhs_hint = false} : vector<512x4xf32>, vector<4x128xf32>, vector<512x128xf32> -> vector<512x128xf32>
      %add3A_694 = arith.addf %add3A_640, %dot_general3A_693 : vector<512x128xf32>
      %abs3A_695 = math.absf %add3A_694 : vector<512x128xf32>
      %dot_general3A_696 = arith.constant dense<0.000000e+00> : vector<512x128xf32>
      %dot_general3A_697 = tpu.matmul %abs3A_695, %get3A_411, %dot_general3A_696 {dimension_numbers = #tpu.dot_dimension_numbers<[1], [0], [0], [1], [0, 0, 1, 1], [], []>, transpose_lhs_hint = false} : vector<512x128xf32>, vector<128x128xf32>, vector<512x128xf32> -> vector<512x128xf32>
      %add3A_698 = vector.broadcast %get3A_414 : vector<1x128xf32> to vector<512x128xf32>
      %add3A_699 = arith.addf %dot_general3A_697, %add3A_698 : vector<512x128xf32>
      %max3A_700 = arith.constant 0.000000e+00 : f32
      %max3A_701 = vector.broadcast %max3A_700 : f32 to vector<512x128xf32>
      %max3A_702 = arith.maximumf %add3A_699, %max3A_701 : vector<512x128xf32>
      %dot_general3A_703 = arith.constant dense<0.000000e+00> : vector<512x4xf32>
      %dot_general3A_704 = tpu.matmul %max3A_702, %get3A_417, %dot_general3A_703 {dimension_numbers = #tpu.dot_dimension_numbers<[1], [0], [0], [1], [0, 0, 1, 1], [], []>, transpose_lhs_hint = false} : vector<512x128xf32>, vector<128x4xf32>, vector<512x4xf32> -> vector<512x4xf32>
      %add3A_705 = vector.broadcast %get3A_420 : vector<1x4xf32> to vector<512x4xf32>
      %add3A_706 = arith.addf %dot_general3A_704, %add3A_705 : vector<512x4xf32>
      %slice3A_707 = vector.extract_strided_slice %concatenate3A {offsets = [4, 0], sizes = [1, 128], strides = [1, 1]} : vector<8x128xf32> to vector<1x128xf32>
      %sub3A_708 = vector.broadcast %slice3A_707 : vector<1x128xf32> to vector<512x128xf32>
      %sub3A_709 = arith.subf %get3A_390, %sub3A_708 : vector<512x128xf32>
      %mul3A_710 = vector.broadcast %slice3A_707 : vector<1x128xf32> to vector<512x128xf32>
      %mul3A_711 = arith.mulf %get3A_390, %mul3A_710 : vector<512x128xf32>
      %add3A_712 = arith.addf %sub3A_709, %mul3A_711 : vector<512x128xf32>
      %dot_general3A_713 = arith.constant dense<0.000000e+00> : vector<512x4xf32>
      %dot_general3A_714 = tpu.matmul %add3A_712, %get3A_393, %dot_general3A_713 {dimension_numbers = #tpu.dot_dimension_numbers<[1], [1], [0], [0], [0, 0, 1, 0], [], []>, transpose_lhs_hint = false} : vector<512x128xf32>, vector<4x128xf32>, vector<512x4xf32> -> vector<512x4xf32>
      %reduce_max3A_715 = arith.constant dense<0xFF800000> : vector<512xf32>
      %reduce_max3A_716 = vector.multi_reduction <maximumf>, %dot_general3A_714, %reduce_max3A_715 [1] : vector<512x4xf32> to vector<512xf32>
      %broadcast_in_dim3A_717 = vector.shape_cast %reduce_max3A_716 : vector<512xf32> to vector<512x1xf32>
      %sub3A_718 = vector.broadcast %broadcast_in_dim3A_717 : vector<512x1xf32> to vector<512x4xf32>
      %sub3A_719 = arith.subf %dot_general3A_714, %sub3A_718 : vector<512x4xf32>
      %exp3A_720 = math.exp %sub3A_719 : vector<512x4xf32>
      %reduce_sum3A_721 = arith.constant dense<0.000000e+00> : vector<512xf32>
      %reduce_sum3A_722 = vector.multi_reduction <add>, %exp3A_720, %reduce_sum3A_721 [1] : vector<512x4xf32> to vector<512xf32>
      %broadcast_in_dim3A_723 = vector.shape_cast %reduce_sum3A_722 : vector<512xf32> to vector<512x1xf32>
      %div3A_724 = vector.broadcast %broadcast_in_dim3A_723 : vector<512x1xf32> to vector<512x4xf32>
      %div3A_725 = arith.divf %exp3A_720, %div3A_724 : vector<512x4xf32>
      %dot_general3A_726 = arith.constant dense<0.000000e+00> : vector<512x128xf32>
      %dot_general3A_727 = tpu.matmul %div3A_725, %get3A_393, %dot_general3A_726 {dimension_numbers = #tpu.dot_dimension_numbers<[1], [0], [0], [1], [0, 0, 1, 1], [], []>, transpose_lhs_hint = false} : vector<512x4xf32>, vector<4x128xf32>, vector<512x128xf32> -> vector<512x128xf32>
      %add3A_728 = arith.addf %add3A_712, %dot_general3A_727 : vector<512x128xf32>
      %dot_general3A_729 = arith.constant dense<0.000000e+00> : vector<512x128xf32>
      %dot_general3A_730 = tpu.matmul %add3A_728, %get3A_399, %dot_general3A_729 {dimension_numbers = #tpu.dot_dimension_numbers<[1], [0], [0], [1], [0, 0, 1, 1], [], []>, transpose_lhs_hint = false} : vector<512x128xf32>, vector<128x128xf32>, vector<512x128xf32> -> vector<512x128xf32>
      %add3A_731 = vector.broadcast %get3A_402 : vector<1x128xf32> to vector<512x128xf32>
      %add3A_732 = arith.addf %dot_general3A_730, %add3A_731 : vector<512x128xf32>
      %max3A_733 = arith.constant 0.000000e+00 : f32
      %max3A_734 = vector.broadcast %max3A_733 : f32 to vector<512x128xf32>
      %max3A_735 = arith.maximumf %add3A_732, %max3A_734 : vector<512x128xf32>
      %dot_general3A_736 = arith.constant dense<0.000000e+00> : vector<512x3xf32>
      %dot_general3A_737 = tpu.matmul %max3A_735, %get3A_405, %dot_general3A_736 {dimension_numbers = #tpu.dot_dimension_numbers<[1], [0], [0], [1], [0, 0, 1, 1], [], []>, transpose_lhs_hint = false} : vector<512x128xf32>, vector<128x3xf32>, vector<512x3xf32> -> vector<512x3xf32>
      %add3A_738 = vector.broadcast %get3A_408 : vector<1x3xf32> to vector<512x3xf32>
      %add3A_739 = arith.addf %dot_general3A_737, %add3A_738 : vector<512x3xf32>
      %reduce_max3A_740 = arith.constant dense<0xFF800000> : vector<512xf32>
      %reduce_max3A_741 = vector.multi_reduction <maximumf>, %add3A_739, %reduce_max3A_740 [1] : vector<512x3xf32> to vector<512xf32>
      %broadcast_in_dim3A_742 = vector.shape_cast %reduce_max3A_741 : vector<512xf32> to vector<512x1xf32>
      %sub3A_743 = vector.broadcast %broadcast_in_dim3A_742 : vector<512x1xf32> to vector<512x3xf32>
      %sub3A_744 = arith.subf %add3A_739, %sub3A_743 : vector<512x3xf32>
      %exp3A_745 = math.exp %sub3A_744 : vector<512x3xf32>
      %reduce_sum3A_746 = arith.constant dense<0.000000e+00> : vector<512xf32>
      %reduce_sum3A_747 = vector.multi_reduction <add>, %exp3A_745, %reduce_sum3A_746 [1] : vector<512x3xf32> to vector<512xf32>
      %broadcast_in_dim3A_748 = vector.shape_cast %reduce_sum3A_747 : vector<512xf32> to vector<512x1xf32>
      %div3A_749 = vector.broadcast %broadcast_in_dim3A_748 : vector<512x1xf32> to vector<512x3xf32>
      %div3A_750 = arith.divf %exp3A_745, %div3A_749 : vector<512x3xf32>
      %dot_general3A_751 = arith.constant dense<0.000000e+00> : vector<512x4xf32>
      %dot_general3A_752 = tpu.matmul %add3A_712, %get3A_396, %dot_general3A_751 {dimension_numbers = #tpu.dot_dimension_numbers<[1], [1], [0], [0], [0, 0, 1, 0], [], []>, transpose_lhs_hint = false} : vector<512x128xf32>, vector<4x128xf32>, vector<512x4xf32> -> vector<512x4xf32>
      %reduce_max3A_753 = arith.constant dense<0xFF800000> : vector<512xf32>
      %reduce_max3A_754 = vector.multi_reduction <maximumf>, %dot_general3A_752, %reduce_max3A_753 [1] : vector<512x4xf32> to vector<512xf32>
      %broadcast_in_dim3A_755 = vector.shape_cast %reduce_max3A_754 : vector<512xf32> to vector<512x1xf32>
      %sub3A_756 = vector.broadcast %broadcast_in_dim3A_755 : vector<512x1xf32> to vector<512x4xf32>
      %sub3A_757 = arith.subf %dot_general3A_752, %sub3A_756 : vector<512x4xf32>
      %exp3A_758 = math.exp %sub3A_757 : vector<512x4xf32>
      %reduce_sum3A_759 = arith.constant dense<0.000000e+00> : vector<512xf32>
      %reduce_sum3A_760 = vector.multi_reduction <add>, %exp3A_758, %reduce_sum3A_759 [1] : vector<512x4xf32> to vector<512xf32>
      %broadcast_in_dim3A_761 = vector.shape_cast %reduce_sum3A_760 : vector<512xf32> to vector<512x1xf32>
      %div3A_762 = vector.broadcast %broadcast_in_dim3A_761 : vector<512x1xf32> to vector<512x4xf32>
      %div3A_763 = arith.divf %exp3A_758, %div3A_762 : vector<512x4xf32>
      %dot_general3A_764 = arith.constant dense<0.000000e+00> : vector<512x128xf32>
      %dot_general3A_765 = tpu.matmul %div3A_763, %get3A_396, %dot_general3A_764 {dimension_numbers = #tpu.dot_dimension_numbers<[1], [0], [0], [1], [0, 0, 1, 1], [], []>, transpose_lhs_hint = false} : vector<512x4xf32>, vector<4x128xf32>, vector<512x128xf32> -> vector<512x128xf32>
      %add3A_766 = arith.addf %add3A_712, %dot_general3A_765 : vector<512x128xf32>
      %abs3A_767 = math.absf %add3A_766 : vector<512x128xf32>
      %dot_general3A_768 = arith.constant dense<0.000000e+00> : vector<512x128xf32>
      %dot_general3A_769 = tpu.matmul %abs3A_767, %get3A_411, %dot_general3A_768 {dimension_numbers = #tpu.dot_dimension_numbers<[1], [0], [0], [1], [0, 0, 1, 1], [], []>, transpose_lhs_hint = false} : vector<512x128xf32>, vector<128x128xf32>, vector<512x128xf32> -> vector<512x128xf32>
      %add3A_770 = vector.broadcast %get3A_414 : vector<1x128xf32> to vector<512x128xf32>
      %add3A_771 = arith.addf %dot_general3A_769, %add3A_770 : vector<512x128xf32>
      %max3A_772 = arith.constant 0.000000e+00 : f32
      %max3A_773 = vector.broadcast %max3A_772 : f32 to vector<512x128xf32>
      %max3A_774 = arith.maximumf %add3A_771, %max3A_773 : vector<512x128xf32>
      %dot_general3A_775 = arith.constant dense<0.000000e+00> : vector<512x4xf32>
      %dot_general3A_776 = tpu.matmul %max3A_774, %get3A_417, %dot_general3A_775 {dimension_numbers = #tpu.dot_dimension_numbers<[1], [0], [0], [1], [0, 0, 1, 1], [], []>, transpose_lhs_hint = false} : vector<512x128xf32>, vector<128x4xf32>, vector<512x4xf32> -> vector<512x4xf32>
      %add3A_777 = vector.broadcast %get3A_420 : vector<1x4xf32> to vector<512x4xf32>
      %add3A_778 = arith.addf %dot_general3A_776, %add3A_777 : vector<512x4xf32>
      %slice3A_779 = vector.extract_strided_slice %concatenate3A {offsets = [5, 0], sizes = [1, 128], strides = [1, 1]} : vector<8x128xf32> to vector<1x128xf32>
      %sub3A_780 = vector.broadcast %slice3A_779 : vector<1x128xf32> to vector<512x128xf32>
      %sub3A_781 = arith.subf %get3A_390, %sub3A_780 : vector<512x128xf32>
      %mul3A_782 = vector.broadcast %slice3A_779 : vector<1x128xf32> to vector<512x128xf32>
      %mul3A_783 = arith.mulf %get3A_390, %mul3A_782 : vector<512x128xf32>
      %add3A_784 = arith.addf %sub3A_781, %mul3A_783 : vector<512x128xf32>
      %dot_general3A_785 = arith.constant dense<0.000000e+00> : vector<512x4xf32>
      %dot_general3A_786 = tpu.matmul %add3A_784, %get3A_393, %dot_general3A_785 {dimension_numbers = #tpu.dot_dimension_numbers<[1], [1], [0], [0], [0, 0, 1, 0], [], []>, transpose_lhs_hint = false} : vector<512x128xf32>, vector<4x128xf32>, vector<512x4xf32> -> vector<512x4xf32>
      %reduce_max3A_787 = arith.constant dense<0xFF800000> : vector<512xf32>
      %reduce_max3A_788 = vector.multi_reduction <maximumf>, %dot_general3A_786, %reduce_max3A_787 [1] : vector<512x4xf32> to vector<512xf32>
      %broadcast_in_dim3A_789 = vector.shape_cast %reduce_max3A_788 : vector<512xf32> to vector<512x1xf32>
      %sub3A_790 = vector.broadcast %broadcast_in_dim3A_789 : vector<512x1xf32> to vector<512x4xf32>
      %sub3A_791 = arith.subf %dot_general3A_786, %sub3A_790 : vector<512x4xf32>
      %exp3A_792 = math.exp %sub3A_791 : vector<512x4xf32>
      %reduce_sum3A_793 = arith.constant dense<0.000000e+00> : vector<512xf32>
      %reduce_sum3A_794 = vector.multi_reduction <add>, %exp3A_792, %reduce_sum3A_793 [1] : vector<512x4xf32> to vector<512xf32>
      %broadcast_in_dim3A_795 = vector.shape_cast %reduce_sum3A_794 : vector<512xf32> to vector<512x1xf32>
      %div3A_796 = vector.broadcast %broadcast_in_dim3A_795 : vector<512x1xf32> to vector<512x4xf32>
      %div3A_797 = arith.divf %exp3A_792, %div3A_796 : vector<512x4xf32>
      %dot_general3A_798 = arith.constant dense<0.000000e+00> : vector<512x128xf32>
      %dot_general3A_799 = tpu.matmul %div3A_797, %get3A_393, %dot_general3A_798 {dimension_numbers = #tpu.dot_dimension_numbers<[1], [0], [0], [1], [0, 0, 1, 1], [], []>, transpose_lhs_hint = false} : vector<512x4xf32>, vector<4x128xf32>, vector<512x128xf32> -> vector<512x128xf32>
      %add3A_800 = arith.addf %add3A_784, %dot_general3A_799 : vector<512x128xf32>
      %dot_general3A_801 = arith.constant dense<0.000000e+00> : vector<512x128xf32>
      %dot_general3A_802 = tpu.matmul %add3A_800, %get3A_399, %dot_general3A_801 {dimension_numbers = #tpu.dot_dimension_numbers<[1], [0], [0], [1], [0, 0, 1, 1], [], []>, transpose_lhs_hint = false} : vector<512x128xf32>, vector<128x128xf32>, vector<512x128xf32> -> vector<512x128xf32>
      %add3A_803 = vector.broadcast %get3A_402 : vector<1x128xf32> to vector<512x128xf32>
      %add3A_804 = arith.addf %dot_general3A_802, %add3A_803 : vector<512x128xf32>
      %max3A_805 = arith.constant 0.000000e+00 : f32
      %max3A_806 = vector.broadcast %max3A_805 : f32 to vector<512x128xf32>
      %max3A_807 = arith.maximumf %add3A_804, %max3A_806 : vector<512x128xf32>
      %dot_general3A_808 = arith.constant dense<0.000000e+00> : vector<512x3xf32>
      %dot_general3A_809 = tpu.matmul %max3A_807, %get3A_405, %dot_general3A_808 {dimension_numbers = #tpu.dot_dimension_numbers<[1], [0], [0], [1], [0, 0, 1, 1], [], []>, transpose_lhs_hint = false} : vector<512x128xf32>, vector<128x3xf32>, vector<512x3xf32> -> vector<512x3xf32>
      %add3A_810 = vector.broadcast %get3A_408 : vector<1x3xf32> to vector<512x3xf32>
      %add3A_811 = arith.addf %dot_general3A_809, %add3A_810 : vector<512x3xf32>
      %reduce_max3A_812 = arith.constant dense<0xFF800000> : vector<512xf32>
      %reduce_max3A_813 = vector.multi_reduction <maximumf>, %add3A_811, %reduce_max3A_812 [1] : vector<512x3xf32> to vector<512xf32>
      %broadcast_in_dim3A_814 = vector.shape_cast %reduce_max3A_813 : vector<512xf32> to vector<512x1xf32>
      %sub3A_815 = vector.broadcast %broadcast_in_dim3A_814 : vector<512x1xf32> to vector<512x3xf32>
      %sub3A_816 = arith.subf %add3A_811, %sub3A_815 : vector<512x3xf32>
      %exp3A_817 = math.exp %sub3A_816 : vector<512x3xf32>
      %reduce_sum3A_818 = arith.constant dense<0.000000e+00> : vector<512xf32>
      %reduce_sum3A_819 = vector.multi_reduction <add>, %exp3A_817, %reduce_sum3A_818 [1] : vector<512x3xf32> to vector<512xf32>
      %broadcast_in_dim3A_820 = vector.shape_cast %reduce_sum3A_819 : vector<512xf32> to vector<512x1xf32>
      %div3A_821 = vector.broadcast %broadcast_in_dim3A_820 : vector<512x1xf32> to vector<512x3xf32>
      %div3A_822 = arith.divf %exp3A_817, %div3A_821 : vector<512x3xf32>
      %dot_general3A_823 = arith.constant dense<0.000000e+00> : vector<512x4xf32>
      %dot_general3A_824 = tpu.matmul %add3A_784, %get3A_396, %dot_general3A_823 {dimension_numbers = #tpu.dot_dimension_numbers<[1], [1], [0], [0], [0, 0, 1, 0], [], []>, transpose_lhs_hint = false} : vector<512x128xf32>, vector<4x128xf32>, vector<512x4xf32> -> vector<512x4xf32>
      %reduce_max3A_825 = arith.constant dense<0xFF800000> : vector<512xf32>
      %reduce_max3A_826 = vector.multi_reduction <maximumf>, %dot_general3A_824, %reduce_max3A_825 [1] : vector<512x4xf32> to vector<512xf32>
      %broadcast_in_dim3A_827 = vector.shape_cast %reduce_max3A_826 : vector<512xf32> to vector<512x1xf32>
      %sub3A_828 = vector.broadcast %broadcast_in_dim3A_827 : vector<512x1xf32> to vector<512x4xf32>
      %sub3A_829 = arith.subf %dot_general3A_824, %sub3A_828 : vector<512x4xf32>
      %exp3A_830 = math.exp %sub3A_829 : vector<512x4xf32>
      %reduce_sum3A_831 = arith.constant dense<0.000000e+00> : vector<512xf32>
      %reduce_sum3A_832 = vector.multi_reduction <add>, %exp3A_830, %reduce_sum3A_831 [1] : vector<512x4xf32> to vector<512xf32>
      %broadcast_in_dim3A_833 = vector.shape_cast %reduce_sum3A_832 : vector<512xf32> to vector<512x1xf32>
      %div3A_834 = vector.broadcast %broadcast_in_dim3A_833 : vector<512x1xf32> to vector<512x4xf32>
      %div3A_835 = arith.divf %exp3A_830, %div3A_834 : vector<512x4xf32>
      %dot_general3A_836 = arith.constant dense<0.000000e+00> : vector<512x128xf32>
      %dot_general3A_837 = tpu.matmul %div3A_835, %get3A_396, %dot_general3A_836 {dimension_numbers = #tpu.dot_dimension_numbers<[1], [0], [0], [1], [0, 0, 1, 1], [], []>, transpose_lhs_hint = false} : vector<512x4xf32>, vector<4x128xf32>, vector<512x128xf32> -> vector<512x128xf32>
      %add3A_838 = arith.addf %add3A_784, %dot_general3A_837 : vector<512x128xf32>
      %abs3A_839 = math.absf %add3A_838 : vector<512x128xf32>
      %dot_general3A_840 = arith.constant dense<0.000000e+00> : vector<512x128xf32>
      %dot_general3A_841 = tpu.matmul %abs3A_839, %get3A_411, %dot_general3A_840 {dimension_numbers = #tpu.dot_dimension_numbers<[1], [0], [0], [1], [0, 0, 1, 1], [], []>, transpose_lhs_hint = false} : vector<512x128xf32>, vector<128x128xf32>, vector<512x128xf32> -> vector<512x128xf32>
      %add3A_842 = vector.broadcast %get3A_414 : vector<1x128xf32> to vector<512x128xf32>
      %add3A_843 = arith.addf %dot_general3A_841, %add3A_842 : vector<512x128xf32>
      %max3A_844 = arith.constant 0.000000e+00 : f32
      %max3A_845 = vector.broadcast %max3A_844 : f32 to vector<512x128xf32>
      %max3A_846 = arith.maximumf %add3A_843, %max3A_845 : vector<512x128xf32>
      %dot_general3A_847 = arith.constant dense<0.000000e+00> : vector<512x4xf32>
      %dot_general3A_848 = tpu.matmul %max3A_846, %get3A_417, %dot_general3A_847 {dimension_numbers = #tpu.dot_dimension_numbers<[1], [0], [0], [1], [0, 0, 1, 1], [], []>, transpose_lhs_hint = false} : vector<512x128xf32>, vector<128x4xf32>, vector<512x4xf32> -> vector<512x4xf32>
      %add3A_849 = vector.broadcast %get3A_420 : vector<1x4xf32> to vector<512x4xf32>
      %add3A_850 = arith.addf %dot_general3A_848, %add3A_849 : vector<512x4xf32>
      %slice3A_851 = vector.extract_strided_slice %concatenate3A {offsets = [6, 0], sizes = [1, 128], strides = [1, 1]} : vector<8x128xf32> to vector<1x128xf32>
      %sub3A_852 = vector.broadcast %slice3A_851 : vector<1x128xf32> to vector<512x128xf32>
      %sub3A_853 = arith.subf %get3A_390, %sub3A_852 : vector<512x128xf32>
      %mul3A_854 = vector.broadcast %slice3A_851 : vector<1x128xf32> to vector<512x128xf32>
      %mul3A_855 = arith.mulf %get3A_390, %mul3A_854 : vector<512x128xf32>
      %add3A_856 = arith.addf %sub3A_853, %mul3A_855 : vector<512x128xf32>
      %dot_general3A_857 = arith.constant dense<0.000000e+00> : vector<512x4xf32>
      %dot_general3A_858 = tpu.matmul %add3A_856, %get3A_393, %dot_general3A_857 {dimension_numbers = #tpu.dot_dimension_numbers<[1], [1], [0], [0], [0, 0, 1, 0], [], []>, transpose_lhs_hint = false} : vector<512x128xf32>, vector<4x128xf32>, vector<512x4xf32> -> vector<512x4xf32>
      %reduce_max3A_859 = arith.constant dense<0xFF800000> : vector<512xf32>
      %reduce_max3A_860 = vector.multi_reduction <maximumf>, %dot_general3A_858, %reduce_max3A_859 [1] : vector<512x4xf32> to vector<512xf32>
      %broadcast_in_dim3A_861 = vector.shape_cast %reduce_max3A_860 : vector<512xf32> to vector<512x1xf32>
      %sub3A_862 = vector.broadcast %broadcast_in_dim3A_861 : vector<512x1xf32> to vector<512x4xf32>
      %sub3A_863 = arith.subf %dot_general3A_858, %sub3A_862 : vector<512x4xf32>
      %exp3A_864 = math.exp %sub3A_863 : vector<512x4xf32>
      %reduce_sum3A_865 = arith.constant dense<0.000000e+00> : vector<512xf32>
      %reduce_sum3A_866 = vector.multi_reduction <add>, %exp3A_864, %reduce_sum3A_865 [1] : vector<512x4xf32> to vector<512xf32>
      %broadcast_in_dim3A_867 = vector.shape_cast %reduce_sum3A_866 : vector<512xf32> to vector<512x1xf32>
      %div3A_868 = vector.broadcast %broadcast_in_dim3A_867 : vector<512x1xf32> to vector<512x4xf32>
      %div3A_869 = arith.divf %exp3A_864, %div3A_868 : vector<512x4xf32>
      %dot_general3A_870 = arith.constant dense<0.000000e+00> : vector<512x128xf32>
      %dot_general3A_871 = tpu.matmul %div3A_869, %get3A_393, %dot_general3A_870 {dimension_numbers = #tpu.dot_dimension_numbers<[1], [0], [0], [1], [0, 0, 1, 1], [], []>, transpose_lhs_hint = false} : vector<512x4xf32>, vector<4x128xf32>, vector<512x128xf32> -> vector<512x128xf32>
      %add3A_872 = arith.addf %add3A_856, %dot_general3A_871 : vector<512x128xf32>
      %dot_general3A_873 = arith.constant dense<0.000000e+00> : vector<512x128xf32>
      %dot_general3A_874 = tpu.matmul %add3A_872, %get3A_399, %dot_general3A_873 {dimension_numbers = #tpu.dot_dimension_numbers<[1], [0], [0], [1], [0, 0, 1, 1], [], []>, transpose_lhs_hint = false} : vector<512x128xf32>, vector<128x128xf32>, vector<512x128xf32> -> vector<512x128xf32>
      %add3A_875 = vector.broadcast %get3A_402 : vector<1x128xf32> to vector<512x128xf32>
      %add3A_876 = arith.addf %dot_general3A_874, %add3A_875 : vector<512x128xf32>
      %max3A_877 = arith.constant 0.000000e+00 : f32
      %max3A_878 = vector.broadcast %max3A_877 : f32 to vector<512x128xf32>
      %max3A_879 = arith.maximumf %add3A_876, %max3A_878 : vector<512x128xf32>
      %dot_general3A_880 = arith.constant dense<0.000000e+00> : vector<512x3xf32>
      %dot_general3A_881 = tpu.matmul %max3A_879, %get3A_405, %dot_general3A_880 {dimension_numbers = #tpu.dot_dimension_numbers<[1], [0], [0], [1], [0, 0, 1, 1], [], []>, transpose_lhs_hint = false} : vector<512x128xf32>, vector<128x3xf32>, vector<512x3xf32> -> vector<512x3xf32>
      %add3A_882 = vector.broadcast %get3A_408 : vector<1x3xf32> to vector<512x3xf32>
      %add3A_883 = arith.addf %dot_general3A_881, %add3A_882 : vector<512x3xf32>
      %reduce_max3A_884 = arith.constant dense<0xFF800000> : vector<512xf32>
      %reduce_max3A_885 = vector.multi_reduction <maximumf>, %add3A_883, %reduce_max3A_884 [1] : vector<512x3xf32> to vector<512xf32>
      %broadcast_in_dim3A_886 = vector.shape_cast %reduce_max3A_885 : vector<512xf32> to vector<512x1xf32>
      %sub3A_887 = vector.broadcast %broadcast_in_dim3A_886 : vector<512x1xf32> to vector<512x3xf32>
      %sub3A_888 = arith.subf %add3A_883, %sub3A_887 : vector<512x3xf32>
      %exp3A_889 = math.exp %sub3A_888 : vector<512x3xf32>
      %reduce_sum3A_890 = arith.constant dense<0.000000e+00> : vector<512xf32>
      %reduce_sum3A_891 = vector.multi_reduction <add>, %exp3A_889, %reduce_sum3A_890 [1] : vector<512x3xf32> to vector<512xf32>
      %broadcast_in_dim3A_892 = vector.shape_cast %reduce_sum3A_891 : vector<512xf32> to vector<512x1xf32>
      %div3A_893 = vector.broadcast %broadcast_in_dim3A_892 : vector<512x1xf32> to vector<512x3xf32>
      %div3A_894 = arith.divf %exp3A_889, %div3A_893 : vector<512x3xf32>
      %dot_general3A_895 = arith.constant dense<0.000000e+00> : vector<512x4xf32>
      %dot_general3A_896 = tpu.matmul %add3A_856, %get3A_396, %dot_general3A_895 {dimension_numbers = #tpu.dot_dimension_numbers<[1], [1], [0], [0], [0, 0, 1, 0], [], []>, transpose_lhs_hint = false} : vector<512x128xf32>, vector<4x128xf32>, vector<512x4xf32> -> vector<512x4xf32>
      %reduce_max3A_897 = arith.constant dense<0xFF800000> : vector<512xf32>
      %reduce_max3A_898 = vector.multi_reduction <maximumf>, %dot_general3A_896, %reduce_max3A_897 [1] : vector<512x4xf32> to vector<512xf32>
      %broadcast_in_dim3A_899 = vector.shape_cast %reduce_max3A_898 : vector<512xf32> to vector<512x1xf32>
      %sub3A_900 = vector.broadcast %broadcast_in_dim3A_899 : vector<512x1xf32> to vector<512x4xf32>
      %sub3A_901 = arith.subf %dot_general3A_896, %sub3A_900 : vector<512x4xf32>
      %exp3A_902 = math.exp %sub3A_901 : vector<512x4xf32>
      %reduce_sum3A_903 = arith.constant dense<0.000000e+00> : vector<512xf32>
      %reduce_sum3A_904 = vector.multi_reduction <add>, %exp3A_902, %reduce_sum3A_903 [1] : vector<512x4xf32> to vector<512xf32>
      %broadcast_in_dim3A_905 = vector.shape_cast %reduce_sum3A_904 : vector<512xf32> to vector<512x1xf32>
      %div3A_906 = vector.broadcast %broadcast_in_dim3A_905 : vector<512x1xf32> to vector<512x4xf32>
      %div3A_907 = arith.divf %exp3A_902, %div3A_906 : vector<512x4xf32>
      %dot_general3A_908 = arith.constant dense<0.000000e+00> : vector<512x128xf32>
      %dot_general3A_909 = tpu.matmul %div3A_907, %get3A_396, %dot_general3A_908 {dimension_numbers = #tpu.dot_dimension_numbers<[1], [0], [0], [1], [0, 0, 1, 1], [], []>, transpose_lhs_hint = false} : vector<512x4xf32>, vector<4x128xf32>, vector<512x128xf32> -> vector<512x128xf32>
      %add3A_910 = arith.addf %add3A_856, %dot_general3A_909 : vector<512x128xf32>
      %abs3A_911 = math.absf %add3A_910 : vector<512x128xf32>
      %dot_general3A_912 = arith.constant dense<0.000000e+00> : vector<512x128xf32>
      %dot_general3A_913 = tpu.matmul %abs3A_911, %get3A_411, %dot_general3A_912 {dimension_numbers = #tpu.dot_dimension_numbers<[1], [0], [0], [1], [0, 0, 1, 1], [], []>, transpose_lhs_hint = false} : vector<512x128xf32>, vector<128x128xf32>, vector<512x128xf32> -> vector<512x128xf32>
      %add3A_914 = vector.broadcast %get3A_414 : vector<1x128xf32> to vector<512x128xf32>
      %add3A_915 = arith.addf %dot_general3A_913, %add3A_914 : vector<512x128xf32>
      %max3A_916 = arith.constant 0.000000e+00 : f32
      %max3A_917 = vector.broadcast %max3A_916 : f32 to vector<512x128xf32>
      %max3A_918 = arith.maximumf %add3A_915, %max3A_917 : vector<512x128xf32>
      %dot_general3A_919 = arith.constant dense<0.000000e+00> : vector<512x4xf32>
      %dot_general3A_920 = tpu.matmul %max3A_918, %get3A_417, %dot_general3A_919 {dimension_numbers = #tpu.dot_dimension_numbers<[1], [0], [0], [1], [0, 0, 1, 1], [], []>, transpose_lhs_hint = false} : vector<512x128xf32>, vector<128x4xf32>, vector<512x4xf32> -> vector<512x4xf32>
      %add3A_921 = vector.broadcast %get3A_420 : vector<1x4xf32> to vector<512x4xf32>
      %add3A_922 = arith.addf %dot_general3A_920, %add3A_921 : vector<512x4xf32>
      %slice3A_923 = vector.extract_strided_slice %concatenate3A {offsets = [7, 0], sizes = [1, 128], strides = [1, 1]} : vector<8x128xf32> to vector<1x128xf32>
      %sub3A_924 = vector.broadcast %slice3A_923 : vector<1x128xf32> to vector<512x128xf32>
      %sub3A_925 = arith.subf %get3A_390, %sub3A_924 : vector<512x128xf32>
      %mul3A_926 = vector.broadcast %slice3A_923 : vector<1x128xf32> to vector<512x128xf32>
      %mul3A_927 = arith.mulf %get3A_390, %mul3A_926 : vector<512x128xf32>
      %add3A_928 = arith.addf %sub3A_925, %mul3A_927 : vector<512x128xf32>
      %dot_general3A_929 = arith.constant dense<0.000000e+00> : vector<512x4xf32>
      %dot_general3A_930 = tpu.matmul %add3A_928, %get3A_393, %dot_general3A_929 {dimension_numbers = #tpu.dot_dimension_numbers<[1], [1], [0], [0], [0, 0, 1, 0], [], []>, transpose_lhs_hint = false} : vector<512x128xf32>, vector<4x128xf32>, vector<512x4xf32> -> vector<512x4xf32>
      %reduce_max3A_931 = arith.constant dense<0xFF800000> : vector<512xf32>
      %reduce_max3A_932 = vector.multi_reduction <maximumf>, %dot_general3A_930, %reduce_max3A_931 [1] : vector<512x4xf32> to vector<512xf32>
      %broadcast_in_dim3A_933 = vector.shape_cast %reduce_max3A_932 : vector<512xf32> to vector<512x1xf32>
      %sub3A_934 = vector.broadcast %broadcast_in_dim3A_933 : vector<512x1xf32> to vector<512x4xf32>
      %sub3A_935 = arith.subf %dot_general3A_930, %sub3A_934 : vector<512x4xf32>
      %exp3A_936 = math.exp %sub3A_935 : vector<512x4xf32>
      %reduce_sum3A_937 = arith.constant dense<0.000000e+00> : vector<512xf32>
      %reduce_sum3A_938 = vector.multi_reduction <add>, %exp3A_936, %reduce_sum3A_937 [1] : vector<512x4xf32> to vector<512xf32>
      %broadcast_in_dim3A_939 = vector.shape_cast %reduce_sum3A_938 : vector<512xf32> to vector<512x1xf32>
      %div3A_940 = vector.broadcast %broadcast_in_dim3A_939 : vector<512x1xf32> to vector<512x4xf32>
      %div3A_941 = arith.divf %exp3A_936, %div3A_940 : vector<512x4xf32>
      %dot_general3A_942 = arith.constant dense<0.000000e+00> : vector<512x128xf32>
      %dot_general3A_943 = tpu.matmul %div3A_941, %get3A_393, %dot_general3A_942 {dimension_numbers = #tpu.dot_dimension_numbers<[1], [0], [0], [1], [0, 0, 1, 1], [], []>, transpose_lhs_hint = false} : vector<512x4xf32>, vector<4x128xf32>, vector<512x128xf32> -> vector<512x128xf32>
      %add3A_944 = arith.addf %add3A_928, %dot_general3A_943 : vector<512x128xf32>
      %dot_general3A_945 = arith.constant dense<0.000000e+00> : vector<512x128xf32>
      %dot_general3A_946 = tpu.matmul %add3A_944, %get3A_399, %dot_general3A_945 {dimension_numbers = #tpu.dot_dimension_numbers<[1], [0], [0], [1], [0, 0, 1, 1], [], []>, transpose_lhs_hint = false} : vector<512x128xf32>, vector<128x128xf32>, vector<512x128xf32> -> vector<512x128xf32>
      %add3A_947 = vector.broadcast %get3A_402 : vector<1x128xf32> to vector<512x128xf32>
      %add3A_948 = arith.addf %dot_general3A_946, %add3A_947 : vector<512x128xf32>
      %max3A_949 = arith.constant 0.000000e+00 : f32
      %max3A_950 = vector.broadcast %max3A_949 : f32 to vector<512x128xf32>
      %max3A_951 = arith.maximumf %add3A_948, %max3A_950 : vector<512x128xf32>
      %dot_general3A_952 = arith.constant dense<0.000000e+00> : vector<512x3xf32>
      %dot_general3A_953 = tpu.matmul %max3A_951, %get3A_405, %dot_general3A_952 {dimension_numbers = #tpu.dot_dimension_numbers<[1], [0], [0], [1], [0, 0, 1, 1], [], []>, transpose_lhs_hint = false} : vector<512x128xf32>, vector<128x3xf32>, vector<512x3xf32> -> vector<512x3xf32>
      %add3A_954 = vector.broadcast %get3A_408 : vector<1x3xf32> to vector<512x3xf32>
      %add3A_955 = arith.addf %dot_general3A_953, %add3A_954 : vector<512x3xf32>
      %reduce_max3A_956 = arith.constant dense<0xFF800000> : vector<512xf32>
      %reduce_max3A_957 = vector.multi_reduction <maximumf>, %add3A_955, %reduce_max3A_956 [1] : vector<512x3xf32> to vector<512xf32>
      %broadcast_in_dim3A_958 = vector.shape_cast %reduce_max3A_957 : vector<512xf32> to vector<512x1xf32>
      %sub3A_959 = vector.broadcast %broadcast_in_dim3A_958 : vector<512x1xf32> to vector<512x3xf32>
      %sub3A_960 = arith.subf %add3A_955, %sub3A_959 : vector<512x3xf32>
      %exp3A_961 = math.exp %sub3A_960 : vector<512x3xf32>
      %reduce_sum3A_962 = arith.constant dense<0.000000e+00> : vector<512xf32>
      %reduce_sum3A_963 = vector.multi_reduction <add>, %exp3A_961, %reduce_sum3A_962 [1] : vector<512x3xf32> to vector<512xf32>
      %broadcast_in_dim3A_964 = vector.shape_cast %reduce_sum3A_963 : vector<512xf32> to vector<512x1xf32>
      %div3A_965 = vector.broadcast %broadcast_in_dim3A_964 : vector<512x1xf32> to vector<512x3xf32>
      %div3A_966 = arith.divf %exp3A_961, %div3A_965 : vector<512x3xf32>
      %dot_general3A_967 = arith.constant dense<0.000000e+00> : vector<512x4xf32>
      %dot_general3A_968 = tpu.matmul %add3A_928, %get3A_396, %dot_general3A_967 {dimension_numbers = #tpu.dot_dimension_numbers<[1], [1], [0], [0], [0, 0, 1, 0], [], []>, transpose_lhs_hint = false} : vector<512x128xf32>, vector<4x128xf32>, vector<512x4xf32> -> vector<512x4xf32>
      %reduce_max3A_969 = arith.constant dense<0xFF800000> : vector<512xf32>
      %reduce_max3A_970 = vector.multi_reduction <maximumf>, %dot_general3A_968, %reduce_max3A_969 [1] : vector<512x4xf32> to vector<512xf32>
      %broadcast_in_dim3A_971 = vector.shape_cast %reduce_max3A_970 : vector<512xf32> to vector<512x1xf32>
      %sub3A_972 = vector.broadcast %broadcast_in_dim3A_971 : vector<512x1xf32> to vector<512x4xf32>
      %sub3A_973 = arith.subf %dot_general3A_968, %sub3A_972 : vector<512x4xf32>
      %exp3A_974 = math.exp %sub3A_973 : vector<512x4xf32>
      %reduce_sum3A_975 = arith.constant dense<0.000000e+00> : vector<512xf32>
      %reduce_sum3A_976 = vector.multi_reduction <add>, %exp3A_974, %reduce_sum3A_975 [1] : vector<512x4xf32> to vector<512xf32>
      %broadcast_in_dim3A_977 = vector.shape_cast %reduce_sum3A_976 : vector<512xf32> to vector<512x1xf32>
      %div3A_978 = vector.broadcast %broadcast_in_dim3A_977 : vector<512x1xf32> to vector<512x4xf32>
      %div3A_979 = arith.divf %exp3A_974, %div3A_978 : vector<512x4xf32>
      %dot_general3A_980 = arith.constant dense<0.000000e+00> : vector<512x128xf32>
      %dot_general3A_981 = tpu.matmul %div3A_979, %get3A_396, %dot_general3A_980 {dimension_numbers = #tpu.dot_dimension_numbers<[1], [0], [0], [1], [0, 0, 1, 1], [], []>, transpose_lhs_hint = false} : vector<512x4xf32>, vector<4x128xf32>, vector<512x128xf32> -> vector<512x128xf32>
      %add3A_982 = arith.addf %add3A_928, %dot_general3A_981 : vector<512x128xf32>
      %abs3A_983 = math.absf %add3A_982 : vector<512x128xf32>
      %dot_general3A_984 = arith.constant dense<0.000000e+00> : vector<512x128xf32>
      %dot_general3A_985 = tpu.matmul %abs3A_983, %get3A_411, %dot_general3A_984 {dimension_numbers = #tpu.dot_dimension_numbers<[1], [0], [0], [1], [0, 0, 1, 1], [], []>, transpose_lhs_hint = false} : vector<512x128xf32>, vector<128x128xf32>, vector<512x128xf32> -> vector<512x128xf32>
      %add3A_986 = vector.broadcast %get3A_414 : vector<1x128xf32> to vector<512x128xf32>
      %add3A_987 = arith.addf %dot_general3A_985, %add3A_986 : vector<512x128xf32>
      %max3A_988 = arith.constant 0.000000e+00 : f32
      %max3A_989 = vector.broadcast %max3A_988 : f32 to vector<512x128xf32>
      %max3A_990 = arith.maximumf %add3A_987, %max3A_989 : vector<512x128xf32>
      %dot_general3A_991 = arith.constant dense<0.000000e+00> : vector<512x4xf32>
      %dot_general3A_992 = tpu.matmul %max3A_990, %get3A_417, %dot_general3A_991 {dimension_numbers = #tpu.dot_dimension_numbers<[1], [0], [0], [1], [0, 0, 1, 1], [], []>, transpose_lhs_hint = false} : vector<512x128xf32>, vector<128x4xf32>, vector<512x4xf32> -> vector<512x4xf32>
      %add3A_993 = vector.broadcast %get3A_420 : vector<1x4xf32> to vector<512x4xf32>
      %add3A_994 = arith.addf %dot_general3A_992, %add3A_993 : vector<512x4xf32>
      %max3A_995 = arith.maximumf %add3A_490, %add3A_562 : vector<512x4xf32>
      %max3A_996 = arith.maximumf %max3A_995, %add3A_634 : vector<512x4xf32>
      %max3A_997 = arith.maximumf %max3A_996, %add3A_706 : vector<512x4xf32>
      %max3A_998 = arith.maximumf %max3A_997, %add3A_778 : vector<512x4xf32>
      %max3A_999 = arith.maximumf %max3A_998, %add3A_850 : vector<512x4xf32>
      %max3A_1000 = arith.maximumf %max3A_999, %add3A_922 : vector<512x4xf32>
      %max3A_1001 = arith.maximumf %max3A_1000, %add3A_994 : vector<512x4xf32>
      %sub3A_1002 = arith.subf %add3A_490, %max3A_1001 : vector<512x4xf32>
      %exp3A_1003 = math.exp %sub3A_1002 : vector<512x4xf32>
      %sub3A_1004 = arith.subf %add3A_562, %max3A_1001 : vector<512x4xf32>
      %exp3A_1005 = math.exp %sub3A_1004 : vector<512x4xf32>
      %sub3A_1006 = arith.subf %add3A_634, %max3A_1001 : vector<512x4xf32>
      %exp3A_1007 = math.exp %sub3A_1006 : vector<512x4xf32>
      %sub3A_1008 = arith.subf %add3A_706, %max3A_1001 : vector<512x4xf32>
      %exp3A_1009 = math.exp %sub3A_1008 : vector<512x4xf32>
      %sub3A_1010 = arith.subf %add3A_778, %max3A_1001 : vector<512x4xf32>
      %exp3A_1011 = math.exp %sub3A_1010 : vector<512x4xf32>
      %sub3A_1012 = arith.subf %add3A_850, %max3A_1001 : vector<512x4xf32>
      %exp3A_1013 = math.exp %sub3A_1012 : vector<512x4xf32>
      %sub3A_1014 = arith.subf %add3A_922, %max3A_1001 : vector<512x4xf32>
      %exp3A_1015 = math.exp %sub3A_1014 : vector<512x4xf32>
      %sub3A_1016 = arith.subf %add3A_994, %max3A_1001 : vector<512x4xf32>
      %exp3A_1017 = math.exp %sub3A_1016 : vector<512x4xf32>
      %add3A_1018 = arith.addf %exp3A_1003, %exp3A_1005 : vector<512x4xf32>
      %add3A_1019 = arith.addf %add3A_1018, %exp3A_1007 : vector<512x4xf32>
      %add3A_1020 = arith.addf %add3A_1019, %exp3A_1009 : vector<512x4xf32>
      %add3A_1021 = arith.addf %add3A_1020, %exp3A_1011 : vector<512x4xf32>
      %add3A_1022 = arith.addf %add3A_1021, %exp3A_1013 : vector<512x4xf32>
      %add3A_1023 = arith.addf %add3A_1022, %exp3A_1015 : vector<512x4xf32>
      %add3A_1024 = arith.addf %add3A_1023, %exp3A_1017 : vector<512x4xf32>
      %div3A_1025 = arith.divf %exp3A_1003, %add3A_1024 : vector<512x4xf32>
      %reduce_max3A_1026 = arith.constant dense<0xFF800000> : vector<512xf32>
      %reduce_max3A_1027 = vector.multi_reduction <maximumf>, %div3A_1025, %reduce_max3A_1026 [1] : vector<512x4xf32> to vector<512xf32>
      %broadcast_in_dim3A_1028 = vector.shape_cast %reduce_max3A_1027 : vector<512xf32> to vector<512x1xf32>
      %sub3A_1029 = vector.broadcast %broadcast_in_dim3A_1028 : vector<512x1xf32> to vector<512x4xf32>
      %sub3A_1030 = arith.subf %div3A_1025, %sub3A_1029 : vector<512x4xf32>
      %exp3A_1031 = math.exp %sub3A_1030 : vector<512x4xf32>
      %reduce_sum3A_1032 = arith.constant dense<0.000000e+00> : vector<512xf32>
      %reduce_sum3A_1033 = vector.multi_reduction <add>, %exp3A_1031, %reduce_sum3A_1032 [1] : vector<512x4xf32> to vector<512xf32>
      %broadcast_in_dim3A_1034 = vector.shape_cast %reduce_sum3A_1033 : vector<512xf32> to vector<512x1xf32>
      %div3A_1035 = vector.broadcast %broadcast_in_dim3A_1034 : vector<512x1xf32> to vector<512x4xf32>
      %div3A_1036 = arith.divf %exp3A_1031, %div3A_1035 : vector<512x4xf32>
      %div3A_1037 = arith.divf %exp3A_1005, %add3A_1024 : vector<512x4xf32>
      %reduce_max3A_1038 = arith.constant dense<0xFF800000> : vector<512xf32>
      %reduce_max3A_1039 = vector.multi_reduction <maximumf>, %div3A_1037, %reduce_max3A_1038 [1] : vector<512x4xf32> to vector<512xf32>
      %broadcast_in_dim3A_1040 = vector.shape_cast %reduce_max3A_1039 : vector<512xf32> to vector<512x1xf32>
      %sub3A_1041 = vector.broadcast %broadcast_in_dim3A_1040 : vector<512x1xf32> to vector<512x4xf32>
      %sub3A_1042 = arith.subf %div3A_1037, %sub3A_1041 : vector<512x4xf32>
      %exp3A_1043 = math.exp %sub3A_1042 : vector<512x4xf32>
      %reduce_sum3A_1044 = arith.constant dense<0.000000e+00> : vector<512xf32>
      %reduce_sum3A_1045 = vector.multi_reduction <add>, %exp3A_1043, %reduce_sum3A_1044 [1] : vector<512x4xf32> to vector<512xf32>
      %broadcast_in_dim3A_1046 = vector.shape_cast %reduce_sum3A_1045 : vector<512xf32> to vector<512x1xf32>
      %div3A_1047 = vector.broadcast %broadcast_in_dim3A_1046 : vector<512x1xf32> to vector<512x4xf32>
      %div3A_1048 = arith.divf %exp3A_1043, %div3A_1047 : vector<512x4xf32>
      %div3A_1049 = arith.divf %exp3A_1007, %add3A_1024 : vector<512x4xf32>
      %reduce_max3A_1050 = arith.constant dense<0xFF800000> : vector<512xf32>
      %reduce_max3A_1051 = vector.multi_reduction <maximumf>, %div3A_1049, %reduce_max3A_1050 [1] : vector<512x4xf32> to vector<512xf32>
      %broadcast_in_dim3A_1052 = vector.shape_cast %reduce_max3A_1051 : vector<512xf32> to vector<512x1xf32>
      %sub3A_1053 = vector.broadcast %broadcast_in_dim3A_1052 : vector<512x1xf32> to vector<512x4xf32>
      %sub3A_1054 = arith.subf %div3A_1049, %sub3A_1053 : vector<512x4xf32>
      %exp3A_1055 = math.exp %sub3A_1054 : vector<512x4xf32>
      %reduce_sum3A_1056 = arith.constant dense<0.000000e+00> : vector<512xf32>
      %reduce_sum3A_1057 = vector.multi_reduction <add>, %exp3A_1055, %reduce_sum3A_1056 [1] : vector<512x4xf32> to vector<512xf32>
      %broadcast_in_dim3A_1058 = vector.shape_cast %reduce_sum3A_1057 : vector<512xf32> to vector<512x1xf32>
      %div3A_1059 = vector.broadcast %broadcast_in_dim3A_1058 : vector<512x1xf32> to vector<512x4xf32>
      %div3A_1060 = arith.divf %exp3A_1055, %div3A_1059 : vector<512x4xf32>
      %div3A_1061 = arith.divf %exp3A_1009, %add3A_1024 : vector<512x4xf32>
      %reduce_max3A_1062 = arith.constant dense<0xFF800000> : vector<512xf32>
      %reduce_max3A_1063 = vector.multi_reduction <maximumf>, %div3A_1061, %reduce_max3A_1062 [1] : vector<512x4xf32> to vector<512xf32>
      %broadcast_in_dim3A_1064 = vector.shape_cast %reduce_max3A_1063 : vector<512xf32> to vector<512x1xf32>
      %sub3A_1065 = vector.broadcast %broadcast_in_dim3A_1064 : vector<512x1xf32> to vector<512x4xf32>
      %sub3A_1066 = arith.subf %div3A_1061, %sub3A_1065 : vector<512x4xf32>
      %exp3A_1067 = math.exp %sub3A_1066 : vector<512x4xf32>
      %reduce_sum3A_1068 = arith.constant dense<0.000000e+00> : vector<512xf32>
      %reduce_sum3A_1069 = vector.multi_reduction <add>, %exp3A_1067, %reduce_sum3A_1068 [1] : vector<512x4xf32> to vector<512xf32>
      %broadcast_in_dim3A_1070 = vector.shape_cast %reduce_sum3A_1069 : vector<512xf32> to vector<512x1xf32>
      %div3A_1071 = vector.broadcast %broadcast_in_dim3A_1070 : vector<512x1xf32> to vector<512x4xf32>
      %div3A_1072 = arith.divf %exp3A_1067, %div3A_1071 : vector<512x4xf32>
      %div3A_1073 = arith.divf %exp3A_1011, %add3A_1024 : vector<512x4xf32>
      %reduce_max3A_1074 = arith.constant dense<0xFF800000> : vector<512xf32>
      %reduce_max3A_1075 = vector.multi_reduction <maximumf>, %div3A_1073, %reduce_max3A_1074 [1] : vector<512x4xf32> to vector<512xf32>
      %broadcast_in_dim3A_1076 = vector.shape_cast %reduce_max3A_1075 : vector<512xf32> to vector<512x1xf32>
      %sub3A_1077 = vector.broadcast %broadcast_in_dim3A_1076 : vector<512x1xf32> to vector<512x4xf32>
      %sub3A_1078 = arith.subf %div3A_1073, %sub3A_1077 : vector<512x4xf32>
      %exp3A_1079 = math.exp %sub3A_1078 : vector<512x4xf32>
      %reduce_sum3A_1080 = arith.constant dense<0.000000e+00> : vector<512xf32>
      %reduce_sum3A_1081 = vector.multi_reduction <add>, %exp3A_1079, %reduce_sum3A_1080 [1] : vector<512x4xf32> to vector<512xf32>
      %broadcast_in_dim3A_1082 = vector.shape_cast %reduce_sum3A_1081 : vector<512xf32> to vector<512x1xf32>
      %div3A_1083 = vector.broadcast %broadcast_in_dim3A_1082 : vector<512x1xf32> to vector<512x4xf32>
      %div3A_1084 = arith.divf %exp3A_1079, %div3A_1083 : vector<512x4xf32>
      %div3A_1085 = arith.divf %exp3A_1013, %add3A_1024 : vector<512x4xf32>
      %reduce_max3A_1086 = arith.constant dense<0xFF800000> : vector<512xf32>
      %reduce_max3A_1087 = vector.multi_reduction <maximumf>, %div3A_1085, %reduce_max3A_1086 [1] : vector<512x4xf32> to vector<512xf32>
      %broadcast_in_dim3A_1088 = vector.shape_cast %reduce_max3A_1087 : vector<512xf32> to vector<512x1xf32>
      %sub3A_1089 = vector.broadcast %broadcast_in_dim3A_1088 : vector<512x1xf32> to vector<512x4xf32>
      %sub3A_1090 = arith.subf %div3A_1085, %sub3A_1089 : vector<512x4xf32>
      %exp3A_1091 = math.exp %sub3A_1090 : vector<512x4xf32>
      %reduce_sum3A_1092 = arith.constant dense<0.000000e+00> : vector<512xf32>
      %reduce_sum3A_1093 = vector.multi_reduction <add>, %exp3A_1091, %reduce_sum3A_1092 [1] : vector<512x4xf32> to vector<512xf32>
      %broadcast_in_dim3A_1094 = vector.shape_cast %reduce_sum3A_1093 : vector<512xf32> to vector<512x1xf32>
      %div3A_1095 = vector.broadcast %broadcast_in_dim3A_1094 : vector<512x1xf32> to vector<512x4xf32>
      %div3A_1096 = arith.divf %exp3A_1091, %div3A_1095 : vector<512x4xf32>
      %div3A_1097 = arith.divf %exp3A_1015, %add3A_1024 : vector<512x4xf32>
      %reduce_max3A_1098 = arith.constant dense<0xFF800000> : vector<512xf32>
      %reduce_max3A_1099 = vector.multi_reduction <maximumf>, %div3A_1097, %reduce_max3A_1098 [1] : vector<512x4xf32> to vector<512xf32>
      %broadcast_in_dim3A_1100 = vector.shape_cast %reduce_max3A_1099 : vector<512xf32> to vector<512x1xf32>
      %sub3A_1101 = vector.broadcast %broadcast_in_dim3A_1100 : vector<512x1xf32> to vector<512x4xf32>
      %sub3A_1102 = arith.subf %div3A_1097, %sub3A_1101 : vector<512x4xf32>
      %exp3A_1103 = math.exp %sub3A_1102 : vector<512x4xf32>
      %reduce_sum3A_1104 = arith.constant dense<0.000000e+00> : vector<512xf32>
      %reduce_sum3A_1105 = vector.multi_reduction <add>, %exp3A_1103, %reduce_sum3A_1104 [1] : vector<512x4xf32> to vector<512xf32>
      %broadcast_in_dim3A_1106 = vector.shape_cast %reduce_sum3A_1105 : vector<512xf32> to vector<512x1xf32>
      %div3A_1107 = vector.broadcast %broadcast_in_dim3A_1106 : vector<512x1xf32> to vector<512x4xf32>
      %div3A_1108 = arith.divf %exp3A_1103, %div3A_1107 : vector<512x4xf32>
      %div3A_1109 = arith.divf %exp3A_1017, %add3A_1024 : vector<512x4xf32>
      %reduce_max3A_1110 = arith.constant dense<0xFF800000> : vector<512xf32>
      %reduce_max3A_1111 = vector.multi_reduction <maximumf>, %div3A_1109, %reduce_max3A_1110 [1] : vector<512x4xf32> to vector<512xf32>
      %broadcast_in_dim3A_1112 = vector.shape_cast %reduce_max3A_1111 : vector<512xf32> to vector<512x1xf32>
      %sub3A_1113 = vector.broadcast %broadcast_in_dim3A_1112 : vector<512x1xf32> to vector<512x4xf32>
      %sub3A_1114 = arith.subf %div3A_1109, %sub3A_1113 : vector<512x4xf32>
      %exp3A_1115 = math.exp %sub3A_1114 : vector<512x4xf32>
      %reduce_sum3A_1116 = arith.constant dense<0.000000e+00> : vector<512xf32>
      %reduce_sum3A_1117 = vector.multi_reduction <add>, %exp3A_1115, %reduce_sum3A_1116 [1] : vector<512x4xf32> to vector<512xf32>
      %broadcast_in_dim3A_1118 = vector.shape_cast %reduce_sum3A_1117 : vector<512xf32> to vector<512x1xf32>
      %div3A_1119 = vector.broadcast %broadcast_in_dim3A_1118 : vector<512x1xf32> to vector<512x4xf32>
      %div3A_1120 = arith.divf %exp3A_1115, %div3A_1119 : vector<512x4xf32>
      %broadcast_in_dim3A_1121 = arith.constant 0.000000e+00 : f32
      %broadcast_in_dim3A_1122 = vector.broadcast %broadcast_in_dim3A_1121 : f32 to vector<512x4xf32>
      %broadcast_in_dim3A_1123 = arith.constant 0.000000e+00 : f32
      %broadcast_in_dim3A_1124 = vector.broadcast %broadcast_in_dim3A_1123 : f32 to vector<512x1xf32>
      %broadcast_in_dim3A_1125 = arith.constant 0.000000e+00 : f32
      %broadcast_in_dim3A_1126 = vector.broadcast %broadcast_in_dim3A_1125 : f32 to vector<512x1xf32>
      %broadcast_in_dim3A_1127 = arith.constant 0.000000e+00 : f32
      %broadcast_in_dim3A_1128 = vector.broadcast %broadcast_in_dim3A_1127 : f32 to vector<512x1xf32>
      %broadcast_in_dim3A_1129 = arith.constant 0.000000e+00 : f32
      %broadcast_in_dim3A_1130 = vector.broadcast %broadcast_in_dim3A_1129 : f32 to vector<512x1xf32>
      %slice3A_1131 = vector.extract_strided_slice %div3A_463 {offsets = [0, 0], sizes = [512, 1], strides = [1, 1]} : vector<512x3xf32> to vector<512x1xf32>
      %slice3A_1132 = vector.extract_strided_slice %div3A_1036 {offsets = [0, 0], sizes = [512, 1], strides = [1, 1]} : vector<512x4xf32> to vector<512x1xf32>
      %mul3A_1133 = arith.mulf %slice3A_1131, %slice3A_1132 : vector<512x1xf32>
      %add3A_1134 = arith.addf %broadcast_in_dim3A_1124, %mul3A_1133 : vector<512x1xf32>
      %slice3A_1135 = vector.extract_strided_slice %div3A_463 {offsets = [0, 1], sizes = [512, 1], strides = [1, 1]} : vector<512x3xf32> to vector<512x1xf32>
      %slice3A_1136 = vector.extract_strided_slice %div3A_1036 {offsets = [0, 0], sizes = [512, 1], strides = [1, 1]} : vector<512x4xf32> to vector<512x1xf32>
      %mul3A_1137 = arith.mulf %slice3A_1135, %slice3A_1136 : vector<512x1xf32>
      %add3A_1138 = arith.addf %add3A_1134, %mul3A_1137 : vector<512x1xf32>
      %slice3A_1139 = vector.extract_strided_slice %div3A_463 {offsets = [0, 1], sizes = [512, 1], strides = [1, 1]} : vector<512x3xf32> to vector<512x1xf32>
      %slice3A_1140 = vector.extract_strided_slice %div3A_1036 {offsets = [0, 1], sizes = [512, 1], strides = [1, 1]} : vector<512x4xf32> to vector<512x1xf32>
      %mul3A_1141 = arith.mulf %slice3A_1139, %slice3A_1140 : vector<512x1xf32>
      %add3A_1142 = arith.addf %add3A_1138, %mul3A_1141 : vector<512x1xf32>
      %slice3A_1143 = vector.extract_strided_slice %div3A_463 {offsets = [0, 1], sizes = [512, 1], strides = [1, 1]} : vector<512x3xf32> to vector<512x1xf32>
      %slice3A_1144 = vector.extract_strided_slice %div3A_1036 {offsets = [0, 2], sizes = [512, 1], strides = [1, 1]} : vector<512x4xf32> to vector<512x1xf32>
      %mul3A_1145 = arith.mulf %slice3A_1143, %slice3A_1144 : vector<512x1xf32>
      %add3A_1146 = arith.addf %add3A_1142, %mul3A_1145 : vector<512x1xf32>
      %slice3A_1147 = vector.extract_strided_slice %div3A_463 {offsets = [0, 1], sizes = [512, 1], strides = [1, 1]} : vector<512x3xf32> to vector<512x1xf32>
      %slice3A_1148 = vector.extract_strided_slice %div3A_1036 {offsets = [0, 3], sizes = [512, 1], strides = [1, 1]} : vector<512x4xf32> to vector<512x1xf32>
      %mul3A_1149 = arith.mulf %slice3A_1147, %slice3A_1148 : vector<512x1xf32>
      %add3A_1150 = arith.addf %add3A_1146, %mul3A_1149 : vector<512x1xf32>
      %slice3A_1151 = vector.extract_strided_slice %div3A_463 {offsets = [0, 2], sizes = [512, 1], strides = [1, 1]} : vector<512x3xf32> to vector<512x1xf32>
      %slice3A_1152 = vector.extract_strided_slice %div3A_1036 {offsets = [0, 0], sizes = [512, 1], strides = [1, 1]} : vector<512x4xf32> to vector<512x1xf32>
      %mul3A_1153 = arith.mulf %slice3A_1151, %slice3A_1152 : vector<512x1xf32>
      %add3A_1154 = arith.addf %add3A_1150, %mul3A_1153 : vector<512x1xf32>
      %slice3A_1155 = vector.extract_strided_slice %div3A_463 {offsets = [0, 2], sizes = [512, 1], strides = [1, 1]} : vector<512x3xf32> to vector<512x1xf32>
      %slice3A_1156 = vector.extract_strided_slice %div3A_1036 {offsets = [0, 1], sizes = [512, 1], strides = [1, 1]} : vector<512x4xf32> to vector<512x1xf32>
      %mul3A_1157 = arith.mulf %slice3A_1155, %slice3A_1156 : vector<512x1xf32>
      %add3A_1158 = arith.addf %broadcast_in_dim3A_1126, %mul3A_1157 : vector<512x1xf32>
      %slice3A_1159 = vector.extract_strided_slice %div3A_463 {offsets = [0, 2], sizes = [512, 1], strides = [1, 1]} : vector<512x3xf32> to vector<512x1xf32>
      %slice3A_1160 = vector.extract_strided_slice %div3A_1036 {offsets = [0, 2], sizes = [512, 1], strides = [1, 1]} : vector<512x4xf32> to vector<512x1xf32>
      %mul3A_1161 = arith.mulf %slice3A_1159, %slice3A_1160 : vector<512x1xf32>
      %add3A_1162 = arith.addf %broadcast_in_dim3A_1128, %mul3A_1161 : vector<512x1xf32>
      %slice3A_1163 = vector.extract_strided_slice %div3A_463 {offsets = [0, 2], sizes = [512, 1], strides = [1, 1]} : vector<512x3xf32> to vector<512x1xf32>
      %slice3A_1164 = vector.extract_strided_slice %div3A_1036 {offsets = [0, 3], sizes = [512, 1], strides = [1, 1]} : vector<512x4xf32> to vector<512x1xf32>
      %mul3A_1165 = arith.mulf %slice3A_1163, %slice3A_1164 : vector<512x1xf32>
      %add3A_1166 = arith.addf %broadcast_in_dim3A_1130, %mul3A_1165 : vector<512x1xf32>
      %slice3A_1167 = vector.extract_strided_slice %div3A_750 {offsets = [0, 0], sizes = [512, 1], strides = [1, 1]} : vector<512x3xf32> to vector<512x1xf32>
      %slice3A_1168 = vector.extract_strided_slice %div3A_1084 {offsets = [0, 0], sizes = [512, 1], strides = [1, 1]} : vector<512x4xf32> to vector<512x1xf32>
      %mul3A_1169 = arith.mulf %slice3A_1167, %slice3A_1168 : vector<512x1xf32>
      %add3A_1170 = arith.addf %add3A_1154, %mul3A_1169 : vector<512x1xf32>
      %slice3A_1171 = vector.extract_strided_slice %div3A_750 {offsets = [0, 1], sizes = [512, 1], strides = [1, 1]} : vector<512x3xf32> to vector<512x1xf32>
      %slice3A_1172 = vector.extract_strided_slice %div3A_1084 {offsets = [0, 0], sizes = [512, 1], strides = [1, 1]} : vector<512x4xf32> to vector<512x1xf32>
      %mul3A_1173 = arith.mulf %slice3A_1171, %slice3A_1172 : vector<512x1xf32>
      %add3A_1174 = arith.addf %add3A_1170, %mul3A_1173 : vector<512x1xf32>
      %slice3A_1175 = vector.extract_strided_slice %div3A_750 {offsets = [0, 1], sizes = [512, 1], strides = [1, 1]} : vector<512x3xf32> to vector<512x1xf32>
      %slice3A_1176 = vector.extract_strided_slice %div3A_1084 {offsets = [0, 1], sizes = [512, 1], strides = [1, 1]} : vector<512x4xf32> to vector<512x1xf32>
      %mul3A_1177 = arith.mulf %slice3A_1175, %slice3A_1176 : vector<512x1xf32>
      %add3A_1178 = arith.addf %add3A_1174, %mul3A_1177 : vector<512x1xf32>
      %slice3A_1179 = vector.extract_strided_slice %div3A_750 {offsets = [0, 1], sizes = [512, 1], strides = [1, 1]} : vector<512x3xf32> to vector<512x1xf32>
      %slice3A_1180 = vector.extract_strided_slice %div3A_1084 {offsets = [0, 2], sizes = [512, 1], strides = [1, 1]} : vector<512x4xf32> to vector<512x1xf32>
      %mul3A_1181 = arith.mulf %slice3A_1179, %slice3A_1180 : vector<512x1xf32>
      %add3A_1182 = arith.addf %add3A_1178, %mul3A_1181 : vector<512x1xf32>
      %slice3A_1183 = vector.extract_strided_slice %div3A_750 {offsets = [0, 1], sizes = [512, 1], strides = [1, 1]} : vector<512x3xf32> to vector<512x1xf32>
      %slice3A_1184 = vector.extract_strided_slice %div3A_1084 {offsets = [0, 3], sizes = [512, 1], strides = [1, 1]} : vector<512x4xf32> to vector<512x1xf32>
      %mul3A_1185 = arith.mulf %slice3A_1183, %slice3A_1184 : vector<512x1xf32>
      %add3A_1186 = arith.addf %add3A_1182, %mul3A_1185 : vector<512x1xf32>
      %slice3A_1187 = vector.extract_strided_slice %div3A_750 {offsets = [0, 2], sizes = [512, 1], strides = [1, 1]} : vector<512x3xf32> to vector<512x1xf32>
      %slice3A_1188 = vector.extract_strided_slice %div3A_1084 {offsets = [0, 0], sizes = [512, 1], strides = [1, 1]} : vector<512x4xf32> to vector<512x1xf32>
      %mul3A_1189 = arith.mulf %slice3A_1187, %slice3A_1188 : vector<512x1xf32>
      %add3A_1190 = arith.addf %add3A_1186, %mul3A_1189 : vector<512x1xf32>
      %slice3A_1191 = vector.extract_strided_slice %div3A_750 {offsets = [0, 2], sizes = [512, 1], strides = [1, 1]} : vector<512x3xf32> to vector<512x1xf32>
      %slice3A_1192 = vector.extract_strided_slice %div3A_1084 {offsets = [0, 1], sizes = [512, 1], strides = [1, 1]} : vector<512x4xf32> to vector<512x1xf32>
      %mul3A_1193 = arith.mulf %slice3A_1191, %slice3A_1192 : vector<512x1xf32>
      %add3A_1194 = arith.addf %add3A_1158, %mul3A_1193 : vector<512x1xf32>
      %slice3A_1195 = vector.extract_strided_slice %div3A_750 {offsets = [0, 2], sizes = [512, 1], strides = [1, 1]} : vector<512x3xf32> to vector<512x1xf32>
      %slice3A_1196 = vector.extract_strided_slice %div3A_1084 {offsets = [0, 2], sizes = [512, 1], strides = [1, 1]} : vector<512x4xf32> to vector<512x1xf32>
      %mul3A_1197 = arith.mulf %slice3A_1195, %slice3A_1196 : vector<512x1xf32>
      %add3A_1198 = arith.addf %add3A_1162, %mul3A_1197 : vector<512x1xf32>
      %slice3A_1199 = vector.extract_strided_slice %div3A_750 {offsets = [0, 2], sizes = [512, 1], strides = [1, 1]} : vector<512x3xf32> to vector<512x1xf32>
      %slice3A_1200 = vector.extract_strided_slice %div3A_1084 {offsets = [0, 3], sizes = [512, 1], strides = [1, 1]} : vector<512x4xf32> to vector<512x1xf32>
      %mul3A_1201 = arith.mulf %slice3A_1199, %slice3A_1200 : vector<512x1xf32>
      %add3A_1202 = arith.addf %add3A_1166, %mul3A_1201 : vector<512x1xf32>
      %concatenate3A_1203 = tpu.concatenate %add3A_1190, %add3A_1194, %add3A_1198, %add3A_1202 in 1 : vector<512x1xf32>, vector<512x1xf32>, vector<512x1xf32>, vector<512x1xf32> -> vector<512x4xf32>
      %reduce_max3A_1204 = arith.constant dense<0xFF800000> : vector<512xf32>
      %reduce_max3A_1205 = vector.multi_reduction <maximumf>, %concatenate3A_1203, %reduce_max3A_1204 [1] : vector<512x4xf32> to vector<512xf32>
      %broadcast_in_dim3A_1206 = vector.shape_cast %reduce_max3A_1205 : vector<512xf32> to vector<512x1xf32>
      %sub3A_1207 = vector.broadcast %broadcast_in_dim3A_1206 : vector<512x1xf32> to vector<512x4xf32>
      %sub3A_1208 = arith.subf %concatenate3A_1203, %sub3A_1207 : vector<512x4xf32>
      %exp3A_1209 = math.exp %sub3A_1208 : vector<512x4xf32>
      %reduce_sum3A_1210 = arith.constant dense<0.000000e+00> : vector<512xf32>
      %reduce_sum3A_1211 = vector.multi_reduction <add>, %exp3A_1209, %reduce_sum3A_1210 [1] : vector<512x4xf32> to vector<512xf32>
      %broadcast_in_dim3A_1212 = vector.shape_cast %reduce_sum3A_1211 : vector<512xf32> to vector<512x1xf32>
      %div3A_1213 = vector.broadcast %broadcast_in_dim3A_1212 : vector<512x1xf32> to vector<512x4xf32>
      %div3A_1214 = arith.divf %exp3A_1209, %div3A_1213 : vector<512x4xf32>
      %add3A_1215 = arith.addf %broadcast_in_dim3A_1122, %div3A_1214 : vector<512x4xf32>
      %broadcast_in_dim3A_1216 = arith.constant 0.000000e+00 : f32
      %broadcast_in_dim3A_1217 = vector.broadcast %broadcast_in_dim3A_1216 : f32 to vector<512x1xf32>
      %broadcast_in_dim3A_1218 = arith.constant 0.000000e+00 : f32
      %broadcast_in_dim3A_1219 = vector.broadcast %broadcast_in_dim3A_1218 : f32 to vector<512x1xf32>
      %broadcast_in_dim3A_1220 = arith.constant 0.000000e+00 : f32
      %broadcast_in_dim3A_1221 = vector.broadcast %broadcast_in_dim3A_1220 : f32 to vector<512x1xf32>
      %broadcast_in_dim3A_1222 = arith.constant 0.000000e+00 : f32
      %broadcast_in_dim3A_1223 = vector.broadcast %broadcast_in_dim3A_1222 : f32 to vector<512x1xf32>
      %slice3A_1224 = vector.extract_strided_slice %div3A_534 {offsets = [0, 0], sizes = [512, 1], strides = [1, 1]} : vector<512x3xf32> to vector<512x1xf32>
      %slice3A_1225 = vector.extract_strided_slice %div3A_1048 {offsets = [0, 0], sizes = [512, 1], strides = [1, 1]} : vector<512x4xf32> to vector<512x1xf32>
      %mul3A_1226 = arith.mulf %slice3A_1224, %slice3A_1225 : vector<512x1xf32>
      %add3A_1227 = arith.addf %broadcast_in_dim3A_1219, %mul3A_1226 : vector<512x1xf32>
      %slice3A_1228 = vector.extract_strided_slice %div3A_534 {offsets = [0, 0], sizes = [512, 1], strides = [1, 1]} : vector<512x3xf32> to vector<512x1xf32>
      %slice3A_1229 = vector.extract_strided_slice %div3A_1048 {offsets = [0, 1], sizes = [512, 1], strides = [1, 1]} : vector<512x4xf32> to vector<512x1xf32>
      %mul3A_1230 = arith.mulf %slice3A_1228, %slice3A_1229 : vector<512x1xf32>
      %add3A_1231 = arith.addf %broadcast_in_dim3A_1217, %mul3A_1230 : vector<512x1xf32>
      %slice3A_1232 = vector.extract_strided_slice %div3A_534 {offsets = [0, 1], sizes = [512, 1], strides = [1, 1]} : vector<512x3xf32> to vector<512x1xf32>
      %slice3A_1233 = vector.extract_strided_slice %div3A_1048 {offsets = [0, 0], sizes = [512, 1], strides = [1, 1]} : vector<512x4xf32> to vector<512x1xf32>
      %mul3A_1234 = arith.mulf %slice3A_1232, %slice3A_1233 : vector<512x1xf32>
      %add3A_1235 = arith.addf %add3A_1227, %mul3A_1234 : vector<512x1xf32>
      %slice3A_1236 = vector.extract_strided_slice %div3A_534 {offsets = [0, 1], sizes = [512, 1], strides = [1, 1]} : vector<512x3xf32> to vector<512x1xf32>
      %slice3A_1237 = vector.extract_strided_slice %div3A_1048 {offsets = [0, 1], sizes = [512, 1], strides = [1, 1]} : vector<512x4xf32> to vector<512x1xf32>
      %mul3A_1238 = arith.mulf %slice3A_1236, %slice3A_1237 : vector<512x1xf32>
      %add3A_1239 = arith.addf %add3A_1235, %mul3A_1238 : vector<512x1xf32>
      %slice3A_1240 = vector.extract_strided_slice %div3A_534 {offsets = [0, 1], sizes = [512, 1], strides = [1, 1]} : vector<512x3xf32> to vector<512x1xf32>
      %slice3A_1241 = vector.extract_strided_slice %div3A_1048 {offsets = [0, 2], sizes = [512, 1], strides = [1, 1]} : vector<512x4xf32> to vector<512x1xf32>
      %mul3A_1242 = arith.mulf %slice3A_1240, %slice3A_1241 : vector<512x1xf32>
      %add3A_1243 = arith.addf %add3A_1239, %mul3A_1242 : vector<512x1xf32>
      %slice3A_1244 = vector.extract_strided_slice %div3A_534 {offsets = [0, 1], sizes = [512, 1], strides = [1, 1]} : vector<512x3xf32> to vector<512x1xf32>
      %slice3A_1245 = vector.extract_strided_slice %div3A_1048 {offsets = [0, 3], sizes = [512, 1], strides = [1, 1]} : vector<512x4xf32> to vector<512x1xf32>
      %mul3A_1246 = arith.mulf %slice3A_1244, %slice3A_1245 : vector<512x1xf32>
      %add3A_1247 = arith.addf %add3A_1243, %mul3A_1246 : vector<512x1xf32>
      %slice3A_1248 = vector.extract_strided_slice %div3A_534 {offsets = [0, 2], sizes = [512, 1], strides = [1, 1]} : vector<512x3xf32> to vector<512x1xf32>
      %slice3A_1249 = vector.extract_strided_slice %div3A_1048 {offsets = [0, 0], sizes = [512, 1], strides = [1, 1]} : vector<512x4xf32> to vector<512x1xf32>
      %mul3A_1250 = arith.mulf %slice3A_1248, %slice3A_1249 : vector<512x1xf32>
      %add3A_1251 = arith.addf %add3A_1247, %mul3A_1250 : vector<512x1xf32>
      %slice3A_1252 = vector.extract_strided_slice %div3A_534 {offsets = [0, 2], sizes = [512, 1], strides = [1, 1]} : vector<512x3xf32> to vector<512x1xf32>
      %slice3A_1253 = vector.extract_strided_slice %div3A_1048 {offsets = [0, 1], sizes = [512, 1], strides = [1, 1]} : vector<512x4xf32> to vector<512x1xf32>
      %mul3A_1254 = arith.mulf %slice3A_1252, %slice3A_1253 : vector<512x1xf32>
      %add3A_1255 = arith.addf %broadcast_in_dim3A_1221, %mul3A_1254 : vector<512x1xf32>
      %slice3A_1256 = vector.extract_strided_slice %div3A_534 {offsets = [0, 2], sizes = [512, 1], strides = [1, 1]} : vector<512x3xf32> to vector<512x1xf32>
      %slice3A_1257 = vector.extract_strided_slice %div3A_1048 {offsets = [0, 2], sizes = [512, 1], strides = [1, 1]} : vector<512x4xf32> to vector<512x1xf32>
      %mul3A_1258 = arith.mulf %slice3A_1256, %slice3A_1257 : vector<512x1xf32>
      %add3A_1259 = arith.addf %broadcast_in_dim3A_1223, %mul3A_1258 : vector<512x1xf32>
      %slice3A_1260 = vector.extract_strided_slice %div3A_822 {offsets = [0, 0], sizes = [512, 1], strides = [1, 1]} : vector<512x3xf32> to vector<512x1xf32>
      %slice3A_1261 = vector.extract_strided_slice %div3A_1096 {offsets = [0, 0], sizes = [512, 1], strides = [1, 1]} : vector<512x4xf32> to vector<512x1xf32>
      %mul3A_1262 = arith.mulf %slice3A_1260, %slice3A_1261 : vector<512x1xf32>
      %add3A_1263 = arith.addf %add3A_1251, %mul3A_1262 : vector<512x1xf32>
      %slice3A_1264 = vector.extract_strided_slice %div3A_822 {offsets = [0, 0], sizes = [512, 1], strides = [1, 1]} : vector<512x3xf32> to vector<512x1xf32>
      %slice3A_1265 = vector.extract_strided_slice %div3A_1096 {offsets = [0, 1], sizes = [512, 1], strides = [1, 1]} : vector<512x4xf32> to vector<512x1xf32>
      %mul3A_1266 = arith.mulf %slice3A_1264, %slice3A_1265 : vector<512x1xf32>
      %add3A_1267 = arith.addf %add3A_1231, %mul3A_1266 : vector<512x1xf32>
      %slice3A_1268 = vector.extract_strided_slice %div3A_822 {offsets = [0, 1], sizes = [512, 1], strides = [1, 1]} : vector<512x3xf32> to vector<512x1xf32>
      %slice3A_1269 = vector.extract_strided_slice %div3A_1096 {offsets = [0, 0], sizes = [512, 1], strides = [1, 1]} : vector<512x4xf32> to vector<512x1xf32>
      %mul3A_1270 = arith.mulf %slice3A_1268, %slice3A_1269 : vector<512x1xf32>
      %add3A_1271 = arith.addf %add3A_1263, %mul3A_1270 : vector<512x1xf32>
      %slice3A_1272 = vector.extract_strided_slice %div3A_822 {offsets = [0, 1], sizes = [512, 1], strides = [1, 1]} : vector<512x3xf32> to vector<512x1xf32>
      %slice3A_1273 = vector.extract_strided_slice %div3A_1096 {offsets = [0, 1], sizes = [512, 1], strides = [1, 1]} : vector<512x4xf32> to vector<512x1xf32>
      %mul3A_1274 = arith.mulf %slice3A_1272, %slice3A_1273 : vector<512x1xf32>
      %add3A_1275 = arith.addf %add3A_1271, %mul3A_1274 : vector<512x1xf32>
      %slice3A_1276 = vector.extract_strided_slice %div3A_822 {offsets = [0, 1], sizes = [512, 1], strides = [1, 1]} : vector<512x3xf32> to vector<512x1xf32>
      %slice3A_1277 = vector.extract_strided_slice %div3A_1096 {offsets = [0, 2], sizes = [512, 1], strides = [1, 1]} : vector<512x4xf32> to vector<512x1xf32>
      %mul3A_1278 = arith.mulf %slice3A_1276, %slice3A_1277 : vector<512x1xf32>
      %add3A_1279 = arith.addf %add3A_1275, %mul3A_1278 : vector<512x1xf32>
      %slice3A_1280 = vector.extract_strided_slice %div3A_822 {offsets = [0, 1], sizes = [512, 1], strides = [1, 1]} : vector<512x3xf32> to vector<512x1xf32>
      %slice3A_1281 = vector.extract_strided_slice %div3A_1096 {offsets = [0, 3], sizes = [512, 1], strides = [1, 1]} : vector<512x4xf32> to vector<512x1xf32>
      %mul3A_1282 = arith.mulf %slice3A_1280, %slice3A_1281 : vector<512x1xf32>
      %add3A_1283 = arith.addf %add3A_1279, %mul3A_1282 : vector<512x1xf32>
      %slice3A_1284 = vector.extract_strided_slice %div3A_822 {offsets = [0, 2], sizes = [512, 1], strides = [1, 1]} : vector<512x3xf32> to vector<512x1xf32>
      %slice3A_1285 = vector.extract_strided_slice %div3A_1096 {offsets = [0, 0], sizes = [512, 1], strides = [1, 1]} : vector<512x4xf32> to vector<512x1xf32>
      %mul3A_1286 = arith.mulf %slice3A_1284, %slice3A_1285 : vector<512x1xf32>
      %add3A_1287 = arith.addf %add3A_1283, %mul3A_1286 : vector<512x1xf32>
      %slice3A_1288 = vector.extract_strided_slice %div3A_822 {offsets = [0, 2], sizes = [512, 1], strides = [1, 1]} : vector<512x3xf32> to vector<512x1xf32>
      %slice3A_1289 = vector.extract_strided_slice %div3A_1096 {offsets = [0, 1], sizes = [512, 1], strides = [1, 1]} : vector<512x4xf32> to vector<512x1xf32>
      %mul3A_1290 = arith.mulf %slice3A_1288, %slice3A_1289 : vector<512x1xf32>
      %add3A_1291 = arith.addf %add3A_1255, %mul3A_1290 : vector<512x1xf32>
      %slice3A_1292 = vector.extract_strided_slice %div3A_822 {offsets = [0, 2], sizes = [512, 1], strides = [1, 1]} : vector<512x3xf32> to vector<512x1xf32>
      %slice3A_1293 = vector.extract_strided_slice %div3A_1096 {offsets = [0, 2], sizes = [512, 1], strides = [1, 1]} : vector<512x4xf32> to vector<512x1xf32>
      %mul3A_1294 = arith.mulf %slice3A_1292, %slice3A_1293 : vector<512x1xf32>
      %add3A_1295 = arith.addf %add3A_1259, %mul3A_1294 : vector<512x1xf32>
      %concatenate3A_1296 = tpu.concatenate %add3A_1267, %add3A_1287, %add3A_1291, %add3A_1295 in 1 : vector<512x1xf32>, vector<512x1xf32>, vector<512x1xf32>, vector<512x1xf32> -> vector<512x4xf32>
      %reduce_max3A_1297 = arith.constant dense<0xFF800000> : vector<512xf32>
      %reduce_max3A_1298 = vector.multi_reduction <maximumf>, %concatenate3A_1296, %reduce_max3A_1297 [1] : vector<512x4xf32> to vector<512xf32>
      %broadcast_in_dim3A_1299 = vector.shape_cast %reduce_max3A_1298 : vector<512xf32> to vector<512x1xf32>
      %sub3A_1300 = vector.broadcast %broadcast_in_dim3A_1299 : vector<512x1xf32> to vector<512x4xf32>
      %sub3A_1301 = arith.subf %concatenate3A_1296, %sub3A_1300 : vector<512x4xf32>
      %exp3A_1302 = math.exp %sub3A_1301 : vector<512x4xf32>
      %reduce_sum3A_1303 = arith.constant dense<0.000000e+00> : vector<512xf32>
      %reduce_sum3A_1304 = vector.multi_reduction <add>, %exp3A_1302, %reduce_sum3A_1303 [1] : vector<512x4xf32> to vector<512xf32>
      %broadcast_in_dim3A_1305 = vector.shape_cast %reduce_sum3A_1304 : vector<512xf32> to vector<512x1xf32>
      %div3A_1306 = vector.broadcast %broadcast_in_dim3A_1305 : vector<512x1xf32> to vector<512x4xf32>
      %div3A_1307 = arith.divf %exp3A_1302, %div3A_1306 : vector<512x4xf32>
      %add3A_1308 = arith.addf %add3A_1215, %div3A_1307 : vector<512x4xf32>
      %broadcast_in_dim3A_1309 = arith.constant 0.000000e+00 : f32
      %broadcast_in_dim3A_1310 = vector.broadcast %broadcast_in_dim3A_1309 : f32 to vector<512x1xf32>
      %broadcast_in_dim3A_1311 = arith.constant 0.000000e+00 : f32
      %broadcast_in_dim3A_1312 = vector.broadcast %broadcast_in_dim3A_1311 : f32 to vector<512x1xf32>
      %broadcast_in_dim3A_1313 = arith.constant 0.000000e+00 : f32
      %broadcast_in_dim3A_1314 = vector.broadcast %broadcast_in_dim3A_1313 : f32 to vector<512x1xf32>
      %broadcast_in_dim3A_1315 = arith.constant 0.000000e+00 : f32
      %broadcast_in_dim3A_1316 = vector.broadcast %broadcast_in_dim3A_1315 : f32 to vector<512x1xf32>
      %slice3A_1317 = vector.extract_strided_slice %div3A_606 {offsets = [0, 0], sizes = [512, 1], strides = [1, 1]} : vector<512x3xf32> to vector<512x1xf32>
      %slice3A_1318 = vector.extract_strided_slice %div3A_1060 {offsets = [0, 0], sizes = [512, 1], strides = [1, 1]} : vector<512x4xf32> to vector<512x1xf32>
      %mul3A_1319 = arith.mulf %slice3A_1317, %slice3A_1318 : vector<512x1xf32>
      %add3A_1320 = arith.addf %broadcast_in_dim3A_1314, %mul3A_1319 : vector<512x1xf32>
      %slice3A_1321 = vector.extract_strided_slice %div3A_606 {offsets = [0, 0], sizes = [512, 1], strides = [1, 1]} : vector<512x3xf32> to vector<512x1xf32>
      %slice3A_1322 = vector.extract_strided_slice %div3A_1060 {offsets = [0, 1], sizes = [512, 1], strides = [1, 1]} : vector<512x4xf32> to vector<512x1xf32>
      %mul3A_1323 = arith.mulf %slice3A_1321, %slice3A_1322 : vector<512x1xf32>
      %add3A_1324 = arith.addf %broadcast_in_dim3A_1312, %mul3A_1323 : vector<512x1xf32>
      %slice3A_1325 = vector.extract_strided_slice %div3A_606 {offsets = [0, 0], sizes = [512, 1], strides = [1, 1]} : vector<512x3xf32> to vector<512x1xf32>
      %slice3A_1326 = vector.extract_strided_slice %div3A_1060 {offsets = [0, 2], sizes = [512, 1], strides = [1, 1]} : vector<512x4xf32> to vector<512x1xf32>
      %mul3A_1327 = arith.mulf %slice3A_1325, %slice3A_1326 : vector<512x1xf32>
      %add3A_1328 = arith.addf %broadcast_in_dim3A_1310, %mul3A_1327 : vector<512x1xf32>
      %slice3A_1329 = vector.extract_strided_slice %div3A_606 {offsets = [0, 1], sizes = [512, 1], strides = [1, 1]} : vector<512x3xf32> to vector<512x1xf32>
      %slice3A_1330 = vector.extract_strided_slice %div3A_1060 {offsets = [0, 0], sizes = [512, 1], strides = [1, 1]} : vector<512x4xf32> to vector<512x1xf32>
      %mul3A_1331 = arith.mulf %slice3A_1329, %slice3A_1330 : vector<512x1xf32>
      %add3A_1332 = arith.addf %add3A_1320, %mul3A_1331 : vector<512x1xf32>
      %slice3A_1333 = vector.extract_strided_slice %div3A_606 {offsets = [0, 1], sizes = [512, 1], strides = [1, 1]} : vector<512x3xf32> to vector<512x1xf32>
      %slice3A_1334 = vector.extract_strided_slice %div3A_1060 {offsets = [0, 1], sizes = [512, 1], strides = [1, 1]} : vector<512x4xf32> to vector<512x1xf32>
      %mul3A_1335 = arith.mulf %slice3A_1333, %slice3A_1334 : vector<512x1xf32>
      %add3A_1336 = arith.addf %add3A_1332, %mul3A_1335 : vector<512x1xf32>
      %slice3A_1337 = vector.extract_strided_slice %div3A_606 {offsets = [0, 1], sizes = [512, 1], strides = [1, 1]} : vector<512x3xf32> to vector<512x1xf32>
      %slice3A_1338 = vector.extract_strided_slice %div3A_1060 {offsets = [0, 2], sizes = [512, 1], strides = [1, 1]} : vector<512x4xf32> to vector<512x1xf32>
      %mul3A_1339 = arith.mulf %slice3A_1337, %slice3A_1338 : vector<512x1xf32>
      %add3A_1340 = arith.addf %add3A_1336, %mul3A_1339 : vector<512x1xf32>
      %slice3A_1341 = vector.extract_strided_slice %div3A_606 {offsets = [0, 1], sizes = [512, 1], strides = [1, 1]} : vector<512x3xf32> to vector<512x1xf32>
      %slice3A_1342 = vector.extract_strided_slice %div3A_1060 {offsets = [0, 3], sizes = [512, 1], strides = [1, 1]} : vector<512x4xf32> to vector<512x1xf32>
      %mul3A_1343 = arith.mulf %slice3A_1341, %slice3A_1342 : vector<512x1xf32>
      %add3A_1344 = arith.addf %add3A_1340, %mul3A_1343 : vector<512x1xf32>
      %slice3A_1345 = vector.extract_strided_slice %div3A_606 {offsets = [0, 2], sizes = [512, 1], strides = [1, 1]} : vector<512x3xf32> to vector<512x1xf32>
      %slice3A_1346 = vector.extract_strided_slice %div3A_1060 {offsets = [0, 0], sizes = [512, 1], strides = [1, 1]} : vector<512x4xf32> to vector<512x1xf32>
      %mul3A_1347 = arith.mulf %slice3A_1345, %slice3A_1346 : vector<512x1xf32>
      %add3A_1348 = arith.addf %add3A_1344, %mul3A_1347 : vector<512x1xf32>
      %slice3A_1349 = vector.extract_strided_slice %div3A_606 {offsets = [0, 2], sizes = [512, 1], strides = [1, 1]} : vector<512x3xf32> to vector<512x1xf32>
      %slice3A_1350 = vector.extract_strided_slice %div3A_1060 {offsets = [0, 1], sizes = [512, 1], strides = [1, 1]} : vector<512x4xf32> to vector<512x1xf32>
      %mul3A_1351 = arith.mulf %slice3A_1349, %slice3A_1350 : vector<512x1xf32>
      %add3A_1352 = arith.addf %broadcast_in_dim3A_1316, %mul3A_1351 : vector<512x1xf32>
      %slice3A_1353 = vector.extract_strided_slice %div3A_894 {offsets = [0, 0], sizes = [512, 1], strides = [1, 1]} : vector<512x3xf32> to vector<512x1xf32>
      %slice3A_1354 = vector.extract_strided_slice %div3A_1108 {offsets = [0, 0], sizes = [512, 1], strides = [1, 1]} : vector<512x4xf32> to vector<512x1xf32>
      %mul3A_1355 = arith.mulf %slice3A_1353, %slice3A_1354 : vector<512x1xf32>
      %add3A_1356 = arith.addf %add3A_1348, %mul3A_1355 : vector<512x1xf32>
      %slice3A_1357 = vector.extract_strided_slice %div3A_894 {offsets = [0, 0], sizes = [512, 1], strides = [1, 1]} : vector<512x3xf32> to vector<512x1xf32>
      %slice3A_1358 = vector.extract_strided_slice %div3A_1108 {offsets = [0, 1], sizes = [512, 1], strides = [1, 1]} : vector<512x4xf32> to vector<512x1xf32>
      %mul3A_1359 = arith.mulf %slice3A_1357, %slice3A_1358 : vector<512x1xf32>
      %add3A_1360 = arith.addf %add3A_1324, %mul3A_1359 : vector<512x1xf32>
      %slice3A_1361 = vector.extract_strided_slice %div3A_894 {offsets = [0, 0], sizes = [512, 1], strides = [1, 1]} : vector<512x3xf32> to vector<512x1xf32>
      %slice3A_1362 = vector.extract_strided_slice %div3A_1108 {offsets = [0, 2], sizes = [512, 1], strides = [1, 1]} : vector<512x4xf32> to vector<512x1xf32>
      %mul3A_1363 = arith.mulf %slice3A_1361, %slice3A_1362 : vector<512x1xf32>
      %add3A_1364 = arith.addf %add3A_1328, %mul3A_1363 : vector<512x1xf32>
      %slice3A_1365 = vector.extract_strided_slice %div3A_894 {offsets = [0, 1], sizes = [512, 1], strides = [1, 1]} : vector<512x3xf32> to vector<512x1xf32>
      %slice3A_1366 = vector.extract_strided_slice %div3A_1108 {offsets = [0, 0], sizes = [512, 1], strides = [1, 1]} : vector<512x4xf32> to vector<512x1xf32>
      %mul3A_1367 = arith.mulf %slice3A_1365, %slice3A_1366 : vector<512x1xf32>
      %add3A_1368 = arith.addf %add3A_1356, %mul3A_1367 : vector<512x1xf32>
      %slice3A_1369 = vector.extract_strided_slice %div3A_894 {offsets = [0, 1], sizes = [512, 1], strides = [1, 1]} : vector<512x3xf32> to vector<512x1xf32>
      %slice3A_1370 = vector.extract_strided_slice %div3A_1108 {offsets = [0, 1], sizes = [512, 1], strides = [1, 1]} : vector<512x4xf32> to vector<512x1xf32>
      %mul3A_1371 = arith.mulf %slice3A_1369, %slice3A_1370 : vector<512x1xf32>
      %add3A_1372 = arith.addf %add3A_1368, %mul3A_1371 : vector<512x1xf32>
      %slice3A_1373 = vector.extract_strided_slice %div3A_894 {offsets = [0, 1], sizes = [512, 1], strides = [1, 1]} : vector<512x3xf32> to vector<512x1xf32>
      %slice3A_1374 = vector.extract_strided_slice %div3A_1108 {offsets = [0, 2], sizes = [512, 1], strides = [1, 1]} : vector<512x4xf32> to vector<512x1xf32>
      %mul3A_1375 = arith.mulf %slice3A_1373, %slice3A_1374 : vector<512x1xf32>
      %add3A_1376 = arith.addf %add3A_1372, %mul3A_1375 : vector<512x1xf32>
      %slice3A_1377 = vector.extract_strided_slice %div3A_894 {offsets = [0, 1], sizes = [512, 1], strides = [1, 1]} : vector<512x3xf32> to vector<512x1xf32>
      %slice3A_1378 = vector.extract_strided_slice %div3A_1108 {offsets = [0, 3], sizes = [512, 1], strides = [1, 1]} : vector<512x4xf32> to vector<512x1xf32>
      %mul3A_1379 = arith.mulf %slice3A_1377, %slice3A_1378 : vector<512x1xf32>
      %add3A_1380 = arith.addf %add3A_1376, %mul3A_1379 : vector<512x1xf32>
      %slice3A_1381 = vector.extract_strided_slice %div3A_894 {offsets = [0, 2], sizes = [512, 1], strides = [1, 1]} : vector<512x3xf32> to vector<512x1xf32>
      %slice3A_1382 = vector.extract_strided_slice %div3A_1108 {offsets = [0, 0], sizes = [512, 1], strides = [1, 1]} : vector<512x4xf32> to vector<512x1xf32>
      %mul3A_1383 = arith.mulf %slice3A_1381, %slice3A_1382 : vector<512x1xf32>
      %add3A_1384 = arith.addf %add3A_1380, %mul3A_1383 : vector<512x1xf32>
      %slice3A_1385 = vector.extract_strided_slice %div3A_894 {offsets = [0, 2], sizes = [512, 1], strides = [1, 1]} : vector<512x3xf32> to vector<512x1xf32>
      %slice3A_1386 = vector.extract_strided_slice %div3A_1108 {offsets = [0, 1], sizes = [512, 1], strides = [1, 1]} : vector<512x4xf32> to vector<512x1xf32>
      %mul3A_1387 = arith.mulf %slice3A_1385, %slice3A_1386 : vector<512x1xf32>
      %add3A_1388 = arith.addf %add3A_1352, %mul3A_1387 : vector<512x1xf32>
      %concatenate3A_1389 = tpu.concatenate %add3A_1364, %add3A_1360, %add3A_1384, %add3A_1388 in 1 : vector<512x1xf32>, vector<512x1xf32>, vector<512x1xf32>, vector<512x1xf32> -> vector<512x4xf32>
      %reduce_max3A_1390 = arith.constant dense<0xFF800000> : vector<512xf32>
      %reduce_max3A_1391 = vector.multi_reduction <maximumf>, %concatenate3A_1389, %reduce_max3A_1390 [1] : vector<512x4xf32> to vector<512xf32>
      %broadcast_in_dim3A_1392 = vector.shape_cast %reduce_max3A_1391 : vector<512xf32> to vector<512x1xf32>
      %sub3A_1393 = vector.broadcast %broadcast_in_dim3A_1392 : vector<512x1xf32> to vector<512x4xf32>
      %sub3A_1394 = arith.subf %concatenate3A_1389, %sub3A_1393 : vector<512x4xf32>
      %exp3A_1395 = math.exp %sub3A_1394 : vector<512x4xf32>
      %reduce_sum3A_1396 = arith.constant dense<0.000000e+00> : vector<512xf32>
      %reduce_sum3A_1397 = vector.multi_reduction <add>, %exp3A_1395, %reduce_sum3A_1396 [1] : vector<512x4xf32> to vector<512xf32>
      %broadcast_in_dim3A_1398 = vector.shape_cast %reduce_sum3A_1397 : vector<512xf32> to vector<512x1xf32>
      %div3A_1399 = vector.broadcast %broadcast_in_dim3A_1398 : vector<512x1xf32> to vector<512x4xf32>
      %div3A_1400 = arith.divf %exp3A_1395, %div3A_1399 : vector<512x4xf32>
      %add3A_1401 = arith.addf %add3A_1308, %div3A_1400 : vector<512x4xf32>
      %broadcast_in_dim3A_1402 = arith.constant 0.000000e+00 : f32
      %broadcast_in_dim3A_1403 = vector.broadcast %broadcast_in_dim3A_1402 : f32 to vector<512x1xf32>
      %broadcast_in_dim3A_1404 = arith.constant 0.000000e+00 : f32
      %broadcast_in_dim3A_1405 = vector.broadcast %broadcast_in_dim3A_1404 : f32 to vector<512x1xf32>
      %broadcast_in_dim3A_1406 = arith.constant 0.000000e+00 : f32
      %broadcast_in_dim3A_1407 = vector.broadcast %broadcast_in_dim3A_1406 : f32 to vector<512x1xf32>
      %broadcast_in_dim3A_1408 = arith.constant 0.000000e+00 : f32
      %broadcast_in_dim3A_1409 = vector.broadcast %broadcast_in_dim3A_1408 : f32 to vector<512x1xf32>
      %slice3A_1410 = vector.extract_strided_slice %div3A_678 {offsets = [0, 0], sizes = [512, 1], strides = [1, 1]} : vector<512x3xf32> to vector<512x1xf32>
      %slice3A_1411 = vector.extract_strided_slice %div3A_1072 {offsets = [0, 0], sizes = [512, 1], strides = [1, 1]} : vector<512x4xf32> to vector<512x1xf32>
      %mul3A_1412 = arith.mulf %slice3A_1410, %slice3A_1411 : vector<512x1xf32>
      %add3A_1413 = arith.addf %broadcast_in_dim3A_1409, %mul3A_1412 : vector<512x1xf32>
      %slice3A_1414 = vector.extract_strided_slice %div3A_678 {offsets = [0, 0], sizes = [512, 1], strides = [1, 1]} : vector<512x3xf32> to vector<512x1xf32>
      %slice3A_1415 = vector.extract_strided_slice %div3A_1072 {offsets = [0, 1], sizes = [512, 1], strides = [1, 1]} : vector<512x4xf32> to vector<512x1xf32>
      %mul3A_1416 = arith.mulf %slice3A_1414, %slice3A_1415 : vector<512x1xf32>
      %add3A_1417 = arith.addf %broadcast_in_dim3A_1407, %mul3A_1416 : vector<512x1xf32>
      %slice3A_1418 = vector.extract_strided_slice %div3A_678 {offsets = [0, 0], sizes = [512, 1], strides = [1, 1]} : vector<512x3xf32> to vector<512x1xf32>
      %slice3A_1419 = vector.extract_strided_slice %div3A_1072 {offsets = [0, 2], sizes = [512, 1], strides = [1, 1]} : vector<512x4xf32> to vector<512x1xf32>
      %mul3A_1420 = arith.mulf %slice3A_1418, %slice3A_1419 : vector<512x1xf32>
      %add3A_1421 = arith.addf %broadcast_in_dim3A_1405, %mul3A_1420 : vector<512x1xf32>
      %slice3A_1422 = vector.extract_strided_slice %div3A_678 {offsets = [0, 0], sizes = [512, 1], strides = [1, 1]} : vector<512x3xf32> to vector<512x1xf32>
      %slice3A_1423 = vector.extract_strided_slice %div3A_1072 {offsets = [0, 3], sizes = [512, 1], strides = [1, 1]} : vector<512x4xf32> to vector<512x1xf32>
      %mul3A_1424 = arith.mulf %slice3A_1422, %slice3A_1423 : vector<512x1xf32>
      %add3A_1425 = arith.addf %broadcast_in_dim3A_1403, %mul3A_1424 : vector<512x1xf32>
      %slice3A_1426 = vector.extract_strided_slice %div3A_678 {offsets = [0, 1], sizes = [512, 1], strides = [1, 1]} : vector<512x3xf32> to vector<512x1xf32>
      %slice3A_1427 = vector.extract_strided_slice %div3A_1072 {offsets = [0, 0], sizes = [512, 1], strides = [1, 1]} : vector<512x4xf32> to vector<512x1xf32>
      %mul3A_1428 = arith.mulf %slice3A_1426, %slice3A_1427 : vector<512x1xf32>
      %add3A_1429 = arith.addf %add3A_1413, %mul3A_1428 : vector<512x1xf32>
      %slice3A_1430 = vector.extract_strided_slice %div3A_678 {offsets = [0, 1], sizes = [512, 1], strides = [1, 1]} : vector<512x3xf32> to vector<512x1xf32>
      %slice3A_1431 = vector.extract_strided_slice %div3A_1072 {offsets = [0, 1], sizes = [512, 1], strides = [1, 1]} : vector<512x4xf32> to vector<512x1xf32>
      %mul3A_1432 = arith.mulf %slice3A_1430, %slice3A_1431 : vector<512x1xf32>
      %add3A_1433 = arith.addf %add3A_1429, %mul3A_1432 : vector<512x1xf32>
      %slice3A_1434 = vector.extract_strided_slice %div3A_678 {offsets = [0, 1], sizes = [512, 1], strides = [1, 1]} : vector<512x3xf32> to vector<512x1xf32>
      %slice3A_1435 = vector.extract_strided_slice %div3A_1072 {offsets = [0, 2], sizes = [512, 1], strides = [1, 1]} : vector<512x4xf32> to vector<512x1xf32>
      %mul3A_1436 = arith.mulf %slice3A_1434, %slice3A_1435 : vector<512x1xf32>
      %add3A_1437 = arith.addf %add3A_1433, %mul3A_1436 : vector<512x1xf32>
      %slice3A_1438 = vector.extract_strided_slice %div3A_678 {offsets = [0, 1], sizes = [512, 1], strides = [1, 1]} : vector<512x3xf32> to vector<512x1xf32>
      %slice3A_1439 = vector.extract_strided_slice %div3A_1072 {offsets = [0, 3], sizes = [512, 1], strides = [1, 1]} : vector<512x4xf32> to vector<512x1xf32>
      %mul3A_1440 = arith.mulf %slice3A_1438, %slice3A_1439 : vector<512x1xf32>
      %add3A_1441 = arith.addf %add3A_1437, %mul3A_1440 : vector<512x1xf32>
      %slice3A_1442 = vector.extract_strided_slice %div3A_678 {offsets = [0, 2], sizes = [512, 1], strides = [1, 1]} : vector<512x3xf32> to vector<512x1xf32>
      %slice3A_1443 = vector.extract_strided_slice %div3A_1072 {offsets = [0, 0], sizes = [512, 1], strides = [1, 1]} : vector<512x4xf32> to vector<512x1xf32>
      %mul3A_1444 = arith.mulf %slice3A_1442, %slice3A_1443 : vector<512x1xf32>
      %add3A_1445 = arith.addf %add3A_1441, %mul3A_1444 : vector<512x1xf32>
      %slice3A_1446 = vector.extract_strided_slice %div3A_966 {offsets = [0, 0], sizes = [512, 1], strides = [1, 1]} : vector<512x3xf32> to vector<512x1xf32>
      %slice3A_1447 = vector.extract_strided_slice %div3A_1120 {offsets = [0, 0], sizes = [512, 1], strides = [1, 1]} : vector<512x4xf32> to vector<512x1xf32>
      %mul3A_1448 = arith.mulf %slice3A_1446, %slice3A_1447 : vector<512x1xf32>
      %add3A_1449 = arith.addf %add3A_1445, %mul3A_1448 : vector<512x1xf32>
      %slice3A_1450 = vector.extract_strided_slice %div3A_966 {offsets = [0, 0], sizes = [512, 1], strides = [1, 1]} : vector<512x3xf32> to vector<512x1xf32>
      %slice3A_1451 = vector.extract_strided_slice %div3A_1120 {offsets = [0, 1], sizes = [512, 1], strides = [1, 1]} : vector<512x4xf32> to vector<512x1xf32>
      %mul3A_1452 = arith.mulf %slice3A_1450, %slice3A_1451 : vector<512x1xf32>
      %add3A_1453 = arith.addf %add3A_1417, %mul3A_1452 : vector<512x1xf32>
      %slice3A_1454 = vector.extract_strided_slice %div3A_966 {offsets = [0, 0], sizes = [512, 1], strides = [1, 1]} : vector<512x3xf32> to vector<512x1xf32>
      %slice3A_1455 = vector.extract_strided_slice %div3A_1120 {offsets = [0, 2], sizes = [512, 1], strides = [1, 1]} : vector<512x4xf32> to vector<512x1xf32>
      %mul3A_1456 = arith.mulf %slice3A_1454, %slice3A_1455 : vector<512x1xf32>
      %add3A_1457 = arith.addf %add3A_1421, %mul3A_1456 : vector<512x1xf32>
      %slice3A_1458 = vector.extract_strided_slice %div3A_966 {offsets = [0, 0], sizes = [512, 1], strides = [1, 1]} : vector<512x3xf32> to vector<512x1xf32>
      %slice3A_1459 = vector.extract_strided_slice %div3A_1120 {offsets = [0, 3], sizes = [512, 1], strides = [1, 1]} : vector<512x4xf32> to vector<512x1xf32>
      %mul3A_1460 = arith.mulf %slice3A_1458, %slice3A_1459 : vector<512x1xf32>
      %add3A_1461 = arith.addf %add3A_1425, %mul3A_1460 : vector<512x1xf32>
      %slice3A_1462 = vector.extract_strided_slice %div3A_966 {offsets = [0, 1], sizes = [512, 1], strides = [1, 1]} : vector<512x3xf32> to vector<512x1xf32>
      %slice3A_1463 = vector.extract_strided_slice %div3A_1120 {offsets = [0, 0], sizes = [512, 1], strides = [1, 1]} : vector<512x4xf32> to vector<512x1xf32>
      %mul3A_1464 = arith.mulf %slice3A_1462, %slice3A_1463 : vector<512x1xf32>
      %add3A_1465 = arith.addf %add3A_1449, %mul3A_1464 : vector<512x1xf32>
      %slice3A_1466 = vector.extract_strided_slice %div3A_966 {offsets = [0, 1], sizes = [512, 1], strides = [1, 1]} : vector<512x3xf32> to vector<512x1xf32>
      %slice3A_1467 = vector.extract_strided_slice %div3A_1120 {offsets = [0, 1], sizes = [512, 1], strides = [1, 1]} : vector<512x4xf32> to vector<512x1xf32>
      %mul3A_1468 = arith.mulf %slice3A_1466, %slice3A_1467 : vector<512x1xf32>
      %add3A_1469 = arith.addf %add3A_1465, %mul3A_1468 : vector<512x1xf32>
      %slice3A_1470 = vector.extract_strided_slice %div3A_966 {offsets = [0, 1], sizes = [512, 1], strides = [1, 1]} : vector<512x3xf32> to vector<512x1xf32>
      %slice3A_1471 = vector.extract_strided_slice %div3A_1120 {offsets = [0, 2], sizes = [512, 1], strides = [1, 1]} : vector<512x4xf32> to vector<512x1xf32>
      %mul3A_1472 = arith.mulf %slice3A_1470, %slice3A_1471 : vector<512x1xf32>
      %add3A_1473 = arith.addf %add3A_1469, %mul3A_1472 : vector<512x1xf32>
      %slice3A_1474 = vector.extract_strided_slice %div3A_966 {offsets = [0, 1], sizes = [512, 1], strides = [1, 1]} : vector<512x3xf32> to vector<512x1xf32>
      %slice3A_1475 = vector.extract_strided_slice %div3A_1120 {offsets = [0, 3], sizes = [512, 1], strides = [1, 1]} : vector<512x4xf32> to vector<512x1xf32>
      %mul3A_1476 = arith.mulf %slice3A_1474, %slice3A_1475 : vector<512x1xf32>
      %add3A_1477 = arith.addf %add3A_1473, %mul3A_1476 : vector<512x1xf32>
      %slice3A_1478 = vector.extract_strided_slice %div3A_966 {offsets = [0, 2], sizes = [512, 1], strides = [1, 1]} : vector<512x3xf32> to vector<512x1xf32>
      %slice3A_1479 = vector.extract_strided_slice %div3A_1120 {offsets = [0, 0], sizes = [512, 1], strides = [1, 1]} : vector<512x4xf32> to vector<512x1xf32>
      %mul3A_1480 = arith.mulf %slice3A_1478, %slice3A_1479 : vector<512x1xf32>
      %add3A_1481 = arith.addf %add3A_1477, %mul3A_1480 : vector<512x1xf32>
      %concatenate3A_1482 = tpu.concatenate %add3A_1461, %add3A_1457, %add3A_1453, %add3A_1481 in 1 : vector<512x1xf32>, vector<512x1xf32>, vector<512x1xf32>, vector<512x1xf32> -> vector<512x4xf32>
      %reduce_max3A_1483 = arith.constant dense<0xFF800000> : vector<512xf32>
      %reduce_max3A_1484 = vector.multi_reduction <maximumf>, %concatenate3A_1482, %reduce_max3A_1483 [1] : vector<512x4xf32> to vector<512xf32>
      %broadcast_in_dim3A_1485 = vector.shape_cast %reduce_max3A_1484 : vector<512xf32> to vector<512x1xf32>
      %sub3A_1486 = vector.broadcast %broadcast_in_dim3A_1485 : vector<512x1xf32> to vector<512x4xf32>
      %sub3A_1487 = arith.subf %concatenate3A_1482, %sub3A_1486 : vector<512x4xf32>
      %exp3A_1488 = math.exp %sub3A_1487 : vector<512x4xf32>
      %reduce_sum3A_1489 = arith.constant dense<0.000000e+00> : vector<512xf32>
      %reduce_sum3A_1490 = vector.multi_reduction <add>, %exp3A_1488, %reduce_sum3A_1489 [1] : vector<512x4xf32> to vector<512xf32>
      %broadcast_in_dim3A_1491 = vector.shape_cast %reduce_sum3A_1490 : vector<512xf32> to vector<512x1xf32>
      %div3A_1492 = vector.broadcast %broadcast_in_dim3A_1491 : vector<512x1xf32> to vector<512x4xf32>
      %div3A_1493 = arith.divf %exp3A_1488, %div3A_1492 : vector<512x4xf32>
      %add3A_1494 = arith.addf %add3A_1401, %div3A_1493 : vector<512x4xf32>
      %reduce_max3A_1495 = arith.constant dense<0xFF800000> : vector<512xf32>
      %reduce_max3A_1496 = vector.multi_reduction <maximumf>, %add3A_1494, %reduce_max3A_1495 [1] : vector<512x4xf32> to vector<512xf32>
      %broadcast_in_dim3A_1497 = vector.shape_cast %reduce_max3A_1496 : vector<512xf32> to vector<512x1xf32>
      %sub3A_1498 = vector.broadcast %broadcast_in_dim3A_1497 : vector<512x1xf32> to vector<512x4xf32>
      %sub3A_1499 = arith.subf %add3A_1494, %sub3A_1498 : vector<512x4xf32>
      %exp3A_1500 = math.exp %sub3A_1499 : vector<512x4xf32>
      %reduce_sum3A_1501 = arith.constant dense<0.000000e+00> : vector<512xf32>
      %reduce_sum3A_1502 = vector.multi_reduction <add>, %exp3A_1500, %reduce_sum3A_1501 [1] : vector<512x4xf32> to vector<512xf32>
      %broadcast_in_dim3A_1503 = vector.shape_cast %reduce_sum3A_1502 : vector<512xf32> to vector<512x1xf32>
      %div3A_1504 = vector.broadcast %broadcast_in_dim3A_1503 : vector<512x1xf32> to vector<512x4xf32>
      %div3A_1505 = arith.divf %exp3A_1500, %div3A_1504 : vector<512x4xf32>
      %reduce_max3A_1506 = arith.constant dense<0xFF800000> : vector<512xf32>
      %reduce_max3A_1507 = vector.multi_reduction <maximumf>, %div3A_1505, %reduce_max3A_1506 [1] : vector<512x4xf32> to vector<512xf32>
      %broadcast_in_dim3A_1508 = vector.shape_cast %reduce_max3A_1507 : vector<512xf32> to vector<512x1xf32>
      %sub3A_1509 = vector.broadcast %broadcast_in_dim3A_1508 : vector<512x1xf32> to vector<512x4xf32>
      %sub3A_1510 = arith.subf %div3A_1505, %sub3A_1509 : vector<512x4xf32>
      %sub3A_1511 = vector.broadcast %broadcast_in_dim3A_1508 : vector<512x1xf32> to vector<512x4xf32>
      %sub3A_1512 = arith.subf %div3A_1505, %sub3A_1511 : vector<512x4xf32>
      %exp3A_1513 = math.exp %sub3A_1512 : vector<512x4xf32>
      %reduce_sum3A_1514 = arith.constant dense<0.000000e+00> : vector<512xf32>
      %reduce_sum3A_1515 = vector.multi_reduction <add>, %exp3A_1513, %reduce_sum3A_1514 [1] : vector<512x4xf32> to vector<512xf32>
      %broadcast_in_dim3A_1516 = vector.shape_cast %reduce_sum3A_1515 : vector<512xf32> to vector<512x1xf32>
      %log3A = math.log %broadcast_in_dim3A_1516 : vector<512x1xf32>
      %sub3A_1517 = vector.broadcast %log3A : vector<512x1xf32> to vector<512x4xf32>
      %sub3A_1518 = arith.subf %sub3A_1510, %sub3A_1517 : vector<512x4xf32>
      %get3A_1519 = arith.constant 0 : index
      %get3A_1520 = arith.constant 0 : index
      %get3A_1521 = vector.load %arg23[%get3A_1519, %get3A_1520] : memref<512x4xf32, #tpu.memory_space<vmem>>, vector<512x4xf32>
      %mul3A_1522 = arith.mulf %sub3A_1518, %get3A_1521 : vector<512x4xf32>
      %reduce_sum3A_1523 = arith.constant dense<0.000000e+00> : vector<512xf32>
      %reduce_sum3A_1524 = vector.multi_reduction <add>, %mul3A_1522, %reduce_sum3A_1523 [1] : vector<512x4xf32> to vector<512xf32>
      %broadcast_in_dim3A_1525 = vector.shape_cast %reduce_sum3A_1524 : vector<512xf32> to vector<512x1xf32>
      %reduce_sum3A_1526 = vector.shape_cast %broadcast_in_dim3A_1525 : vector<512x1xf32> to vector<1x512x1xf32>
      %reduce_sum3A_1527 = arith.constant dense<0.000000e+00> : vector<1xf32>
      %reduce_sum3A_1528 = vector.multi_reduction <add>, %reduce_sum3A_1526, %reduce_sum3A_1527 [1, 2] : vector<1x512x1xf32> to vector<1xf32>
      %reduce_sum3A_1529 = vector.shape_cast %reduce_sum3A_1528 : vector<1xf32> to vector<1x1x1xf32>
      %reduce_sum3A_1530 = vector.extract %reduce_sum3A_1529[0, 0, 0] : f32 from vector<1x1x1xf32>
      %neg3A = arith.constant 0.000000e+00 : f32
      %neg3A_1531 = arith.subf %neg3A, %reduce_sum3A_1530 : f32
      %div3A_1532 = arith.constant 5.120000e+02 : f32
      %div3A_1533 = arith.divf %neg3A_1531, %div3A_1532 : f32
      %broadcast_in_dim3A_1534 = vector.broadcast %div3A_1533 : f32 to vector<1x1xf32>
      %swap3A_1535 = arith.constant 0 : index
      %swap3A_1536 = arith.constant 0 : index
      %swap3A_1537 = vector.load %arg16[%swap3A_1535, %swap3A_1536] : memref<1x1xf32, #tpu.memory_space<vmem>>, vector<1x1xf32>
      tpu.vector_store %arg16[%swap3A_1535, %swap3A_1536], %broadcast_in_dim3A_1534 {strides = array<i32>} : memref<1x1xf32, #tpu.memory_space<vmem>>, vector<1x1xf32>,
    } else {
    }
    return
  }
  func.func @transform_0(%arg0: i32) -> (i32, i32) {
    %c0_i32 = arith.constant 0 : i32
    %c0_i32_0 = arith.constant 0 : i32
    return %arg0, %c0_i32 : i32, i32
  }
  func.func @transform_1(%arg0: i32) -> (i32, i32) {
    %c0_i32 = arith.constant 0 : i32
    %c0_i32_0 = arith.constant 0 : i32
    return %arg0, %c0_i32 : i32, i32
  }
  func.func @transform_2(%arg0: i32) -> (i32, i32) {
    %c0_i32 = arith.constant 0 : i32
    %c0_i32_0 = arith.constant 0 : i32
    return %arg0, %c0_i32 : i32, i32
  }
  func.func @transform_3(%arg0: i32) -> (i32, i32) {
    %c0_i32 = arith.constant 0 : i32
    %c0_i32_0 = arith.constant 0 : i32
    return %arg0, %c0_i32 : i32, i32
  }
  func.func @transform_4(%arg0: i32) -> (i32, i32) {
    %c0_i32 = arith.constant 0 : i32
    %c0_i32_0 = arith.constant 0 : i32
    return %arg0, %c0_i32 : i32, i32
  }
  func.func @transform_5(%arg0: i32) -> (i32, i32) {
    %c0_i32 = arith.constant 0 : i32
    %c0_i32_0 = arith.constant 0 : i32
    %c0_i32_1 = arith.constant 0 : i32
    return %c0_i32, %c0_i32_0 : i32, i32
  }
  func.func @transform_6(%arg0: i32) -> (i32, i32) {
    %c0_i32 = arith.constant 0 : i32
    %c0_i32_0 = arith.constant 0 : i32
    %c0_i32_1 = arith.constant 0 : i32
    return %c0_i32, %c0_i32_0 : i32, i32
  }
  func.func @transform_7(%arg0: i32) -> (i32, i32) {
    %c0_i32 = arith.constant 0 : i32
    %c0_i32_0 = arith.constant 0 : i32
    %c0_i32_1 = arith.constant 0 : i32
    return %c0_i32, %c0_i32_0 : i32, i32
  }
  func.func @transform_8(%arg0: i32) -> (i32, i32) {
    %c0_i32 = arith.constant 0 : i32
    %c0_i32_0 = arith.constant 0 : i32
    %c0_i32_1 = arith.constant 0 : i32
    return %c0_i32, %c0_i32_0 : i32, i32
  }
  func.func @transform_9(%arg0: i32) -> (i32, i32) {
    %c0_i32 = arith.constant 0 : i32
    %c0_i32_0 = arith.constant 0 : i32
    %c0_i32_1 = arith.constant 0 : i32
    return %c0_i32, %c0_i32_0 : i32, i32
  }
  func.func @transform_10(%arg0: i32) -> (i32, i32) {
    %c0_i32 = arith.constant 0 : i32
    %c0_i32_0 = arith.constant 0 : i32
    %c0_i32_1 = arith.constant 0 : i32
    return %c0_i32, %c0_i32_0 : i32, i32
  }
  func.func @transform_11(%arg0: i32) -> (i32, i32) {
    %c0_i32 = arith.constant 0 : i32
    %c0_i32_0 = arith.constant 0 : i32
    %c0_i32_1 = arith.constant 0 : i32
    return %c0_i32, %c0_i32_0 : i32, i32
  }
  func.func @transform_12(%arg0: i32) -> (i32, i32) {
    %c0_i32 = arith.constant 0 : i32
    %c0_i32_0 = arith.constant 0 : i32
    %c0_i32_1 = arith.constant 0 : i32
    return %c0_i32, %c0_i32_0 : i32, i32
  }
  func.func @transform_13(%arg0: i32) -> (i32, i32) {
    %c0_i32 = arith.constant 0 : i32
    %c0_i32_0 = arith.constant 0 : i32
    %c0_i32_1 = arith.constant 0 : i32
    return %c0_i32, %c0_i32_0 : i32, i32
  }
  func.func @transform_14(%arg0: i32) -> (i32, i32) {
    %c0_i32 = arith.constant 0 : i32
    %c0_i32_0 = arith.constant 0 : i32
    %c0_i32_1 = arith.constant 0 : i32
    return %c0_i32, %c0_i32_0 : i32, i32
  }
  func.func @transform_15(%arg0: i32) -> (i32, i32) {
    %c0_i32 = arith.constant 0 : i32
    %c0_i32_0 = arith.constant 0 : i32
    %c0_i32_1 = arith.constant 0 : i32
    return %c0_i32, %c0_i32_0 : i32, i32
  }
}

</mosaic_0001>

<sc_bundles>
// kernel: kernel.11.cloned.1.call-start
scs
__scs_entry_jumppad:
0x0: {  	(pc) =	sbr.rel $0x88, $3  }
0x1: {  	(tag) =	ssettag $0x0;
	lr =	simm.s32 $0x1  }
0x2: {  	[smem:$0x3F8D] =	sst lr;
	_ =	strace $0xD0000000  }
0x3: {  	_ = 	snop  }
0x4: {  	_ = 	snop  }
0x5: {  	_ = 	snop  }
0x6: {  	_ = 	snop  }
0x7: {  	_ = 	snop  }
__scs_overlays_trampoline_lowered:
0x8: {  	[smem:$0x3F9C] =	sst s0  }
0x9: {  	[smem:$0x3F9D] =	sst s1  }
0xa: {  	[smem:$0x3F9E] =	sst s2  }
0xb: {  	[smem:$0x3F9F] =	sst s3  }
0xc: {  	[smem:$0x3FA0] =	sst s4  }
0xd: {  	[smem:$0x3FA1] =	sst s5  }
0xe: {  	[smem:$0x3FA2] =	sst s6  }
0xf: {  	[smem:$0x3FA3] =	sst s7  }
0x10: {  	[smem:$0x3FA4] =	sst s8  }
0x11: {  	[smem:$0x3FA5] =	sst s9;
	s0 =	simm.s32 @!p0 $0x0  }
0x12: {  	s1 =	sld [smem:$0x3F8B];
	s0 =	simm.s32 @p0 $0x1  }
0x13: {  	[smem:$0x3FA6] =	sst s0;
	s0 =	simm.s32 @!p1 $0x0  }
0x14: {  	s2 =	sld [smem:$0x3F8A];
	s0 =	simm.s32 @p1 $0x1  }
0x15: {  	[smem:$0x3FA7] =	sst s0;
	s0 =	simm.s32 @!p2 $0x0  }
0x16: {  	s3 =	sld [smem:$0x3FDB];
	s0 =	simm.s32 @p2 $0x1  }
0x17: {  	s4 =	simm.s32 $0x1BF5;
	[smem:$0x3FA9] =	sst s0  }
0x18: {  	s0 =	sld [smem:$0x3F8C];
	_ =	swait.ge [sflag:s4], $0x0  }
0x19: {  	s7 =	sld [smem:$0x3F8D]  }
0x1a: {  	s8 =	sadd.s32 $0xFFFFE003, lr  }
0x1b: {  	s9 =	sadd.s32 $0xFFFFFEF7, lr;
	s5 =	simm.s32 $0xFFFFFFFF;
	p2 =	slt.u32 s8, $0xFFFFF086  }
0x1c: {  	p1 =	slt.u32 s9, $0xF7A;
	s5 =	simm.s32 @!p2 $0x0  }
0x1d: {  	s5 =	simm.s32 @p1 $0x1;
	p0 =	seq.s32 s7, s2  }
0x1e: {  	s7 =	smul.u32 @!p0 $0xF7A, s2;
	p2 =	seq.s32 @!p0 s5, $0x0  }
0x1f: {  	s9 =	smul.u32 $0xF7A, s1;
	s8 =	simm.s32 @!p0 $0x1BF5;
	p2 =	por !p2, p0  }
0x20: {  	[sflag:s8] =	ssyncset.s32 @!p0 $0xFFFFF086;
	s6 =	sadd.s32 @!p0 s3, s7;
	s7 =	simm.s32 @!p0 $0x108  }
0x21: {  	s3 =	sadd.s32 s3, s9;
	s6 =	sadd.s32 @!p0 $0x88, s6;
	s7 =	simm.s32 @p2 $0x1082  }
0x22: {  	[simem:s7], [sflag:s8] =	dma.local @!p0 [hbm:s6], $0xF7A  }
0x23: {  	s9 =	sor.u32 $0xD0000000, s2;
	s6 =	simm.s32 $0x108;
	_ =	swait.ge @!p0 [sflag:s8], $0x0  }
0x24: {  	s3 =	sadd.s32 $0x88, s3;
	s6 =	simm.s32 @!p1 $0x1082;
	[sflag:s4] =	ssyncset.s32 $0xFFFFF086  }
0x25: {  	[simem:s6], [sflag:s4] =	dma.local [hbm:s3], $0xF7A  }
0x26: {  	[smem:$0x3F8D] =	sst s1;
	(tag) =	ssettag s2;
	_ =	strace s9  }
0x27: {  	s1 =	sld [smem:$0x3F9D]  }
0x28: {  	s2 =	sld [smem:$0x3F9E]  }
0x29: {  	s4 =	sld [smem:$0x3FA0]  }
0x2a: {  	p0 =	seq.s32 s5, $0x0;
	s5 =	sld [smem:$0x3FA1]  }
0x2b: {  	s6 =	sld [smem:$0x3FA2]  }
0x2c: {  	s7 =	sld [smem:$0x3FA3]  }
0x2d: {  	s3 =	simm.s32 $0x108;
	s8 =	sld [smem:$0x3FA4]  }
0x2e: {  	s3 =	simm.s32 @!p0 $0x1082;
	s9 =	sld [smem:$0x3FA5]  }
0x2f: {  	lr =	sadd.s32 s0, s3;
	s0 =	sld [smem:$0x3F9C]  }
0x30: {  	s3 =	sld [smem:$0x3F9F]  }
0x31: {  	[smem:$0x3FA8] =	sst s10  }
0x32: {  	s10 =	sld [smem:$0x3FA6];
	_ =	sdelay $0x3  }
0x33: {  	p0 =	seq.s32 s10, $0x1;
	s10 =	sld [smem:$0x3FA8];
	_ =	sdelay $0x3  }
0x34: {  	[smem:$0x3FA8] =	sst s10  }
0x35: {  	s10 =	sld [smem:$0x3FA7];
	_ =	sdelay $0x3  }
0x36: {  	p1 =	seq.s32 s10, $0x1;
	s10 =	sld [smem:$0x3FA8];
	_ =	sdelay $0x3  }
0x37: {  	[smem:$0x3FA8] =	sst s10  }
0x38: {  	s10 =	sld [smem:$0x3FA9]  }
0x39: {  	_ = 	snop;
	(pc) =	sbr.ind lr, $3  }
0x3a: {  	_ = 	snop  }
0x3b: {  	_ = 	snop  }
0x3c: {  	p2 =	seq.s32 s10, $0x1;
	s10 =	sld [smem:$0x3FA8]  }
0x3d: {  	_ =	shalt  }
0x3e: {  	_ =	shalt  }
0x3f: {  	_ =	shalt  }
0x40: {  	_ =	shalt  }
0x41: {  	_ =	shalt  }
0x42: {  	_ =	shalt  }
0x43: {  	_ =	shalt  }
0x44: {  	_ =	shalt  }
0x45: {  	_ =	shalt  }
0x46: {  	_ =	shalt  }
0x47: {  	_ =	shalt  }
0x48: {  	_ =	shalt  }
0x49: {  	_ =	shalt  }
0x4a: {  	_ =	shalt  }
0x4b: {  	_ =	shalt  }
0x4c: {  	_ =	shalt  }
0x4d: {  	_ =	shalt  }
0x4e: {  	_ =	shalt  }
0x4f: {  	_ =	shalt  }
0x50: {  	_ =	shalt  }
0x51: {  	_ =	shalt  }
0x52: {  	_ =	shalt  }
0x53: {  	_ =	shalt  }
0x54: {  	_ =	shalt  }
0x55: {  	_ =	shalt  }
0x56: {  	_ =	shalt  }
0x57: {  	_ =	shalt  }
0x58: {  	_ =	shalt  }
0x59: {  	_ =	shalt  }
0x5a: {  	_ =	shalt  }
0x5b: {  	_ =	shalt  }
0x5c: {  	_ =	shalt  }
0x5d: {  	_ =	shalt  }
0x5e: {  	_ =	shalt  }
0x5f: {  	_ =	shalt  }
0x60: {  	_ =	shalt  }
0x61: {  	_ =	shalt  }
0x62: {  	_ =	shalt  }
0x63: {  	_ =	shalt  }
0x64: {  	_ =	shalt  }
0x65: {  	_ =	shalt  }
0x66: {  	_ =	shalt  }
0x67: {  	_ =	shalt  }
0x68: {  	_ =	shalt  }
0x69: {  	_ =	shalt  }
0x6a: {  	_ =	shalt  }
0x6b: {  	_ =	shalt  }
0x6c: {  	_ =	shalt  }
0x6d: {  	_ =	shalt  }
0x6e: {  	_ =	shalt  }
0x6f: {  	_ =	shalt  }
0x70: {  	_ =	shalt  }
0x71: {  	_ =	shalt  }
0x72: {  	_ =	shalt  }
0x73: {  	_ =	shalt  }
0x74: {  	_ =	shalt  }
0x75: {  	_ =	shalt  }
0x76: {  	_ =	shalt  }
0x77: {  	_ =	shalt  }
0x78: {  	_ =	shalt  }
0x79: {  	_ =	shalt  }
0x7a: {  	_ =	shalt  }
0x7b: {  	_ =	shalt  }
0x7c: {  	_ =	shalt  }
0x7d: {  	_ =	shalt  }
0x7e: {  	_ =	shalt  }
0x7f: {  	_ =	shalt  }
0x80: {  	_ =	shalt  }
0x81: {  	_ =	shalt  }
0x82: {  	_ =	shalt  }
0x83: {  	_ =	shalt  }
0x84: {  	_ =	shalt  }
0x85: {  	_ =	shalt  }
0x86: {  	_ =	shalt  }
0x87: {  	_ =	shalt  }
.Lfunc_end0:
.L_simem_size_0:
called_computation.1_lowered:
.L_overlay_start_0:
0x88: {  	s2 =	sld [smem:$0x3FD9]  }
0x89: {  	s3 =	sld [smem:$0x3FFE];
	_ =	sdelay $0x1  }
0x8a: {  	s1 =	srdreg.scid  }
0x8b: {  	s0 =	sand.u32 $0x1, s1  }
0x8c: {  	s16 =	sshll.u32 s0, $0xA;
	s2 =	sadd.s32 s3, s2  }
0x8d: {  	s2 =	sadd.s32 s2, s16  }
0x8e: {  	[smem:$0x3FB4] =	sst s2  }
0x8f: {  	_ = 	snop  }
0x90: {  	(tm) =	ssettm $0x1  }
0x91: {  	s17 =	sld [smem:$0x3FFB];
	_ =	sdelay $0x3  }
0x92: {  	_ =	strace s17  }
0x93: {  	s2 =	sld [smem:$0x3FFC];
	_ =	sdelay $0x3  }
0x94: {  	_ =	strace s2  }
0x95: {  	s2 =	sld [smem:$0x3FFD];
	_ =	sdelay $0x3  }
0x96: {  	_ =	strace s2  }
0x97: {  	_ =	strace $0x8FFFFFFF  }
0x98: {  	s18 =	sld [smem:$0x3FDB];
	_ =	sdelay $0x1  }
0x99: {  	s19 =	simm.s32 $_scs_section_size  }
0x9a: {  	s4 =	simm.s32 $_size__tile_overlayer_lowered;
	s5 =	simm.s32 $_tile_overlayer_lowered  }
0x9b: {  	s22 =	simm.s32 $0x1BFF;
	s21 =	sshll.u32 s5, $0x1;
	s2 =	sadd.s32 s19, s18  }
0x9c: {  	s6 =	simm.s32 $0x0;
	s20 =	sshll.u32 s4, $0x1;
	s4 =	sadd.s32 s21, s2  }
0x9d: {  	[timem:s6], [sflag:s22] =	dma.local [hbm:s4], s20  }
0x9e: {  	_ =	swait.ge [sflag:s22], s20  }
0x9f: {  	s3 =	ssub.s32 $0x0, s20;
	[sflag:s22] =	ssyncset.done $0x0  }
0xa0: {  	[sflag:s22] =	ssyncadd.s32 s3;
	_ =	sdelay $0x1  }
0xa1: {  	s23 =	simm.s32 $0x1B8B  }
0xa2: {  	_ =	swait.ge [sflag:s23], $0x1  }
0xa3: {  	[sflag:s23] =	ssyncset.done $0x0  }
0xa4: {  	s25 =	simm.s32 $0x1B8E;
	s24 =	sld [smem:$0x3FFE];
	[sflag:s23] =	ssyncadd.s32 $0xFFFFFFFF  }
0xa5: {  	s26 =	simm.s32 $execute0_lowered;
	[smem:$0x3FD2] =	sst s25  }
0xa6: {  	s4 =	sshll.u32 s26, $0x1;
	_ =	strace $0x80000049;
	[dreg:$0x1] =	wrdreg $0xFFFFFFFF  }
0xa7: {  	s28 =	simm.s32 $_size_execute0_lowered;
	s2 =	sadd.s32 s2, s4;
	[dreg:$0x0] =	wrdreg $0x0  }
0xa8: {  	s4 =	sshll.u32 s28, $0x1;
	[dreg:$0x2] =	wrdreg s2  }
0xa9: {  	[dreg:$0x3] =	wrdreg s4  }
0xaa: {  	[dreg:$0x4] =	wrdreg $0xC0  }
0xab: {  	_ =	task [dreg:s6], $0x5FFFF  }
0xac: {  	[dreg:$0x1] =	wrdreg $0xFFFFFFFF  }
0xad: {  	[dreg:$0x0] =	wrdreg $0x60  }
0xae: {  	[dreg:$0x2] =	wrdreg s24  }
0xaf: {  	[dreg:$0x3] =	wrdreg $0x41000  }
0xb0: {  	[dreg:$0x4] =	wrdreg $0x9  }
0xb1: {  	_ =	task.clear_ibuf [dreg:s6], $0x5FFFF;
	_ =	strace $0x90000049  }
0xb2: {  	s29 =	simm.s32 $0x9;
	_ =	strace $0x8000004B  }
0xb3: {  	_ =	swait.ge [sflag:s29], $0x1  }
0xb4: {  	[sflag:s29] =	ssyncadd.s32 $0xFFFFFFFF  }
0xb5: {  	_ =	strace $0x9000004B  }
0xb6: {  	_ =	sfence  }
0xb7: {  	s30 =	sld [smem:$0x0];
	_ =	sdelay $0x2  }
0xb8: {  	s31 =	sshll.u32 s1, $0xD;
	s1 =	sshrl.u32 s1, $0x2  }
0xb9: {  	s3 =	sand.u32 $0x4000, s31;
	s1 =	sadd.s32 s1, s30  }
0xba: {  	s0 =	sor.u32 s3, s0;
	s1 =	sshll.u32 s1, $0x11  }
0xbb: {  	s0 =	sor.u32 s1, s0  }
0xbc: {  	s0 =	sadd.s32 $0x8F2B, s0  }
0xbd: {  	[sflag:s0] =	ssyncadd.remote.s32 $0x1  }
0xbe: {  	_ =	sfence.sel $0xFFFF  }
0xbf: {  	[dreg:$0x0] =	wrdreg $0xFFFFFFFF;
	(pc) =	sbr.abs _section_cstart, $3  }
0xc0: {  	[dreg:$0x1] =	wrdreg $0xFFFFFFFF  }
0xc1: {  	_ =	task.clear_ibuf [dreg:s6], $0x2FFFF;
	_ =	strace $0x9FFFFFFF  }
0xc2: {  	(tm) =	ssettm $0x7FFFFFFF  }
0xc3: {  	_ =	shalt  }
tec
execute0_lowered:
.L_overlay_start_1:
0x0: {  	(tag) =	ssettag $0x1  }
0x1: {  	s8 =	rddreg [dreg:$0x0]  }
0x2: {  	s2 =	rddreg [dreg:$0x1]  }
0x3: {  	s0 =	rddreg [dreg:$0x2];
	s3 =	simm.s32 $0x0  }
0x4: {  	s1 =	stileid.u32;
	s7 =	srdreg.scid;
	s17 =	simm.s32 $0x80  }
0x5: {  	s18 =	simm.s32 $0x100;
	s19 =	simm.s32 $0x1;
	s20 =	simm.s32 $0x0  }
0x6: {  	[smem:$0x7FF] =	sst s3;
	s6 =	smul.u32 $0xA00, s1;
	s4 =	sadd.s32 $0x10000, s8  }
0x7: {  	s5 =	sadd.s32 $0x38000, s8;
	s14 =	sand.u32 $0x1, s7;
	s10 =	smul.u32 $0x50000, s1  }
0x8: {  	s7 =	smul.u32 $0x2800, s1;
	s16 =	sshll.u32 s1, $0x6;
	_ =	strace $0x8000004A  }
0x9: {  	s9 =	ssub.s32 $0x2, s14;
	p0 =	sne.s32 s14, $0x0;
	s14 =	sor.u32 $0x1C02, s16  }
.Ltmp0:
0xa: {  	s16 =	simm.s32 $0x2;
	s13 =	sadd.s32 s6, s8;
	(pc) =	sbr.rel .LBB2_1-.Ltmp0, $4  }
0xb: {  	s6 =	sadd.s32 $0x88000, s8;
	s11 =	sshrl.u32 s9, $0x1;
	s8 =	sadd.s32 $0xBA800, s8  }
0xc: {  	s31 =	sshrl.u32 s10, $0x2;
	s10 =	sadd.s32 s4, s7;
	s11 =	ssub.s32 s9, s11  }
0xd: {  	s15 =	sadd.s32 s31, s2;
	s9 =	sadd.s32 s5, s7;
	s12 =	sadd.s32 $0x6000, s13  }
0xe: {  	s13 =	sadd.s32 $0xB0800, s13;
	s11 =	smax.u32 s11, $0x1;
	s15 =	sshrl.u32 s15, $0x3  }
.LBB2_7:
0xf: {  	s22 =	sadd.s32 s21, s13;
	[sflag:s16] =	ssyncadd.s32 $0xFFFFC000  }
0x10: {  	[tilespmem:s3], [sflag:$0x2] =	stream.linear.gather [hbm4b:s22+s3], $0x80, $0x38;
	[tilespmem:$0x18100] =	vst v63  }
0x11: {  	_ =	swait.ge [sflag:s16], $0x80  }
0x12: {  	[sflag:s16] =	ssyncset.done $0x0  }
0x13: {  	s31 =	sadd.s32 s21, s12;
	[sflag:s16] =	ssyncadd.s32 $0xFFFFFF80  }
0x14: {  	[tilespmem:s17], [sflag:$0x2] =	stream.linear.gather [hbm4b:s31+s3], $0x80, $0x38;
	[tilespmem:$0x18100] =	vst v63  }
0x15: {  	_ =	swait.ge [sflag:s16], $0x80  }
0x16: {  	[sflag:s16] =	ssyncset.done $0x0  }
0x17: {  	[sflag:s16] =	ssyncadd.s32 $0xFFFFFF80  }
0x18: {  	[tilespmem:s18], [sflag:$0x1] =	stream.indirect.gather [hbm4b:s5+s17], $0x80, s3, s17, $0xb8;
	[tilespmem:$0x18100] =	vst v63  }
0x19: {  	_ =	swait.ge [sflag:s19], $0x4000  }
0x1a: {  	[sflag:s19] =	ssyncset.done $0x0  }
0x1b: {  	[sflag:s19] =	ssyncadd.s32 $0xFFFFC000  }
0x1c: {  	[spmem:s2] =	stream.indirect.scatter.add.f32 [tilespmem:s18], [sflag:$0x2], $0x80, s17, s17, $0xb8;
	[tilespmem:$0x18100] =	vst v63  }
0x1d: {  	_ =	swait.ge [sflag:s16], $0x4000  }
0x1e: {  	[sflag:s16] =	ssyncset.done $0x0  }
0x1f: {  	[sflag:s16] =	ssyncadd.s32 $0xFFFFC000  }
0x20: {  	s21 =	smov.u32 s8;
	[bflag:$0x0] =	sbarrier.arrive $0xFFFF  }
.LBB2_8:
0x21: {  	s20 =	sadd.s32 $0x1, s20  }
0x22: {  	p1 =	sne.s32 s20, s11  }
.Ltmp1:
0x23: {  	s21 =	sadd.s32 s21, s7;
	(pc) =	sbr.rel @!p1 .LBB2_9-.Ltmp1, $4  }
0x24: {  	[hbm:s21], [sflag:s14] =	dma.local [spmem:s15], $0x2800  }
0x25: {  	_ =	swait.ge [sflag:s16], $0x2800  }
0x26: {  	[sflag:s16] =	ssyncset.done $0x0  }
0x27: {  	[sflag:s16] =	ssyncadd.s32 $0xFFFFD800  }
.LBB2_1:
.Ltmp2:
0x28: {  	(pc) =	sbr.rel @p0 .LBB2_5-.Ltmp2, $1  }
0x29: {  	_ =	sdelay $0x3  }
0x2a: {  	[spmem:s15], [sflag:s14] =	dma.local [hbm:s10], $0x2800  }
0x2b: {  	_ =	swait.ge [sflag:s16], $0x2800  }
0x2c: {  	[sflag:s16] =	ssyncset.done $0x0  }
0x2d: {  	[sflag:s16] =	ssyncadd.s32 $0xFFFFD800  }
0x2e: {  	s21 =	sadd.s32 $0x0, s13;
	[bflag:$0x0] =	sbarrier.arrive $0xFFFF  }
0x2f: {  	[tilespmem:s3], [sflag:$0x2] =	stream.linear.gather [hbm4b:s21+s3], $0x80, $0x38;
	[tilespmem:$0x18100] =	vst v63  }
0x30: {  	_ =	swait.ge [sflag:s16], $0x80  }
0x31: {  	[sflag:s16] =	ssyncset.done $0x0  }
0x32: {  	s31 =	sadd.s32 $0x0, s12;
	[sflag:s16] =	ssyncadd.s32 $0xFFFFFF80  }
0x33: {  	[tilespmem:s17], [sflag:$0x2] =	stream.linear.gather [hbm4b:s31+s3], $0x80, $0x38;
	[tilespmem:$0x18100] =	vst v63  }
0x34: {  	_ =	swait.ge [sflag:s16], $0x80  }
0x35: {  	[sflag:s16] =	ssyncset.done $0x0  }
0x36: {  	[sflag:s16] =	ssyncadd.s32 $0xFFFFFF80  }
0x37: {  	[tilespmem:s18], [sflag:$0x1] =	stream.indirect.gather [hbm4b:s4+s17], $0x80, s3, s17, $0xb8;
	[tilespmem:$0x18100] =	vst v63  }
0x38: {  	_ =	swait.ge [sflag:s19], $0x4000  }
0x39: {  	[sflag:s19] =	ssyncset.done $0x0  }
0x3a: {  	[sflag:s19] =	ssyncadd.s32 $0xFFFFC000  }
0x3b: {  	[spmem:s2] =	stream.indirect.scatter.add.f32 [tilespmem:s18], [sflag:$0x2], $0x80, s17, s17, $0xb8;
	[tilespmem:$0x18100] =	vst v63  }
0x3c: {  	_ =	swait.ge [sflag:s16], $0x4000  }
0x3d: {  	s22 =	simm.s32 $0x20;
	s21 =	simm.s32 $0x10;
	[sflag:s16] =	ssyncset.done $0x0  }
.LBB2_3:
0x3e: {  	s23 =	sadd.s32 s21, s13  }
0x3f: {  	[sflag:s16] =	ssyncadd.s32 $0xFFFFC000;
	s24 =	smov.u32 s22;
	s25 =	sadd.s32 $0x10, s22  }
0x40: {  	[tilespmem:s3], [sflag:$0x2] =	stream.linear.gather [hbm4b:s23+s3], $0x80, $0x38;
	[tilespmem:$0x18100] =	vst v63  }
0x41: {  	p1 =	seq.s32 s22, $0x9F0;
	_ =	swait.ge [sflag:s16], $0x80  }
0x42: {  	[sflag:s16] =	ssyncset.done $0x0  }
0x43: {  	s22 =	sadd.s32 s21, s12;
	s21 =	smov.u32 s24;
	[sflag:s16] =	ssyncadd.s32 $0xFFFFFF80  }
0x44: {  	[tilespmem:s17], [sflag:$0x2] =	stream.linear.gather [hbm4b:s22+s3], $0x80, $0x38;
	[tilespmem:$0x18100] =	vst v63  }
0x45: {  	_ =	swait.ge [sflag:s16], $0x80  }
0x46: {  	[sflag:s16] =	ssyncset.done $0x0  }
0x47: {  	[sflag:s16] =	ssyncadd.s32 $0xFFFFFF80  }
0x48: {  	[tilespmem:s18], [sflag:$0x1] =	stream.indirect.gather [hbm4b:s4+s17], $0x80, s3, s17, $0xb8;
	[tilespmem:$0x18100] =	vst v63  }
0x49: {  	_ =	swait.ge [sflag:s19], $0x4000  }
.Ltmp3:
0x4a: {  	[sflag:s19] =	ssyncset.done $0x0;
	(pc) =	sbr.rel @!p1 .LBB2_3-.Ltmp3, $4  }
0x4b: {  	[sflag:s19] =	ssyncadd.s32 $0xFFFFC000  }
0x4c: {  	[spmem:s2] =	stream.indirect.scatter.add.f32 [tilespmem:s18], [sflag:$0x2], $0x80, s17, s17, $0xb8;
	[tilespmem:$0x18100] =	vst v63  }
0x4d: {  	_ =	swait.ge [sflag:s16], $0x4000  }
0x4e: {  	s22 =	smov.u32 s25;
	[sflag:s16] =	ssyncset.done $0x0  }
0x4f: {  	s22 =	sadd.s32 s21, s13;
	[sflag:s16] =	ssyncadd.s32 $0xFFFFC000  }
0x50: {  	[tilespmem:s3], [sflag:$0x2] =	stream.linear.gather [hbm4b:s22+s3], $0x80, $0x38;
	[tilespmem:$0x18100] =	vst v63  }
0x51: {  	_ =	swait.ge [sflag:s16], $0x80  }
0x52: {  	[sflag:s16] =	ssyncset.done $0x0  }
0x53: {  	s31 =	sadd.s32 s21, s12;
	[sflag:s16] =	ssyncadd.s32 $0xFFFFFF80  }
0x54: {  	[tilespmem:s17], [sflag:$0x2] =	stream.linear.gather [hbm4b:s31+s3], $0x80, $0x38;
	[tilespmem:$0x18100] =	vst v63  }
0x55: {  	_ =	swait.ge [sflag:s16], $0x80  }
0x56: {  	[sflag:s16] =	ssyncset.done $0x0  }
0x57: {  	[sflag:s16] =	ssyncadd.s32 $0xFFFFFF80  }
0x58: {  	[tilespmem:s18], [sflag:$0x1] =	stream.indirect.gather [hbm4b:s4+s17], $0x80, s3, s17, $0xb8;
	[tilespmem:$0x18100] =	vst v63  }
0x59: {  	_ =	swait.ge [sflag:s19], $0x4000  }
0x5a: {  	[sflag:s19] =	ssyncset.done $0x0  }
0x5b: {  	[sflag:s19] =	ssyncadd.s32 $0xFFFFC000  }
0x5c: {  	[spmem:s2] =	stream.indirect.scatter.add.f32 [tilespmem:s18], [sflag:$0x2], $0x80, s17, s17, $0xb8;
	[tilespmem:$0x18100] =	vst v63  }
.Ltmp4:
0x5d: {  	_ =	swait.ge [sflag:s16], $0x4000;
	(pc) =	sbr.rel .LBB2_8-.Ltmp4, $4  }
0x5e: {  	[sflag:s16] =	ssyncset.done $0x0  }
0x5f: {  	[sflag:s16] =	ssyncadd.s32 $0xFFFFC000  }
0x60: {  	[bflag:$0x0] =	sbarrier.arrive $0xFFFF  }
0x61: {  	s21 =	smov.u32 s6  }
.LBB2_5:
0x62: {  	[spmem:s15], [sflag:s14] =	dma.local [hbm:s9], $0x2800  }
0x63: {  	_ =	swait.ge [sflag:s16], $0x2800  }
0x64: {  	[sflag:s16] =	ssyncset.done $0x0  }
0x65: {  	[sflag:s16] =	ssyncadd.s32 $0xFFFFD800  }
0x66: {  	s21 =	sadd.s32 $0x0, s13;
	[bflag:$0x0] =	sbarrier.arrive $0xFFFF  }
0x67: {  	[tilespmem:s3], [sflag:$0x2] =	stream.linear.gather [hbm4b:s21+s3], $0x80, $0x38;
	[tilespmem:$0x18100] =	vst v63  }
0x68: {  	_ =	swait.ge [sflag:s16], $0x80  }
0x69: {  	[sflag:s16] =	ssyncset.done $0x0  }
0x6a: {  	s31 =	sadd.s32 $0x0, s12;
	[sflag:s16] =	ssyncadd.s32 $0xFFFFFF80  }
0x6b: {  	[tilespmem:s17], [sflag:$0x2] =	stream.linear.gather [hbm4b:s31+s3], $0x80, $0x38;
	[tilespmem:$0x18100] =	vst v63  }
0x6c: {  	_ =	swait.ge [sflag:s16], $0x80  }
0x6d: {  	[sflag:s16] =	ssyncset.done $0x0  }
0x6e: {  	[sflag:s16] =	ssyncadd.s32 $0xFFFFFF80  }
0x6f: {  	[tilespmem:s18], [sflag:$0x1] =	stream.indirect.gather [hbm4b:s5+s17], $0x80, s3, s17, $0xb8;
	[tilespmem:$0x18100] =	vst v63  }
0x70: {  	_ =	swait.ge [sflag:s19], $0x4000  }
0x71: {  	[sflag:s19] =	ssyncset.done $0x0  }
0x72: {  	[sflag:s19] =	ssyncadd.s32 $0xFFFFC000  }
0x73: {  	[spmem:s2] =	stream.indirect.scatter.add.f32 [tilespmem:s18], [sflag:$0x2], $0x80, s17, s17, $0xb8;
	[tilespmem:$0x18100] =	vst v63  }
0x74: {  	_ =	swait.ge [sflag:s16], $0x4000  }
0x75: {  	s22 =	simm.s32 $0x20;
	s21 =	simm.s32 $0x10;
	[sflag:s16] =	ssyncset.done $0x0  }
.LBB2_6:
0x76: {  	s23 =	sadd.s32 s21, s13  }
0x77: {  	[sflag:s16] =	ssyncadd.s32 $0xFFFFC000;
	s24 =	smov.u32 s22;
	s25 =	sadd.s32 $0x10, s22  }
0x78: {  	[tilespmem:s3], [sflag:$0x2] =	stream.linear.gather [hbm4b:s23+s3], $0x80, $0x38;
	[tilespmem:$0x18100] =	vst v63  }
0x79: {  	p1 =	sne.s32 s22, $0x9F0;
	_ =	swait.ge [sflag:s16], $0x80  }
0x7a: {  	[sflag:s16] =	ssyncset.done $0x0  }
0x7b: {  	s22 =	sadd.s32 s21, s12;
	s21 =	smov.u32 s24;
	[sflag:s16] =	ssyncadd.s32 $0xFFFFFF80  }
0x7c: {  	[tilespmem:s17], [sflag:$0x2] =	stream.linear.gather [hbm4b:s22+s3], $0x80, $0x38;
	[tilespmem:$0x18100] =	vst v63  }
0x7d: {  	_ =	swait.ge [sflag:s16], $0x80  }
0x7e: {  	[sflag:s16] =	ssyncset.done $0x0  }
0x7f: {  	[sflag:s16] =	ssyncadd.s32 $0xFFFFFF80  }
0x80: {  	[tilespmem:s18], [sflag:$0x1] =	stream.indirect.gather [hbm4b:s5+s17], $0x80, s3, s17, $0xb8;
	[tilespmem:$0x18100] =	vst v63  }
0x81: {  	_ =	swait.ge [sflag:s19], $0x4000  }
.Ltmp5:
0x82: {  	[sflag:s19] =	ssyncset.done $0x0;
	(pc) =	sbr.rel @p1 .LBB2_6-.Ltmp5, $4  }
0x83: {  	[sflag:s19] =	ssyncadd.s32 $0xFFFFC000  }
0x84: {  	[spmem:s2] =	stream.indirect.scatter.add.f32 [tilespmem:s18], [sflag:$0x2], $0x80, s17, s17, $0xb8;
	[tilespmem:$0x18100] =	vst v63  }
0x85: {  	_ =	swait.ge [sflag:s16], $0x4000  }
0x86: {  	s22 =	smov.u32 s25;
	[sflag:s16] =	ssyncset.done $0x0  }
.Ltmp6:
0x87: {  	_ = 	snop;
	(pc) =	sbr.rel .LBB2_7-.Ltmp6, $1  }
0x88: {  	_ =	sdelay $0x3  }
.LBB2_9:
0x89: {  	_ =	sfence.sel $0x180000  }
0x8a: {  	[bflag:$0x0] =	sbarrier.arrive $0xFFFF  }
0x8b: {  	p0 =	sne.s32 s1, $0x0;
	_ =	strace $0x9000004A  }
0x8c: {  	s0 =	sadd.s32 @!p0 $0x100000, s0;
	[bflag:$0x2] =	sbarrier.arrive $0xFFFF  }
0x8d: {  	[sflag:s0] =	ssyncadd.tile.s32 @!p0 $0x1;
	_ =	shalt  }
.Lfunc_end2:
_tile_overlayer_lowered:
.L_overlay_start_2:
0x8e: {  	(tag) =	ssettag $0x2  }
0x8f: {  	s0 =	rddreg [dreg:$0x0];
	s2 =	stileid.u32  }
0x90: {  	s1 =	rddreg [dreg:$0x1];
	p0 =	sne.s32 s2, $0x0  }
0x91: {  	s3 =	rddreg [dreg:$0x2];
	[bflag:$0x3] =	sbarrier.arrive $0xFFFF;
	s2 =	simm.s32 @!p0 $0x1C02  }
0x92: {  	[timem:s3], [sflag:s2] =	dma.local @!p0 [hbm:s0], s1  }
0x93: {  	s0 =	simm.s32 @!p0 $0x2  }
0x94: {  	_ =	swait.ge @!p0 [sflag:s0], s1  }
0x95: {  	s1 =	ssub.s32 @!p0 $0x0, s1;
	[sflag:s0] =	ssyncset.done @!p0 $0x0  }
0x96: {  	[sflag:s0] =	ssyncadd.s32 @!p0 s1  }
0x97: {  	[bflag:$0x3] =	sbarrier.arrive $0xFFFF  }
0x98: {  	_ =	shalt  }

// kernel: kernel.14.cloned.1.call-start
scs
__scs_entry_jumppad:
0x0: {  	(pc) =	sbr.rel $0x88, $3  }
0x1: {  	(tag) =	ssettag $0x0;
	lr =	simm.s32 $0x1  }
0x2: {  	[smem:$0x3F8D] =	sst lr;
	_ =	strace $0xD0000000  }
0x3: {  	_ = 	snop  }
0x4: {  	_ = 	snop  }
0x5: {  	_ = 	snop  }
0x6: {  	_ = 	snop  }
0x7: {  	_ = 	snop  }
__scs_overlays_trampoline_lowered:
0x8: {  	[smem:$0x3F9C] =	sst s0  }
0x9: {  	[smem:$0x3F9D] =	sst s1  }
0xa: {  	[smem:$0x3F9E] =	sst s2  }
0xb: {  	[smem:$0x3F9F] =	sst s3  }
0xc: {  	[smem:$0x3FA0] =	sst s4  }
0xd: {  	[smem:$0x3FA1] =	sst s5  }
0xe: {  	[smem:$0x3FA2] =	sst s6  }
0xf: {  	[smem:$0x3FA3] =	sst s7  }
0x10: {  	[smem:$0x3FA4] =	sst s8  }
0x11: {  	[smem:$0x3FA5] =	sst s9;
	s0 =	simm.s32 @!p0 $0x0  }
0x12: {  	s1 =	sld [smem:$0x3F8B];
	s0 =	simm.s32 @p0 $0x1  }
0x13: {  	[smem:$0x3FA6] =	sst s0;
	s0 =	simm.s32 @!p1 $0x0  }
0x14: {  	s2 =	sld [smem:$0x3F8A];
	s0 =	simm.s32 @p1 $0x1  }
0x15: {  	[smem:$0x3FA7] =	sst s0;
	s0 =	simm.s32 @!p2 $0x0  }
0x16: {  	s3 =	sld [smem:$0x3FDB];
	s0 =	simm.s32 @p2 $0x1  }
0x17: {  	s4 =	simm.s32 $0x1BF5;
	[smem:$0x3FA9] =	sst s0  }
0x18: {  	s0 =	sld [smem:$0x3F8C];
	_ =	swait.ge [sflag:s4], $0x0  }
0x19: {  	s7 =	sld [smem:$0x3F8D]  }
0x1a: {  	s8 =	sadd.s32 $0xFFFFE003, lr  }
0x1b: {  	s9 =	sadd.s32 $0xFFFFFEF7, lr;
	s5 =	simm.s32 $0xFFFFFFFF;
	p2 =	slt.u32 s8, $0xFFFFF086  }
0x1c: {  	p1 =	slt.u32 s9, $0xF7A;
	s5 =	simm.s32 @!p2 $0x0  }
0x1d: {  	s5 =	simm.s32 @p1 $0x1;
	p0 =	seq.s32 s7, s2  }
0x1e: {  	s7 =	smul.u32 @!p0 $0xF7A, s2;
	p2 =	seq.s32 @!p0 s5, $0x0  }
0x1f: {  	s9 =	smul.u32 $0xF7A, s1;
	s8 =	simm.s32 @!p0 $0x1BF5;
	p2 =	por !p2, p0  }
0x20: {  	[sflag:s8] =	ssyncset.s32 @!p0 $0xFFFFF086;
	s6 =	sadd.s32 @!p0 s3, s7;
	s7 =	simm.s32 @!p0 $0x108  }
0x21: {  	s3 =	sadd.s32 s3, s9;
	s6 =	sadd.s32 @!p0 $0x88, s6;
	s7 =	simm.s32 @p2 $0x1082  }
0x22: {  	[simem:s7], [sflag:s8] =	dma.local @!p0 [hbm:s6], $0xF7A  }
0x23: {  	s9 =	sor.u32 $0xD0000000, s2;
	s6 =	simm.s32 $0x108;
	_ =	swait.ge @!p0 [sflag:s8], $0x0  }
0x24: {  	s3 =	sadd.s32 $0x88, s3;
	s6 =	simm.s32 @!p1 $0x1082;
	[sflag:s4] =	ssyncset.s32 $0xFFFFF086  }
0x25: {  	[simem:s6], [sflag:s4] =	dma.local [hbm:s3], $0xF7A  }
0x26: {  	[smem:$0x3F8D] =	sst s1;
	(tag) =	ssettag s2;
	_ =	strace s9  }
0x27: {  	s1 =	sld [smem:$0x3F9D]  }
0x28: {  	s2 =	sld [smem:$0x3F9E]  }
0x29: {  	s4 =	sld [smem:$0x3FA0]  }
0x2a: {  	p0 =	seq.s32 s5, $0x0;
	s5 =	sld [smem:$0x3FA1]  }
0x2b: {  	s6 =	sld [smem:$0x3FA2]  }
0x2c: {  	s7 =	sld [smem:$0x3FA3]  }
0x2d: {  	s3 =	simm.s32 $0x108;
	s8 =	sld [smem:$0x3FA4]  }
0x2e: {  	s3 =	simm.s32 @!p0 $0x1082;
	s9 =	sld [smem:$0x3FA5]  }
0x2f: {  	lr =	sadd.s32 s0, s3;
	s0 =	sld [smem:$0x3F9C]  }
0x30: {  	s3 =	sld [smem:$0x3F9F]  }
0x31: {  	[smem:$0x3FA8] =	sst s10  }
0x32: {  	s10 =	sld [smem:$0x3FA6];
	_ =	sdelay $0x3  }
0x33: {  	p0 =	seq.s32 s10, $0x1;
	s10 =	sld [smem:$0x3FA8];
	_ =	sdelay $0x3  }
0x34: {  	[smem:$0x3FA8] =	sst s10  }
0x35: {  	s10 =	sld [smem:$0x3FA7];
	_ =	sdelay $0x3  }
0x36: {  	p1 =	seq.s32 s10, $0x1;
	s10 =	sld [smem:$0x3FA8];
	_ =	sdelay $0x3  }
0x37: {  	[smem:$0x3FA8] =	sst s10  }
0x38: {  	s10 =	sld [smem:$0x3FA9]  }
0x39: {  	_ = 	snop;
	(pc) =	sbr.ind lr, $3  }
0x3a: {  	_ = 	snop  }
0x3b: {  	_ = 	snop  }
0x3c: {  	p2 =	seq.s32 s10, $0x1;
	s10 =	sld [smem:$0x3FA8]  }
0x3d: {  	_ =	shalt  }
0x3e: {  	_ =	shalt  }
0x3f: {  	_ =	shalt  }
0x40: {  	_ =	shalt  }
0x41: {  	_ =	shalt  }
0x42: {  	_ =	shalt  }
0x43: {  	_ =	shalt  }
0x44: {  	_ =	shalt  }
0x45: {  	_ =	shalt  }
0x46: {  	_ =	shalt  }
0x47: {  	_ =	shalt  }
0x48: {  	_ =	shalt  }
0x49: {  	_ =	shalt  }
0x4a: {  	_ =	shalt  }
0x4b: {  	_ =	shalt  }
0x4c: {  	_ =	shalt  }
0x4d: {  	_ =	shalt  }
0x4e: {  	_ =	shalt  }
0x4f: {  	_ =	shalt  }
0x50: {  	_ =	shalt  }
0x51: {  	_ =	shalt  }
0x52: {  	_ =	shalt  }
0x53: {  	_ =	shalt  }
0x54: {  	_ =	shalt  }
0x55: {  	_ =	shalt  }
0x56: {  	_ =	shalt  }
0x57: {  	_ =	shalt  }
0x58: {  	_ =	shalt  }
0x59: {  	_ =	shalt  }
0x5a: {  	_ =	shalt  }
0x5b: {  	_ =	shalt  }
0x5c: {  	_ =	shalt  }
0x5d: {  	_ =	shalt  }
0x5e: {  	_ =	shalt  }
0x5f: {  	_ =	shalt  }
0x60: {  	_ =	shalt  }
0x61: {  	_ =	shalt  }
0x62: {  	_ =	shalt  }
0x63: {  	_ =	shalt  }
0x64: {  	_ =	shalt  }
0x65: {  	_ =	shalt  }
0x66: {  	_ =	shalt  }
0x67: {  	_ =	shalt  }
0x68: {  	_ =	shalt  }
0x69: {  	_ =	shalt  }
0x6a: {  	_ =	shalt  }
0x6b: {  	_ =	shalt  }
0x6c: {  	_ =	shalt  }
0x6d: {  	_ =	shalt  }
0x6e: {  	_ =	shalt  }
0x6f: {  	_ =	shalt  }
0x70: {  	_ =	shalt  }
0x71: {  	_ =	shalt  }
0x72: {  	_ =	shalt  }
0x73: {  	_ =	shalt  }
0x74: {  	_ =	shalt  }
0x75: {  	_ =	shalt  }
0x76: {  	_ =	shalt  }
0x77: {  	_ =	shalt  }
0x78: {  	_ =	shalt  }
0x79: {  	_ =	shalt  }
0x7a: {  	_ =	shalt  }
0x7b: {  	_ =	shalt  }
0x7c: {  	_ =	shalt  }
0x7d: {  	_ =	shalt  }
0x7e: {  	_ =	shalt  }
0x7f: {  	_ =	shalt  }
0x80: {  	_ =	shalt  }
0x81: {  	_ =	shalt  }
0x82: {  	_ =	shalt  }
0x83: {  	_ =	shalt  }
0x84: {  	_ =	shalt  }
0x85: {  	_ =	shalt  }
0x86: {  	_ =	shalt  }
0x87: {  	_ =	shalt  }
.Lfunc_end0:
.L_simem_size_0:
called_computation.2_lowered:
.L_overlay_start_0:
0x88: {  	s2 =	sld [smem:$0x3FD9]  }
0x89: {  	s3 =	sld [smem:$0x3FFE];
	_ =	sdelay $0x1  }
0x8a: {  	s1 =	srdreg.scid  }
0x8b: {  	s0 =	sand.u32 $0x1, s1  }
0x8c: {  	s16 =	sshll.u32 s0, $0xA;
	s2 =	sadd.s32 s3, s2  }
0x8d: {  	s2 =	sadd.s32 s2, s16  }
0x8e: {  	[smem:$0x3FB4] =	sst s2  }
0x8f: {  	_ = 	snop  }
0x90: {  	(tm) =	ssettm $0x1  }
0x91: {  	s17 =	sld [smem:$0x3FFB];
	_ =	sdelay $0x3  }
0x92: {  	_ =	strace s17  }
0x93: {  	s2 =	sld [smem:$0x3FFC];
	_ =	sdelay $0x3  }
0x94: {  	_ =	strace s2  }
0x95: {  	s2 =	sld [smem:$0x3FFD];
	_ =	sdelay $0x3  }
0x96: {  	_ =	strace s2  }
0x97: {  	_ =	strace $0x8FFFFFFF  }
0x98: {  	s18 =	sld [smem:$0x3FDB];
	_ =	sdelay $0x1  }
0x99: {  	s19 =	simm.s32 $_scs_section_size  }
0x9a: {  	s4 =	simm.s32 $_size__tile_overlayer_lowered;
	s5 =	simm.s32 $_tile_overlayer_lowered  }
0x9b: {  	s22 =	simm.s32 $0x1BFF;
	s21 =	sshll.u32 s5, $0x1;
	s2 =	sadd.s32 s19, s18  }
0x9c: {  	s6 =	simm.s32 $0x0;
	s20 =	sshll.u32 s4, $0x1;
	s4 =	sadd.s32 s21, s2  }
0x9d: {  	[timem:s6], [sflag:s22] =	dma.local [hbm:s4], s20  }
0x9e: {  	_ =	swait.ge [sflag:s22], s20  }
0x9f: {  	s3 =	ssub.s32 $0x0, s20;
	[sflag:s22] =	ssyncset.done $0x0  }
0xa0: {  	[sflag:s22] =	ssyncadd.s32 s3;
	_ =	sdelay $0x1  }
0xa1: {  	s23 =	simm.s32 $0x1B8B  }
0xa2: {  	_ =	swait.ge [sflag:s23], $0x1  }
0xa3: {  	[sflag:s23] =	ssyncset.done $0x0  }
0xa4: {  	s25 =	simm.s32 $0x1B8E;
	s24 =	sld [smem:$0x3FFE];
	[sflag:s23] =	ssyncadd.s32 $0xFFFFFFFF  }
0xa5: {  	s26 =	simm.s32 $execute0_lowered;
	[smem:$0x3FD2] =	sst s25  }
0xa6: {  	s4 =	sshll.u32 s26, $0x1;
	_ =	strace $0x8000004C;
	[dreg:$0x1] =	wrdreg $0xFFFFFFFF  }
0xa7: {  	s28 =	simm.s32 $_size_execute0_lowered;
	s2 =	sadd.s32 s2, s4;
	[dreg:$0x0] =	wrdreg $0x0  }
0xa8: {  	s4 =	sshll.u32 s28, $0x1;
	[dreg:$0x2] =	wrdreg s2  }
0xa9: {  	[dreg:$0x3] =	wrdreg s4  }
0xaa: {  	[dreg:$0x4] =	wrdreg $0xC0  }
0xab: {  	_ =	task [dreg:s6], $0x5FFFF  }
0xac: {  	[dreg:$0x1] =	wrdreg $0xFFFFFFFF  }
0xad: {  	[dreg:$0x0] =	wrdreg $0x60  }
0xae: {  	[dreg:$0x2] =	wrdreg s24  }
0xaf: {  	[dreg:$0x3] =	wrdreg $0x41000  }
0xb0: {  	[dreg:$0x4] =	wrdreg $0x9  }
0xb1: {  	_ =	task.clear_ibuf [dreg:s6], $0x5FFFF;
	_ =	strace $0x9000004C  }
0xb2: {  	s29 =	simm.s32 $0x9;
	_ =	strace $0x8000004E  }
0xb3: {  	_ =	swait.ge [sflag:s29], $0x1  }
0xb4: {  	[sflag:s29] =	ssyncadd.s32 $0xFFFFFFFF  }
0xb5: {  	_ =	strace $0x9000004E  }
0xb6: {  	_ =	sfence  }
0xb7: {  	s30 =	sld [smem:$0x0];
	_ =	sdelay $0x2  }
0xb8: {  	s31 =	sshll.u32 s1, $0xD;
	s1 =	sshrl.u32 s1, $0x2  }
0xb9: {  	s3 =	sand.u32 $0x4000, s31;
	s1 =	sadd.s32 s1, s30  }
0xba: {  	s0 =	sor.u32 s3, s0;
	s1 =	sshll.u32 s1, $0x11  }
0xbb: {  	s0 =	sor.u32 s1, s0  }
0xbc: {  	s0 =	sadd.s32 $0x8F2B, s0  }
0xbd: {  	[sflag:s0] =	ssyncadd.remote.s32 $0x1  }
0xbe: {  	_ =	sfence.sel $0xFFFF  }
0xbf: {  	[dreg:$0x0] =	wrdreg $0xFFFFFFFF;
	(pc) =	sbr.abs _section_cstart, $3  }
0xc0: {  	[dreg:$0x1] =	wrdreg $0xFFFFFFFF  }
0xc1: {  	_ =	task.clear_ibuf [dreg:s6], $0x2FFFF;
	_ =	strace $0x9FFFFFFF  }
0xc2: {  	(tm) =	ssettm $0x7FFFFFFF  }
0xc3: {  	_ =	shalt  }
tec
execute0_lowered:
.L_overlay_start_1:
0x0: {  	(tag) =	ssettag $0x1  }
0x1: {  	s8 =	rddreg [dreg:$0x0]  }
0x2: {  	s2 =	rddreg [dreg:$0x1]  }
0x3: {  	s0 =	rddreg [dreg:$0x2];
	s3 =	simm.s32 $0x0  }
0x4: {  	s1 =	stileid.u32;
	s7 =	srdreg.scid;
	s17 =	simm.s32 $0x80  }
0x5: {  	s18 =	simm.s32 $0x100;
	s19 =	simm.s32 $0x1;
	s20 =	simm.s32 $0x0  }
0x6: {  	[smem:$0x7FF] =	sst s3;
	s6 =	smul.u32 $0xA00, s1;
	s4 =	sadd.s32 $0x88000, s8  }
0x7: {  	s5 =	sadd.s32 $0x10000, s8;
	s14 =	sand.u32 $0x1, s7;
	s10 =	smul.u32 $0x50000, s1  }
0x8: {  	s7 =	smul.u32 $0x2800, s1;
	s16 =	sshll.u32 s1, $0x6;
	_ =	strace $0x8000004D  }
0x9: {  	s9 =	ssub.s32 $0x2, s14;
	p0 =	sne.s32 s14, $0x0;
	s14 =	sor.u32 $0x1C02, s16  }
.Ltmp0:
0xa: {  	s16 =	simm.s32 $0x2;
	s13 =	sadd.s32 s6, s8;
	(pc) =	sbr.rel .LBB2_1-.Ltmp0, $4  }
0xb: {  	s6 =	sadd.s32 $0x38000, s8;
	s11 =	sshrl.u32 s9, $0x1;
	s8 =	sadd.s32 $0xBA800, s8  }
0xc: {  	s31 =	sshrl.u32 s10, $0x2;
	s10 =	sadd.s32 s4, s7;
	s11 =	ssub.s32 s9, s11  }
0xd: {  	s15 =	sadd.s32 s31, s2;
	s9 =	sadd.s32 s5, s7;
	s12 =	sadd.s32 $0x6000, s13  }
0xe: {  	s13 =	sadd.s32 $0xB0800, s13;
	s11 =	smax.u32 s11, $0x1;
	s15 =	sshrl.u32 s15, $0x3  }
.LBB2_7:
0xf: {  	s22 =	sadd.s32 s21, s13;
	[sflag:s16] =	ssyncadd.s32 $0xFFFFC000  }
0x10: {  	[tilespmem:s3], [sflag:$0x2] =	stream.linear.gather [hbm4b:s22+s3], $0x80, $0x38;
	[tilespmem:$0x18100] =	vst v63  }
0x11: {  	_ =	swait.ge [sflag:s16], $0x80  }
0x12: {  	[sflag:s16] =	ssyncset.done $0x0  }
0x13: {  	s31 =	sadd.s32 s21, s12;
	[sflag:s16] =	ssyncadd.s32 $0xFFFFFF80  }
0x14: {  	[tilespmem:s17], [sflag:$0x2] =	stream.linear.gather [hbm4b:s31+s3], $0x80, $0x38;
	[tilespmem:$0x18100] =	vst v63  }
0x15: {  	_ =	swait.ge [sflag:s16], $0x80  }
0x16: {  	[sflag:s16] =	ssyncset.done $0x0  }
0x17: {  	[sflag:s16] =	ssyncadd.s32 $0xFFFFFF80  }
0x18: {  	[tilespmem:s18], [sflag:$0x1] =	stream.indirect.gather [hbm4b:s5+s17], $0x80, s3, s17, $0xb8;
	[tilespmem:$0x18100] =	vst v63  }
0x19: {  	_ =	swait.ge [sflag:s19], $0x4000  }
0x1a: {  	[sflag:s19] =	ssyncset.done $0x0  }
0x1b: {  	[sflag:s19] =	ssyncadd.s32 $0xFFFFC000  }
0x1c: {  	[spmem:s2] =	stream.indirect.scatter.add.f32 [tilespmem:s18], [sflag:$0x2], $0x80, s17, s17, $0xb8;
	[tilespmem:$0x18100] =	vst v63  }
0x1d: {  	_ =	swait.ge [sflag:s16], $0x4000  }
0x1e: {  	[sflag:s16] =	ssyncset.done $0x0  }
0x1f: {  	[sflag:s16] =	ssyncadd.s32 $0xFFFFC000  }
0x20: {  	s21 =	smov.u32 s8;
	[bflag:$0x0] =	sbarrier.arrive $0xFFFF  }
.LBB2_8:
0x21: {  	s20 =	sadd.s32 $0x1, s20  }
0x22: {  	p1 =	sne.s32 s20, s11  }
.Ltmp1:
0x23: {  	s21 =	sadd.s32 s21, s7;
	(pc) =	sbr.rel @!p1 .LBB2_9-.Ltmp1, $4  }
0x24: {  	[hbm:s21], [sflag:s14] =	dma.local [spmem:s15], $0x2800  }
0x25: {  	_ =	swait.ge [sflag:s16], $0x2800  }
0x26: {  	[sflag:s16] =	ssyncset.done $0x0  }
0x27: {  	[sflag:s16] =	ssyncadd.s32 $0xFFFFD800  }
.LBB2_1:
.Ltmp2:
0x28: {  	(pc) =	sbr.rel @p0 .LBB2_5-.Ltmp2, $1  }
0x29: {  	_ =	sdelay $0x3  }
0x2a: {  	[spmem:s15], [sflag:s14] =	dma.local [hbm:s10], $0x2800  }
0x2b: {  	_ =	swait.ge [sflag:s16], $0x2800  }
0x2c: {  	[sflag:s16] =	ssyncset.done $0x0  }
0x2d: {  	[sflag:s16] =	ssyncadd.s32 $0xFFFFD800  }
0x2e: {  	s21 =	sadd.s32 $0x0, s13;
	[bflag:$0x0] =	sbarrier.arrive $0xFFFF  }
0x2f: {  	[tilespmem:s3], [sflag:$0x2] =	stream.linear.gather [hbm4b:s21+s3], $0x80, $0x38;
	[tilespmem:$0x18100] =	vst v63  }
0x30: {  	_ =	swait.ge [sflag:s16], $0x80  }
0x31: {  	[sflag:s16] =	ssyncset.done $0x0  }
0x32: {  	s31 =	sadd.s32 $0x0, s12;
	[sflag:s16] =	ssyncadd.s32 $0xFFFFFF80  }
0x33: {  	[tilespmem:s17], [sflag:$0x2] =	stream.linear.gather [hbm4b:s31+s3], $0x80, $0x38;
	[tilespmem:$0x18100] =	vst v63  }
0x34: {  	_ =	swait.ge [sflag:s16], $0x80  }
0x35: {  	[sflag:s16] =	ssyncset.done $0x0  }
0x36: {  	[sflag:s16] =	ssyncadd.s32 $0xFFFFFF80  }
0x37: {  	[tilespmem:s18], [sflag:$0x1] =	stream.indirect.gather [hbm4b:s4+s17], $0x80, s3, s17, $0xb8;
	[tilespmem:$0x18100] =	vst v63  }
0x38: {  	_ =	swait.ge [sflag:s19], $0x4000  }
0x39: {  	[sflag:s19] =	ssyncset.done $0x0  }
0x3a: {  	[sflag:s19] =	ssyncadd.s32 $0xFFFFC000  }
0x3b: {  	[spmem:s2] =	stream.indirect.scatter.add.f32 [tilespmem:s18], [sflag:$0x2], $0x80, s17, s17, $0xb8;
	[tilespmem:$0x18100] =	vst v63  }
0x3c: {  	_ =	swait.ge [sflag:s16], $0x4000  }
0x3d: {  	s22 =	simm.s32 $0x20;
	s21 =	simm.s32 $0x10;
	[sflag:s16] =	ssyncset.done $0x0  }
.LBB2_3:
0x3e: {  	s23 =	sadd.s32 s21, s13  }
0x3f: {  	[sflag:s16] =	ssyncadd.s32 $0xFFFFC000;
	s24 =	smov.u32 s22;
	s25 =	sadd.s32 $0x10, s22  }
0x40: {  	[tilespmem:s3], [sflag:$0x2] =	stream.linear.gather [hbm4b:s23+s3], $0x80, $0x38;
	[tilespmem:$0x18100] =	vst v63  }
0x41: {  	p1 =	seq.s32 s22, $0x9F0;
	_ =	swait.ge [sflag:s16], $0x80  }
0x42: {  	[sflag:s16] =	ssyncset.done $0x0  }
0x43: {  	s22 =	sadd.s32 s21, s12;
	s21 =	smov.u32 s24;
	[sflag:s16] =	ssyncadd.s32 $0xFFFFFF80  }
0x44: {  	[tilespmem:s17], [sflag:$0x2] =	stream.linear.gather [hbm4b:s22+s3], $0x80, $0x38;
	[tilespmem:$0x18100] =	vst v63  }
0x45: {  	_ =	swait.ge [sflag:s16], $0x80  }
0x46: {  	[sflag:s16] =	ssyncset.done $0x0  }
0x47: {  	[sflag:s16] =	ssyncadd.s32 $0xFFFFFF80  }
0x48: {  	[tilespmem:s18], [sflag:$0x1] =	stream.indirect.gather [hbm4b:s4+s17], $0x80, s3, s17, $0xb8;
	[tilespmem:$0x18100] =	vst v63  }
0x49: {  	_ =	swait.ge [sflag:s19], $0x4000  }
.Ltmp3:
0x4a: {  	[sflag:s19] =	ssyncset.done $0x0;
	(pc) =	sbr.rel @!p1 .LBB2_3-.Ltmp3, $4  }
0x4b: {  	[sflag:s19] =	ssyncadd.s32 $0xFFFFC000  }
0x4c: {  	[spmem:s2] =	stream.indirect.scatter.add.f32 [tilespmem:s18], [sflag:$0x2], $0x80, s17, s17, $0xb8;
	[tilespmem:$0x18100] =	vst v63  }
0x4d: {  	_ =	swait.ge [sflag:s16], $0x4000  }
0x4e: {  	s22 =	smov.u32 s25;
	[sflag:s16] =	ssyncset.done $0x0  }
0x4f: {  	s22 =	sadd.s32 s21, s13;
	[sflag:s16] =	ssyncadd.s32 $0xFFFFC000  }
0x50: {  	[tilespmem:s3], [sflag:$0x2] =	stream.linear.gather [hbm4b:s22+s3], $0x80, $0x38;
	[tilespmem:$0x18100] =	vst v63  }
0x51: {  	_ =	swait.ge [sflag:s16], $0x80  }
0x52: {  	[sflag:s16] =	ssyncset.done $0x0  }
0x53: {  	s31 =	sadd.s32 s21, s12;
	[sflag:s16] =	ssyncadd.s32 $0xFFFFFF80  }
0x54: {  	[tilespmem:s17], [sflag:$0x2] =	stream.linear.gather [hbm4b:s31+s3], $0x80, $0x38;
	[tilespmem:$0x18100] =	vst v63  }
0x55: {  	_ =	swait.ge [sflag:s16], $0x80  }
0x56: {  	[sflag:s16] =	ssyncset.done $0x0  }
0x57: {  	[sflag:s16] =	ssyncadd.s32 $0xFFFFFF80  }
0x58: {  	[tilespmem:s18], [sflag:$0x1] =	stream.indirect.gather [hbm4b:s4+s17], $0x80, s3, s17, $0xb8;
	[tilespmem:$0x18100] =	vst v63  }
0x59: {  	_ =	swait.ge [sflag:s19], $0x4000  }
0x5a: {  	[sflag:s19] =	ssyncset.done $0x0  }
0x5b: {  	[sflag:s19] =	ssyncadd.s32 $0xFFFFC000  }
0x5c: {  	[spmem:s2] =	stream.indirect.scatter.add.f32 [tilespmem:s18], [sflag:$0x2], $0x80, s17, s17, $0xb8;
	[tilespmem:$0x18100] =	vst v63  }
.Ltmp4:
0x5d: {  	_ =	swait.ge [sflag:s16], $0x4000;
	(pc) =	sbr.rel .LBB2_8-.Ltmp4, $4  }
0x5e: {  	[sflag:s16] =	ssyncset.done $0x0  }
0x5f: {  	[sflag:s16] =	ssyncadd.s32 $0xFFFFC000  }
0x60: {  	[bflag:$0x0] =	sbarrier.arrive $0xFFFF  }
0x61: {  	s21 =	smov.u32 s6  }
.LBB2_5:
0x62: {  	[spmem:s15], [sflag:s14] =	dma.local [hbm:s9], $0x2800  }
0x63: {  	_ =	swait.ge [sflag:s16], $0x2800  }
0x64: {  	[sflag:s16] =	ssyncset.done $0x0  }
0x65: {  	[sflag:s16] =	ssyncadd.s32 $0xFFFFD800  }
0x66: {  	s21 =	sadd.s32 $0x0, s13;
	[bflag:$0x0] =	sbarrier.arrive $0xFFFF  }
0x67: {  	[tilespmem:s3], [sflag:$0x2] =	stream.linear.gather [hbm4b:s21+s3], $0x80, $0x38;
	[tilespmem:$0x18100] =	vst v63  }
0x68: {  	_ =	swait.ge [sflag:s16], $0x80  }
0x69: {  	[sflag:s16] =	ssyncset.done $0x0  }
0x6a: {  	s31 =	sadd.s32 $0x0, s12;
	[sflag:s16] =	ssyncadd.s32 $0xFFFFFF80  }
0x6b: {  	[tilespmem:s17], [sflag:$0x2] =	stream.linear.gather [hbm4b:s31+s3], $0x80, $0x38;
	[tilespmem:$0x18100] =	vst v63  }
0x6c: {  	_ =	swait.ge [sflag:s16], $0x80  }
0x6d: {  	[sflag:s16] =	ssyncset.done $0x0  }
0x6e: {  	[sflag:s16] =	ssyncadd.s32 $0xFFFFFF80  }
0x6f: {  	[tilespmem:s18], [sflag:$0x1] =	stream.indirect.gather [hbm4b:s5+s17], $0x80, s3, s17, $0xb8;
	[tilespmem:$0x18100] =	vst v63  }
0x70: {  	_ =	swait.ge [sflag:s19], $0x4000  }
0x71: {  	[sflag:s19] =	ssyncset.done $0x0  }
0x72: {  	[sflag:s19] =	ssyncadd.s32 $0xFFFFC000  }
0x73: {  	[spmem:s2] =	stream.indirect.scatter.add.f32 [tilespmem:s18], [sflag:$0x2], $0x80, s17, s17, $0xb8;
	[tilespmem:$0x18100] =	vst v63  }
0x74: {  	_ =	swait.ge [sflag:s16], $0x4000  }
0x75: {  	s22 =	simm.s32 $0x20;
	s21 =	simm.s32 $0x10;
	[sflag:s16] =	ssyncset.done $0x0  }
.LBB2_6:
0x76: {  	s23 =	sadd.s32 s21, s13  }
0x77: {  	[sflag:s16] =	ssyncadd.s32 $0xFFFFC000;
	s24 =	smov.u32 s22;
	s25 =	sadd.s32 $0x10, s22  }
0x78: {  	[tilespmem:s3], [sflag:$0x2] =	stream.linear.gather [hbm4b:s23+s3], $0x80, $0x38;
	[tilespmem:$0x18100] =	vst v63  }
0x79: {  	p1 =	sne.s32 s22, $0x9F0;
	_ =	swait.ge [sflag:s16], $0x80  }
0x7a: {  	[sflag:s16] =	ssyncset.done $0x0  }
0x7b: {  	s22 =	sadd.s32 s21, s12;
	s21 =	smov.u32 s24;
	[sflag:s16] =	ssyncadd.s32 $0xFFFFFF80  }
0x7c: {  	[tilespmem:s17], [sflag:$0x2] =	stream.linear.gather [hbm4b:s22+s3], $0x80, $0x38;
	[tilespmem:$0x18100] =	vst v63  }
0x7d: {  	_ =	swait.ge [sflag:s16], $0x80  }
0x7e: {  	[sflag:s16] =	ssyncset.done $0x0  }
0x7f: {  	[sflag:s16] =	ssyncadd.s32 $0xFFFFFF80  }
0x80: {  	[tilespmem:s18], [sflag:$0x1] =	stream.indirect.gather [hbm4b:s5+s17], $0x80, s3, s17, $0xb8;
	[tilespmem:$0x18100] =	vst v63  }
0x81: {  	_ =	swait.ge [sflag:s19], $0x4000  }
.Ltmp5:
0x82: {  	[sflag:s19] =	ssyncset.done $0x0;
	(pc) =	sbr.rel @p1 .LBB2_6-.Ltmp5, $4  }
0x83: {  	[sflag:s19] =	ssyncadd.s32 $0xFFFFC000  }
0x84: {  	[spmem:s2] =	stream.indirect.scatter.add.f32 [tilespmem:s18], [sflag:$0x2], $0x80, s17, s17, $0xb8;
	[tilespmem:$0x18100] =	vst v63  }
0x85: {  	_ =	swait.ge [sflag:s16], $0x4000  }
0x86: {  	s22 =	smov.u32 s25;
	[sflag:s16] =	ssyncset.done $0x0  }
.Ltmp6:
0x87: {  	_ = 	snop;
	(pc) =	sbr.rel .LBB2_7-.Ltmp6, $1  }
0x88: {  	_ =	sdelay $0x3  }
.LBB2_9:
0x89: {  	_ =	sfence.sel $0x180000  }
0x8a: {  	[bflag:$0x0] =	sbarrier.arrive $0xFFFF  }
0x8b: {  	p0 =	sne.s32 s1, $0x0;
	_ =	strace $0x9000004D  }
0x8c: {  	s0 =	sadd.s32 @!p0 $0x100000, s0;
	[bflag:$0x2] =	sbarrier.arrive $0xFFFF  }
0x8d: {  	[sflag:s0] =	ssyncadd.tile.s32 @!p0 $0x1;
	_ =	shalt  }
.Lfunc_end2:
_tile_overlayer_lowered:
.L_overlay_start_2:
0x8e: {  	(tag) =	ssettag $0x2  }
0x8f: {  	s0 =	rddreg [dreg:$0x0];
	s2 =	stileid.u32  }
0x90: {  	s1 =	rddreg [dreg:$0x1];
	p0 =	sne.s32 s2, $0x0  }
0x91: {  	s3 =	rddreg [dreg:$0x2];
	[bflag:$0x3] =	sbarrier.arrive $0xFFFF;
	s2 =	simm.s32 @!p0 $0x1C02  }
0x92: {  	[timem:s3], [sflag:s2] =	dma.local @!p0 [hbm:s0], s1  }
0x93: {  	s0 =	simm.s32 @!p0 $0x2  }
0x94: {  	_ =	swait.ge @!p0 [sflag:s0], s1  }
0x95: {  	s1 =	ssub.s32 @!p0 $0x0, s1;
	[sflag:s0] =	ssyncset.done @!p0 $0x0  }
0x96: {  	[sflag:s0] =	ssyncadd.s32 @!p0 s1  }
0x97: {  	[bflag:$0x3] =	sbarrier.arrive $0xFFFF  }
0x98: {  	_ =	shalt  }

// kernel: kernel.8.cloned.1.call-start
scs
__scs_entry_jumppad:
0x0: {  	(pc) =	sbr.rel $0x88, $3  }
0x1: {  	(tag) =	ssettag $0x0;
	lr =	simm.s32 $0x1  }
0x2: {  	[smem:$0x3F8D] =	sst lr;
	_ =	strace $0xD0000000  }
0x3: {  	_ = 	snop  }
0x4: {  	_ = 	snop  }
0x5: {  	_ = 	snop  }
0x6: {  	_ = 	snop  }
0x7: {  	_ = 	snop  }
__scs_overlays_trampoline_lowered:
0x8: {  	[smem:$0x3F9C] =	sst s0  }
0x9: {  	[smem:$0x3F9D] =	sst s1  }
0xa: {  	[smem:$0x3F9E] =	sst s2  }
0xb: {  	[smem:$0x3F9F] =	sst s3  }
0xc: {  	[smem:$0x3FA0] =	sst s4  }
0xd: {  	[smem:$0x3FA1] =	sst s5  }
0xe: {  	[smem:$0x3FA2] =	sst s6  }
0xf: {  	[smem:$0x3FA3] =	sst s7  }
0x10: {  	[smem:$0x3FA4] =	sst s8  }
0x11: {  	[smem:$0x3FA5] =	sst s9;
	s0 =	simm.s32 @!p0 $0x0  }
0x12: {  	s1 =	sld [smem:$0x3F8B];
	s0 =	simm.s32 @p0 $0x1  }
0x13: {  	[smem:$0x3FA6] =	sst s0;
	s0 =	simm.s32 @!p1 $0x0  }
0x14: {  	s2 =	sld [smem:$0x3F8A];
	s0 =	simm.s32 @p1 $0x1  }
0x15: {  	[smem:$0x3FA7] =	sst s0;
	s0 =	simm.s32 @!p2 $0x0  }
0x16: {  	s3 =	sld [smem:$0x3FDB];
	s0 =	simm.s32 @p2 $0x1  }
0x17: {  	s4 =	simm.s32 $0x1BF5;
	[smem:$0x3FA9] =	sst s0  }
0x18: {  	s0 =	sld [smem:$0x3F8C];
	_ =	swait.ge [sflag:s4], $0x0  }
0x19: {  	s7 =	sld [smem:$0x3F8D]  }
0x1a: {  	s8 =	sadd.s32 $0xFFFFE003, lr  }
0x1b: {  	s9 =	sadd.s32 $0xFFFFFEF7, lr;
	s5 =	simm.s32 $0xFFFFFFFF;
	p2 =	slt.u32 s8, $0xFFFFF086  }
0x1c: {  	p1 =	slt.u32 s9, $0xF7A;
	s5 =	simm.s32 @!p2 $0x0  }
0x1d: {  	s5 =	simm.s32 @p1 $0x1;
	p0 =	seq.s32 s7, s2  }
0x1e: {  	s7 =	smul.u32 @!p0 $0xF7A, s2;
	p2 =	seq.s32 @!p0 s5, $0x0  }
0x1f: {  	s9 =	smul.u32 $0xF7A, s1;
	s8 =	simm.s32 @!p0 $0x1BF5;
	p2 =	por !p2, p0  }
0x20: {  	[sflag:s8] =	ssyncset.s32 @!p0 $0xFFFFF086;
	s6 =	sadd.s32 @!p0 s3, s7;
	s7 =	simm.s32 @!p0 $0x108  }
0x21: {  	s3 =	sadd.s32 s3, s9;
	s6 =	sadd.s32 @!p0 $0x88, s6;
	s7 =	simm.s32 @p2 $0x1082  }
0x22: {  	[simem:s7], [sflag:s8] =	dma.local @!p0 [hbm:s6], $0xF7A  }
0x23: {  	s9 =	sor.u32 $0xD0000000, s2;
	s6 =	simm.s32 $0x108;
	_ =	swait.ge @!p0 [sflag:s8], $0x0  }
0x24: {  	s3 =	sadd.s32 $0x88, s3;
	s6 =	simm.s32 @!p1 $0x1082;
	[sflag:s4] =	ssyncset.s32 $0xFFFFF086  }
0x25: {  	[simem:s6], [sflag:s4] =	dma.local [hbm:s3], $0xF7A  }
0x26: {  	[smem:$0x3F8D] =	sst s1;
	(tag) =	ssettag s2;
	_ =	strace s9  }
0x27: {  	s1 =	sld [smem:$0x3F9D]  }
0x28: {  	s2 =	sld [smem:$0x3F9E]  }
0x29: {  	s4 =	sld [smem:$0x3FA0]  }
0x2a: {  	p0 =	seq.s32 s5, $0x0;
	s5 =	sld [smem:$0x3FA1]  }
0x2b: {  	s6 =	sld [smem:$0x3FA2]  }
0x2c: {  	s7 =	sld [smem:$0x3FA3]  }
0x2d: {  	s3 =	simm.s32 $0x108;
	s8 =	sld [smem:$0x3FA4]  }
0x2e: {  	s3 =	simm.s32 @!p0 $0x1082;
	s9 =	sld [smem:$0x3FA5]  }
0x2f: {  	lr =	sadd.s32 s0, s3;
	s0 =	sld [smem:$0x3F9C]  }
0x30: {  	s3 =	sld [smem:$0x3F9F]  }
0x31: {  	[smem:$0x3FA8] =	sst s10  }
0x32: {  	s10 =	sld [smem:$0x3FA6];
	_ =	sdelay $0x3  }
0x33: {  	p0 =	seq.s32 s10, $0x1;
	s10 =	sld [smem:$0x3FA8];
	_ =	sdelay $0x3  }
0x34: {  	[smem:$0x3FA8] =	sst s10  }
0x35: {  	s10 =	sld [smem:$0x3FA7];
	_ =	sdelay $0x3  }
0x36: {  	p1 =	seq.s32 s10, $0x1;
	s10 =	sld [smem:$0x3FA8];
	_ =	sdelay $0x3  }
0x37: {  	[smem:$0x3FA8] =	sst s10  }
0x38: {  	s10 =	sld [smem:$0x3FA9]  }
0x39: {  	_ = 	snop;
	(pc) =	sbr.ind lr, $3  }
0x3a: {  	_ = 	snop  }
0x3b: {  	_ = 	snop  }
0x3c: {  	p2 =	seq.s32 s10, $0x1;
	s10 =	sld [smem:$0x3FA8]  }
0x3d: {  	_ =	shalt  }
0x3e: {  	_ =	shalt  }
0x3f: {  	_ =	shalt  }
0x40: {  	_ =	shalt  }
0x41: {  	_ =	shalt  }
0x42: {  	_ =	shalt  }
0x43: {  	_ =	shalt  }
0x44: {  	_ =	shalt  }
0x45: {  	_ =	shalt  }
0x46: {  	_ =	shalt  }
0x47: {  	_ =	shalt  }
0x48: {  	_ =	shalt  }
0x49: {  	_ =	shalt  }
0x4a: {  	_ =	shalt  }
0x4b: {  	_ =	shalt  }
0x4c: {  	_ =	shalt  }
0x4d: {  	_ =	shalt  }
0x4e: {  	_ =	shalt  }
0x4f: {  	_ =	shalt  }
0x50: {  	_ =	shalt  }
0x51: {  	_ =	shalt  }
0x52: {  	_ =	shalt  }
0x53: {  	_ =	shalt  }
0x54: {  	_ =	shalt  }
0x55: {  	_ =	shalt  }
0x56: {  	_ =	shalt  }
0x57: {  	_ =	shalt  }
0x58: {  	_ =	shalt  }
0x59: {  	_ =	shalt  }
0x5a: {  	_ =	shalt  }
0x5b: {  	_ =	shalt  }
0x5c: {  	_ =	shalt  }
0x5d: {  	_ =	shalt  }
0x5e: {  	_ =	shalt  }
0x5f: {  	_ =	shalt  }
0x60: {  	_ =	shalt  }
0x61: {  	_ =	shalt  }
0x62: {  	_ =	shalt  }
0x63: {  	_ =	shalt  }
0x64: {  	_ =	shalt  }
0x65: {  	_ =	shalt  }
0x66: {  	_ =	shalt  }
0x67: {  	_ =	shalt  }
0x68: {  	_ =	shalt  }
0x69: {  	_ =	shalt  }
0x6a: {  	_ =	shalt  }
0x6b: {  	_ =	shalt  }
0x6c: {  	_ =	shalt  }
0x6d: {  	_ =	shalt  }
0x6e: {  	_ =	shalt  }
0x6f: {  	_ =	shalt  }
0x70: {  	_ =	shalt  }
0x71: {  	_ =	shalt  }
0x72: {  	_ =	shalt  }
0x73: {  	_ =	shalt  }
0x74: {  	_ =	shalt  }
0x75: {  	_ =	shalt  }
0x76: {  	_ =	shalt  }
0x77: {  	_ =	shalt  }
0x78: {  	_ =	shalt  }
0x79: {  	_ =	shalt  }
0x7a: {  	_ =	shalt  }
0x7b: {  	_ =	shalt  }
0x7c: {  	_ =	shalt  }
0x7d: {  	_ =	shalt  }
0x7e: {  	_ =	shalt  }
0x7f: {  	_ =	shalt  }
0x80: {  	_ =	shalt  }
0x81: {  	_ =	shalt  }
0x82: {  	_ =	shalt  }
0x83: {  	_ =	shalt  }
0x84: {  	_ =	shalt  }
0x85: {  	_ =	shalt  }
0x86: {  	_ =	shalt  }
0x87: {  	_ =	shalt  }
.Lfunc_end0:
.L_simem_size_0:
called_computation_lowered:
.L_overlay_start_0:
0x88: {  	s2 =	sld [smem:$0x3FD9]  }
0x89: {  	s3 =	sld [smem:$0x3FFE];
	_ =	sdelay $0x1  }
0x8a: {  	s1 =	srdreg.scid  }
0x8b: {  	s0 =	sand.u32 $0x1, s1  }
0x8c: {  	s16 =	sshll.u32 s0, $0xA;
	s2 =	sadd.s32 s3, s2  }
0x8d: {  	s2 =	sadd.s32 s2, s16  }
0x8e: {  	[smem:$0x3FB4] =	sst s2  }
0x8f: {  	_ = 	snop  }
0x90: {  	(tm) =	ssettm $0x1  }
0x91: {  	s17 =	sld [smem:$0x3FFB];
	_ =	sdelay $0x3  }
0x92: {  	_ =	strace s17  }
0x93: {  	s2 =	sld [smem:$0x3FFC];
	_ =	sdelay $0x3  }
0x94: {  	_ =	strace s2  }
0x95: {  	s2 =	sld [smem:$0x3FFD];
	_ =	sdelay $0x3  }
0x96: {  	_ =	strace s2  }
0x97: {  	_ =	strace $0x8FFFFFFF  }
0x98: {  	s18 =	sld [smem:$0x3FDB];
	_ =	sdelay $0x1  }
0x99: {  	s19 =	simm.s32 $_scs_section_size  }
0x9a: {  	s4 =	simm.s32 $_size__tile_overlayer_lowered;
	s5 =	simm.s32 $_tile_overlayer_lowered  }
0x9b: {  	s22 =	simm.s32 $0x1BFF;
	s21 =	sshll.u32 s5, $0x1;
	s2 =	sadd.s32 s19, s18  }
0x9c: {  	s6 =	simm.s32 $0x0;
	s20 =	sshll.u32 s4, $0x1;
	s4 =	sadd.s32 s21, s2  }
0x9d: {  	[timem:s6], [sflag:s22] =	dma.local [hbm:s4], s20  }
0x9e: {  	_ =	swait.ge [sflag:s22], s20  }
0x9f: {  	s3 =	ssub.s32 $0x0, s20;
	[sflag:s22] =	ssyncset.done $0x0  }
0xa0: {  	[sflag:s22] =	ssyncadd.s32 s3;
	_ =	sdelay $0x1  }
0xa1: {  	s23 =	simm.s32 $0x1B8B  }
0xa2: {  	_ =	swait.ge [sflag:s23], $0x1  }
0xa3: {  	[sflag:s23] =	ssyncset.done $0x0  }
0xa4: {  	s25 =	simm.s32 $0x1B8E;
	s24 =	sld [smem:$0x3FFE];
	[sflag:s23] =	ssyncadd.s32 $0xFFFFFFFF  }
0xa5: {  	s26 =	simm.s32 $execute0_lowered;
	[smem:$0x3FD2] =	sst s25  }
0xa6: {  	s4 =	sshll.u32 s26, $0x1;
	_ =	strace $0x80000046;
	[dreg:$0x1] =	wrdreg $0xFFFFFFFF  }
0xa7: {  	s28 =	simm.s32 $_size_execute0_lowered;
	s2 =	sadd.s32 s2, s4;
	[dreg:$0x0] =	wrdreg $0x0  }
0xa8: {  	s4 =	sshll.u32 s28, $0x1;
	[dreg:$0x2] =	wrdreg s2  }
0xa9: {  	[dreg:$0x3] =	wrdreg s4  }
0xaa: {  	[dreg:$0x4] =	wrdreg $0xC0  }
0xab: {  	_ =	task [dreg:s6], $0x5FFFF  }
0xac: {  	[dreg:$0x1] =	wrdreg $0xFFFFFFFF  }
0xad: {  	[dreg:$0x0] =	wrdreg $0x60  }
0xae: {  	[dreg:$0x2] =	wrdreg s24  }
0xaf: {  	[dreg:$0x3] =	wrdreg $0x40800  }
0xb0: {  	[dreg:$0x4] =	wrdreg $0x9  }
0xb1: {  	_ =	task.clear_ibuf [dreg:s6], $0x5FFFF;
	_ =	strace $0x90000046  }
0xb2: {  	s29 =	simm.s32 $0x9;
	_ =	strace $0x80000048  }
0xb3: {  	_ =	swait.ge [sflag:s29], $0x1  }
0xb4: {  	[sflag:s29] =	ssyncadd.s32 $0xFFFFFFFF  }
0xb5: {  	_ =	strace $0x90000048  }
0xb6: {  	_ =	sfence  }
0xb7: {  	s30 =	sld [smem:$0x0];
	_ =	sdelay $0x2  }
0xb8: {  	s31 =	sshll.u32 s1, $0xD;
	s1 =	sshrl.u32 s1, $0x2  }
0xb9: {  	s3 =	sand.u32 $0x4000, s31;
	s1 =	sadd.s32 s1, s30  }
0xba: {  	s0 =	sor.u32 s3, s0;
	s1 =	sshll.u32 s1, $0x11  }
0xbb: {  	s0 =	sor.u32 s1, s0  }
0xbc: {  	s0 =	sadd.s32 $0x8F2B, s0  }
0xbd: {  	[sflag:s0] =	ssyncadd.remote.s32 $0x1  }
0xbe: {  	_ =	sfence.sel $0xFFFF  }
0xbf: {  	[dreg:$0x0] =	wrdreg $0xFFFFFFFF;
	(pc) =	sbr.abs _section_cstart, $3  }
0xc0: {  	[dreg:$0x1] =	wrdreg $0xFFFFFFFF  }
0xc1: {  	_ =	task.clear_ibuf [dreg:s6], $0x2FFFF;
	_ =	strace $0x9FFFFFFF  }
0xc2: {  	(tm) =	ssettm $0x7FFFFFFF  }
0xc3: {  	_ =	shalt  }
tec
execute0_lowered:
.L_overlay_start_1:
0x0: {  	(tag) =	ssettag $0x1  }
0x1: {  	s4 =	rddreg [dreg:$0x0]  }
0x2: {  	s2 =	rddreg [dreg:$0x1];
	s1 =	stileid.u32  }
0x3: {  	s0 =	rddreg [dreg:$0x2];
	s3 =	simm.s32 $0x0;
	s5 =	smul.u32 $0xA00, s1  }
0x4: {  	s7 =	srdreg.scid;
	s14 =	simm.s32 $0x0;
	s6 =	smul.u32 $0x2800, s1  }
0x5: {  	[smem:$0x7FF] =	sst s3;
	s7 =	sand.u32 $0x1, s7;
	s8 =	smul.u32 $0x50000, s1  }
0x6: {  	s31 =	sshll.u32 s1, $0x6;
	_ =	strace $0x80000047;
	s29 =	ssub.s32 $0x2, s7  }
0x7: {  	p0 =	seq.s32 s7, $0x1;
	s13 =	smul.u32 $0x500, s7;
	s9 =	sadd.s32 s5, s4  }
0x8: {  	s10 =	sadd.s32 s6, s4;
	s4 =	sadd.s32 $0x38000, s4;
	s30 =	sshrl.u32 s29, $0x1  }
0x9: {  	s8 =	sshrl.u32 s8, $0x2;
	s6 =	sor.u32 $0x1C01, s31;
	s11 =	ssub.s32 s29, s30  }
0xa: {  	s12 =	sadd.s32 s8, s2;
	s8 =	simm.s32 $0x60800;
	s5 =	sadd.s32 $0x10000, s10  }
0xb: {  	s9 =	sadd.s32 s13, s9;
	s13 =	simm.s32 $0x80;
	s8 =	simm.s32 @!p0 $0x38800  }
0xc: {  	s7 =	smax.u32 s11, $0x1;
	s9 =	sadd.s32 $0x6000, s9;
	s11 =	simm.s32 $0x1  }
0xd: {  	s8 =	sadd.s32 s8, s10;
	s10 =	sshrl.u32 s12, $0x3;
	s12 =	simm.s32 $0x4000  }
.LBB2_1:
0xe: {  	[spmem:s10], [sflag:s6] =	dma.local [hbm:s5], $0x2800  }
0xf: {  	_ =	swait.ge [sflag:s11], $0x2800  }
0x10: {  	[sflag:s11] =	ssyncset.done $0x0  }
0x11: {  	[sflag:s11] =	ssyncadd.s32 $0xFFFFD800  }
0x12: {  	[tilespmem:s3], [sflag:$0x1] =	stream.linear.gather [hbm4b:s4+s3], $0x4000, $0x38;
	[tilespmem:$0x6880] =	vst v63  }
0x13: {  	_ =	swait.ge [sflag:s11], $0x4000  }
0x14: {  	[sflag:s11] =	ssyncset.done $0x0  }
0x15: {  	[sflag:s11] =	ssyncadd.s32 $0xFFFFC000  }
0x16: {  	s15 =	sadd.s32 $0x0, s9;
	[bflag:$0x0] =	sbarrier.arrive $0xFFFF  }
0x17: {  	[tilespmem:s12], [sflag:$0x1] =	stream.linear.gather [hbm4b:s15+s3], $0x80, $0x38;
	[tilespmem:$0x6880] =	vst v63  }
0x18: {  	_ =	swait.ge [sflag:s11], $0x80  }
0x19: {  	[sflag:s11] =	ssyncset.done $0x0  }
0x1a: {  	[sflag:s11] =	ssyncadd.s32 $0xFFFFFF80  }
0x1b: {  	[spmem:s2] =	stream.indirect.scatter.add.f32 [tilespmem:s3], [sflag:$0x1], $0x10, s12, s13, $0xb8;
	[tilespmem:$0x6880] =	vst v63  }
0x1c: {  	_ =	swait.ge [sflag:s11], $0x800  }
0x1d: {  	s16 =	simm.s32 $0x20;
	s15 =	simm.s32 $0x10;
	[sflag:s11] =	ssyncset.done $0x0  }
.LBB2_2:
0x1e: {  	s17 =	sadd.s32 s15, s9  }
0x1f: {  	[sflag:s11] =	ssyncadd.s32 $0xFFFFF800;
	s15 =	smov.u32 s16;
	s18 =	sadd.s32 $0x10, s16  }
0x20: {  	[tilespmem:s12], [sflag:$0x1] =	stream.linear.gather [hbm4b:s17+s3], $0x80, $0x38;
	[tilespmem:$0x6880] =	vst v63  }
0x21: {  	p0 =	sne.s32 s16, $0x4F0;
	_ =	swait.ge [sflag:s11], $0x80  }
.Ltmp0:
0x22: {  	[sflag:s11] =	ssyncset.done $0x0;
	(pc) =	sbr.rel @p0 .LBB2_2-.Ltmp0, $4  }
0x23: {  	[sflag:s11] =	ssyncadd.s32 $0xFFFFFF80  }
0x24: {  	[spmem:s2] =	stream.indirect.scatter.add.f32 [tilespmem:s3], [sflag:$0x1], $0x10, s12, s13, $0xb8;
	[tilespmem:$0x6880] =	vst v63  }
0x25: {  	_ =	swait.ge [sflag:s11], $0x800  }
0x26: {  	s16 =	smov.u32 s18;
	[sflag:s11] =	ssyncset.done $0x0  }
0x27: {  	s15 =	sadd.s32 s15, s9;
	[sflag:s11] =	ssyncadd.s32 $0xFFFFF800  }
0x28: {  	[tilespmem:s12], [sflag:$0x1] =	stream.linear.gather [hbm4b:s15+s3], $0x80, $0x38;
	[tilespmem:$0x6880] =	vst v63  }
0x29: {  	_ =	swait.ge [sflag:s11], $0x80  }
0x2a: {  	[sflag:s11] =	ssyncset.done $0x0  }
0x2b: {  	[sflag:s11] =	ssyncadd.s32 $0xFFFFFF80  }
0x2c: {  	[spmem:s2] =	stream.indirect.scatter.add.f32 [tilespmem:s3], [sflag:$0x1], $0x10, s12, s13, $0xb8;
	[tilespmem:$0x6880] =	vst v63  }
0x2d: {  	_ =	swait.ge [sflag:s11], $0x800  }
0x2e: {  	s14 =	sadd.s32 $0x1, s14;
	[sflag:s11] =	ssyncset.done $0x0  }
0x2f: {  	p0 =	sne.s32 s14, s7;
	[sflag:s11] =	ssyncadd.s32 $0xFFFFF800  }
.Ltmp1:
0x30: {  	[bflag:$0x0] =	sbarrier.arrive $0xFFFF;
	(pc) =	sbr.rel @p0 .LBB2_1-.Ltmp1, $4  }
0x31: {  	[hbm:s8], [sflag:s6] =	dma.local [spmem:s10], $0x2800  }
0x32: {  	_ =	swait.ge [sflag:s11], $0x2800  }
0x33: {  	[sflag:s11] =	ssyncset.done $0x0  }
0x34: {  	[sflag:s11] =	ssyncadd.s32 $0xFFFFD800  }
0x35: {  	_ =	sfence.sel $0x180000  }
0x36: {  	[bflag:$0x0] =	sbarrier.arrive $0xFFFF  }
0x37: {  	p0 =	sne.s32 s1, $0x0;
	_ =	strace $0x90000047  }
0x38: {  	s0 =	sadd.s32 @!p0 $0x100000, s0;
	[bflag:$0x2] =	sbarrier.arrive $0xFFFF  }
0x39: {  	[sflag:s0] =	ssyncadd.tile.s32 @!p0 $0x1;
	_ =	shalt  }
.Lfunc_end2:
_tile_overlayer_lowered:
.L_overlay_start_2:
0x3a: {  	(tag) =	ssettag $0x2  }
0x3b: {  	s0 =	rddreg [dreg:$0x0];
	s2 =	stileid.u32  }
0x3c: {  	s1 =	rddreg [dreg:$0x1];
	p0 =	sne.s32 s2, $0x0  }
0x3d: {  	s3 =	rddreg [dreg:$0x2];
	[bflag:$0x3] =	sbarrier.arrive $0xFFFF;
	s2 =	simm.s32 @!p0 $0x1C01  }
0x3e: {  	[timem:s3], [sflag:s2] =	dma.local @!p0 [hbm:s0], s1  }
0x3f: {  	s0 =	simm.s32 @!p0 $0x1  }
0x40: {  	_ =	swait.ge @!p0 [sflag:s0], s1  }
0x41: {  	s1 =	ssub.s32 @!p0 $0x0, s1;
	[sflag:s0] =	ssyncset.done @!p0 $0x0  }
0x42: {  	[sflag:s0] =	ssyncadd.s32 @!p0 s1  }
0x43: {  	[bflag:$0x3] =	sbarrier.arrive $0xFFFF  }
0x44: {  	_ =	shalt  }

</sc_bundles>
